<compile_context>
chip_gen: v7x
topology: tpu7x:2x2x1
jax: 0.10.2.dev20260603
libtpu: 0.0.44.dev20260713+nightly
codegen_flags: <defaults>
</compile_context>

<pallas_src>
import functools

import jax
import jax.numpy as jnp
from jax import lax
from jax.experimental import pallas as pl
from jax.experimental.pallas import tpu as pltpu
from jax.experimental.pallas import tpu_sc as plsc

NC = 2
NS = 16
NW = NC * NS
LANES = 16


def _sc_gather_products(users_id, items_id,
                        user_emb_inv, item_emb_inv,
                        user_emb_env, item_emb_env,
                        user_bias_inv, item_bias_inv,
                        user_bias_env, item_bias_env):
    B = users_id.shape[0]
    D = user_emb_inv.shape[1]
    b_per_w = B // NW
    CH = 128
    n_ch = b_per_w // CH

    ids2d_u = users_id.reshape(B // CH, CH)
    ids2d_i = items_id.reshape(B // CH, CH)

    mesh = plsc.VectorSubcoreMesh(core_axis_name="c", subcore_axis_name="s",
                                  num_cores=NC, num_subcores=NS)

    f32 = jnp.float32
    out_type = (
        jax.ShapeDtypeStruct((B, D), f32),
        jax.ShapeDtypeStruct((B, D), f32),
        jax.ShapeDtypeStruct((B,), f32),
        jax.ShapeDtypeStruct((B,), f32),
    )

    @functools.partial(
        pl.kernel,
        out_type=out_type,
        mesh=mesh,
        compiler_params=pltpu.CompilerParams(use_tc_tiling_on_sc=False,
                                             needs_layout_passes=False),
        scratch_types=[
            pltpu.VMEM((n_ch, CH), jnp.int32),
            pltpu.VMEM((n_ch, CH), jnp.int32),
            pltpu.VMEM((b_per_w, D), f32),
            pltpu.VMEM((b_per_w, D), f32),
            pltpu.VMEM((b_per_w, D), f32),
            pltpu.VMEM((b_per_w, D), f32),
            pltpu.VMEM((n_ch, CH), jnp.int32),
            pltpu.VMEM((n_ch, CH), jnp.int32),
            pltpu.VMEM((b_per_w, LANES), f32),
            pltpu.VMEM((b_per_w, LANES), f32),
            pltpu.VMEM((b_per_w, LANES), f32),
            pltpu.VMEM((b_per_w, LANES), f32),
            pltpu.VMEM((b_per_w,), f32),
            pltpu.VMEM((b_per_w,), f32),
            pltpu.SemaphoreType.DMA,
        ],
    )
    def sc_kernel(uid_hbm, iid_hbm, ue_hbm, ie_hbm, uenvv_hbm, ienvv_hbm,
                  ub2, ib2, ube2, ibe2,
                  invp_out, envuv_out, binv_out, benv_out,
                  uidx_v, iidx_v, u_v, i_v, ue_v, ie_v, uridx_v, iridx_v,
                  ubr_v, ibr_v, uber_v, iber_v, binv_v, benv_v, sem):
        wid = lax.axis_index("s") * NC + lax.axis_index("c")
        base = wid * b_per_w
        ch0 = wid * n_ch

        pltpu.sync_copy(uid_hbm.at[pl.ds(ch0, n_ch)], uidx_v)
        pltpu.sync_copy(iid_hbm.at[pl.ds(ch0, n_ch)], iidx_v)

        for j in range(n_ch):
            for o in range(0, CH, LANES):
                sl = pl.ds(o, LANES)
                uridx_v[j, sl] = lax.shift_right_logical(uidx_v[j, sl], 4)
                iridx_v[j, sl] = lax.shift_right_logical(iidx_v[j, sl], 4)

        copies = []
        for j in range(n_ch):
            rows = pl.ds(j * CH, CH)
            uix = uidx_v.at[j]
            iix = iidx_v.at[j]
            urix = uridx_v.at[j]
            irix = iridx_v.at[j]
            copies.append(pltpu.async_copy(ue_hbm.at[uix], u_v.at[rows], sem))
            copies.append(pltpu.async_copy(ie_hbm.at[iix], i_v.at[rows], sem))
            copies.append(pltpu.async_copy(uenvv_hbm.at[uix], ue_v.at[rows], sem))
            copies.append(pltpu.async_copy(ienvv_hbm.at[iix], ie_v.at[rows], sem))
            copies.append(pltpu.async_copy(ub2.at[urix], ubr_v.at[rows], sem))
            copies.append(pltpu.async_copy(ib2.at[irix], ibr_v.at[rows], sem))
            copies.append(pltpu.async_copy(ube2.at[urix], uber_v.at[rows], sem))
            copies.append(pltpu.async_copy(ibe2.at[irix], iber_v.at[rows], sem))
        for c in copies:
            c.wait()

        @pl.loop(0, b_per_w)
        def _(r):
            for h in range(D // LANES):
                sl = pl.ds(h * LANES, LANES)
                u_v[r, sl] = u_v[r, sl] * i_v[r, sl]
                ue_v[r, sl] = ue_v[r, sl] * ie_v[r, sl]

        iota16 = lax.iota(jnp.int32, LANES)
        for k in range(0, b_per_w, LANES):
            j, o = k // CH, k % CH
            sl = pl.ds(o, LANES)
            rows16 = iota16 + k
            ucol = lax.bitwise_and(uidx_v[j, sl], LANES - 1)
            icol = lax.bitwise_and(iidx_v[j, sl], LANES - 1)
            binv_v[pl.ds(k, LANES)] = (
                plsc.load_gather(ubr_v, [rows16, ucol])
                + plsc.load_gather(ibr_v, [rows16, icol]))
            benv_v[pl.ds(k, LANES)] = (
                plsc.load_gather(uber_v, [rows16, ucol])
                + plsc.load_gather(iber_v, [rows16, icol]))

        out_rows = pl.ds(base, b_per_w)
        pltpu.sync_copy(u_v, invp_out.at[out_rows])
        pltpu.sync_copy(ue_v, envuv_out.at[out_rows])
        pltpu.sync_copy(binv_v, binv_out.at[out_rows])
        pltpu.sync_copy(benv_v, benv_out.at[out_rows])

    return sc_kernel(ids2d_u, ids2d_i, user_emb_inv, item_emb_inv,
                     user_emb_env, item_emb_env,
                     user_bias_inv.reshape(-1, LANES),
                     item_bias_inv.reshape(-1, LANES),
                     user_bias_env.reshape(-1, LANES),
                     item_bias_env.reshape(-1, LANES))


def _tc_tail_body(invp_ref, envuv_ref, binv_ref, benv_ref,
                  eid_ref, envemb_ref, envb_ref, wt_ref, cb_ref,
                  inv_out, env_out, lsm_out):
    NE = envemb_ref.shape[0]
    invp = invp_ref[...]
    envuv = envuv_ref[...]
    eid = eid_ref[...]
    onehot = (eid == lax.broadcasted_iota(jnp.int32, (1, NE), 1)
              ).astype(jnp.float32)

    envrow = jnp.zeros_like(envuv)
    for e in range(NE):
        envrow = envrow + onehot[:, e:e + 1] * envemb_ref[e, :][None, :]
    env_b = jnp.sum(onehot * envb_ref[...], axis=1)

    inv_score = jnp.sum(invp, axis=1) + binv_ref[...]
    env_mid = jnp.sum(envuv * envrow, axis=1) + benv_ref[...] + env_b
    env_score = inv_score + env_mid

    logits = jax.lax.dot_general(
        invp, wt_ref[...], (((1,), (0,)), ((), ())),
        precision=lax.Precision.HIGHEST,
        preferred_element_type=jnp.float32) + cb_ref[...]
    m = jnp.max(logits, axis=1, keepdims=True)
    s = logits - m
    lse = jnp.log(jnp.sum(jnp.exp(s), axis=1, keepdims=True))

    inv_out[...] = inv_score
    env_out[...] = env_score
    lsm_out[...] = s - lse


def _tc_tail(inv_pref, envuv, bias_inv, bias_env, envs_id,
             env_emb, env_bias, cls_W, cls_b):
    B, D = inv_pref.shape
    NE = env_emb.shape[0]
    BLK = 2048
    grid = (B // BLK,)
    f32 = jnp.float32

    return pl.pallas_call(
        _tc_tail_body,
        grid=grid,
        in_specs=[
            pl.BlockSpec((BLK, D), lambda i: (i, 0)),
            pl.BlockSpec((BLK, D), lambda i: (i, 0)),
            pl.BlockSpec((BLK,), lambda i: (i,)),
            pl.BlockSpec((BLK,), lambda i: (i,)),
            pl.BlockSpec((BLK, 1), lambda i: (i, 0)),
            pl.BlockSpec((NE, D), lambda i: (0, 0)),
            pl.BlockSpec((1, NE), lambda i: (0, 0)),
            pl.BlockSpec((D, NE), lambda i: (0, 0)),
            pl.BlockSpec((1, NE), lambda i: (0, 0)),
        ],
        out_specs=[
            pl.BlockSpec((BLK,), lambda i: (i,)),
            pl.BlockSpec((BLK,), lambda i: (i,)),
            pl.BlockSpec((BLK, NE), lambda i: (i, 0)),
        ],
        out_shape=[
            jax.ShapeDtypeStruct((B,), f32),
            jax.ShapeDtypeStruct((B,), f32),
            jax.ShapeDtypeStruct((B, NE), f32),
        ],
    )(inv_pref, envuv, bias_inv, bias_env, envs_id.reshape(B, 1),
      env_emb, env_bias.reshape(1, NE), cls_W.T, cls_b.reshape(1, NE))


def kernel(users_id, items_id, envs_id, alpha,
           user_emb_inv, user_bias_inv, item_emb_inv, item_bias_inv,
           user_emb_env, user_bias_env, item_emb_env, item_bias_env,
           env_emb, env_bias, cls_W, cls_b):
    del alpha
    inv_pref, envuv, bias_inv, bias_env = _sc_gather_products(
        users_id, items_id, user_emb_inv, item_emb_inv,
        user_emb_env, item_emb_env,
        user_bias_inv, item_bias_inv, user_bias_env, item_bias_env)
    inv_score, env_score, env_outputs = _tc_tail(
        inv_pref, envuv, bias_inv, bias_env, envs_id,
        env_emb, env_bias, cls_W, cls_b)
    return inv_score, env_score, env_outputs

# --- scband reference (transcript-rebuilt; emitter-appended) ---
"""Pipeline reference for scband-inv-pref-18116172054764 (READ-ONLY COPY).

The authoritative reference and input builder live on the scoring server;
editing this copy changes nothing except your own understanding.
"""

import jax, jax.numpy as jnp
import numpy as np

U = 1000000
I = 1000000
NE = 8
D = 32
B = 16384


def setup_inputs(seed: int = 0):
    key = jax.random.key(seed)
    ks = jax.random.split(key, 16)

    def unif(k, shape):
        return jax.random.uniform(k, shape, jnp.float32, -0.01, 0.01)

    inp = {}
    inp['users_id'] = jax.random.randint(ks[0], (B,), 0, U, dtype=jnp.int32)
    inp['items_id'] = jax.random.randint(ks[1], (B,), 0, I, dtype=jnp.int32)
    inp['envs_id'] = jax.random.randint(ks[2], (B,), 0, NE, dtype=jnp.int32)
    inp['alpha'] = 1
    inp['user_emb_inv'] = unif(ks[3], (U, D))
    inp['user_bias_inv'] = unif(ks[4], (U, 1))
    inp['item_emb_inv'] = unif(ks[5], (I, D))
    inp['item_bias_inv'] = unif(ks[6], (I, 1))
    inp['user_emb_env'] = unif(ks[7], (U, D))
    inp['user_bias_env'] = unif(ks[8], (U, 1))
    inp['item_emb_env'] = unif(ks[9], (I, D))
    inp['item_bias_env'] = unif(ks[10], (I, 1))
    inp['env_emb'] = unif(ks[11], (NE, D))
    inp['env_bias'] = unif(ks[12], (NE, 1))
    # classifier: Linear(D, NE), xavier_uniform weight, default torch bias init
    xav = float(np.sqrt(6.0 / (D + NE)))
    inp['cls_W'] = jax.random.uniform(ks[13], (NE, D), jnp.float32, -xav, xav)
    bb = float(1.0 / np.sqrt(D))
    inp['cls_b'] = jax.random.uniform(ks[14], (NE,), jnp.float32, -bb, bb)
    return inp


def reference(users_id, items_id, envs_id, alpha,
              user_emb_inv, user_bias_inv, item_emb_inv, item_bias_inv,
              user_emb_env, user_bias_env, item_emb_env, item_bias_env,
              env_emb, env_bias, cls_W, cls_b):
    users_embed_invariant = user_emb_inv[users_id]
    items_embed_invariant = item_emb_inv[items_id]
    users_embed_env_aware = user_emb_env[users_id]
    items_embed_env_aware = item_emb_env[items_id]
    envs_embed = env_emb[envs_id]

    invariant_preferences = users_embed_invariant * items_embed_invariant
    env_aware_preferences = users_embed_env_aware * items_embed_env_aware * envs_embed

    invariant_score = (jnp.sum(invariant_preferences, axis=1)
                       + user_bias_inv[users_id].reshape(-1)
                       + item_bias_inv[items_id].reshape(-1))
    env_aware_mid_score = (jnp.sum(env_aware_preferences, axis=1)
                           + user_bias_env[users_id].reshape(-1)
                           + item_bias_env[items_id].reshape(-1)
                           + env_bias[envs_id].reshape(-1))
    env_aware_score = invariant_score + env_aware_mid_score

    # ReverseLayerF is identity in the forward pass
    reverse_invariant_preferences = invariant_preferences
    logits = reverse_invariant_preferences @ cls_W.T + cls_b
    env_outputs = jax.nn.log_softmax(logits, axis=1)

    return (invariant_score.reshape(-1), env_aware_score.reshape(-1),
            env_outputs.reshape(-1, NE))

if __name__ == "__main__":
    import jax
    _d = setup_inputs()
    print(jax.jit(kernel)(*tuple(_d.values())))

</pallas_src>

<mosaic_0001>
#map = affine_map<(d0, d1) -> (0, 0)>
#map1 = affine_map<(d0, d1) -> (0)>
module attributes {stable_mosaic.version = 14 : i64} {
  func.func @sc_kernel(%arg0: i32, %arg1: i32, %arg2: memref<128x128xi32, #tpu.memory_space<hbm>>, %arg3: memref<128x128xi32, #tpu.memory_space<hbm>>, %arg4: memref<1000000x32xf32, #tpu.memory_space<hbm>>, %arg5: memref<1000000x32xf32, #tpu.memory_space<hbm>>, %arg6: memref<1000000x32xf32, #tpu.memory_space<hbm>>, %arg7: memref<1000000x32xf32, #tpu.memory_space<hbm>>, %arg8: memref<62500x16xf32, #tpu.memory_space<hbm>>, %arg9: memref<62500x16xf32, #tpu.memory_space<hbm>>, %arg10: memref<62500x16xf32, #tpu.memory_space<hbm>>, %arg11: memref<62500x16xf32, #tpu.memory_space<hbm>>, %arg12: memref<16384x32xf32, #tpu.memory_space<hbm>>, %arg13: memref<16384x32xf32, #tpu.memory_space<hbm>>, %arg14: memref<16384xf32, #tpu.memory_space<hbm>>, %arg15: memref<16384xf32, #tpu.memory_space<hbm>>, %arg16: memref<4x128xi32, #tpu.memory_space<vmem>>, %arg17: memref<4x128xi32, #tpu.memory_space<vmem>>, %arg18: memref<512x32xf32, #tpu.memory_space<vmem>>, %arg19: memref<512x32xf32, #tpu.memory_space<vmem>>, %arg20: memref<512x32xf32, #tpu.memory_space<vmem>>, %arg21: memref<512x32xf32, #tpu.memory_space<vmem>>, %arg22: memref<4x128xi32, #tpu.memory_space<vmem>>, %arg23: memref<4x128xi32, #tpu.memory_space<vmem>>, %arg24: memref<512x16xf32, #tpu.memory_space<vmem>>, %arg25: memref<512x16xf32, #tpu.memory_space<vmem>>, %arg26: memref<512x16xf32, #tpu.memory_space<vmem>>, %arg27: memref<512x16xf32, #tpu.memory_space<vmem>>, %arg28: memref<512xf32, #tpu.memory_space<vmem>>, %arg29: memref<512xf32, #tpu.memory_space<vmem>>, %arg30: memref<!tpu.dma_semaphore, #tpu.memory_space<semaphore_mem>>) attributes {dimension_semantics = [#tpu.dimension_semantics<core_parallel>, #tpu.dimension_semantics<subcore_parallel>], iteration_bounds = array<i64: 2, 16>, scalar_prefetch = 0 : i64, scratch_operands = 15 : i64, tpu.core_type = #tpu.core_type<sc_vector_subcore>, window_params = [{transform_indices = #map}, {transform_indices = #map}, {transform_indices = #map}, {transform_indices = #map}, {transform_indices = #map}, {transform_indices = #map}, {transform_indices = #map}, {transform_indices = #map}, {transform_indices = #map}, {transform_indices = #map}, {transform_indices = #map}, {transform_indices = #map}, {transform_indices = #map1}, {transform_indices = #map1}]} {
    %mul3A = arith.constant 2 : i32
    %mul3A_0 = arith.muli %arg1, %mul3A : i32
    %add3A = arith.addi %mul3A_0, %arg0 : i32
    %mul3A_1 = arith.constant 512 : i32
    %mul3A_2 = arith.muli %add3A, %mul3A_1 : i32
    %mul3A_3 = arith.constant 4 : i32
    %mul3A_4 = arith.muli %add3A, %mul3A_3 : i32
    "tpu.region"() ({
      %run_scoped3A = tpu.sem_alloc : memref<!tpu.dma_semaphore, #tpu.memory_space<semaphore_mem>>
      %dma_start3A_2210 = arith.constant 0 : i32
      %dma_start3A_2211 = tpu.memref_slice %arg2[%mul3A_4, %dma_start3A_2210] : memref<128x128xi32, #tpu.memory_space<hbm>> -> memref<4x128xi32, #tpu.memory_space<hbm>>
      %dma_start3A_2212 = arith.constant 0 : i32
      %dma_start3A_2213 = tpu.memref_slice %arg2[%mul3A_4, %dma_start3A_2212] : memref<128x128xi32, #tpu.memory_space<hbm>> -> memref<4x128xi32, #tpu.memory_space<hbm>>
      tpu.enqueue_dma source(%dma_start3A_2213 : memref<4x128xi32, #tpu.memory_space<hbm>>) target(%arg16 : memref<4x128xi32, #tpu.memory_space<vmem>>) target_semaphore(%run_scoped3A : memref<!tpu.dma_semaphore, #tpu.memory_space<semaphore_mem>>)
      %dma_wait3A_2214 = arith.constant 0 : i32
      %dma_wait3A_2215 = tpu.memref_slice %arg2[%mul3A_4, %dma_wait3A_2214] : memref<128x128xi32, #tpu.memory_space<hbm>> -> memref<4x128xi32, #tpu.memory_space<hbm>>
      %dma_wait3A_2216 = arith.constant 0 : i32
      %dma_wait3A_2217 = tpu.memref_slice %arg2[%mul3A_4, %dma_wait3A_2216] : memref<128x128xi32, #tpu.memory_space<hbm>> -> memref<4x128xi32, #tpu.memory_space<hbm>>
      tpu.wait_dma2 semaphore(%run_scoped3A : memref<!tpu.dma_semaphore, #tpu.memory_space<semaphore_mem>>) src(%dma_wait3A_2217 : memref<4x128xi32, #tpu.memory_space<hbm>>) dst(%arg16 : memref<4x128xi32, #tpu.memory_space<vmem>>)
      tpu.yield
    }) : () -> ()
    "tpu.region"() ({
      %run_scoped3A = tpu.sem_alloc : memref<!tpu.dma_semaphore, #tpu.memory_space<semaphore_mem>>
      %dma_start3A_2210 = arith.constant 0 : i32
      %dma_start3A_2211 = tpu.memref_slice %arg3[%mul3A_4, %dma_start3A_2210] : memref<128x128xi32, #tpu.memory_space<hbm>> -> memref<4x128xi32, #tpu.memory_space<hbm>>
      %dma_start3A_2212 = arith.constant 0 : i32
      %dma_start3A_2213 = tpu.memref_slice %arg3[%mul3A_4, %dma_start3A_2212] : memref<128x128xi32, #tpu.memory_space<hbm>> -> memref<4x128xi32, #tpu.memory_space<hbm>>
      tpu.enqueue_dma source(%dma_start3A_2213 : memref<4x128xi32, #tpu.memory_space<hbm>>) target(%arg17 : memref<4x128xi32, #tpu.memory_space<vmem>>) target_semaphore(%run_scoped3A : memref<!tpu.dma_semaphore, #tpu.memory_space<semaphore_mem>>)
      %dma_wait3A_2214 = arith.constant 0 : i32
      %dma_wait3A_2215 = tpu.memref_slice %arg3[%mul3A_4, %dma_wait3A_2214] : memref<128x128xi32, #tpu.memory_space<hbm>> -> memref<4x128xi32, #tpu.memory_space<hbm>>
      %dma_wait3A_2216 = arith.constant 0 : i32
      %dma_wait3A_2217 = tpu.memref_slice %arg3[%mul3A_4, %dma_wait3A_2216] : memref<128x128xi32, #tpu.memory_space<hbm>> -> memref<4x128xi32, #tpu.memory_space<hbm>>
      tpu.wait_dma2 semaphore(%run_scoped3A : memref<!tpu.dma_semaphore, #tpu.memory_space<semaphore_mem>>) src(%dma_wait3A_2217 : memref<4x128xi32, #tpu.memory_space<hbm>>) dst(%arg17 : memref<4x128xi32, #tpu.memory_space<vmem>>)
      tpu.yield
    }) : () -> ()
    %get3A = arith.constant 0 : i32
    %get3A_5 = arith.index_cast %get3A : i32 to index
    %get3A_6 = arith.constant 0 : index
    %get3A_7 = tpu.vector_load %arg16[%get3A_5, %get3A_6] {strides = array<i32>} : memref<4x128xi32, #tpu.memory_space<vmem>>, vector<16xi32>,
    %shift_right_logical3A = arith.constant 4 : i32
    %shift_right_logical3A_8 = vector.broadcast %shift_right_logical3A : i32 to vector<16xi32>
    %shift_right_logical3A_9 = arith.shrui %get3A_7, %shift_right_logical3A_8 : vector<16xi32>
    %swap3A = arith.constant 0 : i32
    %swap3A_10 = arith.index_cast %swap3A : i32 to index
    %swap3A_11 = arith.constant 0 : index
    %swap3A_12 = tpu.vector_load %arg22[%swap3A_10, %swap3A_11] {strides = array<i32>} : memref<4x128xi32, #tpu.memory_space<vmem>>, vector<16xi32>,
    tpu.vector_store %arg22[%swap3A_10, %swap3A_11], %shift_right_logical3A_9 {strides = array<i32>} : memref<4x128xi32, #tpu.memory_space<vmem>>, vector<16xi32>,
    %get3A_13 = arith.constant 0 : i32
    %get3A_14 = arith.index_cast %get3A_13 : i32 to index
    %get3A_15 = arith.constant 0 : index
    %get3A_16 = tpu.vector_load %arg17[%get3A_14, %get3A_15] {strides = array<i32>} : memref<4x128xi32, #tpu.memory_space<vmem>>, vector<16xi32>,
    %shift_right_logical3A_17 = arith.constant 4 : i32
    %shift_right_logical3A_18 = vector.broadcast %shift_right_logical3A_17 : i32 to vector<16xi32>
    %shift_right_logical3A_19 = arith.shrui %get3A_16, %shift_right_logical3A_18 : vector<16xi32>
    %swap3A_20 = arith.constant 0 : i32
    %swap3A_21 = arith.index_cast %swap3A_20 : i32 to index
    %swap3A_22 = arith.constant 0 : index
    %swap3A_23 = tpu.vector_load %arg23[%swap3A_21, %swap3A_22] {strides = array<i32>} : memref<4x128xi32, #tpu.memory_space<vmem>>, vector<16xi32>,
    tpu.vector_store %arg23[%swap3A_21, %swap3A_22], %shift_right_logical3A_19 {strides = array<i32>} : memref<4x128xi32, #tpu.memory_space<vmem>>, vector<16xi32>,
    %get3A_24 = arith.constant 0 : i32
    %get3A_25 = arith.index_cast %get3A_24 : i32 to index
    %get3A_26 = arith.constant 16 : index
    %get3A_27 = tpu.vector_load %arg16[%get3A_25, %get3A_26] {strides = array<i32>} : memref<4x128xi32, #tpu.memory_space<vmem>>, vector<16xi32>,
    %shift_right_logical3A_28 = arith.constant 4 : i32
    %shift_right_logical3A_29 = vector.broadcast %shift_right_logical3A_28 : i32 to vector<16xi32>
    %shift_right_logical3A_30 = arith.shrui %get3A_27, %shift_right_logical3A_29 : vector<16xi32>
    %swap3A_31 = arith.constant 0 : i32
    %swap3A_32 = arith.index_cast %swap3A_31 : i32 to index
    %swap3A_33 = arith.constant 16 : index
    %swap3A_34 = tpu.vector_load %arg22[%swap3A_32, %swap3A_33] {strides = array<i32>} : memref<4x128xi32, #tpu.memory_space<vmem>>, vector<16xi32>,
    tpu.vector_store %arg22[%swap3A_32, %swap3A_33], %shift_right_logical3A_30 {strides = array<i32>} : memref<4x128xi32, #tpu.memory_space<vmem>>, vector<16xi32>,
    %get3A_35 = arith.constant 0 : i32
    %get3A_36 = arith.index_cast %get3A_35 : i32 to index
    %get3A_37 = arith.constant 16 : index
    %get3A_38 = tpu.vector_load %arg17[%get3A_36, %get3A_37] {strides = array<i32>} : memref<4x128xi32, #tpu.memory_space<vmem>>, vector<16xi32>,
    %shift_right_logical3A_39 = arith.constant 4 : i32
    %shift_right_logical3A_40 = vector.broadcast %shift_right_logical3A_39 : i32 to vector<16xi32>
    %shift_right_logical3A_41 = arith.shrui %get3A_38, %shift_right_logical3A_40 : vector<16xi32>
    %swap3A_42 = arith.constant 0 : i32
    %swap3A_43 = arith.index_cast %swap3A_42 : i32 to index
    %swap3A_44 = arith.constant 16 : index
    %swap3A_45 = tpu.vector_load %arg23[%swap3A_43, %swap3A_44] {strides = array<i32>} : memref<4x128xi32, #tpu.memory_space<vmem>>, vector<16xi32>,
    tpu.vector_store %arg23[%swap3A_43, %swap3A_44], %shift_right_logical3A_41 {strides = array<i32>} : memref<4x128xi32, #tpu.memory_space<vmem>>, vector<16xi32>,
    %get3A_46 = arith.constant 0 : i32
    %get3A_47 = arith.index_cast %get3A_46 : i32 to index
    %get3A_48 = arith.constant 32 : index
    %get3A_49 = tpu.vector_load %arg16[%get3A_47, %get3A_48] {strides = array<i32>} : memref<4x128xi32, #tpu.memory_space<vmem>>, vector<16xi32>,
    %shift_right_logical3A_50 = arith.constant 4 : i32
    %shift_right_logical3A_51 = vector.broadcast %shift_right_logical3A_50 : i32 to vector<16xi32>
    %shift_right_logical3A_52 = arith.shrui %get3A_49, %shift_right_logical3A_51 : vector<16xi32>
    %swap3A_53 = arith.constant 0 : i32
    %swap3A_54 = arith.index_cast %swap3A_53 : i32 to index
    %swap3A_55 = arith.constant 32 : index
    %swap3A_56 = tpu.vector_load %arg22[%swap3A_54, %swap3A_55] {strides = array<i32>} : memref<4x128xi32, #tpu.memory_space<vmem>>, vector<16xi32>,
    tpu.vector_store %arg22[%swap3A_54, %swap3A_55], %shift_right_logical3A_52 {strides = array<i32>} : memref<4x128xi32, #tpu.memory_space<vmem>>, vector<16xi32>,
    %get3A_57 = arith.constant 0 : i32
    %get3A_58 = arith.index_cast %get3A_57 : i32 to index
    %get3A_59 = arith.constant 32 : index
    %get3A_60 = tpu.vector_load %arg17[%get3A_58, %get3A_59] {strides = array<i32>} : memref<4x128xi32, #tpu.memory_space<vmem>>, vector<16xi32>,
    %shift_right_logical3A_61 = arith.constant 4 : i32
    %shift_right_logical3A_62 = vector.broadcast %shift_right_logical3A_61 : i32 to vector<16xi32>
    %shift_right_logical3A_63 = arith.shrui %get3A_60, %shift_right_logical3A_62 : vector<16xi32>
    %swap3A_64 = arith.constant 0 : i32
    %swap3A_65 = arith.index_cast %swap3A_64 : i32 to index
    %swap3A_66 = arith.constant 32 : index
    %swap3A_67 = tpu.vector_load %arg23[%swap3A_65, %swap3A_66] {strides = array<i32>} : memref<4x128xi32, #tpu.memory_space<vmem>>, vector<16xi32>,
    tpu.vector_store %arg23[%swap3A_65, %swap3A_66], %shift_right_logical3A_63 {strides = array<i32>} : memref<4x128xi32, #tpu.memory_space<vmem>>, vector<16xi32>,
    %get3A_68 = arith.constant 0 : i32
    %get3A_69 = arith.index_cast %get3A_68 : i32 to index
    %get3A_70 = arith.constant 48 : index
    %get3A_71 = tpu.vector_load %arg16[%get3A_69, %get3A_70] {strides = array<i32>} : memref<4x128xi32, #tpu.memory_space<vmem>>, vector<16xi32>,
    %shift_right_logical3A_72 = arith.constant 4 : i32
    %shift_right_logical3A_73 = vector.broadcast %shift_right_logical3A_72 : i32 to vector<16xi32>
    %shift_right_logical3A_74 = arith.shrui %get3A_71, %shift_right_logical3A_73 : vector<16xi32>
    %swap3A_75 = arith.constant 0 : i32
    %swap3A_76 = arith.index_cast %swap3A_75 : i32 to index
    %swap3A_77 = arith.constant 48 : index
    %swap3A_78 = tpu.vector_load %arg22[%swap3A_76, %swap3A_77] {strides = array<i32>} : memref<4x128xi32, #tpu.memory_space<vmem>>, vector<16xi32>,
    tpu.vector_store %arg22[%swap3A_76, %swap3A_77], %shift_right_logical3A_74 {strides = array<i32>} : memref<4x128xi32, #tpu.memory_space<vmem>>, vector<16xi32>,
    %get3A_79 = arith.constant 0 : i32
    %get3A_80 = arith.index_cast %get3A_79 : i32 to index
    %get3A_81 = arith.constant 48 : index
    %get3A_82 = tpu.vector_load %arg17[%get3A_80, %get3A_81] {strides = array<i32>} : memref<4x128xi32, #tpu.memory_space<vmem>>, vector<16xi32>,
    %shift_right_logical3A_83 = arith.constant 4 : i32
    %shift_right_logical3A_84 = vector.broadcast %shift_right_logical3A_83 : i32 to vector<16xi32>
    %shift_right_logical3A_85 = arith.shrui %get3A_82, %shift_right_logical3A_84 : vector<16xi32>
    %swap3A_86 = arith.constant 0 : i32
    %swap3A_87 = arith.index_cast %swap3A_86 : i32 to index
    %swap3A_88 = arith.constant 48 : index
    %swap3A_89 = tpu.vector_load %arg23[%swap3A_87, %swap3A_88] {strides = array<i32>} : memref<4x128xi32, #tpu.memory_space<vmem>>, vector<16xi32>,
    tpu.vector_store %arg23[%swap3A_87, %swap3A_88], %shift_right_logical3A_85 {strides = array<i32>} : memref<4x128xi32, #tpu.memory_space<vmem>>, vector<16xi32>,
    %get3A_90 = arith.constant 0 : i32
    %get3A_91 = arith.index_cast %get3A_90 : i32 to index
    %get3A_92 = arith.constant 64 : index
    %get3A_93 = tpu.vector_load %arg16[%get3A_91, %get3A_92] {strides = array<i32>} : memref<4x128xi32, #tpu.memory_space<vmem>>, vector<16xi32>,
    %shift_right_logical3A_94 = arith.constant 4 : i32
    %shift_right_logical3A_95 = vector.broadcast %shift_right_logical3A_94 : i32 to vector<16xi32>
    %shift_right_logical3A_96 = arith.shrui %get3A_93, %shift_right_logical3A_95 : vector<16xi32>
    %swap3A_97 = arith.constant 0 : i32
    %swap3A_98 = arith.index_cast %swap3A_97 : i32 to index
    %swap3A_99 = arith.constant 64 : index
    %swap3A_100 = tpu.vector_load %arg22[%swap3A_98, %swap3A_99] {strides = array<i32>} : memref<4x128xi32, #tpu.memory_space<vmem>>, vector<16xi32>,
    tpu.vector_store %arg22[%swap3A_98, %swap3A_99], %shift_right_logical3A_96 {strides = array<i32>} : memref<4x128xi32, #tpu.memory_space<vmem>>, vector<16xi32>,
    %get3A_101 = arith.constant 0 : i32
    %get3A_102 = arith.index_cast %get3A_101 : i32 to index
    %get3A_103 = arith.constant 64 : index
    %get3A_104 = tpu.vector_load %arg17[%get3A_102, %get3A_103] {strides = array<i32>} : memref<4x128xi32, #tpu.memory_space<vmem>>, vector<16xi32>,
    %shift_right_logical3A_105 = arith.constant 4 : i32
    %shift_right_logical3A_106 = vector.broadcast %shift_right_logical3A_105 : i32 to vector<16xi32>
    %shift_right_logical3A_107 = arith.shrui %get3A_104, %shift_right_logical3A_106 : vector<16xi32>
    %swap3A_108 = arith.constant 0 : i32
    %swap3A_109 = arith.index_cast %swap3A_108 : i32 to index
    %swap3A_110 = arith.constant 64 : index
    %swap3A_111 = tpu.vector_load %arg23[%swap3A_109, %swap3A_110] {strides = array<i32>} : memref<4x128xi32, #tpu.memory_space<vmem>>, vector<16xi32>,
    tpu.vector_store %arg23[%swap3A_109, %swap3A_110], %shift_right_logical3A_107 {strides = array<i32>} : memref<4x128xi32, #tpu.memory_space<vmem>>, vector<16xi32>,
    %get3A_112 = arith.constant 0 : i32
    %get3A_113 = arith.index_cast %get3A_112 : i32 to index
    %get3A_114 = arith.constant 80 : index
    %get3A_115 = tpu.vector_load %arg16[%get3A_113, %get3A_114] {strides = array<i32>} : memref<4x128xi32, #tpu.memory_space<vmem>>, vector<16xi32>,
    %shift_right_logical3A_116 = arith.constant 4 : i32
    %shift_right_logical3A_117 = vector.broadcast %shift_right_logical3A_116 : i32 to vector<16xi32>
    %shift_right_logical3A_118 = arith.shrui %get3A_115, %shift_right_logical3A_117 : vector<16xi32>
    %swap3A_119 = arith.constant 0 : i32
    %swap3A_120 = arith.index_cast %swap3A_119 : i32 to index
    %swap3A_121 = arith.constant 80 : index
    %swap3A_122 = tpu.vector_load %arg22[%swap3A_120, %swap3A_121] {strides = array<i32>} : memref<4x128xi32, #tpu.memory_space<vmem>>, vector<16xi32>,
    tpu.vector_store %arg22[%swap3A_120, %swap3A_121], %shift_right_logical3A_118 {strides = array<i32>} : memref<4x128xi32, #tpu.memory_space<vmem>>, vector<16xi32>,
    %get3A_123 = arith.constant 0 : i32
    %get3A_124 = arith.index_cast %get3A_123 : i32 to index
    %get3A_125 = arith.constant 80 : index
    %get3A_126 = tpu.vector_load %arg17[%get3A_124, %get3A_125] {strides = array<i32>} : memref<4x128xi32, #tpu.memory_space<vmem>>, vector<16xi32>,
    %shift_right_logical3A_127 = arith.constant 4 : i32
    %shift_right_logical3A_128 = vector.broadcast %shift_right_logical3A_127 : i32 to vector<16xi32>
    %shift_right_logical3A_129 = arith.shrui %get3A_126, %shift_right_logical3A_128 : vector<16xi32>
    %swap3A_130 = arith.constant 0 : i32
    %swap3A_131 = arith.index_cast %swap3A_130 : i32 to index
    %swap3A_132 = arith.constant 80 : index
    %swap3A_133 = tpu.vector_load %arg23[%swap3A_131, %swap3A_132] {strides = array<i32>} : memref<4x128xi32, #tpu.memory_space<vmem>>, vector<16xi32>,
    tpu.vector_store %arg23[%swap3A_131, %swap3A_132], %shift_right_logical3A_129 {strides = array<i32>} : memref<4x128xi32, #tpu.memory_space<vmem>>, vector<16xi32>,
    %get3A_134 = arith.constant 0 : i32
    %get3A_135 = arith.index_cast %get3A_134 : i32 to index
    %get3A_136 = arith.constant 96 : index
    %get3A_137 = tpu.vector_load %arg16[%get3A_135, %get3A_136] {strides = array<i32>} : memref<4x128xi32, #tpu.memory_space<vmem>>, vector<16xi32>,
    %shift_right_logical3A_138 = arith.constant 4 : i32
    %shift_right_logical3A_139 = vector.broadcast %shift_right_logical3A_138 : i32 to vector<16xi32>
    %shift_right_logical3A_140 = arith.shrui %get3A_137, %shift_right_logical3A_139 : vector<16xi32>
    %swap3A_141 = arith.constant 0 : i32
    %swap3A_142 = arith.index_cast %swap3A_141 : i32 to index
    %swap3A_143 = arith.constant 96 : index
    %swap3A_144 = tpu.vector_load %arg22[%swap3A_142, %swap3A_143] {strides = array<i32>} : memref<4x128xi32, #tpu.memory_space<vmem>>, vector<16xi32>,
    tpu.vector_store %arg22[%swap3A_142, %swap3A_143], %shift_right_logical3A_140 {strides = array<i32>} : memref<4x128xi32, #tpu.memory_space<vmem>>, vector<16xi32>,
    %get3A_145 = arith.constant 0 : i32
    %get3A_146 = arith.index_cast %get3A_145 : i32 to index
    %get3A_147 = arith.constant 96 : index
    %get3A_148 = tpu.vector_load %arg17[%get3A_146, %get3A_147] {strides = array<i32>} : memref<4x128xi32, #tpu.memory_space<vmem>>, vector<16xi32>,
    %shift_right_logical3A_149 = arith.constant 4 : i32
    %shift_right_logical3A_150 = vector.broadcast %shift_right_logical3A_149 : i32 to vector<16xi32>
    %shift_right_logical3A_151 = arith.shrui %get3A_148, %shift_right_logical3A_150 : vector<16xi32>
    %swap3A_152 = arith.constant 0 : i32
    %swap3A_153 = arith.index_cast %swap3A_152 : i32 to index
    %swap3A_154 = arith.constant 96 : index
    %swap3A_155 = tpu.vector_load %arg23[%swap3A_153, %swap3A_154] {strides = array<i32>} : memref<4x128xi32, #tpu.memory_space<vmem>>, vector<16xi32>,
    tpu.vector_store %arg23[%swap3A_153, %swap3A_154], %shift_right_logical3A_151 {strides = array<i32>} : memref<4x128xi32, #tpu.memory_space<vmem>>, vector<16xi32>,
    %get3A_156 = arith.constant 0 : i32
    %get3A_157 = arith.index_cast %get3A_156 : i32 to index
    %get3A_158 = arith.constant 112 : index
    %get3A_159 = tpu.vector_load %arg16[%get3A_157, %get3A_158] {strides = array<i32>} : memref<4x128xi32, #tpu.memory_space<vmem>>, vector<16xi32>,
    %shift_right_logical3A_160 = arith.constant 4 : i32
    %shift_right_logical3A_161 = vector.broadcast %shift_right_logical3A_160 : i32 to vector<16xi32>
    %shift_right_logical3A_162 = arith.shrui %get3A_159, %shift_right_logical3A_161 : vector<16xi32>
    %swap3A_163 = arith.constant 0 : i32
    %swap3A_164 = arith.index_cast %swap3A_163 : i32 to index
    %swap3A_165 = arith.constant 112 : index
    %swap3A_166 = tpu.vector_load %arg22[%swap3A_164, %swap3A_165] {strides = array<i32>} : memref<4x128xi32, #tpu.memory_space<vmem>>, vector<16xi32>,
    tpu.vector_store %arg22[%swap3A_164, %swap3A_165], %shift_right_logical3A_162 {strides = array<i32>} : memref<4x128xi32, #tpu.memory_space<vmem>>, vector<16xi32>,
    %get3A_167 = arith.constant 0 : i32
    %get3A_168 = arith.index_cast %get3A_167 : i32 to index
    %get3A_169 = arith.constant 112 : index
    %get3A_170 = tpu.vector_load %arg17[%get3A_168, %get3A_169] {strides = array<i32>} : memref<4x128xi32, #tpu.memory_space<vmem>>, vector<16xi32>,
    %shift_right_logical3A_171 = arith.constant 4 : i32
    %shift_right_logical3A_172 = vector.broadcast %shift_right_logical3A_171 : i32 to vector<16xi32>
    %shift_right_logical3A_173 = arith.shrui %get3A_170, %shift_right_logical3A_172 : vector<16xi32>
    %swap3A_174 = arith.constant 0 : i32
    %swap3A_175 = arith.index_cast %swap3A_174 : i32 to index
    %swap3A_176 = arith.constant 112 : index
    %swap3A_177 = tpu.vector_load %arg23[%swap3A_175, %swap3A_176] {strides = array<i32>} : memref<4x128xi32, #tpu.memory_space<vmem>>, vector<16xi32>,
    tpu.vector_store %arg23[%swap3A_175, %swap3A_176], %shift_right_logical3A_173 {strides = array<i32>} : memref<4x128xi32, #tpu.memory_space<vmem>>, vector<16xi32>,
    %get3A_178 = arith.constant 1 : i32
    %get3A_179 = arith.index_cast %get3A_178 : i32 to index
    %get3A_180 = arith.constant 0 : index
    %get3A_181 = tpu.vector_load %arg16[%get3A_179, %get3A_180] {strides = array<i32>} : memref<4x128xi32, #tpu.memory_space<vmem>>, vector<16xi32>,
    %shift_right_logical3A_182 = arith.constant 4 : i32
    %shift_right_logical3A_183 = vector.broadcast %shift_right_logical3A_182 : i32 to vector<16xi32>
    %shift_right_logical3A_184 = arith.shrui %get3A_181, %shift_right_logical3A_183 : vector<16xi32>
    %swap3A_185 = arith.constant 1 : i32
    %swap3A_186 = arith.index_cast %swap3A_185 : i32 to index
    %swap3A_187 = arith.constant 0 : index
    %swap3A_188 = tpu.vector_load %arg22[%swap3A_186, %swap3A_187] {strides = array<i32>} : memref<4x128xi32, #tpu.memory_space<vmem>>, vector<16xi32>,
    tpu.vector_store %arg22[%swap3A_186, %swap3A_187], %shift_right_logical3A_184 {strides = array<i32>} : memref<4x128xi32, #tpu.memory_space<vmem>>, vector<16xi32>,
    %get3A_189 = arith.constant 1 : i32
    %get3A_190 = arith.index_cast %get3A_189 : i32 to index
    %get3A_191 = arith.constant 0 : index
    %get3A_192 = tpu.vector_load %arg17[%get3A_190, %get3A_191] {strides = array<i32>} : memref<4x128xi32, #tpu.memory_space<vmem>>, vector<16xi32>,
    %shift_right_logical3A_193 = arith.constant 4 : i32
    %shift_right_logical3A_194 = vector.broadcast %shift_right_logical3A_193 : i32 to vector<16xi32>
    %shift_right_logical3A_195 = arith.shrui %get3A_192, %shift_right_logical3A_194 : vector<16xi32>
    %swap3A_196 = arith.constant 1 : i32
    %swap3A_197 = arith.index_cast %swap3A_196 : i32 to index
    %swap3A_198 = arith.constant 0 : index
    %swap3A_199 = tpu.vector_load %arg23[%swap3A_197, %swap3A_198] {strides = array<i32>} : memref<4x128xi32, #tpu.memory_space<vmem>>, vector<16xi32>,
    tpu.vector_store %arg23[%swap3A_197, %swap3A_198], %shift_right_logical3A_195 {strides = array<i32>} : memref<4x128xi32, #tpu.memory_space<vmem>>, vector<16xi32>,
    %get3A_200 = arith.constant 1 : i32
    %get3A_201 = arith.index_cast %get3A_200 : i32 to index
    %get3A_202 = arith.constant 16 : index
    %get3A_203 = tpu.vector_load %arg16[%get3A_201, %get3A_202] {strides = array<i32>} : memref<4x128xi32, #tpu.memory_space<vmem>>, vector<16xi32>,
    %shift_right_logical3A_204 = arith.constant 4 : i32
    %shift_right_logical3A_205 = vector.broadcast %shift_right_logical3A_204 : i32 to vector<16xi32>
    %shift_right_logical3A_206 = arith.shrui %get3A_203, %shift_right_logical3A_205 : vector<16xi32>
    %swap3A_207 = arith.constant 1 : i32
    %swap3A_208 = arith.index_cast %swap3A_207 : i32 to index
    %swap3A_209 = arith.constant 16 : index
    %swap3A_210 = tpu.vector_load %arg22[%swap3A_208, %swap3A_209] {strides = array<i32>} : memref<4x128xi32, #tpu.memory_space<vmem>>, vector<16xi32>,
    tpu.vector_store %arg22[%swap3A_208, %swap3A_209], %shift_right_logical3A_206 {strides = array<i32>} : memref<4x128xi32, #tpu.memory_space<vmem>>, vector<16xi32>,
    %get3A_211 = arith.constant 1 : i32
    %get3A_212 = arith.index_cast %get3A_211 : i32 to index
    %get3A_213 = arith.constant 16 : index
    %get3A_214 = tpu.vector_load %arg17[%get3A_212, %get3A_213] {strides = array<i32>} : memref<4x128xi32, #tpu.memory_space<vmem>>, vector<16xi32>,
    %shift_right_logical3A_215 = arith.constant 4 : i32
    %shift_right_logical3A_216 = vector.broadcast %shift_right_logical3A_215 : i32 to vector<16xi32>
    %shift_right_logical3A_217 = arith.shrui %get3A_214, %shift_right_logical3A_216 : vector<16xi32>
    %swap3A_218 = arith.constant 1 : i32
    %swap3A_219 = arith.index_cast %swap3A_218 : i32 to index
    %swap3A_220 = arith.constant 16 : index
    %swap3A_221 = tpu.vector_load %arg23[%swap3A_219, %swap3A_220] {strides = array<i32>} : memref<4x128xi32, #tpu.memory_space<vmem>>, vector<16xi32>,
    tpu.vector_store %arg23[%swap3A_219, %swap3A_220], %shift_right_logical3A_217 {strides = array<i32>} : memref<4x128xi32, #tpu.memory_space<vmem>>, vector<16xi32>,
    %get3A_222 = arith.constant 1 : i32
    %get3A_223 = arith.index_cast %get3A_222 : i32 to index
    %get3A_224 = arith.constant 32 : index
    %get3A_225 = tpu.vector_load %arg16[%get3A_223, %get3A_224] {strides = array<i32>} : memref<4x128xi32, #tpu.memory_space<vmem>>, vector<16xi32>,
    %shift_right_logical3A_226 = arith.constant 4 : i32
    %shift_right_logical3A_227 = vector.broadcast %shift_right_logical3A_226 : i32 to vector<16xi32>
    %shift_right_logical3A_228 = arith.shrui %get3A_225, %shift_right_logical3A_227 : vector<16xi32>
    %swap3A_229 = arith.constant 1 : i32
    %swap3A_230 = arith.index_cast %swap3A_229 : i32 to index
    %swap3A_231 = arith.constant 32 : index
    %swap3A_232 = tpu.vector_load %arg22[%swap3A_230, %swap3A_231] {strides = array<i32>} : memref<4x128xi32, #tpu.memory_space<vmem>>, vector<16xi32>,
    tpu.vector_store %arg22[%swap3A_230, %swap3A_231], %shift_right_logical3A_228 {strides = array<i32>} : memref<4x128xi32, #tpu.memory_space<vmem>>, vector<16xi32>,
    %get3A_233 = arith.constant 1 : i32
    %get3A_234 = arith.index_cast %get3A_233 : i32 to index
    %get3A_235 = arith.constant 32 : index
    %get3A_236 = tpu.vector_load %arg17[%get3A_234, %get3A_235] {strides = array<i32>} : memref<4x128xi32, #tpu.memory_space<vmem>>, vector<16xi32>,
    %shift_right_logical3A_237 = arith.constant 4 : i32
    %shift_right_logical3A_238 = vector.broadcast %shift_right_logical3A_237 : i32 to vector<16xi32>
    %shift_right_logical3A_239 = arith.shrui %get3A_236, %shift_right_logical3A_238 : vector<16xi32>
    %swap3A_240 = arith.constant 1 : i32
    %swap3A_241 = arith.index_cast %swap3A_240 : i32 to index
    %swap3A_242 = arith.constant 32 : index
    %swap3A_243 = tpu.vector_load %arg23[%swap3A_241, %swap3A_242] {strides = array<i32>} : memref<4x128xi32, #tpu.memory_space<vmem>>, vector<16xi32>,
    tpu.vector_store %arg23[%swap3A_241, %swap3A_242], %shift_right_logical3A_239 {strides = array<i32>} : memref<4x128xi32, #tpu.memory_space<vmem>>, vector<16xi32>,
    %get3A_244 = arith.constant 1 : i32
    %get3A_245 = arith.index_cast %get3A_244 : i32 to index
    %get3A_246 = arith.constant 48 : index
    %get3A_247 = tpu.vector_load %arg16[%get3A_245, %get3A_246] {strides = array<i32>} : memref<4x128xi32, #tpu.memory_space<vmem>>, vector<16xi32>,
    %shift_right_logical3A_248 = arith.constant 4 : i32
    %shift_right_logical3A_249 = vector.broadcast %shift_right_logical3A_248 : i32 to vector<16xi32>
    %shift_right_logical3A_250 = arith.shrui %get3A_247, %shift_right_logical3A_249 : vector<16xi32>
    %swap3A_251 = arith.constant 1 : i32
    %swap3A_252 = arith.index_cast %swap3A_251 : i32 to index
    %swap3A_253 = arith.constant 48 : index
    %swap3A_254 = tpu.vector_load %arg22[%swap3A_252, %swap3A_253] {strides = array<i32>} : memref<4x128xi32, #tpu.memory_space<vmem>>, vector<16xi32>,
    tpu.vector_store %arg22[%swap3A_252, %swap3A_253], %shift_right_logical3A_250 {strides = array<i32>} : memref<4x128xi32, #tpu.memory_space<vmem>>, vector<16xi32>,
    %get3A_255 = arith.constant 1 : i32
    %get3A_256 = arith.index_cast %get3A_255 : i32 to index
    %get3A_257 = arith.constant 48 : index
    %get3A_258 = tpu.vector_load %arg17[%get3A_256, %get3A_257] {strides = array<i32>} : memref<4x128xi32, #tpu.memory_space<vmem>>, vector<16xi32>,
    %shift_right_logical3A_259 = arith.constant 4 : i32
    %shift_right_logical3A_260 = vector.broadcast %shift_right_logical3A_259 : i32 to vector<16xi32>
    %shift_right_logical3A_261 = arith.shrui %get3A_258, %shift_right_logical3A_260 : vector<16xi32>
    %swap3A_262 = arith.constant 1 : i32
    %swap3A_263 = arith.index_cast %swap3A_262 : i32 to index
    %swap3A_264 = arith.constant 48 : index
    %swap3A_265 = tpu.vector_load %arg23[%swap3A_263, %swap3A_264] {strides = array<i32>} : memref<4x128xi32, #tpu.memory_space<vmem>>, vector<16xi32>,
    tpu.vector_store %arg23[%swap3A_263, %swap3A_264], %shift_right_logical3A_261 {strides = array<i32>} : memref<4x128xi32, #tpu.memory_space<vmem>>, vector<16xi32>,
    %get3A_266 = arith.constant 1 : i32
    %get3A_267 = arith.index_cast %get3A_266 : i32 to index
    %get3A_268 = arith.constant 64 : index
    %get3A_269 = tpu.vector_load %arg16[%get3A_267, %get3A_268] {strides = array<i32>} : memref<4x128xi32, #tpu.memory_space<vmem>>, vector<16xi32>,
    %shift_right_logical3A_270 = arith.constant 4 : i32
    %shift_right_logical3A_271 = vector.broadcast %shift_right_logical3A_270 : i32 to vector<16xi32>
    %shift_right_logical3A_272 = arith.shrui %get3A_269, %shift_right_logical3A_271 : vector<16xi32>
    %swap3A_273 = arith.constant 1 : i32
    %swap3A_274 = arith.index_cast %swap3A_273 : i32 to index
    %swap3A_275 = arith.constant 64 : index
    %swap3A_276 = tpu.vector_load %arg22[%swap3A_274, %swap3A_275] {strides = array<i32>} : memref<4x128xi32, #tpu.memory_space<vmem>>, vector<16xi32>,
    tpu.vector_store %arg22[%swap3A_274, %swap3A_275], %shift_right_logical3A_272 {strides = array<i32>} : memref<4x128xi32, #tpu.memory_space<vmem>>, vector<16xi32>,
    %get3A_277 = arith.constant 1 : i32
    %get3A_278 = arith.index_cast %get3A_277 : i32 to index
    %get3A_279 = arith.constant 64 : index
    %get3A_280 = tpu.vector_load %arg17[%get3A_278, %get3A_279] {strides = array<i32>} : memref<4x128xi32, #tpu.memory_space<vmem>>, vector<16xi32>,
    %shift_right_logical3A_281 = arith.constant 4 : i32
    %shift_right_logical3A_282 = vector.broadcast %shift_right_logical3A_281 : i32 to vector<16xi32>
    %shift_right_logical3A_283 = arith.shrui %get3A_280, %shift_right_logical3A_282 : vector<16xi32>
    %swap3A_284 = arith.constant 1 : i32
    %swap3A_285 = arith.index_cast %swap3A_284 : i32 to index
    %swap3A_286 = arith.constant 64 : index
    %swap3A_287 = tpu.vector_load %arg23[%swap3A_285, %swap3A_286] {strides = array<i32>} : memref<4x128xi32, #tpu.memory_space<vmem>>, vector<16xi32>,
    tpu.vector_store %arg23[%swap3A_285, %swap3A_286], %shift_right_logical3A_283 {strides = array<i32>} : memref<4x128xi32, #tpu.memory_space<vmem>>, vector<16xi32>,
    %get3A_288 = arith.constant 1 : i32
    %get3A_289 = arith.index_cast %get3A_288 : i32 to index
    %get3A_290 = arith.constant 80 : index
    %get3A_291 = tpu.vector_load %arg16[%get3A_289, %get3A_290] {strides = array<i32>} : memref<4x128xi32, #tpu.memory_space<vmem>>, vector<16xi32>,
    %shift_right_logical3A_292 = arith.constant 4 : i32
    %shift_right_logical3A_293 = vector.broadcast %shift_right_logical3A_292 : i32 to vector<16xi32>
    %shift_right_logical3A_294 = arith.shrui %get3A_291, %shift_right_logical3A_293 : vector<16xi32>
    %swap3A_295 = arith.constant 1 : i32
    %swap3A_296 = arith.index_cast %swap3A_295 : i32 to index
    %swap3A_297 = arith.constant 80 : index
    %swap3A_298 = tpu.vector_load %arg22[%swap3A_296, %swap3A_297] {strides = array<i32>} : memref<4x128xi32, #tpu.memory_space<vmem>>, vector<16xi32>,
    tpu.vector_store %arg22[%swap3A_296, %swap3A_297], %shift_right_logical3A_294 {strides = array<i32>} : memref<4x128xi32, #tpu.memory_space<vmem>>, vector<16xi32>,
    %get3A_299 = arith.constant 1 : i32
    %get3A_300 = arith.index_cast %get3A_299 : i32 to index
    %get3A_301 = arith.constant 80 : index
    %get3A_302 = tpu.vector_load %arg17[%get3A_300, %get3A_301] {strides = array<i32>} : memref<4x128xi32, #tpu.memory_space<vmem>>, vector<16xi32>,
    %shift_right_logical3A_303 = arith.constant 4 : i32
    %shift_right_logical3A_304 = vector.broadcast %shift_right_logical3A_303 : i32 to vector<16xi32>
    %shift_right_logical3A_305 = arith.shrui %get3A_302, %shift_right_logical3A_304 : vector<16xi32>
    %swap3A_306 = arith.constant 1 : i32
    %swap3A_307 = arith.index_cast %swap3A_306 : i32 to index
    %swap3A_308 = arith.constant 80 : index
    %swap3A_309 = tpu.vector_load %arg23[%swap3A_307, %swap3A_308] {strides = array<i32>} : memref<4x128xi32, #tpu.memory_space<vmem>>, vector<16xi32>,
    tpu.vector_store %arg23[%swap3A_307, %swap3A_308], %shift_right_logical3A_305 {strides = array<i32>} : memref<4x128xi32, #tpu.memory_space<vmem>>, vector<16xi32>,
    %get3A_310 = arith.constant 1 : i32
    %get3A_311 = arith.index_cast %get3A_310 : i32 to index
    %get3A_312 = arith.constant 96 : index
    %get3A_313 = tpu.vector_load %arg16[%get3A_311, %get3A_312] {strides = array<i32>} : memref<4x128xi32, #tpu.memory_space<vmem>>, vector<16xi32>,
    %shift_right_logical3A_314 = arith.constant 4 : i32
    %shift_right_logical3A_315 = vector.broadcast %shift_right_logical3A_314 : i32 to vector<16xi32>
    %shift_right_logical3A_316 = arith.shrui %get3A_313, %shift_right_logical3A_315 : vector<16xi32>
    %swap3A_317 = arith.constant 1 : i32
    %swap3A_318 = arith.index_cast %swap3A_317 : i32 to index
    %swap3A_319 = arith.constant 96 : index
    %swap3A_320 = tpu.vector_load %arg22[%swap3A_318, %swap3A_319] {strides = array<i32>} : memref<4x128xi32, #tpu.memory_space<vmem>>, vector<16xi32>,
    tpu.vector_store %arg22[%swap3A_318, %swap3A_319], %shift_right_logical3A_316 {strides = array<i32>} : memref<4x128xi32, #tpu.memory_space<vmem>>, vector<16xi32>,
    %get3A_321 = arith.constant 1 : i32
    %get3A_322 = arith.index_cast %get3A_321 : i32 to index
    %get3A_323 = arith.constant 96 : index
    %get3A_324 = tpu.vector_load %arg17[%get3A_322, %get3A_323] {strides = array<i32>} : memref<4x128xi32, #tpu.memory_space<vmem>>, vector<16xi32>,
    %shift_right_logical3A_325 = arith.constant 4 : i32
    %shift_right_logical3A_326 = vector.broadcast %shift_right_logical3A_325 : i32 to vector<16xi32>
    %shift_right_logical3A_327 = arith.shrui %get3A_324, %shift_right_logical3A_326 : vector<16xi32>
    %swap3A_328 = arith.constant 1 : i32
    %swap3A_329 = arith.index_cast %swap3A_328 : i32 to index
    %swap3A_330 = arith.constant 96 : index
    %swap3A_331 = tpu.vector_load %arg23[%swap3A_329, %swap3A_330] {strides = array<i32>} : memref<4x128xi32, #tpu.memory_space<vmem>>, vector<16xi32>,
    tpu.vector_store %arg23[%swap3A_329, %swap3A_330], %shift_right_logical3A_327 {strides = array<i32>} : memref<4x128xi32, #tpu.memory_space<vmem>>, vector<16xi32>,
    %get3A_332 = arith.constant 1 : i32
    %get3A_333 = arith.index_cast %get3A_332 : i32 to index
    %get3A_334 = arith.constant 112 : index
    %get3A_335 = tpu.vector_load %arg16[%get3A_333, %get3A_334] {strides = array<i32>} : memref<4x128xi32, #tpu.memory_space<vmem>>, vector<16xi32>,
    %shift_right_logical3A_336 = arith.constant 4 : i32
    %shift_right_logical3A_337 = vector.broadcast %shift_right_logical3A_336 : i32 to vector<16xi32>
    %shift_right_logical3A_338 = arith.shrui %get3A_335, %shift_right_logical3A_337 : vector<16xi32>
    %swap3A_339 = arith.constant 1 : i32
    %swap3A_340 = arith.index_cast %swap3A_339 : i32 to index
    %swap3A_341 = arith.constant 112 : index
    %swap3A_342 = tpu.vector_load %arg22[%swap3A_340, %swap3A_341] {strides = array<i32>} : memref<4x128xi32, #tpu.memory_space<vmem>>, vector<16xi32>,
    tpu.vector_store %arg22[%swap3A_340, %swap3A_341], %shift_right_logical3A_338 {strides = array<i32>} : memref<4x128xi32, #tpu.memory_space<vmem>>, vector<16xi32>,
    %get3A_343 = arith.constant 1 : i32
    %get3A_344 = arith.index_cast %get3A_343 : i32 to index
    %get3A_345 = arith.constant 112 : index
    %get3A_346 = tpu.vector_load %arg17[%get3A_344, %get3A_345] {strides = array<i32>} : memref<4x128xi32, #tpu.memory_space<vmem>>, vector<16xi32>,
    %shift_right_logical3A_347 = arith.constant 4 : i32
    %shift_right_logical3A_348 = vector.broadcast %shift_right_logical3A_347 : i32 to vector<16xi32>
    %shift_right_logical3A_349 = arith.shrui %get3A_346, %shift_right_logical3A_348 : vector<16xi32>
    %swap3A_350 = arith.constant 1 : i32
    %swap3A_351 = arith.index_cast %swap3A_350 : i32 to index
    %swap3A_352 = arith.constant 112 : index
    %swap3A_353 = tpu.vector_load %arg23[%swap3A_351, %swap3A_352] {strides = array<i32>} : memref<4x128xi32, #tpu.memory_space<vmem>>, vector<16xi32>,
    tpu.vector_store %arg23[%swap3A_351, %swap3A_352], %shift_right_logical3A_349 {strides = array<i32>} : memref<4x128xi32, #tpu.memory_space<vmem>>, vector<16xi32>,
    %get3A_354 = arith.constant 2 : i32
    %get3A_355 = arith.index_cast %get3A_354 : i32 to index
    %get3A_356 = arith.constant 0 : index
    %get3A_357 = tpu.vector_load %arg16[%get3A_355, %get3A_356] {strides = array<i32>} : memref<4x128xi32, #tpu.memory_space<vmem>>, vector<16xi32>,
    %shift_right_logical3A_358 = arith.constant 4 : i32
    %shift_right_logical3A_359 = vector.broadcast %shift_right_logical3A_358 : i32 to vector<16xi32>
    %shift_right_logical3A_360 = arith.shrui %get3A_357, %shift_right_logical3A_359 : vector<16xi32>
    %swap3A_361 = arith.constant 2 : i32
    %swap3A_362 = arith.index_cast %swap3A_361 : i32 to index
    %swap3A_363 = arith.constant 0 : index
    %swap3A_364 = tpu.vector_load %arg22[%swap3A_362, %swap3A_363] {strides = array<i32>} : memref<4x128xi32, #tpu.memory_space<vmem>>, vector<16xi32>,
    tpu.vector_store %arg22[%swap3A_362, %swap3A_363], %shift_right_logical3A_360 {strides = array<i32>} : memref<4x128xi32, #tpu.memory_space<vmem>>, vector<16xi32>,
    %get3A_365 = arith.constant 2 : i32
    %get3A_366 = arith.index_cast %get3A_365 : i32 to index
    %get3A_367 = arith.constant 0 : index
    %get3A_368 = tpu.vector_load %arg17[%get3A_366, %get3A_367] {strides = array<i32>} : memref<4x128xi32, #tpu.memory_space<vmem>>, vector<16xi32>,
    %shift_right_logical3A_369 = arith.constant 4 : i32
    %shift_right_logical3A_370 = vector.broadcast %shift_right_logical3A_369 : i32 to vector<16xi32>
    %shift_right_logical3A_371 = arith.shrui %get3A_368, %shift_right_logical3A_370 : vector<16xi32>
    %swap3A_372 = arith.constant 2 : i32
    %swap3A_373 = arith.index_cast %swap3A_372 : i32 to index
    %swap3A_374 = arith.constant 0 : index
    %swap3A_375 = tpu.vector_load %arg23[%swap3A_373, %swap3A_374] {strides = array<i32>} : memref<4x128xi32, #tpu.memory_space<vmem>>, vector<16xi32>,
    tpu.vector_store %arg23[%swap3A_373, %swap3A_374], %shift_right_logical3A_371 {strides = array<i32>} : memref<4x128xi32, #tpu.memory_space<vmem>>, vector<16xi32>,
    %get3A_376 = arith.constant 2 : i32
    %get3A_377 = arith.index_cast %get3A_376 : i32 to index
    %get3A_378 = arith.constant 16 : index
    %get3A_379 = tpu.vector_load %arg16[%get3A_377, %get3A_378] {strides = array<i32>} : memref<4x128xi32, #tpu.memory_space<vmem>>, vector<16xi32>,
    %shift_right_logical3A_380 = arith.constant 4 : i32
    %shift_right_logical3A_381 = vector.broadcast %shift_right_logical3A_380 : i32 to vector<16xi32>
    %shift_right_logical3A_382 = arith.shrui %get3A_379, %shift_right_logical3A_381 : vector<16xi32>
    %swap3A_383 = arith.constant 2 : i32
    %swap3A_384 = arith.index_cast %swap3A_383 : i32 to index
    %swap3A_385 = arith.constant 16 : index
    %swap3A_386 = tpu.vector_load %arg22[%swap3A_384, %swap3A_385] {strides = array<i32>} : memref<4x128xi32, #tpu.memory_space<vmem>>, vector<16xi32>,
    tpu.vector_store %arg22[%swap3A_384, %swap3A_385], %shift_right_logical3A_382 {strides = array<i32>} : memref<4x128xi32, #tpu.memory_space<vmem>>, vector<16xi32>,
    %get3A_387 = arith.constant 2 : i32
    %get3A_388 = arith.index_cast %get3A_387 : i32 to index
    %get3A_389 = arith.constant 16 : index
    %get3A_390 = tpu.vector_load %arg17[%get3A_388, %get3A_389] {strides = array<i32>} : memref<4x128xi32, #tpu.memory_space<vmem>>, vector<16xi32>,
    %shift_right_logical3A_391 = arith.constant 4 : i32
    %shift_right_logical3A_392 = vector.broadcast %shift_right_logical3A_391 : i32 to vector<16xi32>
    %shift_right_logical3A_393 = arith.shrui %get3A_390, %shift_right_logical3A_392 : vector<16xi32>
    %swap3A_394 = arith.constant 2 : i32
    %swap3A_395 = arith.index_cast %swap3A_394 : i32 to index
    %swap3A_396 = arith.constant 16 : index
    %swap3A_397 = tpu.vector_load %arg23[%swap3A_395, %swap3A_396] {strides = array<i32>} : memref<4x128xi32, #tpu.memory_space<vmem>>, vector<16xi32>,
    tpu.vector_store %arg23[%swap3A_395, %swap3A_396], %shift_right_logical3A_393 {strides = array<i32>} : memref<4x128xi32, #tpu.memory_space<vmem>>, vector<16xi32>,
    %get3A_398 = arith.constant 2 : i32
    %get3A_399 = arith.index_cast %get3A_398 : i32 to index
    %get3A_400 = arith.constant 32 : index
    %get3A_401 = tpu.vector_load %arg16[%get3A_399, %get3A_400] {strides = array<i32>} : memref<4x128xi32, #tpu.memory_space<vmem>>, vector<16xi32>,
    %shift_right_logical3A_402 = arith.constant 4 : i32
    %shift_right_logical3A_403 = vector.broadcast %shift_right_logical3A_402 : i32 to vector<16xi32>
    %shift_right_logical3A_404 = arith.shrui %get3A_401, %shift_right_logical3A_403 : vector<16xi32>
    %swap3A_405 = arith.constant 2 : i32
    %swap3A_406 = arith.index_cast %swap3A_405 : i32 to index
    %swap3A_407 = arith.constant 32 : index
    %swap3A_408 = tpu.vector_load %arg22[%swap3A_406, %swap3A_407] {strides = array<i32>} : memref<4x128xi32, #tpu.memory_space<vmem>>, vector<16xi32>,
    tpu.vector_store %arg22[%swap3A_406, %swap3A_407], %shift_right_logical3A_404 {strides = array<i32>} : memref<4x128xi32, #tpu.memory_space<vmem>>, vector<16xi32>,
    %get3A_409 = arith.constant 2 : i32
    %get3A_410 = arith.index_cast %get3A_409 : i32 to index
    %get3A_411 = arith.constant 32 : index
    %get3A_412 = tpu.vector_load %arg17[%get3A_410, %get3A_411] {strides = array<i32>} : memref<4x128xi32, #tpu.memory_space<vmem>>, vector<16xi32>,
    %shift_right_logical3A_413 = arith.constant 4 : i32
    %shift_right_logical3A_414 = vector.broadcast %shift_right_logical3A_413 : i32 to vector<16xi32>
    %shift_right_logical3A_415 = arith.shrui %get3A_412, %shift_right_logical3A_414 : vector<16xi32>
    %swap3A_416 = arith.constant 2 : i32
    %swap3A_417 = arith.index_cast %swap3A_416 : i32 to index
    %swap3A_418 = arith.constant 32 : index
    %swap3A_419 = tpu.vector_load %arg23[%swap3A_417, %swap3A_418] {strides = array<i32>} : memref<4x128xi32, #tpu.memory_space<vmem>>, vector<16xi32>,
    tpu.vector_store %arg23[%swap3A_417, %swap3A_418], %shift_right_logical3A_415 {strides = array<i32>} : memref<4x128xi32, #tpu.memory_space<vmem>>, vector<16xi32>,
    %get3A_420 = arith.constant 2 : i32
    %get3A_421 = arith.index_cast %get3A_420 : i32 to index
    %get3A_422 = arith.constant 48 : index
    %get3A_423 = tpu.vector_load %arg16[%get3A_421, %get3A_422] {strides = array<i32>} : memref<4x128xi32, #tpu.memory_space<vmem>>, vector<16xi32>,
    %shift_right_logical3A_424 = arith.constant 4 : i32
    %shift_right_logical3A_425 = vector.broadcast %shift_right_logical3A_424 : i32 to vector<16xi32>
    %shift_right_logical3A_426 = arith.shrui %get3A_423, %shift_right_logical3A_425 : vector<16xi32>
    %swap3A_427 = arith.constant 2 : i32
    %swap3A_428 = arith.index_cast %swap3A_427 : i32 to index
    %swap3A_429 = arith.constant 48 : index
    %swap3A_430 = tpu.vector_load %arg22[%swap3A_428, %swap3A_429] {strides = array<i32>} : memref<4x128xi32, #tpu.memory_space<vmem>>, vector<16xi32>,
    tpu.vector_store %arg22[%swap3A_428, %swap3A_429], %shift_right_logical3A_426 {strides = array<i32>} : memref<4x128xi32, #tpu.memory_space<vmem>>, vector<16xi32>,
    %get3A_431 = arith.constant 2 : i32
    %get3A_432 = arith.index_cast %get3A_431 : i32 to index
    %get3A_433 = arith.constant 48 : index
    %get3A_434 = tpu.vector_load %arg17[%get3A_432, %get3A_433] {strides = array<i32>} : memref<4x128xi32, #tpu.memory_space<vmem>>, vector<16xi32>,
    %shift_right_logical3A_435 = arith.constant 4 : i32
    %shift_right_logical3A_436 = vector.broadcast %shift_right_logical3A_435 : i32 to vector<16xi32>
    %shift_right_logical3A_437 = arith.shrui %get3A_434, %shift_right_logical3A_436 : vector<16xi32>
    %swap3A_438 = arith.constant 2 : i32
    %swap3A_439 = arith.index_cast %swap3A_438 : i32 to index
    %swap3A_440 = arith.constant 48 : index
    %swap3A_441 = tpu.vector_load %arg23[%swap3A_439, %swap3A_440] {strides = array<i32>} : memref<4x128xi32, #tpu.memory_space<vmem>>, vector<16xi32>,
    tpu.vector_store %arg23[%swap3A_439, %swap3A_440], %shift_right_logical3A_437 {strides = array<i32>} : memref<4x128xi32, #tpu.memory_space<vmem>>, vector<16xi32>,
    %get3A_442 = arith.constant 2 : i32
    %get3A_443 = arith.index_cast %get3A_442 : i32 to index
    %get3A_444 = arith.constant 64 : index
    %get3A_445 = tpu.vector_load %arg16[%get3A_443, %get3A_444] {strides = array<i32>} : memref<4x128xi32, #tpu.memory_space<vmem>>, vector<16xi32>,
    %shift_right_logical3A_446 = arith.constant 4 : i32
    %shift_right_logical3A_447 = vector.broadcast %shift_right_logical3A_446 : i32 to vector<16xi32>
    %shift_right_logical3A_448 = arith.shrui %get3A_445, %shift_right_logical3A_447 : vector<16xi32>
    %swap3A_449 = arith.constant 2 : i32
    %swap3A_450 = arith.index_cast %swap3A_449 : i32 to index
    %swap3A_451 = arith.constant 64 : index
    %swap3A_452 = tpu.vector_load %arg22[%swap3A_450, %swap3A_451] {strides = array<i32>} : memref<4x128xi32, #tpu.memory_space<vmem>>, vector<16xi32>,
    tpu.vector_store %arg22[%swap3A_450, %swap3A_451], %shift_right_logical3A_448 {strides = array<i32>} : memref<4x128xi32, #tpu.memory_space<vmem>>, vector<16xi32>,
    %get3A_453 = arith.constant 2 : i32
    %get3A_454 = arith.index_cast %get3A_453 : i32 to index
    %get3A_455 = arith.constant 64 : index
    %get3A_456 = tpu.vector_load %arg17[%get3A_454, %get3A_455] {strides = array<i32>} : memref<4x128xi32, #tpu.memory_space<vmem>>, vector<16xi32>,
    %shift_right_logical3A_457 = arith.constant 4 : i32
    %shift_right_logical3A_458 = vector.broadcast %shift_right_logical3A_457 : i32 to vector<16xi32>
    %shift_right_logical3A_459 = arith.shrui %get3A_456, %shift_right_logical3A_458 : vector<16xi32>
    %swap3A_460 = arith.constant 2 : i32
    %swap3A_461 = arith.index_cast %swap3A_460 : i32 to index
    %swap3A_462 = arith.constant 64 : index
    %swap3A_463 = tpu.vector_load %arg23[%swap3A_461, %swap3A_462] {strides = array<i32>} : memref<4x128xi32, #tpu.memory_space<vmem>>, vector<16xi32>,
    tpu.vector_store %arg23[%swap3A_461, %swap3A_462], %shift_right_logical3A_459 {strides = array<i32>} : memref<4x128xi32, #tpu.memory_space<vmem>>, vector<16xi32>,
    %get3A_464 = arith.constant 2 : i32
    %get3A_465 = arith.index_cast %get3A_464 : i32 to index
    %get3A_466 = arith.constant 80 : index
    %get3A_467 = tpu.vector_load %arg16[%get3A_465, %get3A_466] {strides = array<i32>} : memref<4x128xi32, #tpu.memory_space<vmem>>, vector<16xi32>,
    %shift_right_logical3A_468 = arith.constant 4 : i32
    %shift_right_logical3A_469 = vector.broadcast %shift_right_logical3A_468 : i32 to vector<16xi32>
    %shift_right_logical3A_470 = arith.shrui %get3A_467, %shift_right_logical3A_469 : vector<16xi32>
    %swap3A_471 = arith.constant 2 : i32
    %swap3A_472 = arith.index_cast %swap3A_471 : i32 to index
    %swap3A_473 = arith.constant 80 : index
    %swap3A_474 = tpu.vector_load %arg22[%swap3A_472, %swap3A_473] {strides = array<i32>} : memref<4x128xi32, #tpu.memory_space<vmem>>, vector<16xi32>,
    tpu.vector_store %arg22[%swap3A_472, %swap3A_473], %shift_right_logical3A_470 {strides = array<i32>} : memref<4x128xi32, #tpu.memory_space<vmem>>, vector<16xi32>,
    %get3A_475 = arith.constant 2 : i32
    %get3A_476 = arith.index_cast %get3A_475 : i32 to index
    %get3A_477 = arith.constant 80 : index
    %get3A_478 = tpu.vector_load %arg17[%get3A_476, %get3A_477] {strides = array<i32>} : memref<4x128xi32, #tpu.memory_space<vmem>>, vector<16xi32>,
    %shift_right_logical3A_479 = arith.constant 4 : i32
    %shift_right_logical3A_480 = vector.broadcast %shift_right_logical3A_479 : i32 to vector<16xi32>
    %shift_right_logical3A_481 = arith.shrui %get3A_478, %shift_right_logical3A_480 : vector<16xi32>
    %swap3A_482 = arith.constant 2 : i32
    %swap3A_483 = arith.index_cast %swap3A_482 : i32 to index
    %swap3A_484 = arith.constant 80 : index
    %swap3A_485 = tpu.vector_load %arg23[%swap3A_483, %swap3A_484] {strides = array<i32>} : memref<4x128xi32, #tpu.memory_space<vmem>>, vector<16xi32>,
    tpu.vector_store %arg23[%swap3A_483, %swap3A_484], %shift_right_logical3A_481 {strides = array<i32>} : memref<4x128xi32, #tpu.memory_space<vmem>>, vector<16xi32>,
    %get3A_486 = arith.constant 2 : i32
    %get3A_487 = arith.index_cast %get3A_486 : i32 to index
    %get3A_488 = arith.constant 96 : index
    %get3A_489 = tpu.vector_load %arg16[%get3A_487, %get3A_488] {strides = array<i32>} : memref<4x128xi32, #tpu.memory_space<vmem>>, vector<16xi32>,
    %shift_right_logical3A_490 = arith.constant 4 : i32
    %shift_right_logical3A_491 = vector.broadcast %shift_right_logical3A_490 : i32 to vector<16xi32>
    %shift_right_logical3A_492 = arith.shrui %get3A_489, %shift_right_logical3A_491 : vector<16xi32>
    %swap3A_493 = arith.constant 2 : i32
    %swap3A_494 = arith.index_cast %swap3A_493 : i32 to index
    %swap3A_495 = arith.constant 96 : index
    %swap3A_496 = tpu.vector_load %arg22[%swap3A_494, %swap3A_495] {strides = array<i32>} : memref<4x128xi32, #tpu.memory_space<vmem>>, vector<16xi32>,
    tpu.vector_store %arg22[%swap3A_494, %swap3A_495], %shift_right_logical3A_492 {strides = array<i32>} : memref<4x128xi32, #tpu.memory_space<vmem>>, vector<16xi32>,
    %get3A_497 = arith.constant 2 : i32
    %get3A_498 = arith.index_cast %get3A_497 : i32 to index
    %get3A_499 = arith.constant 96 : index
    %get3A_500 = tpu.vector_load %arg17[%get3A_498, %get3A_499] {strides = array<i32>} : memref<4x128xi32, #tpu.memory_space<vmem>>, vector<16xi32>,
    %shift_right_logical3A_501 = arith.constant 4 : i32
    %shift_right_logical3A_502 = vector.broadcast %shift_right_logical3A_501 : i32 to vector<16xi32>
    %shift_right_logical3A_503 = arith.shrui %get3A_500, %shift_right_logical3A_502 : vector<16xi32>
    %swap3A_504 = arith.constant 2 : i32
    %swap3A_505 = arith.index_cast %swap3A_504 : i32 to index
    %swap3A_506 = arith.constant 96 : index
    %swap3A_507 = tpu.vector_load %arg23[%swap3A_505, %swap3A_506] {strides = array<i32>} : memref<4x128xi32, #tpu.memory_space<vmem>>, vector<16xi32>,
    tpu.vector_store %arg23[%swap3A_505, %swap3A_506], %shift_right_logical3A_503 {strides = array<i32>} : memref<4x128xi32, #tpu.memory_space<vmem>>, vector<16xi32>,
    %get3A_508 = arith.constant 2 : i32
    %get3A_509 = arith.index_cast %get3A_508 : i32 to index
    %get3A_510 = arith.constant 112 : index
    %get3A_511 = tpu.vector_load %arg16[%get3A_509, %get3A_510] {strides = array<i32>} : memref<4x128xi32, #tpu.memory_space<vmem>>, vector<16xi32>,
    %shift_right_logical3A_512 = arith.constant 4 : i32
    %shift_right_logical3A_513 = vector.broadcast %shift_right_logical3A_512 : i32 to vector<16xi32>
    %shift_right_logical3A_514 = arith.shrui %get3A_511, %shift_right_logical3A_513 : vector<16xi32>
    %swap3A_515 = arith.constant 2 : i32
    %swap3A_516 = arith.index_cast %swap3A_515 : i32 to index
    %swap3A_517 = arith.constant 112 : index
    %swap3A_518 = tpu.vector_load %arg22[%swap3A_516, %swap3A_517] {strides = array<i32>} : memref<4x128xi32, #tpu.memory_space<vmem>>, vector<16xi32>,
    tpu.vector_store %arg22[%swap3A_516, %swap3A_517], %shift_right_logical3A_514 {strides = array<i32>} : memref<4x128xi32, #tpu.memory_space<vmem>>, vector<16xi32>,
    %get3A_519 = arith.constant 2 : i32
    %get3A_520 = arith.index_cast %get3A_519 : i32 to index
    %get3A_521 = arith.constant 112 : index
    %get3A_522 = tpu.vector_load %arg17[%get3A_520, %get3A_521] {strides = array<i32>} : memref<4x128xi32, #tpu.memory_space<vmem>>, vector<16xi32>,
    %shift_right_logical3A_523 = arith.constant 4 : i32
    %shift_right_logical3A_524 = vector.broadcast %shift_right_logical3A_523 : i32 to vector<16xi32>
    %shift_right_logical3A_525 = arith.shrui %get3A_522, %shift_right_logical3A_524 : vector<16xi32>
    %swap3A_526 = arith.constant 2 : i32
    %swap3A_527 = arith.index_cast %swap3A_526 : i32 to index
    %swap3A_528 = arith.constant 112 : index
    %swap3A_529 = tpu.vector_load %arg23[%swap3A_527, %swap3A_528] {strides = array<i32>} : memref<4x128xi32, #tpu.memory_space<vmem>>, vector<16xi32>,
    tpu.vector_store %arg23[%swap3A_527, %swap3A_528], %shift_right_logical3A_525 {strides = array<i32>} : memref<4x128xi32, #tpu.memory_space<vmem>>, vector<16xi32>,
    %get3A_530 = arith.constant 3 : i32
    %get3A_531 = arith.index_cast %get3A_530 : i32 to index
    %get3A_532 = arith.constant 0 : index
    %get3A_533 = tpu.vector_load %arg16[%get3A_531, %get3A_532] {strides = array<i32>} : memref<4x128xi32, #tpu.memory_space<vmem>>, vector<16xi32>,
    %shift_right_logical3A_534 = arith.constant 4 : i32
    %shift_right_logical3A_535 = vector.broadcast %shift_right_logical3A_534 : i32 to vector<16xi32>
    %shift_right_logical3A_536 = arith.shrui %get3A_533, %shift_right_logical3A_535 : vector<16xi32>
    %swap3A_537 = arith.constant 3 : i32
    %swap3A_538 = arith.index_cast %swap3A_537 : i32 to index
    %swap3A_539 = arith.constant 0 : index
    %swap3A_540 = tpu.vector_load %arg22[%swap3A_538, %swap3A_539] {strides = array<i32>} : memref<4x128xi32, #tpu.memory_space<vmem>>, vector<16xi32>,
    tpu.vector_store %arg22[%swap3A_538, %swap3A_539], %shift_right_logical3A_536 {strides = array<i32>} : memref<4x128xi32, #tpu.memory_space<vmem>>, vector<16xi32>,
    %get3A_541 = arith.constant 3 : i32
    %get3A_542 = arith.index_cast %get3A_541 : i32 to index
    %get3A_543 = arith.constant 0 : index
    %get3A_544 = tpu.vector_load %arg17[%get3A_542, %get3A_543] {strides = array<i32>} : memref<4x128xi32, #tpu.memory_space<vmem>>, vector<16xi32>,
    %shift_right_logical3A_545 = arith.constant 4 : i32
    %shift_right_logical3A_546 = vector.broadcast %shift_right_logical3A_545 : i32 to vector<16xi32>
    %shift_right_logical3A_547 = arith.shrui %get3A_544, %shift_right_logical3A_546 : vector<16xi32>
    %swap3A_548 = arith.constant 3 : i32
    %swap3A_549 = arith.index_cast %swap3A_548 : i32 to index
    %swap3A_550 = arith.constant 0 : index
    %swap3A_551 = tpu.vector_load %arg23[%swap3A_549, %swap3A_550] {strides = array<i32>} : memref<4x128xi32, #tpu.memory_space<vmem>>, vector<16xi32>,
    tpu.vector_store %arg23[%swap3A_549, %swap3A_550], %shift_right_logical3A_547 {strides = array<i32>} : memref<4x128xi32, #tpu.memory_space<vmem>>, vector<16xi32>,
    %get3A_552 = arith.constant 3 : i32
    %get3A_553 = arith.index_cast %get3A_552 : i32 to index
    %get3A_554 = arith.constant 16 : index
    %get3A_555 = tpu.vector_load %arg16[%get3A_553, %get3A_554] {strides = array<i32>} : memref<4x128xi32, #tpu.memory_space<vmem>>, vector<16xi32>,
    %shift_right_logical3A_556 = arith.constant 4 : i32
    %shift_right_logical3A_557 = vector.broadcast %shift_right_logical3A_556 : i32 to vector<16xi32>
    %shift_right_logical3A_558 = arith.shrui %get3A_555, %shift_right_logical3A_557 : vector<16xi32>
    %swap3A_559 = arith.constant 3 : i32
    %swap3A_560 = arith.index_cast %swap3A_559 : i32 to index
    %swap3A_561 = arith.constant 16 : index
    %swap3A_562 = tpu.vector_load %arg22[%swap3A_560, %swap3A_561] {strides = array<i32>} : memref<4x128xi32, #tpu.memory_space<vmem>>, vector<16xi32>,
    tpu.vector_store %arg22[%swap3A_560, %swap3A_561], %shift_right_logical3A_558 {strides = array<i32>} : memref<4x128xi32, #tpu.memory_space<vmem>>, vector<16xi32>,
    %get3A_563 = arith.constant 3 : i32
    %get3A_564 = arith.index_cast %get3A_563 : i32 to index
    %get3A_565 = arith.constant 16 : index
    %get3A_566 = tpu.vector_load %arg17[%get3A_564, %get3A_565] {strides = array<i32>} : memref<4x128xi32, #tpu.memory_space<vmem>>, vector<16xi32>,
    %shift_right_logical3A_567 = arith.constant 4 : i32
    %shift_right_logical3A_568 = vector.broadcast %shift_right_logical3A_567 : i32 to vector<16xi32>
    %shift_right_logical3A_569 = arith.shrui %get3A_566, %shift_right_logical3A_568 : vector<16xi32>
    %swap3A_570 = arith.constant 3 : i32
    %swap3A_571 = arith.index_cast %swap3A_570 : i32 to index
    %swap3A_572 = arith.constant 16 : index
    %swap3A_573 = tpu.vector_load %arg23[%swap3A_571, %swap3A_572] {strides = array<i32>} : memref<4x128xi32, #tpu.memory_space<vmem>>, vector<16xi32>,
    tpu.vector_store %arg23[%swap3A_571, %swap3A_572], %shift_right_logical3A_569 {strides = array<i32>} : memref<4x128xi32, #tpu.memory_space<vmem>>, vector<16xi32>,
    %get3A_574 = arith.constant 3 : i32
    %get3A_575 = arith.index_cast %get3A_574 : i32 to index
    %get3A_576 = arith.constant 32 : index
    %get3A_577 = tpu.vector_load %arg16[%get3A_575, %get3A_576] {strides = array<i32>} : memref<4x128xi32, #tpu.memory_space<vmem>>, vector<16xi32>,
    %shift_right_logical3A_578 = arith.constant 4 : i32
    %shift_right_logical3A_579 = vector.broadcast %shift_right_logical3A_578 : i32 to vector<16xi32>
    %shift_right_logical3A_580 = arith.shrui %get3A_577, %shift_right_logical3A_579 : vector<16xi32>
    %swap3A_581 = arith.constant 3 : i32
    %swap3A_582 = arith.index_cast %swap3A_581 : i32 to index
    %swap3A_583 = arith.constant 32 : index
    %swap3A_584 = tpu.vector_load %arg22[%swap3A_582, %swap3A_583] {strides = array<i32>} : memref<4x128xi32, #tpu.memory_space<vmem>>, vector<16xi32>,
    tpu.vector_store %arg22[%swap3A_582, %swap3A_583], %shift_right_logical3A_580 {strides = array<i32>} : memref<4x128xi32, #tpu.memory_space<vmem>>, vector<16xi32>,
    %get3A_585 = arith.constant 3 : i32
    %get3A_586 = arith.index_cast %get3A_585 : i32 to index
    %get3A_587 = arith.constant 32 : index
    %get3A_588 = tpu.vector_load %arg17[%get3A_586, %get3A_587] {strides = array<i32>} : memref<4x128xi32, #tpu.memory_space<vmem>>, vector<16xi32>,
    %shift_right_logical3A_589 = arith.constant 4 : i32
    %shift_right_logical3A_590 = vector.broadcast %shift_right_logical3A_589 : i32 to vector<16xi32>
    %shift_right_logical3A_591 = arith.shrui %get3A_588, %shift_right_logical3A_590 : vector<16xi32>
    %swap3A_592 = arith.constant 3 : i32
    %swap3A_593 = arith.index_cast %swap3A_592 : i32 to index
    %swap3A_594 = arith.constant 32 : index
    %swap3A_595 = tpu.vector_load %arg23[%swap3A_593, %swap3A_594] {strides = array<i32>} : memref<4x128xi32, #tpu.memory_space<vmem>>, vector<16xi32>,
    tpu.vector_store %arg23[%swap3A_593, %swap3A_594], %shift_right_logical3A_591 {strides = array<i32>} : memref<4x128xi32, #tpu.memory_space<vmem>>, vector<16xi32>,
    %get3A_596 = arith.constant 3 : i32
    %get3A_597 = arith.index_cast %get3A_596 : i32 to index
    %get3A_598 = arith.constant 48 : index
    %get3A_599 = tpu.vector_load %arg16[%get3A_597, %get3A_598] {strides = array<i32>} : memref<4x128xi32, #tpu.memory_space<vmem>>, vector<16xi32>,
    %shift_right_logical3A_600 = arith.constant 4 : i32
    %shift_right_logical3A_601 = vector.broadcast %shift_right_logical3A_600 : i32 to vector<16xi32>
    %shift_right_logical3A_602 = arith.shrui %get3A_599, %shift_right_logical3A_601 : vector<16xi32>
    %swap3A_603 = arith.constant 3 : i32
    %swap3A_604 = arith.index_cast %swap3A_603 : i32 to index
    %swap3A_605 = arith.constant 48 : index
    %swap3A_606 = tpu.vector_load %arg22[%swap3A_604, %swap3A_605] {strides = array<i32>} : memref<4x128xi32, #tpu.memory_space<vmem>>, vector<16xi32>,
    tpu.vector_store %arg22[%swap3A_604, %swap3A_605], %shift_right_logical3A_602 {strides = array<i32>} : memref<4x128xi32, #tpu.memory_space<vmem>>, vector<16xi32>,
    %get3A_607 = arith.constant 3 : i32
    %get3A_608 = arith.index_cast %get3A_607 : i32 to index
    %get3A_609 = arith.constant 48 : index
    %get3A_610 = tpu.vector_load %arg17[%get3A_608, %get3A_609] {strides = array<i32>} : memref<4x128xi32, #tpu.memory_space<vmem>>, vector<16xi32>,
    %shift_right_logical3A_611 = arith.constant 4 : i32
    %shift_right_logical3A_612 = vector.broadcast %shift_right_logical3A_611 : i32 to vector<16xi32>
    %shift_right_logical3A_613 = arith.shrui %get3A_610, %shift_right_logical3A_612 : vector<16xi32>
    %swap3A_614 = arith.constant 3 : i32
    %swap3A_615 = arith.index_cast %swap3A_614 : i32 to index
    %swap3A_616 = arith.constant 48 : index
    %swap3A_617 = tpu.vector_load %arg23[%swap3A_615, %swap3A_616] {strides = array<i32>} : memref<4x128xi32, #tpu.memory_space<vmem>>, vector<16xi32>,
    tpu.vector_store %arg23[%swap3A_615, %swap3A_616], %shift_right_logical3A_613 {strides = array<i32>} : memref<4x128xi32, #tpu.memory_space<vmem>>, vector<16xi32>,
    %get3A_618 = arith.constant 3 : i32
    %get3A_619 = arith.index_cast %get3A_618 : i32 to index
    %get3A_620 = arith.constant 64 : index
    %get3A_621 = tpu.vector_load %arg16[%get3A_619, %get3A_620] {strides = array<i32>} : memref<4x128xi32, #tpu.memory_space<vmem>>, vector<16xi32>,
    %shift_right_logical3A_622 = arith.constant 4 : i32
    %shift_right_logical3A_623 = vector.broadcast %shift_right_logical3A_622 : i32 to vector<16xi32>
    %shift_right_logical3A_624 = arith.shrui %get3A_621, %shift_right_logical3A_623 : vector<16xi32>
    %swap3A_625 = arith.constant 3 : i32
    %swap3A_626 = arith.index_cast %swap3A_625 : i32 to index
    %swap3A_627 = arith.constant 64 : index
    %swap3A_628 = tpu.vector_load %arg22[%swap3A_626, %swap3A_627] {strides = array<i32>} : memref<4x128xi32, #tpu.memory_space<vmem>>, vector<16xi32>,
    tpu.vector_store %arg22[%swap3A_626, %swap3A_627], %shift_right_logical3A_624 {strides = array<i32>} : memref<4x128xi32, #tpu.memory_space<vmem>>, vector<16xi32>,
    %get3A_629 = arith.constant 3 : i32
    %get3A_630 = arith.index_cast %get3A_629 : i32 to index
    %get3A_631 = arith.constant 64 : index
    %get3A_632 = tpu.vector_load %arg17[%get3A_630, %get3A_631] {strides = array<i32>} : memref<4x128xi32, #tpu.memory_space<vmem>>, vector<16xi32>,
    %shift_right_logical3A_633 = arith.constant 4 : i32
    %shift_right_logical3A_634 = vector.broadcast %shift_right_logical3A_633 : i32 to vector<16xi32>
    %shift_right_logical3A_635 = arith.shrui %get3A_632, %shift_right_logical3A_634 : vector<16xi32>
    %swap3A_636 = arith.constant 3 : i32
    %swap3A_637 = arith.index_cast %swap3A_636 : i32 to index
    %swap3A_638 = arith.constant 64 : index
    %swap3A_639 = tpu.vector_load %arg23[%swap3A_637, %swap3A_638] {strides = array<i32>} : memref<4x128xi32, #tpu.memory_space<vmem>>, vector<16xi32>,
    tpu.vector_store %arg23[%swap3A_637, %swap3A_638], %shift_right_logical3A_635 {strides = array<i32>} : memref<4x128xi32, #tpu.memory_space<vmem>>, vector<16xi32>,
    %get3A_640 = arith.constant 3 : i32
    %get3A_641 = arith.index_cast %get3A_640 : i32 to index
    %get3A_642 = arith.constant 80 : index
    %get3A_643 = tpu.vector_load %arg16[%get3A_641, %get3A_642] {strides = array<i32>} : memref<4x128xi32, #tpu.memory_space<vmem>>, vector<16xi32>,
    %shift_right_logical3A_644 = arith.constant 4 : i32
    %shift_right_logical3A_645 = vector.broadcast %shift_right_logical3A_644 : i32 to vector<16xi32>
    %shift_right_logical3A_646 = arith.shrui %get3A_643, %shift_right_logical3A_645 : vector<16xi32>
    %swap3A_647 = arith.constant 3 : i32
    %swap3A_648 = arith.index_cast %swap3A_647 : i32 to index
    %swap3A_649 = arith.constant 80 : index
    %swap3A_650 = tpu.vector_load %arg22[%swap3A_648, %swap3A_649] {strides = array<i32>} : memref<4x128xi32, #tpu.memory_space<vmem>>, vector<16xi32>,
    tpu.vector_store %arg22[%swap3A_648, %swap3A_649], %shift_right_logical3A_646 {strides = array<i32>} : memref<4x128xi32, #tpu.memory_space<vmem>>, vector<16xi32>,
    %get3A_651 = arith.constant 3 : i32
    %get3A_652 = arith.index_cast %get3A_651 : i32 to index
    %get3A_653 = arith.constant 80 : index
    %get3A_654 = tpu.vector_load %arg17[%get3A_652, %get3A_653] {strides = array<i32>} : memref<4x128xi32, #tpu.memory_space<vmem>>, vector<16xi32>,
    %shift_right_logical3A_655 = arith.constant 4 : i32
    %shift_right_logical3A_656 = vector.broadcast %shift_right_logical3A_655 : i32 to vector<16xi32>
    %shift_right_logical3A_657 = arith.shrui %get3A_654, %shift_right_logical3A_656 : vector<16xi32>
    %swap3A_658 = arith.constant 3 : i32
    %swap3A_659 = arith.index_cast %swap3A_658 : i32 to index
    %swap3A_660 = arith.constant 80 : index
    %swap3A_661 = tpu.vector_load %arg23[%swap3A_659, %swap3A_660] {strides = array<i32>} : memref<4x128xi32, #tpu.memory_space<vmem>>, vector<16xi32>,
    tpu.vector_store %arg23[%swap3A_659, %swap3A_660], %shift_right_logical3A_657 {strides = array<i32>} : memref<4x128xi32, #tpu.memory_space<vmem>>, vector<16xi32>,
    %get3A_662 = arith.constant 3 : i32
    %get3A_663 = arith.index_cast %get3A_662 : i32 to index
    %get3A_664 = arith.constant 96 : index
    %get3A_665 = tpu.vector_load %arg16[%get3A_663, %get3A_664] {strides = array<i32>} : memref<4x128xi32, #tpu.memory_space<vmem>>, vector<16xi32>,
    %shift_right_logical3A_666 = arith.constant 4 : i32
    %shift_right_logical3A_667 = vector.broadcast %shift_right_logical3A_666 : i32 to vector<16xi32>
    %shift_right_logical3A_668 = arith.shrui %get3A_665, %shift_right_logical3A_667 : vector<16xi32>
    %swap3A_669 = arith.constant 3 : i32
    %swap3A_670 = arith.index_cast %swap3A_669 : i32 to index
    %swap3A_671 = arith.constant 96 : index
    %swap3A_672 = tpu.vector_load %arg22[%swap3A_670, %swap3A_671] {strides = array<i32>} : memref<4x128xi32, #tpu.memory_space<vmem>>, vector<16xi32>,
    tpu.vector_store %arg22[%swap3A_670, %swap3A_671], %shift_right_logical3A_668 {strides = array<i32>} : memref<4x128xi32, #tpu.memory_space<vmem>>, vector<16xi32>,
    %get3A_673 = arith.constant 3 : i32
    %get3A_674 = arith.index_cast %get3A_673 : i32 to index
    %get3A_675 = arith.constant 96 : index
    %get3A_676 = tpu.vector_load %arg17[%get3A_674, %get3A_675] {strides = array<i32>} : memref<4x128xi32, #tpu.memory_space<vmem>>, vector<16xi32>,
    %shift_right_logical3A_677 = arith.constant 4 : i32
    %shift_right_logical3A_678 = vector.broadcast %shift_right_logical3A_677 : i32 to vector<16xi32>
    %shift_right_logical3A_679 = arith.shrui %get3A_676, %shift_right_logical3A_678 : vector<16xi32>
    %swap3A_680 = arith.constant 3 : i32
    %swap3A_681 = arith.index_cast %swap3A_680 : i32 to index
    %swap3A_682 = arith.constant 96 : index
    %swap3A_683 = tpu.vector_load %arg23[%swap3A_681, %swap3A_682] {strides = array<i32>} : memref<4x128xi32, #tpu.memory_space<vmem>>, vector<16xi32>,
    tpu.vector_store %arg23[%swap3A_681, %swap3A_682], %shift_right_logical3A_679 {strides = array<i32>} : memref<4x128xi32, #tpu.memory_space<vmem>>, vector<16xi32>,
    %get3A_684 = arith.constant 3 : i32
    %get3A_685 = arith.index_cast %get3A_684 : i32 to index
    %get3A_686 = arith.constant 112 : index
    %get3A_687 = tpu.vector_load %arg16[%get3A_685, %get3A_686] {strides = array<i32>} : memref<4x128xi32, #tpu.memory_space<vmem>>, vector<16xi32>,
    %shift_right_logical3A_688 = arith.constant 4 : i32
    %shift_right_logical3A_689 = vector.broadcast %shift_right_logical3A_688 : i32 to vector<16xi32>
    %shift_right_logical3A_690 = arith.shrui %get3A_687, %shift_right_logical3A_689 : vector<16xi32>
    %swap3A_691 = arith.constant 3 : i32
    %swap3A_692 = arith.index_cast %swap3A_691 : i32 to index
    %swap3A_693 = arith.constant 112 : index
    %swap3A_694 = tpu.vector_load %arg22[%swap3A_692, %swap3A_693] {strides = array<i32>} : memref<4x128xi32, #tpu.memory_space<vmem>>, vector<16xi32>,
    tpu.vector_store %arg22[%swap3A_692, %swap3A_693], %shift_right_logical3A_690 {strides = array<i32>} : memref<4x128xi32, #tpu.memory_space<vmem>>, vector<16xi32>,
    %get3A_695 = arith.constant 3 : i32
    %get3A_696 = arith.index_cast %get3A_695 : i32 to index
    %get3A_697 = arith.constant 112 : index
    %get3A_698 = tpu.vector_load %arg17[%get3A_696, %get3A_697] {strides = array<i32>} : memref<4x128xi32, #tpu.memory_space<vmem>>, vector<16xi32>,
    %shift_right_logical3A_699 = arith.constant 4 : i32
    %shift_right_logical3A_700 = vector.broadcast %shift_right_logical3A_699 : i32 to vector<16xi32>
    %shift_right_logical3A_701 = arith.shrui %get3A_698, %shift_right_logical3A_700 : vector<16xi32>
    %swap3A_702 = arith.constant 3 : i32
    %swap3A_703 = arith.index_cast %swap3A_702 : i32 to index
    %swap3A_704 = arith.constant 112 : index
    %swap3A_705 = tpu.vector_load %arg23[%swap3A_703, %swap3A_704] {strides = array<i32>} : memref<4x128xi32, #tpu.memory_space<vmem>>, vector<16xi32>,
    tpu.vector_store %arg23[%swap3A_703, %swap3A_704], %shift_right_logical3A_701 {strides = array<i32>} : memref<4x128xi32, #tpu.memory_space<vmem>>, vector<16xi32>,
    %dma_start3A = arith.constant 0 : i32
    %dma_start3A_706 = arith.constant 0 : i32
    %dma_start3A_707 = arith.constant 0 : i32
    %dma_start3A_708 = tpu.memref_slice %arg18[%dma_start3A_706, %dma_start3A_707] : memref<512x32xf32, #tpu.memory_space<vmem>> -> memref<128x32xf32, #tpu.memory_space<vmem>>
    %dma_start3A_709 = arith.constant 0 : i32
    %dma_start3A_710 = tpu.memref_slice %arg16[%dma_start3A, %dma_start3A_709] : memref<4x128xi32, #tpu.memory_space<vmem>> -> memref<1x128xi32, #tpu.memory_space<vmem>>
    %dma_start3A_711 = tpu.memref_squeeze %dma_start3A_710 : memref<1x128xi32, #tpu.memory_space<vmem>> -> memref<128xi32, #tpu.memory_space<vmem>>
    %dma_start3A_712 = arith.constant 0 : i32
    %dma_start3A_713 = arith.constant 0 : i32
    %dma_start3A_714 = tpu.memref_slice %arg4[%dma_start3A_712, %dma_start3A_713] : memref<1000000x32xf32, #tpu.memory_space<hbm>> -> memref<1000000x32xf32, #tpu.memory_space<hbm>>
    tpu.enqueue_indirect_dma source(%dma_start3A_714 : memref<1000000x32xf32, #tpu.memory_space<hbm>>) target(%dma_start3A_708 : memref<128x32xf32, #tpu.memory_space<vmem>>) offsets(%dma_start3A_711 : memref<128xi32, #tpu.memory_space<vmem>>) semaphore(%arg30 : memref<!tpu.dma_semaphore, #tpu.memory_space<semaphore_mem>>)
    %dma_start3A_715 = arith.constant 0 : i32
    %dma_start3A_716 = arith.constant 0 : i32
    %dma_start3A_717 = arith.constant 0 : i32
    %dma_start3A_718 = tpu.memref_slice %arg19[%dma_start3A_716, %dma_start3A_717] : memref<512x32xf32, #tpu.memory_space<vmem>> -> memref<128x32xf32, #tpu.memory_space<vmem>>
    %dma_start3A_719 = arith.constant 0 : i32
    %dma_start3A_720 = tpu.memref_slice %arg17[%dma_start3A_715, %dma_start3A_719] : memref<4x128xi32, #tpu.memory_space<vmem>> -> memref<1x128xi32, #tpu.memory_space<vmem>>
    %dma_start3A_721 = tpu.memref_squeeze %dma_start3A_720 : memref<1x128xi32, #tpu.memory_space<vmem>> -> memref<128xi32, #tpu.memory_space<vmem>>
    %dma_start3A_722 = arith.constant 0 : i32
    %dma_start3A_723 = arith.constant 0 : i32
    %dma_start3A_724 = tpu.memref_slice %arg5[%dma_start3A_722, %dma_start3A_723] : memref<1000000x32xf32, #tpu.memory_space<hbm>> -> memref<1000000x32xf32, #tpu.memory_space<hbm>>
    tpu.enqueue_indirect_dma source(%dma_start3A_724 : memref<1000000x32xf32, #tpu.memory_space<hbm>>) target(%dma_start3A_718 : memref<128x32xf32, #tpu.memory_space<vmem>>) offsets(%dma_start3A_721 : memref<128xi32, #tpu.memory_space<vmem>>) semaphore(%arg30 : memref<!tpu.dma_semaphore, #tpu.memory_space<semaphore_mem>>)
    %dma_start3A_725 = arith.constant 0 : i32
    %dma_start3A_726 = arith.constant 0 : i32
    %dma_start3A_727 = arith.constant 0 : i32
    %dma_start3A_728 = tpu.memref_slice %arg20[%dma_start3A_726, %dma_start3A_727] : memref<512x32xf32, #tpu.memory_space<vmem>> -> memref<128x32xf32, #tpu.memory_space<vmem>>
    %dma_start3A_729 = arith.constant 0 : i32
    %dma_start3A_730 = tpu.memref_slice %arg16[%dma_start3A_725, %dma_start3A_729] : memref<4x128xi32, #tpu.memory_space<vmem>> -> memref<1x128xi32, #tpu.memory_space<vmem>>
    %dma_start3A_731 = tpu.memref_squeeze %dma_start3A_730 : memref<1x128xi32, #tpu.memory_space<vmem>> -> memref<128xi32, #tpu.memory_space<vmem>>
    %dma_start3A_732 = arith.constant 0 : i32
    %dma_start3A_733 = arith.constant 0 : i32
    %dma_start3A_734 = tpu.memref_slice %arg6[%dma_start3A_732, %dma_start3A_733] : memref<1000000x32xf32, #tpu.memory_space<hbm>> -> memref<1000000x32xf32, #tpu.memory_space<hbm>>
    tpu.enqueue_indirect_dma source(%dma_start3A_734 : memref<1000000x32xf32, #tpu.memory_space<hbm>>) target(%dma_start3A_728 : memref<128x32xf32, #tpu.memory_space<vmem>>) offsets(%dma_start3A_731 : memref<128xi32, #tpu.memory_space<vmem>>) semaphore(%arg30 : memref<!tpu.dma_semaphore, #tpu.memory_space<semaphore_mem>>)
    %dma_start3A_735 = arith.constant 0 : i32
    %dma_start3A_736 = arith.constant 0 : i32
    %dma_start3A_737 = arith.constant 0 : i32
    %dma_start3A_738 = tpu.memref_slice %arg21[%dma_start3A_736, %dma_start3A_737] : memref<512x32xf32, #tpu.memory_space<vmem>> -> memref<128x32xf32, #tpu.memory_space<vmem>>
    %dma_start3A_739 = arith.constant 0 : i32
    %dma_start3A_740 = tpu.memref_slice %arg17[%dma_start3A_735, %dma_start3A_739] : memref<4x128xi32, #tpu.memory_space<vmem>> -> memref<1x128xi32, #tpu.memory_space<vmem>>
    %dma_start3A_741 = tpu.memref_squeeze %dma_start3A_740 : memref<1x128xi32, #tpu.memory_space<vmem>> -> memref<128xi32, #tpu.memory_space<vmem>>
    %dma_start3A_742 = arith.constant 0 : i32
    %dma_start3A_743 = arith.constant 0 : i32
    %dma_start3A_744 = tpu.memref_slice %arg7[%dma_start3A_742, %dma_start3A_743] : memref<1000000x32xf32, #tpu.memory_space<hbm>> -> memref<1000000x32xf32, #tpu.memory_space<hbm>>
    tpu.enqueue_indirect_dma source(%dma_start3A_744 : memref<1000000x32xf32, #tpu.memory_space<hbm>>) target(%dma_start3A_738 : memref<128x32xf32, #tpu.memory_space<vmem>>) offsets(%dma_start3A_741 : memref<128xi32, #tpu.memory_space<vmem>>) semaphore(%arg30 : memref<!tpu.dma_semaphore, #tpu.memory_space<semaphore_mem>>)
    %dma_start3A_745 = arith.constant 0 : i32
    %dma_start3A_746 = arith.constant 0 : i32
    %dma_start3A_747 = arith.constant 0 : i32
    %dma_start3A_748 = tpu.memref_slice %arg24[%dma_start3A_746, %dma_start3A_747] : memref<512x16xf32, #tpu.memory_space<vmem>> -> memref<128x16xf32, #tpu.memory_space<vmem>>
    %dma_start3A_749 = arith.constant 0 : i32
    %dma_start3A_750 = tpu.memref_slice %arg22[%dma_start3A_745, %dma_start3A_749] : memref<4x128xi32, #tpu.memory_space<vmem>> -> memref<1x128xi32, #tpu.memory_space<vmem>>
    %dma_start3A_751 = tpu.memref_squeeze %dma_start3A_750 : memref<1x128xi32, #tpu.memory_space<vmem>> -> memref<128xi32, #tpu.memory_space<vmem>>
    %dma_start3A_752 = arith.constant 0 : i32
    %dma_start3A_753 = arith.constant 0 : i32
    %dma_start3A_754 = tpu.memref_slice %arg8[%dma_start3A_752, %dma_start3A_753] : memref<62500x16xf32, #tpu.memory_space<hbm>> -> memref<62500x16xf32, #tpu.memory_space<hbm>>
    tpu.enqueue_indirect_dma source(%dma_start3A_754 : memref<62500x16xf32, #tpu.memory_space<hbm>>) target(%dma_start3A_748 : memref<128x16xf32, #tpu.memory_space<vmem>>) offsets(%dma_start3A_751 : memref<128xi32, #tpu.memory_space<vmem>>) semaphore(%arg30 : memref<!tpu.dma_semaphore, #tpu.memory_space<semaphore_mem>>)
    %dma_start3A_755 = arith.constant 0 : i32
    %dma_start3A_756 = arith.constant 0 : i32
    %dma_start3A_757 = arith.constant 0 : i32
    %dma_start3A_758 = tpu.memref_slice %arg25[%dma_start3A_756, %dma_start3A_757] : memref<512x16xf32, #tpu.memory_space<vmem>> -> memref<128x16xf32, #tpu.memory_space<vmem>>
    %dma_start3A_759 = arith.constant 0 : i32
    %dma_start3A_760 = tpu.memref_slice %arg23[%dma_start3A_755, %dma_start3A_759] : memref<4x128xi32, #tpu.memory_space<vmem>> -> memref<1x128xi32, #tpu.memory_space<vmem>>
    %dma_start3A_761 = tpu.memref_squeeze %dma_start3A_760 : memref<1x128xi32, #tpu.memory_space<vmem>> -> memref<128xi32, #tpu.memory_space<vmem>>
    %dma_start3A_762 = arith.constant 0 : i32
    %dma_start3A_763 = arith.constant 0 : i32
    %dma_start3A_764 = tpu.memref_slice %arg9[%dma_start3A_762, %dma_start3A_763] : memref<62500x16xf32, #tpu.memory_space<hbm>> -> memref<62500x16xf32, #tpu.memory_space<hbm>>
    tpu.enqueue_indirect_dma source(%dma_start3A_764 : memref<62500x16xf32, #tpu.memory_space<hbm>>) target(%dma_start3A_758 : memref<128x16xf32, #tpu.memory_space<vmem>>) offsets(%dma_start3A_761 : memref<128xi32, #tpu.memory_space<vmem>>) semaphore(%arg30 : memref<!tpu.dma_semaphore, #tpu.memory_space<semaphore_mem>>)
    %dma_start3A_765 = arith.constant 0 : i32
    %dma_start3A_766 = arith.constant 0 : i32
    %dma_start3A_767 = arith.constant 0 : i32
    %dma_start3A_768 = tpu.memref_slice %arg26[%dma_start3A_766, %dma_start3A_767] : memref<512x16xf32, #tpu.memory_space<vmem>> -> memref<128x16xf32, #tpu.memory_space<vmem>>
    %dma_start3A_769 = arith.constant 0 : i32
    %dma_start3A_770 = tpu.memref_slice %arg22[%dma_start3A_765, %dma_start3A_769] : memref<4x128xi32, #tpu.memory_space<vmem>> -> memref<1x128xi32, #tpu.memory_space<vmem>>
    %dma_start3A_771 = tpu.memref_squeeze %dma_start3A_770 : memref<1x128xi32, #tpu.memory_space<vmem>> -> memref<128xi32, #tpu.memory_space<vmem>>
    %dma_start3A_772 = arith.constant 0 : i32
    %dma_start3A_773 = arith.constant 0 : i32
    %dma_start3A_774 = tpu.memref_slice %arg10[%dma_start3A_772, %dma_start3A_773] : memref<62500x16xf32, #tpu.memory_space<hbm>> -> memref<62500x16xf32, #tpu.memory_space<hbm>>
    tpu.enqueue_indirect_dma source(%dma_start3A_774 : memref<62500x16xf32, #tpu.memory_space<hbm>>) target(%dma_start3A_768 : memref<128x16xf32, #tpu.memory_space<vmem>>) offsets(%dma_start3A_771 : memref<128xi32, #tpu.memory_space<vmem>>) semaphore(%arg30 : memref<!tpu.dma_semaphore, #tpu.memory_space<semaphore_mem>>)
    %dma_start3A_775 = arith.constant 0 : i32
    %dma_start3A_776 = arith.constant 0 : i32
    %dma_start3A_777 = arith.constant 0 : i32
    %dma_start3A_778 = tpu.memref_slice %arg27[%dma_start3A_776, %dma_start3A_777] : memref<512x16xf32, #tpu.memory_space<vmem>> -> memref<128x16xf32, #tpu.memory_space<vmem>>
    %dma_start3A_779 = arith.constant 0 : i32
    %dma_start3A_780 = tpu.memref_slice %arg23[%dma_start3A_775, %dma_start3A_779] : memref<4x128xi32, #tpu.memory_space<vmem>> -> memref<1x128xi32, #tpu.memory_space<vmem>>
    %dma_start3A_781 = tpu.memref_squeeze %dma_start3A_780 : memref<1x128xi32, #tpu.memory_space<vmem>> -> memref<128xi32, #tpu.memory_space<vmem>>
    %dma_start3A_782 = arith.constant 0 : i32
    %dma_start3A_783 = arith.constant 0 : i32
    %dma_start3A_784 = tpu.memref_slice %arg11[%dma_start3A_782, %dma_start3A_783] : memref<62500x16xf32, #tpu.memory_space<hbm>> -> memref<62500x16xf32, #tpu.memory_space<hbm>>
    tpu.enqueue_indirect_dma source(%dma_start3A_784 : memref<62500x16xf32, #tpu.memory_space<hbm>>) target(%dma_start3A_778 : memref<128x16xf32, #tpu.memory_space<vmem>>) offsets(%dma_start3A_781 : memref<128xi32, #tpu.memory_space<vmem>>) semaphore(%arg30 : memref<!tpu.dma_semaphore, #tpu.memory_space<semaphore_mem>>)
    %dma_start3A_785 = arith.constant 1 : i32
    %dma_start3A_786 = arith.constant 128 : i32
    %dma_start3A_787 = arith.constant 0 : i32
    %dma_start3A_788 = tpu.memref_slice %arg18[%dma_start3A_786, %dma_start3A_787] : memref<512x32xf32, #tpu.memory_space<vmem>> -> memref<128x32xf32, #tpu.memory_space<vmem>>
    %dma_start3A_789 = arith.constant 0 : i32
    %dma_start3A_790 = tpu.memref_slice %arg16[%dma_start3A_785, %dma_start3A_789] : memref<4x128xi32, #tpu.memory_space<vmem>> -> memref<1x128xi32, #tpu.memory_space<vmem>>
    %dma_start3A_791 = tpu.memref_squeeze %dma_start3A_790 : memref<1x128xi32, #tpu.memory_space<vmem>> -> memref<128xi32, #tpu.memory_space<vmem>>
    %dma_start3A_792 = arith.constant 0 : i32
    %dma_start3A_793 = arith.constant 0 : i32
    %dma_start3A_794 = tpu.memref_slice %arg4[%dma_start3A_792, %dma_start3A_793] : memref<1000000x32xf32, #tpu.memory_space<hbm>> -> memref<1000000x32xf32, #tpu.memory_space<hbm>>
    tpu.enqueue_indirect_dma source(%dma_start3A_794 : memref<1000000x32xf32, #tpu.memory_space<hbm>>) target(%dma_start3A_788 : memref<128x32xf32, #tpu.memory_space<vmem>>) offsets(%dma_start3A_791 : memref<128xi32, #tpu.memory_space<vmem>>) semaphore(%arg30 : memref<!tpu.dma_semaphore, #tpu.memory_space<semaphore_mem>>)
    %dma_start3A_795 = arith.constant 1 : i32
    %dma_start3A_796 = arith.constant 128 : i32
    %dma_start3A_797 = arith.constant 0 : i32
    %dma_start3A_798 = tpu.memref_slice %arg19[%dma_start3A_796, %dma_start3A_797] : memref<512x32xf32, #tpu.memory_space<vmem>> -> memref<128x32xf32, #tpu.memory_space<vmem>>
    %dma_start3A_799 = arith.constant 0 : i32
    %dma_start3A_800 = tpu.memref_slice %arg17[%dma_start3A_795, %dma_start3A_799] : memref<4x128xi32, #tpu.memory_space<vmem>> -> memref<1x128xi32, #tpu.memory_space<vmem>>
    %dma_start3A_801 = tpu.memref_squeeze %dma_start3A_800 : memref<1x128xi32, #tpu.memory_space<vmem>> -> memref<128xi32, #tpu.memory_space<vmem>>
    %dma_start3A_802 = arith.constant 0 : i32
    %dma_start3A_803 = arith.constant 0 : i32
    %dma_start3A_804 = tpu.memref_slice %arg5[%dma_start3A_802, %dma_start3A_803] : memref<1000000x32xf32, #tpu.memory_space<hbm>> -> memref<1000000x32xf32, #tpu.memory_space<hbm>>
    tpu.enqueue_indirect_dma source(%dma_start3A_804 : memref<1000000x32xf32, #tpu.memory_space<hbm>>) target(%dma_start3A_798 : memref<128x32xf32, #tpu.memory_space<vmem>>) offsets(%dma_start3A_801 : memref<128xi32, #tpu.memory_space<vmem>>) semaphore(%arg30 : memref<!tpu.dma_semaphore, #tpu.memory_space<semaphore_mem>>)
    %dma_start3A_805 = arith.constant 1 : i32
    %dma_start3A_806 = arith.constant 128 : i32
    %dma_start3A_807 = arith.constant 0 : i32
    %dma_start3A_808 = tpu.memref_slice %arg20[%dma_start3A_806, %dma_start3A_807] : memref<512x32xf32, #tpu.memory_space<vmem>> -> memref<128x32xf32, #tpu.memory_space<vmem>>
    %dma_start3A_809 = arith.constant 0 : i32
    %dma_start3A_810 = tpu.memref_slice %arg16[%dma_start3A_805, %dma_start3A_809] : memref<4x128xi32, #tpu.memory_space<vmem>> -> memref<1x128xi32, #tpu.memory_space<vmem>>
    %dma_start3A_811 = tpu.memref_squeeze %dma_start3A_810 : memref<1x128xi32, #tpu.memory_space<vmem>> -> memref<128xi32, #tpu.memory_space<vmem>>
    %dma_start3A_812 = arith.constant 0 : i32
    %dma_start3A_813 = arith.constant 0 : i32
    %dma_start3A_814 = tpu.memref_slice %arg6[%dma_start3A_812, %dma_start3A_813] : memref<1000000x32xf32, #tpu.memory_space<hbm>> -> memref<1000000x32xf32, #tpu.memory_space<hbm>>
    tpu.enqueue_indirect_dma source(%dma_start3A_814 : memref<1000000x32xf32, #tpu.memory_space<hbm>>) target(%dma_start3A_808 : memref<128x32xf32, #tpu.memory_space<vmem>>) offsets(%dma_start3A_811 : memref<128xi32, #tpu.memory_space<vmem>>) semaphore(%arg30 : memref<!tpu.dma_semaphore, #tpu.memory_space<semaphore_mem>>)
    %dma_start3A_815 = arith.constant 1 : i32
    %dma_start3A_816 = arith.constant 128 : i32
    %dma_start3A_817 = arith.constant 0 : i32
    %dma_start3A_818 = tpu.memref_slice %arg21[%dma_start3A_816, %dma_start3A_817] : memref<512x32xf32, #tpu.memory_space<vmem>> -> memref<128x32xf32, #tpu.memory_space<vmem>>
    %dma_start3A_819 = arith.constant 0 : i32
    %dma_start3A_820 = tpu.memref_slice %arg17[%dma_start3A_815, %dma_start3A_819] : memref<4x128xi32, #tpu.memory_space<vmem>> -> memref<1x128xi32, #tpu.memory_space<vmem>>
    %dma_start3A_821 = tpu.memref_squeeze %dma_start3A_820 : memref<1x128xi32, #tpu.memory_space<vmem>> -> memref<128xi32, #tpu.memory_space<vmem>>
    %dma_start3A_822 = arith.constant 0 : i32
    %dma_start3A_823 = arith.constant 0 : i32
    %dma_start3A_824 = tpu.memref_slice %arg7[%dma_start3A_822, %dma_start3A_823] : memref<1000000x32xf32, #tpu.memory_space<hbm>> -> memref<1000000x32xf32, #tpu.memory_space<hbm>>
    tpu.enqueue_indirect_dma source(%dma_start3A_824 : memref<1000000x32xf32, #tpu.memory_space<hbm>>) target(%dma_start3A_818 : memref<128x32xf32, #tpu.memory_space<vmem>>) offsets(%dma_start3A_821 : memref<128xi32, #tpu.memory_space<vmem>>) semaphore(%arg30 : memref<!tpu.dma_semaphore, #tpu.memory_space<semaphore_mem>>)
    %dma_start3A_825 = arith.constant 1 : i32
    %dma_start3A_826 = arith.constant 128 : i32
    %dma_start3A_827 = arith.constant 0 : i32
    %dma_start3A_828 = tpu.memref_slice %arg24[%dma_start3A_826, %dma_start3A_827] : memref<512x16xf32, #tpu.memory_space<vmem>> -> memref<128x16xf32, #tpu.memory_space<vmem>>
    %dma_start3A_829 = arith.constant 0 : i32
    %dma_start3A_830 = tpu.memref_slice %arg22[%dma_start3A_825, %dma_start3A_829] : memref<4x128xi32, #tpu.memory_space<vmem>> -> memref<1x128xi32, #tpu.memory_space<vmem>>
    %dma_start3A_831 = tpu.memref_squeeze %dma_start3A_830 : memref<1x128xi32, #tpu.memory_space<vmem>> -> memref<128xi32, #tpu.memory_space<vmem>>
    %dma_start3A_832 = arith.constant 0 : i32
    %dma_start3A_833 = arith.constant 0 : i32
    %dma_start3A_834 = tpu.memref_slice %arg8[%dma_start3A_832, %dma_start3A_833] : memref<62500x16xf32, #tpu.memory_space<hbm>> -> memref<62500x16xf32, #tpu.memory_space<hbm>>
    tpu.enqueue_indirect_dma source(%dma_start3A_834 : memref<62500x16xf32, #tpu.memory_space<hbm>>) target(%dma_start3A_828 : memref<128x16xf32, #tpu.memory_space<vmem>>) offsets(%dma_start3A_831 : memref<128xi32, #tpu.memory_space<vmem>>) semaphore(%arg30 : memref<!tpu.dma_semaphore, #tpu.memory_space<semaphore_mem>>)
    %dma_start3A_835 = arith.constant 1 : i32
    %dma_start3A_836 = arith.constant 128 : i32
    %dma_start3A_837 = arith.constant 0 : i32
    %dma_start3A_838 = tpu.memref_slice %arg25[%dma_start3A_836, %dma_start3A_837] : memref<512x16xf32, #tpu.memory_space<vmem>> -> memref<128x16xf32, #tpu.memory_space<vmem>>
    %dma_start3A_839 = arith.constant 0 : i32
    %dma_start3A_840 = tpu.memref_slice %arg23[%dma_start3A_835, %dma_start3A_839] : memref<4x128xi32, #tpu.memory_space<vmem>> -> memref<1x128xi32, #tpu.memory_space<vmem>>
    %dma_start3A_841 = tpu.memref_squeeze %dma_start3A_840 : memref<1x128xi32, #tpu.memory_space<vmem>> -> memref<128xi32, #tpu.memory_space<vmem>>
    %dma_start3A_842 = arith.constant 0 : i32
    %dma_start3A_843 = arith.constant 0 : i32
    %dma_start3A_844 = tpu.memref_slice %arg9[%dma_start3A_842, %dma_start3A_843] : memref<62500x16xf32, #tpu.memory_space<hbm>> -> memref<62500x16xf32, #tpu.memory_space<hbm>>
    tpu.enqueue_indirect_dma source(%dma_start3A_844 : memref<62500x16xf32, #tpu.memory_space<hbm>>) target(%dma_start3A_838 : memref<128x16xf32, #tpu.memory_space<vmem>>) offsets(%dma_start3A_841 : memref<128xi32, #tpu.memory_space<vmem>>) semaphore(%arg30 : memref<!tpu.dma_semaphore, #tpu.memory_space<semaphore_mem>>)
    %dma_start3A_845 = arith.constant 1 : i32
    %dma_start3A_846 = arith.constant 128 : i32
    %dma_start3A_847 = arith.constant 0 : i32
    %dma_start3A_848 = tpu.memref_slice %arg26[%dma_start3A_846, %dma_start3A_847] : memref<512x16xf32, #tpu.memory_space<vmem>> -> memref<128x16xf32, #tpu.memory_space<vmem>>
    %dma_start3A_849 = arith.constant 0 : i32
    %dma_start3A_850 = tpu.memref_slice %arg22[%dma_start3A_845, %dma_start3A_849] : memref<4x128xi32, #tpu.memory_space<vmem>> -> memref<1x128xi32, #tpu.memory_space<vmem>>
    %dma_start3A_851 = tpu.memref_squeeze %dma_start3A_850 : memref<1x128xi32, #tpu.memory_space<vmem>> -> memref<128xi32, #tpu.memory_space<vmem>>
    %dma_start3A_852 = arith.constant 0 : i32
    %dma_start3A_853 = arith.constant 0 : i32
    %dma_start3A_854 = tpu.memref_slice %arg10[%dma_start3A_852, %dma_start3A_853] : memref<62500x16xf32, #tpu.memory_space<hbm>> -> memref<62500x16xf32, #tpu.memory_space<hbm>>
    tpu.enqueue_indirect_dma source(%dma_start3A_854 : memref<62500x16xf32, #tpu.memory_space<hbm>>) target(%dma_start3A_848 : memref<128x16xf32, #tpu.memory_space<vmem>>) offsets(%dma_start3A_851 : memref<128xi32, #tpu.memory_space<vmem>>) semaphore(%arg30 : memref<!tpu.dma_semaphore, #tpu.memory_space<semaphore_mem>>)
    %dma_start3A_855 = arith.constant 1 : i32
    %dma_start3A_856 = arith.constant 128 : i32
    %dma_start3A_857 = arith.constant 0 : i32
    %dma_start3A_858 = tpu.memref_slice %arg27[%dma_start3A_856, %dma_start3A_857] : memref<512x16xf32, #tpu.memory_space<vmem>> -> memref<128x16xf32, #tpu.memory_space<vmem>>
    %dma_start3A_859 = arith.constant 0 : i32
    %dma_start3A_860 = tpu.memref_slice %arg23[%dma_start3A_855, %dma_start3A_859] : memref<4x128xi32, #tpu.memory_space<vmem>> -> memref<1x128xi32, #tpu.memory_space<vmem>>
    %dma_start3A_861 = tpu.memref_squeeze %dma_start3A_860 : memref<1x128xi32, #tpu.memory_space<vmem>> -> memref<128xi32, #tpu.memory_space<vmem>>
    %dma_start3A_862 = arith.constant 0 : i32
    %dma_start3A_863 = arith.constant 0 : i32
    %dma_start3A_864 = tpu.memref_slice %arg11[%dma_start3A_862, %dma_start3A_863] : memref<62500x16xf32, #tpu.memory_space<hbm>> -> memref<62500x16xf32, #tpu.memory_space<hbm>>
    tpu.enqueue_indirect_dma source(%dma_start3A_864 : memref<62500x16xf32, #tpu.memory_space<hbm>>) target(%dma_start3A_858 : memref<128x16xf32, #tpu.memory_space<vmem>>) offsets(%dma_start3A_861 : memref<128xi32, #tpu.memory_space<vmem>>) semaphore(%arg30 : memref<!tpu.dma_semaphore, #tpu.memory_space<semaphore_mem>>)
    %dma_start3A_865 = arith.constant 2 : i32
    %dma_start3A_866 = arith.constant 256 : i32
    %dma_start3A_867 = arith.constant 0 : i32
    %dma_start3A_868 = tpu.memref_slice %arg18[%dma_start3A_866, %dma_start3A_867] : memref<512x32xf32, #tpu.memory_space<vmem>> -> memref<128x32xf32, #tpu.memory_space<vmem>>
    %dma_start3A_869 = arith.constant 0 : i32
    %dma_start3A_870 = tpu.memref_slice %arg16[%dma_start3A_865, %dma_start3A_869] : memref<4x128xi32, #tpu.memory_space<vmem>> -> memref<1x128xi32, #tpu.memory_space<vmem>>
    %dma_start3A_871 = tpu.memref_squeeze %dma_start3A_870 : memref<1x128xi32, #tpu.memory_space<vmem>> -> memref<128xi32, #tpu.memory_space<vmem>>
    %dma_start3A_872 = arith.constant 0 : i32
    %dma_start3A_873 = arith.constant 0 : i32
    %dma_start3A_874 = tpu.memref_slice %arg4[%dma_start3A_872, %dma_start3A_873] : memref<1000000x32xf32, #tpu.memory_space<hbm>> -> memref<1000000x32xf32, #tpu.memory_space<hbm>>
    tpu.enqueue_indirect_dma source(%dma_start3A_874 : memref<1000000x32xf32, #tpu.memory_space<hbm>>) target(%dma_start3A_868 : memref<128x32xf32, #tpu.memory_space<vmem>>) offsets(%dma_start3A_871 : memref<128xi32, #tpu.memory_space<vmem>>) semaphore(%arg30 : memref<!tpu.dma_semaphore, #tpu.memory_space<semaphore_mem>>)
    %dma_start3A_875 = arith.constant 2 : i32
    %dma_start3A_876 = arith.constant 256 : i32
    %dma_start3A_877 = arith.constant 0 : i32
    %dma_start3A_878 = tpu.memref_slice %arg19[%dma_start3A_876, %dma_start3A_877] : memref<512x32xf32, #tpu.memory_space<vmem>> -> memref<128x32xf32, #tpu.memory_space<vmem>>
    %dma_start3A_879 = arith.constant 0 : i32
    %dma_start3A_880 = tpu.memref_slice %arg17[%dma_start3A_875, %dma_start3A_879] : memref<4x128xi32, #tpu.memory_space<vmem>> -> memref<1x128xi32, #tpu.memory_space<vmem>>
    %dma_start3A_881 = tpu.memref_squeeze %dma_start3A_880 : memref<1x128xi32, #tpu.memory_space<vmem>> -> memref<128xi32, #tpu.memory_space<vmem>>
    %dma_start3A_882 = arith.constant 0 : i32
    %dma_start3A_883 = arith.constant 0 : i32
    %dma_start3A_884 = tpu.memref_slice %arg5[%dma_start3A_882, %dma_start3A_883] : memref<1000000x32xf32, #tpu.memory_space<hbm>> -> memref<1000000x32xf32, #tpu.memory_space<hbm>>
    tpu.enqueue_indirect_dma source(%dma_start3A_884 : memref<1000000x32xf32, #tpu.memory_space<hbm>>) target(%dma_start3A_878 : memref<128x32xf32, #tpu.memory_space<vmem>>) offsets(%dma_start3A_881 : memref<128xi32, #tpu.memory_space<vmem>>) semaphore(%arg30 : memref<!tpu.dma_semaphore, #tpu.memory_space<semaphore_mem>>)
    %dma_start3A_885 = arith.constant 2 : i32
    %dma_start3A_886 = arith.constant 256 : i32
    %dma_start3A_887 = arith.constant 0 : i32
    %dma_start3A_888 = tpu.memref_slice %arg20[%dma_start3A_886, %dma_start3A_887] : memref<512x32xf32, #tpu.memory_space<vmem>> -> memref<128x32xf32, #tpu.memory_space<vmem>>
    %dma_start3A_889 = arith.constant 0 : i32
    %dma_start3A_890 = tpu.memref_slice %arg16[%dma_start3A_885, %dma_start3A_889] : memref<4x128xi32, #tpu.memory_space<vmem>> -> memref<1x128xi32, #tpu.memory_space<vmem>>
    %dma_start3A_891 = tpu.memref_squeeze %dma_start3A_890 : memref<1x128xi32, #tpu.memory_space<vmem>> -> memref<128xi32, #tpu.memory_space<vmem>>
    %dma_start3A_892 = arith.constant 0 : i32
    %dma_start3A_893 = arith.constant 0 : i32
    %dma_start3A_894 = tpu.memref_slice %arg6[%dma_start3A_892, %dma_start3A_893] : memref<1000000x32xf32, #tpu.memory_space<hbm>> -> memref<1000000x32xf32, #tpu.memory_space<hbm>>
    tpu.enqueue_indirect_dma source(%dma_start3A_894 : memref<1000000x32xf32, #tpu.memory_space<hbm>>) target(%dma_start3A_888 : memref<128x32xf32, #tpu.memory_space<vmem>>) offsets(%dma_start3A_891 : memref<128xi32, #tpu.memory_space<vmem>>) semaphore(%arg30 : memref<!tpu.dma_semaphore, #tpu.memory_space<semaphore_mem>>)
    %dma_start3A_895 = arith.constant 2 : i32
    %dma_start3A_896 = arith.constant 256 : i32
    %dma_start3A_897 = arith.constant 0 : i32
    %dma_start3A_898 = tpu.memref_slice %arg21[%dma_start3A_896, %dma_start3A_897] : memref<512x32xf32, #tpu.memory_space<vmem>> -> memref<128x32xf32, #tpu.memory_space<vmem>>
    %dma_start3A_899 = arith.constant 0 : i32
    %dma_start3A_900 = tpu.memref_slice %arg17[%dma_start3A_895, %dma_start3A_899] : memref<4x128xi32, #tpu.memory_space<vmem>> -> memref<1x128xi32, #tpu.memory_space<vmem>>
    %dma_start3A_901 = tpu.memref_squeeze %dma_start3A_900 : memref<1x128xi32, #tpu.memory_space<vmem>> -> memref<128xi32, #tpu.memory_space<vmem>>
    %dma_start3A_902 = arith.constant 0 : i32
    %dma_start3A_903 = arith.constant 0 : i32
    %dma_start3A_904 = tpu.memref_slice %arg7[%dma_start3A_902, %dma_start3A_903] : memref<1000000x32xf32, #tpu.memory_space<hbm>> -> memref<1000000x32xf32, #tpu.memory_space<hbm>>
    tpu.enqueue_indirect_dma source(%dma_start3A_904 : memref<1000000x32xf32, #tpu.memory_space<hbm>>) target(%dma_start3A_898 : memref<128x32xf32, #tpu.memory_space<vmem>>) offsets(%dma_start3A_901 : memref<128xi32, #tpu.memory_space<vmem>>) semaphore(%arg30 : memref<!tpu.dma_semaphore, #tpu.memory_space<semaphore_mem>>)
    %dma_start3A_905 = arith.constant 2 : i32
    %dma_start3A_906 = arith.constant 256 : i32
    %dma_start3A_907 = arith.constant 0 : i32
    %dma_start3A_908 = tpu.memref_slice %arg24[%dma_start3A_906, %dma_start3A_907] : memref<512x16xf32, #tpu.memory_space<vmem>> -> memref<128x16xf32, #tpu.memory_space<vmem>>
    %dma_start3A_909 = arith.constant 0 : i32
    %dma_start3A_910 = tpu.memref_slice %arg22[%dma_start3A_905, %dma_start3A_909] : memref<4x128xi32, #tpu.memory_space<vmem>> -> memref<1x128xi32, #tpu.memory_space<vmem>>
    %dma_start3A_911 = tpu.memref_squeeze %dma_start3A_910 : memref<1x128xi32, #tpu.memory_space<vmem>> -> memref<128xi32, #tpu.memory_space<vmem>>
    %dma_start3A_912 = arith.constant 0 : i32
    %dma_start3A_913 = arith.constant 0 : i32
    %dma_start3A_914 = tpu.memref_slice %arg8[%dma_start3A_912, %dma_start3A_913] : memref<62500x16xf32, #tpu.memory_space<hbm>> -> memref<62500x16xf32, #tpu.memory_space<hbm>>
    tpu.enqueue_indirect_dma source(%dma_start3A_914 : memref<62500x16xf32, #tpu.memory_space<hbm>>) target(%dma_start3A_908 : memref<128x16xf32, #tpu.memory_space<vmem>>) offsets(%dma_start3A_911 : memref<128xi32, #tpu.memory_space<vmem>>) semaphore(%arg30 : memref<!tpu.dma_semaphore, #tpu.memory_space<semaphore_mem>>)
    %dma_start3A_915 = arith.constant 2 : i32
    %dma_start3A_916 = arith.constant 256 : i32
    %dma_start3A_917 = arith.constant 0 : i32
    %dma_start3A_918 = tpu.memref_slice %arg25[%dma_start3A_916, %dma_start3A_917] : memref<512x16xf32, #tpu.memory_space<vmem>> -> memref<128x16xf32, #tpu.memory_space<vmem>>
    %dma_start3A_919 = arith.constant 0 : i32
    %dma_start3A_920 = tpu.memref_slice %arg23[%dma_start3A_915, %dma_start3A_919] : memref<4x128xi32, #tpu.memory_space<vmem>> -> memref<1x128xi32, #tpu.memory_space<vmem>>
    %dma_start3A_921 = tpu.memref_squeeze %dma_start3A_920 : memref<1x128xi32, #tpu.memory_space<vmem>> -> memref<128xi32, #tpu.memory_space<vmem>>
    %dma_start3A_922 = arith.constant 0 : i32
    %dma_start3A_923 = arith.constant 0 : i32
    %dma_start3A_924 = tpu.memref_slice %arg9[%dma_start3A_922, %dma_start3A_923] : memref<62500x16xf32, #tpu.memory_space<hbm>> -> memref<62500x16xf32, #tpu.memory_space<hbm>>
    tpu.enqueue_indirect_dma source(%dma_start3A_924 : memref<62500x16xf32, #tpu.memory_space<hbm>>) target(%dma_start3A_918 : memref<128x16xf32, #tpu.memory_space<vmem>>) offsets(%dma_start3A_921 : memref<128xi32, #tpu.memory_space<vmem>>) semaphore(%arg30 : memref<!tpu.dma_semaphore, #tpu.memory_space<semaphore_mem>>)
    %dma_start3A_925 = arith.constant 2 : i32
    %dma_start3A_926 = arith.constant 256 : i32
    %dma_start3A_927 = arith.constant 0 : i32
    %dma_start3A_928 = tpu.memref_slice %arg26[%dma_start3A_926, %dma_start3A_927] : memref<512x16xf32, #tpu.memory_space<vmem>> -> memref<128x16xf32, #tpu.memory_space<vmem>>
    %dma_start3A_929 = arith.constant 0 : i32
    %dma_start3A_930 = tpu.memref_slice %arg22[%dma_start3A_925, %dma_start3A_929] : memref<4x128xi32, #tpu.memory_space<vmem>> -> memref<1x128xi32, #tpu.memory_space<vmem>>
    %dma_start3A_931 = tpu.memref_squeeze %dma_start3A_930 : memref<1x128xi32, #tpu.memory_space<vmem>> -> memref<128xi32, #tpu.memory_space<vmem>>
    %dma_start3A_932 = arith.constant 0 : i32
    %dma_start3A_933 = arith.constant 0 : i32
    %dma_start3A_934 = tpu.memref_slice %arg10[%dma_start3A_932, %dma_start3A_933] : memref<62500x16xf32, #tpu.memory_space<hbm>> -> memref<62500x16xf32, #tpu.memory_space<hbm>>
    tpu.enqueue_indirect_dma source(%dma_start3A_934 : memref<62500x16xf32, #tpu.memory_space<hbm>>) target(%dma_start3A_928 : memref<128x16xf32, #tpu.memory_space<vmem>>) offsets(%dma_start3A_931 : memref<128xi32, #tpu.memory_space<vmem>>) semaphore(%arg30 : memref<!tpu.dma_semaphore, #tpu.memory_space<semaphore_mem>>)
    %dma_start3A_935 = arith.constant 2 : i32
    %dma_start3A_936 = arith.constant 256 : i32
    %dma_start3A_937 = arith.constant 0 : i32
    %dma_start3A_938 = tpu.memref_slice %arg27[%dma_start3A_936, %dma_start3A_937] : memref<512x16xf32, #tpu.memory_space<vmem>> -> memref<128x16xf32, #tpu.memory_space<vmem>>
    %dma_start3A_939 = arith.constant 0 : i32
    %dma_start3A_940 = tpu.memref_slice %arg23[%dma_start3A_935, %dma_start3A_939] : memref<4x128xi32, #tpu.memory_space<vmem>> -> memref<1x128xi32, #tpu.memory_space<vmem>>
    %dma_start3A_941 = tpu.memref_squeeze %dma_start3A_940 : memref<1x128xi32, #tpu.memory_space<vmem>> -> memref<128xi32, #tpu.memory_space<vmem>>
    %dma_start3A_942 = arith.constant 0 : i32
    %dma_start3A_943 = arith.constant 0 : i32
    %dma_start3A_944 = tpu.memref_slice %arg11[%dma_start3A_942, %dma_start3A_943] : memref<62500x16xf32, #tpu.memory_space<hbm>> -> memref<62500x16xf32, #tpu.memory_space<hbm>>
    tpu.enqueue_indirect_dma source(%dma_start3A_944 : memref<62500x16xf32, #tpu.memory_space<hbm>>) target(%dma_start3A_938 : memref<128x16xf32, #tpu.memory_space<vmem>>) offsets(%dma_start3A_941 : memref<128xi32, #tpu.memory_space<vmem>>) semaphore(%arg30 : memref<!tpu.dma_semaphore, #tpu.memory_space<semaphore_mem>>)
    %dma_start3A_945 = arith.constant 3 : i32
    %dma_start3A_946 = arith.constant 384 : i32
    %dma_start3A_947 = arith.constant 0 : i32
    %dma_start3A_948 = tpu.memref_slice %arg18[%dma_start3A_946, %dma_start3A_947] : memref<512x32xf32, #tpu.memory_space<vmem>> -> memref<128x32xf32, #tpu.memory_space<vmem>>
    %dma_start3A_949 = arith.constant 0 : i32
    %dma_start3A_950 = tpu.memref_slice %arg16[%dma_start3A_945, %dma_start3A_949] : memref<4x128xi32, #tpu.memory_space<vmem>> -> memref<1x128xi32, #tpu.memory_space<vmem>>
    %dma_start3A_951 = tpu.memref_squeeze %dma_start3A_950 : memref<1x128xi32, #tpu.memory_space<vmem>> -> memref<128xi32, #tpu.memory_space<vmem>>
    %dma_start3A_952 = arith.constant 0 : i32
    %dma_start3A_953 = arith.constant 0 : i32
    %dma_start3A_954 = tpu.memref_slice %arg4[%dma_start3A_952, %dma_start3A_953] : memref<1000000x32xf32, #tpu.memory_space<hbm>> -> memref<1000000x32xf32, #tpu.memory_space<hbm>>
    tpu.enqueue_indirect_dma source(%dma_start3A_954 : memref<1000000x32xf32, #tpu.memory_space<hbm>>) target(%dma_start3A_948 : memref<128x32xf32, #tpu.memory_space<vmem>>) offsets(%dma_start3A_951 : memref<128xi32, #tpu.memory_space<vmem>>) semaphore(%arg30 : memref<!tpu.dma_semaphore, #tpu.memory_space<semaphore_mem>>)
    %dma_start3A_955 = arith.constant 3 : i32
    %dma_start3A_956 = arith.constant 384 : i32
    %dma_start3A_957 = arith.constant 0 : i32
    %dma_start3A_958 = tpu.memref_slice %arg19[%dma_start3A_956, %dma_start3A_957] : memref<512x32xf32, #tpu.memory_space<vmem>> -> memref<128x32xf32, #tpu.memory_space<vmem>>
    %dma_start3A_959 = arith.constant 0 : i32
    %dma_start3A_960 = tpu.memref_slice %arg17[%dma_start3A_955, %dma_start3A_959] : memref<4x128xi32, #tpu.memory_space<vmem>> -> memref<1x128xi32, #tpu.memory_space<vmem>>
    %dma_start3A_961 = tpu.memref_squeeze %dma_start3A_960 : memref<1x128xi32, #tpu.memory_space<vmem>> -> memref<128xi32, #tpu.memory_space<vmem>>
    %dma_start3A_962 = arith.constant 0 : i32
    %dma_start3A_963 = arith.constant 0 : i32
    %dma_start3A_964 = tpu.memref_slice %arg5[%dma_start3A_962, %dma_start3A_963] : memref<1000000x32xf32, #tpu.memory_space<hbm>> -> memref<1000000x32xf32, #tpu.memory_space<hbm>>
    tpu.enqueue_indirect_dma source(%dma_start3A_964 : memref<1000000x32xf32, #tpu.memory_space<hbm>>) target(%dma_start3A_958 : memref<128x32xf32, #tpu.memory_space<vmem>>) offsets(%dma_start3A_961 : memref<128xi32, #tpu.memory_space<vmem>>) semaphore(%arg30 : memref<!tpu.dma_semaphore, #tpu.memory_space<semaphore_mem>>)
    %dma_start3A_965 = arith.constant 3 : i32
    %dma_start3A_966 = arith.constant 384 : i32
    %dma_start3A_967 = arith.constant 0 : i32
    %dma_start3A_968 = tpu.memref_slice %arg20[%dma_start3A_966, %dma_start3A_967] : memref<512x32xf32, #tpu.memory_space<vmem>> -> memref<128x32xf32, #tpu.memory_space<vmem>>
    %dma_start3A_969 = arith.constant 0 : i32
    %dma_start3A_970 = tpu.memref_slice %arg16[%dma_start3A_965, %dma_start3A_969] : memref<4x128xi32, #tpu.memory_space<vmem>> -> memref<1x128xi32, #tpu.memory_space<vmem>>
    %dma_start3A_971 = tpu.memref_squeeze %dma_start3A_970 : memref<1x128xi32, #tpu.memory_space<vmem>> -> memref<128xi32, #tpu.memory_space<vmem>>
    %dma_start3A_972 = arith.constant 0 : i32
    %dma_start3A_973 = arith.constant 0 : i32
    %dma_start3A_974 = tpu.memref_slice %arg6[%dma_start3A_972, %dma_start3A_973] : memref<1000000x32xf32, #tpu.memory_space<hbm>> -> memref<1000000x32xf32, #tpu.memory_space<hbm>>
    tpu.enqueue_indirect_dma source(%dma_start3A_974 : memref<1000000x32xf32, #tpu.memory_space<hbm>>) target(%dma_start3A_968 : memref<128x32xf32, #tpu.memory_space<vmem>>) offsets(%dma_start3A_971 : memref<128xi32, #tpu.memory_space<vmem>>) semaphore(%arg30 : memref<!tpu.dma_semaphore, #tpu.memory_space<semaphore_mem>>)
    %dma_start3A_975 = arith.constant 3 : i32
    %dma_start3A_976 = arith.constant 384 : i32
    %dma_start3A_977 = arith.constant 0 : i32
    %dma_start3A_978 = tpu.memref_slice %arg21[%dma_start3A_976, %dma_start3A_977] : memref<512x32xf32, #tpu.memory_space<vmem>> -> memref<128x32xf32, #tpu.memory_space<vmem>>
    %dma_start3A_979 = arith.constant 0 : i32
    %dma_start3A_980 = tpu.memref_slice %arg17[%dma_start3A_975, %dma_start3A_979] : memref<4x128xi32, #tpu.memory_space<vmem>> -> memref<1x128xi32, #tpu.memory_space<vmem>>
    %dma_start3A_981 = tpu.memref_squeeze %dma_start3A_980 : memref<1x128xi32, #tpu.memory_space<vmem>> -> memref<128xi32, #tpu.memory_space<vmem>>
    %dma_start3A_982 = arith.constant 0 : i32
    %dma_start3A_983 = arith.constant 0 : i32
    %dma_start3A_984 = tpu.memref_slice %arg7[%dma_start3A_982, %dma_start3A_983] : memref<1000000x32xf32, #tpu.memory_space<hbm>> -> memref<1000000x32xf32, #tpu.memory_space<hbm>>
    tpu.enqueue_indirect_dma source(%dma_start3A_984 : memref<1000000x32xf32, #tpu.memory_space<hbm>>) target(%dma_start3A_978 : memref<128x32xf32, #tpu.memory_space<vmem>>) offsets(%dma_start3A_981 : memref<128xi32, #tpu.memory_space<vmem>>) semaphore(%arg30 : memref<!tpu.dma_semaphore, #tpu.memory_space<semaphore_mem>>)
    %dma_start3A_985 = arith.constant 3 : i32
    %dma_start3A_986 = arith.constant 384 : i32
    %dma_start3A_987 = arith.constant 0 : i32
    %dma_start3A_988 = tpu.memref_slice %arg24[%dma_start3A_986, %dma_start3A_987] : memref<512x16xf32, #tpu.memory_space<vmem>> -> memref<128x16xf32, #tpu.memory_space<vmem>>
    %dma_start3A_989 = arith.constant 0 : i32
    %dma_start3A_990 = tpu.memref_slice %arg22[%dma_start3A_985, %dma_start3A_989] : memref<4x128xi32, #tpu.memory_space<vmem>> -> memref<1x128xi32, #tpu.memory_space<vmem>>
    %dma_start3A_991 = tpu.memref_squeeze %dma_start3A_990 : memref<1x128xi32, #tpu.memory_space<vmem>> -> memref<128xi32, #tpu.memory_space<vmem>>
    %dma_start3A_992 = arith.constant 0 : i32
    %dma_start3A_993 = arith.constant 0 : i32
    %dma_start3A_994 = tpu.memref_slice %arg8[%dma_start3A_992, %dma_start3A_993] : memref<62500x16xf32, #tpu.memory_space<hbm>> -> memref<62500x16xf32, #tpu.memory_space<hbm>>
    tpu.enqueue_indirect_dma source(%dma_start3A_994 : memref<62500x16xf32, #tpu.memory_space<hbm>>) target(%dma_start3A_988 : memref<128x16xf32, #tpu.memory_space<vmem>>) offsets(%dma_start3A_991 : memref<128xi32, #tpu.memory_space<vmem>>) semaphore(%arg30 : memref<!tpu.dma_semaphore, #tpu.memory_space<semaphore_mem>>)
    %dma_start3A_995 = arith.constant 3 : i32
    %dma_start3A_996 = arith.constant 384 : i32
    %dma_start3A_997 = arith.constant 0 : i32
    %dma_start3A_998 = tpu.memref_slice %arg25[%dma_start3A_996, %dma_start3A_997] : memref<512x16xf32, #tpu.memory_space<vmem>> -> memref<128x16xf32, #tpu.memory_space<vmem>>
    %dma_start3A_999 = arith.constant 0 : i32
    %dma_start3A_1000 = tpu.memref_slice %arg23[%dma_start3A_995, %dma_start3A_999] : memref<4x128xi32, #tpu.memory_space<vmem>> -> memref<1x128xi32, #tpu.memory_space<vmem>>
    %dma_start3A_1001 = tpu.memref_squeeze %dma_start3A_1000 : memref<1x128xi32, #tpu.memory_space<vmem>> -> memref<128xi32, #tpu.memory_space<vmem>>
    %dma_start3A_1002 = arith.constant 0 : i32
    %dma_start3A_1003 = arith.constant 0 : i32
    %dma_start3A_1004 = tpu.memref_slice %arg9[%dma_start3A_1002, %dma_start3A_1003] : memref<62500x16xf32, #tpu.memory_space<hbm>> -> memref<62500x16xf32, #tpu.memory_space<hbm>>
    tpu.enqueue_indirect_dma source(%dma_start3A_1004 : memref<62500x16xf32, #tpu.memory_space<hbm>>) target(%dma_start3A_998 : memref<128x16xf32, #tpu.memory_space<vmem>>) offsets(%dma_start3A_1001 : memref<128xi32, #tpu.memory_space<vmem>>) semaphore(%arg30 : memref<!tpu.dma_semaphore, #tpu.memory_space<semaphore_mem>>)
    %dma_start3A_1005 = arith.constant 3 : i32
    %dma_start3A_1006 = arith.constant 384 : i32
    %dma_start3A_1007 = arith.constant 0 : i32
    %dma_start3A_1008 = tpu.memref_slice %arg26[%dma_start3A_1006, %dma_start3A_1007] : memref<512x16xf32, #tpu.memory_space<vmem>> -> memref<128x16xf32, #tpu.memory_space<vmem>>
    %dma_start3A_1009 = arith.constant 0 : i32
    %dma_start3A_1010 = tpu.memref_slice %arg22[%dma_start3A_1005, %dma_start3A_1009] : memref<4x128xi32, #tpu.memory_space<vmem>> -> memref<1x128xi32, #tpu.memory_space<vmem>>
    %dma_start3A_1011 = tpu.memref_squeeze %dma_start3A_1010 : memref<1x128xi32, #tpu.memory_space<vmem>> -> memref<128xi32, #tpu.memory_space<vmem>>
    %dma_start3A_1012 = arith.constant 0 : i32
    %dma_start3A_1013 = arith.constant 0 : i32
    %dma_start3A_1014 = tpu.memref_slice %arg10[%dma_start3A_1012, %dma_start3A_1013] : memref<62500x16xf32, #tpu.memory_space<hbm>> -> memref<62500x16xf32, #tpu.memory_space<hbm>>
    tpu.enqueue_indirect_dma source(%dma_start3A_1014 : memref<62500x16xf32, #tpu.memory_space<hbm>>) target(%dma_start3A_1008 : memref<128x16xf32, #tpu.memory_space<vmem>>) offsets(%dma_start3A_1011 : memref<128xi32, #tpu.memory_space<vmem>>) semaphore(%arg30 : memref<!tpu.dma_semaphore, #tpu.memory_space<semaphore_mem>>)
    %dma_start3A_1015 = arith.constant 3 : i32
    %dma_start3A_1016 = arith.constant 384 : i32
    %dma_start3A_1017 = arith.constant 0 : i32
    %dma_start3A_1018 = tpu.memref_slice %arg27[%dma_start3A_1016, %dma_start3A_1017] : memref<512x16xf32, #tpu.memory_space<vmem>> -> memref<128x16xf32, #tpu.memory_space<vmem>>
    %dma_start3A_1019 = arith.constant 0 : i32
    %dma_start3A_1020 = tpu.memref_slice %arg23[%dma_start3A_1015, %dma_start3A_1019] : memref<4x128xi32, #tpu.memory_space<vmem>> -> memref<1x128xi32, #tpu.memory_space<vmem>>
    %dma_start3A_1021 = tpu.memref_squeeze %dma_start3A_1020 : memref<1x128xi32, #tpu.memory_space<vmem>> -> memref<128xi32, #tpu.memory_space<vmem>>
    %dma_start3A_1022 = arith.constant 0 : i32
    %dma_start3A_1023 = arith.constant 0 : i32
    %dma_start3A_1024 = tpu.memref_slice %arg11[%dma_start3A_1022, %dma_start3A_1023] : memref<62500x16xf32, #tpu.memory_space<hbm>> -> memref<62500x16xf32, #tpu.memory_space<hbm>>
    tpu.enqueue_indirect_dma source(%dma_start3A_1024 : memref<62500x16xf32, #tpu.memory_space<hbm>>) target(%dma_start3A_1018 : memref<128x16xf32, #tpu.memory_space<vmem>>) offsets(%dma_start3A_1021 : memref<128xi32, #tpu.memory_space<vmem>>) semaphore(%arg30 : memref<!tpu.dma_semaphore, #tpu.memory_space<semaphore_mem>>)
    %dma_wait3A = arith.constant 0 : i32
    %dma_wait3A_1025 = arith.constant 0 : i32
    %dma_wait3A_1026 = arith.constant 0 : i32
    %dma_wait3A_1027 = tpu.memref_slice %arg18[%dma_wait3A_1025, %dma_wait3A_1026] : memref<512x32xf32, #tpu.memory_space<vmem>> -> memref<128x32xf32, #tpu.memory_space<vmem>>
    %dma_wait3A_1028 = arith.constant 0 : i32
    %dma_wait3A_1029 = tpu.memref_slice %arg16[%dma_wait3A, %dma_wait3A_1028] : memref<4x128xi32, #tpu.memory_space<vmem>> -> memref<1x128xi32, #tpu.memory_space<vmem>>
    %dma_wait3A_1030 = tpu.memref_squeeze %dma_wait3A_1029 : memref<1x128xi32, #tpu.memory_space<vmem>> -> memref<128xi32, #tpu.memory_space<vmem>>
    %dma_wait3A_1031 = arith.constant 0 : i32
    %dma_wait3A_1032 = arith.constant 0 : i32
    %dma_wait3A_1033 = tpu.memref_slice %arg4[%dma_wait3A_1031, %dma_wait3A_1032] : memref<1000000x32xf32, #tpu.memory_space<hbm>> -> memref<1000000x32xf32, #tpu.memory_space<hbm>>
    tpu.wait_indirect_dma semaphore(%arg30 : memref<!tpu.dma_semaphore, #tpu.memory_space<semaphore_mem>>) src(%dma_wait3A_1033 : memref<1000000x32xf32, #tpu.memory_space<hbm>>) dst(%dma_wait3A_1027 : memref<128x32xf32, #tpu.memory_space<vmem>>)
    %dma_wait3A_1034 = arith.constant 0 : i32
    %dma_wait3A_1035 = arith.constant 0 : i32
    %dma_wait3A_1036 = arith.constant 0 : i32
    %dma_wait3A_1037 = tpu.memref_slice %arg19[%dma_wait3A_1035, %dma_wait3A_1036] : memref<512x32xf32, #tpu.memory_space<vmem>> -> memref<128x32xf32, #tpu.memory_space<vmem>>
    %dma_wait3A_1038 = arith.constant 0 : i32
    %dma_wait3A_1039 = tpu.memref_slice %arg17[%dma_wait3A_1034, %dma_wait3A_1038] : memref<4x128xi32, #tpu.memory_space<vmem>> -> memref<1x128xi32, #tpu.memory_space<vmem>>
    %dma_wait3A_1040 = tpu.memref_squeeze %dma_wait3A_1039 : memref<1x128xi32, #tpu.memory_space<vmem>> -> memref<128xi32, #tpu.memory_space<vmem>>
    %dma_wait3A_1041 = arith.constant 0 : i32
    %dma_wait3A_1042 = arith.constant 0 : i32
    %dma_wait3A_1043 = tpu.memref_slice %arg5[%dma_wait3A_1041, %dma_wait3A_1042] : memref<1000000x32xf32, #tpu.memory_space<hbm>> -> memref<1000000x32xf32, #tpu.memory_space<hbm>>
    tpu.wait_indirect_dma semaphore(%arg30 : memref<!tpu.dma_semaphore, #tpu.memory_space<semaphore_mem>>) src(%dma_wait3A_1043 : memref<1000000x32xf32, #tpu.memory_space<hbm>>) dst(%dma_wait3A_1037 : memref<128x32xf32, #tpu.memory_space<vmem>>)
    %dma_wait3A_1044 = arith.constant 0 : i32
    %dma_wait3A_1045 = arith.constant 0 : i32
    %dma_wait3A_1046 = arith.constant 0 : i32
    %dma_wait3A_1047 = tpu.memref_slice %arg20[%dma_wait3A_1045, %dma_wait3A_1046] : memref<512x32xf32, #tpu.memory_space<vmem>> -> memref<128x32xf32, #tpu.memory_space<vmem>>
    %dma_wait3A_1048 = arith.constant 0 : i32
    %dma_wait3A_1049 = tpu.memref_slice %arg16[%dma_wait3A_1044, %dma_wait3A_1048] : memref<4x128xi32, #tpu.memory_space<vmem>> -> memref<1x128xi32, #tpu.memory_space<vmem>>
    %dma_wait3A_1050 = tpu.memref_squeeze %dma_wait3A_1049 : memref<1x128xi32, #tpu.memory_space<vmem>> -> memref<128xi32, #tpu.memory_space<vmem>>
    %dma_wait3A_1051 = arith.constant 0 : i32
    %dma_wait3A_1052 = arith.constant 0 : i32
    %dma_wait3A_1053 = tpu.memref_slice %arg6[%dma_wait3A_1051, %dma_wait3A_1052] : memref<1000000x32xf32, #tpu.memory_space<hbm>> -> memref<1000000x32xf32, #tpu.memory_space<hbm>>
    tpu.wait_indirect_dma semaphore(%arg30 : memref<!tpu.dma_semaphore, #tpu.memory_space<semaphore_mem>>) src(%dma_wait3A_1053 : memref<1000000x32xf32, #tpu.memory_space<hbm>>) dst(%dma_wait3A_1047 : memref<128x32xf32, #tpu.memory_space<vmem>>)
    %dma_wait3A_1054 = arith.constant 0 : i32
    %dma_wait3A_1055 = arith.constant 0 : i32
    %dma_wait3A_1056 = arith.constant 0 : i32
    %dma_wait3A_1057 = tpu.memref_slice %arg21[%dma_wait3A_1055, %dma_wait3A_1056] : memref<512x32xf32, #tpu.memory_space<vmem>> -> memref<128x32xf32, #tpu.memory_space<vmem>>
    %dma_wait3A_1058 = arith.constant 0 : i32
    %dma_wait3A_1059 = tpu.memref_slice %arg17[%dma_wait3A_1054, %dma_wait3A_1058] : memref<4x128xi32, #tpu.memory_space<vmem>> -> memref<1x128xi32, #tpu.memory_space<vmem>>
    %dma_wait3A_1060 = tpu.memref_squeeze %dma_wait3A_1059 : memref<1x128xi32, #tpu.memory_space<vmem>> -> memref<128xi32, #tpu.memory_space<vmem>>
    %dma_wait3A_1061 = arith.constant 0 : i32
    %dma_wait3A_1062 = arith.constant 0 : i32
    %dma_wait3A_1063 = tpu.memref_slice %arg7[%dma_wait3A_1061, %dma_wait3A_1062] : memref<1000000x32xf32, #tpu.memory_space<hbm>> -> memref<1000000x32xf32, #tpu.memory_space<hbm>>
    tpu.wait_indirect_dma semaphore(%arg30 : memref<!tpu.dma_semaphore, #tpu.memory_space<semaphore_mem>>) src(%dma_wait3A_1063 : memref<1000000x32xf32, #tpu.memory_space<hbm>>) dst(%dma_wait3A_1057 : memref<128x32xf32, #tpu.memory_space<vmem>>)
    %dma_wait3A_1064 = arith.constant 0 : i32
    %dma_wait3A_1065 = arith.constant 0 : i32
    %dma_wait3A_1066 = arith.constant 0 : i32
    %dma_wait3A_1067 = tpu.memref_slice %arg24[%dma_wait3A_1065, %dma_wait3A_1066] : memref<512x16xf32, #tpu.memory_space<vmem>> -> memref<128x16xf32, #tpu.memory_space<vmem>>
    %dma_wait3A_1068 = arith.constant 0 : i32
    %dma_wait3A_1069 = tpu.memref_slice %arg22[%dma_wait3A_1064, %dma_wait3A_1068] : memref<4x128xi32, #tpu.memory_space<vmem>> -> memref<1x128xi32, #tpu.memory_space<vmem>>
    %dma_wait3A_1070 = tpu.memref_squeeze %dma_wait3A_1069 : memref<1x128xi32, #tpu.memory_space<vmem>> -> memref<128xi32, #tpu.memory_space<vmem>>
    %dma_wait3A_1071 = arith.constant 0 : i32
    %dma_wait3A_1072 = arith.constant 0 : i32
    %dma_wait3A_1073 = tpu.memref_slice %arg8[%dma_wait3A_1071, %dma_wait3A_1072] : memref<62500x16xf32, #tpu.memory_space<hbm>> -> memref<62500x16xf32, #tpu.memory_space<hbm>>
    tpu.wait_indirect_dma semaphore(%arg30 : memref<!tpu.dma_semaphore, #tpu.memory_space<semaphore_mem>>) src(%dma_wait3A_1073 : memref<62500x16xf32, #tpu.memory_space<hbm>>) dst(%dma_wait3A_1067 : memref<128x16xf32, #tpu.memory_space<vmem>>)
    %dma_wait3A_1074 = arith.constant 0 : i32
    %dma_wait3A_1075 = arith.constant 0 : i32
    %dma_wait3A_1076 = arith.constant 0 : i32
    %dma_wait3A_1077 = tpu.memref_slice %arg25[%dma_wait3A_1075, %dma_wait3A_1076] : memref<512x16xf32, #tpu.memory_space<vmem>> -> memref<128x16xf32, #tpu.memory_space<vmem>>
    %dma_wait3A_1078 = arith.constant 0 : i32
    %dma_wait3A_1079 = tpu.memref_slice %arg23[%dma_wait3A_1074, %dma_wait3A_1078] : memref<4x128xi32, #tpu.memory_space<vmem>> -> memref<1x128xi32, #tpu.memory_space<vmem>>
    %dma_wait3A_1080 = tpu.memref_squeeze %dma_wait3A_1079 : memref<1x128xi32, #tpu.memory_space<vmem>> -> memref<128xi32, #tpu.memory_space<vmem>>
    %dma_wait3A_1081 = arith.constant 0 : i32
    %dma_wait3A_1082 = arith.constant 0 : i32
    %dma_wait3A_1083 = tpu.memref_slice %arg9[%dma_wait3A_1081, %dma_wait3A_1082] : memref<62500x16xf32, #tpu.memory_space<hbm>> -> memref<62500x16xf32, #tpu.memory_space<hbm>>
    tpu.wait_indirect_dma semaphore(%arg30 : memref<!tpu.dma_semaphore, #tpu.memory_space<semaphore_mem>>) src(%dma_wait3A_1083 : memref<62500x16xf32, #tpu.memory_space<hbm>>) dst(%dma_wait3A_1077 : memref<128x16xf32, #tpu.memory_space<vmem>>)
    %dma_wait3A_1084 = arith.constant 0 : i32
    %dma_wait3A_1085 = arith.constant 0 : i32
    %dma_wait3A_1086 = arith.constant 0 : i32
    %dma_wait3A_1087 = tpu.memref_slice %arg26[%dma_wait3A_1085, %dma_wait3A_1086] : memref<512x16xf32, #tpu.memory_space<vmem>> -> memref<128x16xf32, #tpu.memory_space<vmem>>
    %dma_wait3A_1088 = arith.constant 0 : i32
    %dma_wait3A_1089 = tpu.memref_slice %arg22[%dma_wait3A_1084, %dma_wait3A_1088] : memref<4x128xi32, #tpu.memory_space<vmem>> -> memref<1x128xi32, #tpu.memory_space<vmem>>
    %dma_wait3A_1090 = tpu.memref_squeeze %dma_wait3A_1089 : memref<1x128xi32, #tpu.memory_space<vmem>> -> memref<128xi32, #tpu.memory_space<vmem>>
    %dma_wait3A_1091 = arith.constant 0 : i32
    %dma_wait3A_1092 = arith.constant 0 : i32
    %dma_wait3A_1093 = tpu.memref_slice %arg10[%dma_wait3A_1091, %dma_wait3A_1092] : memref<62500x16xf32, #tpu.memory_space<hbm>> -> memref<62500x16xf32, #tpu.memory_space<hbm>>
    tpu.wait_indirect_dma semaphore(%arg30 : memref<!tpu.dma_semaphore, #tpu.memory_space<semaphore_mem>>) src(%dma_wait3A_1093 : memref<62500x16xf32, #tpu.memory_space<hbm>>) dst(%dma_wait3A_1087 : memref<128x16xf32, #tpu.memory_space<vmem>>)
    %dma_wait3A_1094 = arith.constant 0 : i32
    %dma_wait3A_1095 = arith.constant 0 : i32
    %dma_wait3A_1096 = arith.constant 0 : i32
    %dma_wait3A_1097 = tpu.memref_slice %arg27[%dma_wait3A_1095, %dma_wait3A_1096] : memref<512x16xf32, #tpu.memory_space<vmem>> -> memref<128x16xf32, #tpu.memory_space<vmem>>
    %dma_wait3A_1098 = arith.constant 0 : i32
    %dma_wait3A_1099 = tpu.memref_slice %arg23[%dma_wait3A_1094, %dma_wait3A_1098] : memref<4x128xi32, #tpu.memory_space<vmem>> -> memref<1x128xi32, #tpu.memory_space<vmem>>
    %dma_wait3A_1100 = tpu.memref_squeeze %dma_wait3A_1099 : memref<1x128xi32, #tpu.memory_space<vmem>> -> memref<128xi32, #tpu.memory_space<vmem>>
    %dma_wait3A_1101 = arith.constant 0 : i32
    %dma_wait3A_1102 = arith.constant 0 : i32
    %dma_wait3A_1103 = tpu.memref_slice %arg11[%dma_wait3A_1101, %dma_wait3A_1102] : memref<62500x16xf32, #tpu.memory_space<hbm>> -> memref<62500x16xf32, #tpu.memory_space<hbm>>
    tpu.wait_indirect_dma semaphore(%arg30 : memref<!tpu.dma_semaphore, #tpu.memory_space<semaphore_mem>>) src(%dma_wait3A_1103 : memref<62500x16xf32, #tpu.memory_space<hbm>>) dst(%dma_wait3A_1097 : memref<128x16xf32, #tpu.memory_space<vmem>>)
    %dma_wait3A_1104 = arith.constant 1 : i32
    %dma_wait3A_1105 = arith.constant 128 : i32
    %dma_wait3A_1106 = arith.constant 0 : i32
    %dma_wait3A_1107 = tpu.memref_slice %arg18[%dma_wait3A_1105, %dma_wait3A_1106] : memref<512x32xf32, #tpu.memory_space<vmem>> -> memref<128x32xf32, #tpu.memory_space<vmem>>
    %dma_wait3A_1108 = arith.constant 0 : i32
    %dma_wait3A_1109 = tpu.memref_slice %arg16[%dma_wait3A_1104, %dma_wait3A_1108] : memref<4x128xi32, #tpu.memory_space<vmem>> -> memref<1x128xi32, #tpu.memory_space<vmem>>
    %dma_wait3A_1110 = tpu.memref_squeeze %dma_wait3A_1109 : memref<1x128xi32, #tpu.memory_space<vmem>> -> memref<128xi32, #tpu.memory_space<vmem>>
    %dma_wait3A_1111 = arith.constant 0 : i32
    %dma_wait3A_1112 = arith.constant 0 : i32
    %dma_wait3A_1113 = tpu.memref_slice %arg4[%dma_wait3A_1111, %dma_wait3A_1112] : memref<1000000x32xf32, #tpu.memory_space<hbm>> -> memref<1000000x32xf32, #tpu.memory_space<hbm>>
    tpu.wait_indirect_dma semaphore(%arg30 : memref<!tpu.dma_semaphore, #tpu.memory_space<semaphore_mem>>) src(%dma_wait3A_1113 : memref<1000000x32xf32, #tpu.memory_space<hbm>>) dst(%dma_wait3A_1107 : memref<128x32xf32, #tpu.memory_space<vmem>>)
    %dma_wait3A_1114 = arith.constant 1 : i32
    %dma_wait3A_1115 = arith.constant 128 : i32
    %dma_wait3A_1116 = arith.constant 0 : i32
    %dma_wait3A_1117 = tpu.memref_slice %arg19[%dma_wait3A_1115, %dma_wait3A_1116] : memref<512x32xf32, #tpu.memory_space<vmem>> -> memref<128x32xf32, #tpu.memory_space<vmem>>
    %dma_wait3A_1118 = arith.constant 0 : i32
    %dma_wait3A_1119 = tpu.memref_slice %arg17[%dma_wait3A_1114, %dma_wait3A_1118] : memref<4x128xi32, #tpu.memory_space<vmem>> -> memref<1x128xi32, #tpu.memory_space<vmem>>
    %dma_wait3A_1120 = tpu.memref_squeeze %dma_wait3A_1119 : memref<1x128xi32, #tpu.memory_space<vmem>> -> memref<128xi32, #tpu.memory_space<vmem>>
    %dma_wait3A_1121 = arith.constant 0 : i32
    %dma_wait3A_1122 = arith.constant 0 : i32
    %dma_wait3A_1123 = tpu.memref_slice %arg5[%dma_wait3A_1121, %dma_wait3A_1122] : memref<1000000x32xf32, #tpu.memory_space<hbm>> -> memref<1000000x32xf32, #tpu.memory_space<hbm>>
    tpu.wait_indirect_dma semaphore(%arg30 : memref<!tpu.dma_semaphore, #tpu.memory_space<semaphore_mem>>) src(%dma_wait3A_1123 : memref<1000000x32xf32, #tpu.memory_space<hbm>>) dst(%dma_wait3A_1117 : memref<128x32xf32, #tpu.memory_space<vmem>>)
    %dma_wait3A_1124 = arith.constant 1 : i32
    %dma_wait3A_1125 = arith.constant 128 : i32
    %dma_wait3A_1126 = arith.constant 0 : i32
    %dma_wait3A_1127 = tpu.memref_slice %arg20[%dma_wait3A_1125, %dma_wait3A_1126] : memref<512x32xf32, #tpu.memory_space<vmem>> -> memref<128x32xf32, #tpu.memory_space<vmem>>
    %dma_wait3A_1128 = arith.constant 0 : i32
    %dma_wait3A_1129 = tpu.memref_slice %arg16[%dma_wait3A_1124, %dma_wait3A_1128] : memref<4x128xi32, #tpu.memory_space<vmem>> -> memref<1x128xi32, #tpu.memory_space<vmem>>
    %dma_wait3A_1130 = tpu.memref_squeeze %dma_wait3A_1129 : memref<1x128xi32, #tpu.memory_space<vmem>> -> memref<128xi32, #tpu.memory_space<vmem>>
    %dma_wait3A_1131 = arith.constant 0 : i32
    %dma_wait3A_1132 = arith.constant 0 : i32
    %dma_wait3A_1133 = tpu.memref_slice %arg6[%dma_wait3A_1131, %dma_wait3A_1132] : memref<1000000x32xf32, #tpu.memory_space<hbm>> -> memref<1000000x32xf32, #tpu.memory_space<hbm>>
    tpu.wait_indirect_dma semaphore(%arg30 : memref<!tpu.dma_semaphore, #tpu.memory_space<semaphore_mem>>) src(%dma_wait3A_1133 : memref<1000000x32xf32, #tpu.memory_space<hbm>>) dst(%dma_wait3A_1127 : memref<128x32xf32, #tpu.memory_space<vmem>>)
    %dma_wait3A_1134 = arith.constant 1 : i32
    %dma_wait3A_1135 = arith.constant 128 : i32
    %dma_wait3A_1136 = arith.constant 0 : i32
    %dma_wait3A_1137 = tpu.memref_slice %arg21[%dma_wait3A_1135, %dma_wait3A_1136] : memref<512x32xf32, #tpu.memory_space<vmem>> -> memref<128x32xf32, #tpu.memory_space<vmem>>
    %dma_wait3A_1138 = arith.constant 0 : i32
    %dma_wait3A_1139 = tpu.memref_slice %arg17[%dma_wait3A_1134, %dma_wait3A_1138] : memref<4x128xi32, #tpu.memory_space<vmem>> -> memref<1x128xi32, #tpu.memory_space<vmem>>
    %dma_wait3A_1140 = tpu.memref_squeeze %dma_wait3A_1139 : memref<1x128xi32, #tpu.memory_space<vmem>> -> memref<128xi32, #tpu.memory_space<vmem>>
    %dma_wait3A_1141 = arith.constant 0 : i32
    %dma_wait3A_1142 = arith.constant 0 : i32
    %dma_wait3A_1143 = tpu.memref_slice %arg7[%dma_wait3A_1141, %dma_wait3A_1142] : memref<1000000x32xf32, #tpu.memory_space<hbm>> -> memref<1000000x32xf32, #tpu.memory_space<hbm>>
    tpu.wait_indirect_dma semaphore(%arg30 : memref<!tpu.dma_semaphore, #tpu.memory_space<semaphore_mem>>) src(%dma_wait3A_1143 : memref<1000000x32xf32, #tpu.memory_space<hbm>>) dst(%dma_wait3A_1137 : memref<128x32xf32, #tpu.memory_space<vmem>>)
    %dma_wait3A_1144 = arith.constant 1 : i32
    %dma_wait3A_1145 = arith.constant 128 : i32
    %dma_wait3A_1146 = arith.constant 0 : i32
    %dma_wait3A_1147 = tpu.memref_slice %arg24[%dma_wait3A_1145, %dma_wait3A_1146] : memref<512x16xf32, #tpu.memory_space<vmem>> -> memref<128x16xf32, #tpu.memory_space<vmem>>
    %dma_wait3A_1148 = arith.constant 0 : i32
    %dma_wait3A_1149 = tpu.memref_slice %arg22[%dma_wait3A_1144, %dma_wait3A_1148] : memref<4x128xi32, #tpu.memory_space<vmem>> -> memref<1x128xi32, #tpu.memory_space<vmem>>
    %dma_wait3A_1150 = tpu.memref_squeeze %dma_wait3A_1149 : memref<1x128xi32, #tpu.memory_space<vmem>> -> memref<128xi32, #tpu.memory_space<vmem>>
    %dma_wait3A_1151 = arith.constant 0 : i32
    %dma_wait3A_1152 = arith.constant 0 : i32
    %dma_wait3A_1153 = tpu.memref_slice %arg8[%dma_wait3A_1151, %dma_wait3A_1152] : memref<62500x16xf32, #tpu.memory_space<hbm>> -> memref<62500x16xf32, #tpu.memory_space<hbm>>
    tpu.wait_indirect_dma semaphore(%arg30 : memref<!tpu.dma_semaphore, #tpu.memory_space<semaphore_mem>>) src(%dma_wait3A_1153 : memref<62500x16xf32, #tpu.memory_space<hbm>>) dst(%dma_wait3A_1147 : memref<128x16xf32, #tpu.memory_space<vmem>>)
    %dma_wait3A_1154 = arith.constant 1 : i32
    %dma_wait3A_1155 = arith.constant 128 : i32
    %dma_wait3A_1156 = arith.constant 0 : i32
    %dma_wait3A_1157 = tpu.memref_slice %arg25[%dma_wait3A_1155, %dma_wait3A_1156] : memref<512x16xf32, #tpu.memory_space<vmem>> -> memref<128x16xf32, #tpu.memory_space<vmem>>
    %dma_wait3A_1158 = arith.constant 0 : i32
    %dma_wait3A_1159 = tpu.memref_slice %arg23[%dma_wait3A_1154, %dma_wait3A_1158] : memref<4x128xi32, #tpu.memory_space<vmem>> -> memref<1x128xi32, #tpu.memory_space<vmem>>
    %dma_wait3A_1160 = tpu.memref_squeeze %dma_wait3A_1159 : memref<1x128xi32, #tpu.memory_space<vmem>> -> memref<128xi32, #tpu.memory_space<vmem>>
    %dma_wait3A_1161 = arith.constant 0 : i32
    %dma_wait3A_1162 = arith.constant 0 : i32
    %dma_wait3A_1163 = tpu.memref_slice %arg9[%dma_wait3A_1161, %dma_wait3A_1162] : memref<62500x16xf32, #tpu.memory_space<hbm>> -> memref<62500x16xf32, #tpu.memory_space<hbm>>
    tpu.wait_indirect_dma semaphore(%arg30 : memref<!tpu.dma_semaphore, #tpu.memory_space<semaphore_mem>>) src(%dma_wait3A_1163 : memref<62500x16xf32, #tpu.memory_space<hbm>>) dst(%dma_wait3A_1157 : memref<128x16xf32, #tpu.memory_space<vmem>>)
    %dma_wait3A_1164 = arith.constant 1 : i32
    %dma_wait3A_1165 = arith.constant 128 : i32
    %dma_wait3A_1166 = arith.constant 0 : i32
    %dma_wait3A_1167 = tpu.memref_slice %arg26[%dma_wait3A_1165, %dma_wait3A_1166] : memref<512x16xf32, #tpu.memory_space<vmem>> -> memref<128x16xf32, #tpu.memory_space<vmem>>
    %dma_wait3A_1168 = arith.constant 0 : i32
    %dma_wait3A_1169 = tpu.memref_slice %arg22[%dma_wait3A_1164, %dma_wait3A_1168] : memref<4x128xi32, #tpu.memory_space<vmem>> -> memref<1x128xi32, #tpu.memory_space<vmem>>
    %dma_wait3A_1170 = tpu.memref_squeeze %dma_wait3A_1169 : memref<1x128xi32, #tpu.memory_space<vmem>> -> memref<128xi32, #tpu.memory_space<vmem>>
    %dma_wait3A_1171 = arith.constant 0 : i32
    %dma_wait3A_1172 = arith.constant 0 : i32
    %dma_wait3A_1173 = tpu.memref_slice %arg10[%dma_wait3A_1171, %dma_wait3A_1172] : memref<62500x16xf32, #tpu.memory_space<hbm>> -> memref<62500x16xf32, #tpu.memory_space<hbm>>
    tpu.wait_indirect_dma semaphore(%arg30 : memref<!tpu.dma_semaphore, #tpu.memory_space<semaphore_mem>>) src(%dma_wait3A_1173 : memref<62500x16xf32, #tpu.memory_space<hbm>>) dst(%dma_wait3A_1167 : memref<128x16xf32, #tpu.memory_space<vmem>>)
    %dma_wait3A_1174 = arith.constant 1 : i32
    %dma_wait3A_1175 = arith.constant 128 : i32
    %dma_wait3A_1176 = arith.constant 0 : i32
    %dma_wait3A_1177 = tpu.memref_slice %arg27[%dma_wait3A_1175, %dma_wait3A_1176] : memref<512x16xf32, #tpu.memory_space<vmem>> -> memref<128x16xf32, #tpu.memory_space<vmem>>
    %dma_wait3A_1178 = arith.constant 0 : i32
    %dma_wait3A_1179 = tpu.memref_slice %arg23[%dma_wait3A_1174, %dma_wait3A_1178] : memref<4x128xi32, #tpu.memory_space<vmem>> -> memref<1x128xi32, #tpu.memory_space<vmem>>
    %dma_wait3A_1180 = tpu.memref_squeeze %dma_wait3A_1179 : memref<1x128xi32, #tpu.memory_space<vmem>> -> memref<128xi32, #tpu.memory_space<vmem>>
    %dma_wait3A_1181 = arith.constant 0 : i32
    %dma_wait3A_1182 = arith.constant 0 : i32
    %dma_wait3A_1183 = tpu.memref_slice %arg11[%dma_wait3A_1181, %dma_wait3A_1182] : memref<62500x16xf32, #tpu.memory_space<hbm>> -> memref<62500x16xf32, #tpu.memory_space<hbm>>
    tpu.wait_indirect_dma semaphore(%arg30 : memref<!tpu.dma_semaphore, #tpu.memory_space<semaphore_mem>>) src(%dma_wait3A_1183 : memref<62500x16xf32, #tpu.memory_space<hbm>>) dst(%dma_wait3A_1177 : memref<128x16xf32, #tpu.memory_space<vmem>>)
    %dma_wait3A_1184 = arith.constant 2 : i32
    %dma_wait3A_1185 = arith.constant 256 : i32
    %dma_wait3A_1186 = arith.constant 0 : i32
    %dma_wait3A_1187 = tpu.memref_slice %arg18[%dma_wait3A_1185, %dma_wait3A_1186] : memref<512x32xf32, #tpu.memory_space<vmem>> -> memref<128x32xf32, #tpu.memory_space<vmem>>
    %dma_wait3A_1188 = arith.constant 0 : i32
    %dma_wait3A_1189 = tpu.memref_slice %arg16[%dma_wait3A_1184, %dma_wait3A_1188] : memref<4x128xi32, #tpu.memory_space<vmem>> -> memref<1x128xi32, #tpu.memory_space<vmem>>
    %dma_wait3A_1190 = tpu.memref_squeeze %dma_wait3A_1189 : memref<1x128xi32, #tpu.memory_space<vmem>> -> memref<128xi32, #tpu.memory_space<vmem>>
    %dma_wait3A_1191 = arith.constant 0 : i32
    %dma_wait3A_1192 = arith.constant 0 : i32
    %dma_wait3A_1193 = tpu.memref_slice %arg4[%dma_wait3A_1191, %dma_wait3A_1192] : memref<1000000x32xf32, #tpu.memory_space<hbm>> -> memref<1000000x32xf32, #tpu.memory_space<hbm>>
    tpu.wait_indirect_dma semaphore(%arg30 : memref<!tpu.dma_semaphore, #tpu.memory_space<semaphore_mem>>) src(%dma_wait3A_1193 : memref<1000000x32xf32, #tpu.memory_space<hbm>>) dst(%dma_wait3A_1187 : memref<128x32xf32, #tpu.memory_space<vmem>>)
    %dma_wait3A_1194 = arith.constant 2 : i32
    %dma_wait3A_1195 = arith.constant 256 : i32
    %dma_wait3A_1196 = arith.constant 0 : i32
    %dma_wait3A_1197 = tpu.memref_slice %arg19[%dma_wait3A_1195, %dma_wait3A_1196] : memref<512x32xf32, #tpu.memory_space<vmem>> -> memref<128x32xf32, #tpu.memory_space<vmem>>
    %dma_wait3A_1198 = arith.constant 0 : i32
    %dma_wait3A_1199 = tpu.memref_slice %arg17[%dma_wait3A_1194, %dma_wait3A_1198] : memref<4x128xi32, #tpu.memory_space<vmem>> -> memref<1x128xi32, #tpu.memory_space<vmem>>
    %dma_wait3A_1200 = tpu.memref_squeeze %dma_wait3A_1199 : memref<1x128xi32, #tpu.memory_space<vmem>> -> memref<128xi32, #tpu.memory_space<vmem>>
    %dma_wait3A_1201 = arith.constant 0 : i32
    %dma_wait3A_1202 = arith.constant 0 : i32
    %dma_wait3A_1203 = tpu.memref_slice %arg5[%dma_wait3A_1201, %dma_wait3A_1202] : memref<1000000x32xf32, #tpu.memory_space<hbm>> -> memref<1000000x32xf32, #tpu.memory_space<hbm>>
    tpu.wait_indirect_dma semaphore(%arg30 : memref<!tpu.dma_semaphore, #tpu.memory_space<semaphore_mem>>) src(%dma_wait3A_1203 : memref<1000000x32xf32, #tpu.memory_space<hbm>>) dst(%dma_wait3A_1197 : memref<128x32xf32, #tpu.memory_space<vmem>>)
    %dma_wait3A_1204 = arith.constant 2 : i32
    %dma_wait3A_1205 = arith.constant 256 : i32
    %dma_wait3A_1206 = arith.constant 0 : i32
    %dma_wait3A_1207 = tpu.memref_slice %arg20[%dma_wait3A_1205, %dma_wait3A_1206] : memref<512x32xf32, #tpu.memory_space<vmem>> -> memref<128x32xf32, #tpu.memory_space<vmem>>
    %dma_wait3A_1208 = arith.constant 0 : i32
    %dma_wait3A_1209 = tpu.memref_slice %arg16[%dma_wait3A_1204, %dma_wait3A_1208] : memref<4x128xi32, #tpu.memory_space<vmem>> -> memref<1x128xi32, #tpu.memory_space<vmem>>
    %dma_wait3A_1210 = tpu.memref_squeeze %dma_wait3A_1209 : memref<1x128xi32, #tpu.memory_space<vmem>> -> memref<128xi32, #tpu.memory_space<vmem>>
    %dma_wait3A_1211 = arith.constant 0 : i32
    %dma_wait3A_1212 = arith.constant 0 : i32
    %dma_wait3A_1213 = tpu.memref_slice %arg6[%dma_wait3A_1211, %dma_wait3A_1212] : memref<1000000x32xf32, #tpu.memory_space<hbm>> -> memref<1000000x32xf32, #tpu.memory_space<hbm>>
    tpu.wait_indirect_dma semaphore(%arg30 : memref<!tpu.dma_semaphore, #tpu.memory_space<semaphore_mem>>) src(%dma_wait3A_1213 : memref<1000000x32xf32, #tpu.memory_space<hbm>>) dst(%dma_wait3A_1207 : memref<128x32xf32, #tpu.memory_space<vmem>>)
    %dma_wait3A_1214 = arith.constant 2 : i32
    %dma_wait3A_1215 = arith.constant 256 : i32
    %dma_wait3A_1216 = arith.constant 0 : i32
    %dma_wait3A_1217 = tpu.memref_slice %arg21[%dma_wait3A_1215, %dma_wait3A_1216] : memref<512x32xf32, #tpu.memory_space<vmem>> -> memref<128x32xf32, #tpu.memory_space<vmem>>
    %dma_wait3A_1218 = arith.constant 0 : i32
    %dma_wait3A_1219 = tpu.memref_slice %arg17[%dma_wait3A_1214, %dma_wait3A_1218] : memref<4x128xi32, #tpu.memory_space<vmem>> -> memref<1x128xi32, #tpu.memory_space<vmem>>
    %dma_wait3A_1220 = tpu.memref_squeeze %dma_wait3A_1219 : memref<1x128xi32, #tpu.memory_space<vmem>> -> memref<128xi32, #tpu.memory_space<vmem>>
    %dma_wait3A_1221 = arith.constant 0 : i32
    %dma_wait3A_1222 = arith.constant 0 : i32
    %dma_wait3A_1223 = tpu.memref_slice %arg7[%dma_wait3A_1221, %dma_wait3A_1222] : memref<1000000x32xf32, #tpu.memory_space<hbm>> -> memref<1000000x32xf32, #tpu.memory_space<hbm>>
    tpu.wait_indirect_dma semaphore(%arg30 : memref<!tpu.dma_semaphore, #tpu.memory_space<semaphore_mem>>) src(%dma_wait3A_1223 : memref<1000000x32xf32, #tpu.memory_space<hbm>>) dst(%dma_wait3A_1217 : memref<128x32xf32, #tpu.memory_space<vmem>>)
    %dma_wait3A_1224 = arith.constant 2 : i32
    %dma_wait3A_1225 = arith.constant 256 : i32
    %dma_wait3A_1226 = arith.constant 0 : i32
    %dma_wait3A_1227 = tpu.memref_slice %arg24[%dma_wait3A_1225, %dma_wait3A_1226] : memref<512x16xf32, #tpu.memory_space<vmem>> -> memref<128x16xf32, #tpu.memory_space<vmem>>
    %dma_wait3A_1228 = arith.constant 0 : i32
    %dma_wait3A_1229 = tpu.memref_slice %arg22[%dma_wait3A_1224, %dma_wait3A_1228] : memref<4x128xi32, #tpu.memory_space<vmem>> -> memref<1x128xi32, #tpu.memory_space<vmem>>
    %dma_wait3A_1230 = tpu.memref_squeeze %dma_wait3A_1229 : memref<1x128xi32, #tpu.memory_space<vmem>> -> memref<128xi32, #tpu.memory_space<vmem>>
    %dma_wait3A_1231 = arith.constant 0 : i32
    %dma_wait3A_1232 = arith.constant 0 : i32
    %dma_wait3A_1233 = tpu.memref_slice %arg8[%dma_wait3A_1231, %dma_wait3A_1232] : memref<62500x16xf32, #tpu.memory_space<hbm>> -> memref<62500x16xf32, #tpu.memory_space<hbm>>
    tpu.wait_indirect_dma semaphore(%arg30 : memref<!tpu.dma_semaphore, #tpu.memory_space<semaphore_mem>>) src(%dma_wait3A_1233 : memref<62500x16xf32, #tpu.memory_space<hbm>>) dst(%dma_wait3A_1227 : memref<128x16xf32, #tpu.memory_space<vmem>>)
    %dma_wait3A_1234 = arith.constant 2 : i32
    %dma_wait3A_1235 = arith.constant 256 : i32
    %dma_wait3A_1236 = arith.constant 0 : i32
    %dma_wait3A_1237 = tpu.memref_slice %arg25[%dma_wait3A_1235, %dma_wait3A_1236] : memref<512x16xf32, #tpu.memory_space<vmem>> -> memref<128x16xf32, #tpu.memory_space<vmem>>
    %dma_wait3A_1238 = arith.constant 0 : i32
    %dma_wait3A_1239 = tpu.memref_slice %arg23[%dma_wait3A_1234, %dma_wait3A_1238] : memref<4x128xi32, #tpu.memory_space<vmem>> -> memref<1x128xi32, #tpu.memory_space<vmem>>
    %dma_wait3A_1240 = tpu.memref_squeeze %dma_wait3A_1239 : memref<1x128xi32, #tpu.memory_space<vmem>> -> memref<128xi32, #tpu.memory_space<vmem>>
    %dma_wait3A_1241 = arith.constant 0 : i32
    %dma_wait3A_1242 = arith.constant 0 : i32
    %dma_wait3A_1243 = tpu.memref_slice %arg9[%dma_wait3A_1241, %dma_wait3A_1242] : memref<62500x16xf32, #tpu.memory_space<hbm>> -> memref<62500x16xf32, #tpu.memory_space<hbm>>
    tpu.wait_indirect_dma semaphore(%arg30 : memref<!tpu.dma_semaphore, #tpu.memory_space<semaphore_mem>>) src(%dma_wait3A_1243 : memref<62500x16xf32, #tpu.memory_space<hbm>>) dst(%dma_wait3A_1237 : memref<128x16xf32, #tpu.memory_space<vmem>>)
    %dma_wait3A_1244 = arith.constant 2 : i32
    %dma_wait3A_1245 = arith.constant 256 : i32
    %dma_wait3A_1246 = arith.constant 0 : i32
    %dma_wait3A_1247 = tpu.memref_slice %arg26[%dma_wait3A_1245, %dma_wait3A_1246] : memref<512x16xf32, #tpu.memory_space<vmem>> -> memref<128x16xf32, #tpu.memory_space<vmem>>
    %dma_wait3A_1248 = arith.constant 0 : i32
    %dma_wait3A_1249 = tpu.memref_slice %arg22[%dma_wait3A_1244, %dma_wait3A_1248] : memref<4x128xi32, #tpu.memory_space<vmem>> -> memref<1x128xi32, #tpu.memory_space<vmem>>
    %dma_wait3A_1250 = tpu.memref_squeeze %dma_wait3A_1249 : memref<1x128xi32, #tpu.memory_space<vmem>> -> memref<128xi32, #tpu.memory_space<vmem>>
    %dma_wait3A_1251 = arith.constant 0 : i32
    %dma_wait3A_1252 = arith.constant 0 : i32
    %dma_wait3A_1253 = tpu.memref_slice %arg10[%dma_wait3A_1251, %dma_wait3A_1252] : memref<62500x16xf32, #tpu.memory_space<hbm>> -> memref<62500x16xf32, #tpu.memory_space<hbm>>
    tpu.wait_indirect_dma semaphore(%arg30 : memref<!tpu.dma_semaphore, #tpu.memory_space<semaphore_mem>>) src(%dma_wait3A_1253 : memref<62500x16xf32, #tpu.memory_space<hbm>>) dst(%dma_wait3A_1247 : memref<128x16xf32, #tpu.memory_space<vmem>>)
    %dma_wait3A_1254 = arith.constant 2 : i32
    %dma_wait3A_1255 = arith.constant 256 : i32
    %dma_wait3A_1256 = arith.constant 0 : i32
    %dma_wait3A_1257 = tpu.memref_slice %arg27[%dma_wait3A_1255, %dma_wait3A_1256] : memref<512x16xf32, #tpu.memory_space<vmem>> -> memref<128x16xf32, #tpu.memory_space<vmem>>
    %dma_wait3A_1258 = arith.constant 0 : i32
    %dma_wait3A_1259 = tpu.memref_slice %arg23[%dma_wait3A_1254, %dma_wait3A_1258] : memref<4x128xi32, #tpu.memory_space<vmem>> -> memref<1x128xi32, #tpu.memory_space<vmem>>
    %dma_wait3A_1260 = tpu.memref_squeeze %dma_wait3A_1259 : memref<1x128xi32, #tpu.memory_space<vmem>> -> memref<128xi32, #tpu.memory_space<vmem>>
    %dma_wait3A_1261 = arith.constant 0 : i32
    %dma_wait3A_1262 = arith.constant 0 : i32
    %dma_wait3A_1263 = tpu.memref_slice %arg11[%dma_wait3A_1261, %dma_wait3A_1262] : memref<62500x16xf32, #tpu.memory_space<hbm>> -> memref<62500x16xf32, #tpu.memory_space<hbm>>
    tpu.wait_indirect_dma semaphore(%arg30 : memref<!tpu.dma_semaphore, #tpu.memory_space<semaphore_mem>>) src(%dma_wait3A_1263 : memref<62500x16xf32, #tpu.memory_space<hbm>>) dst(%dma_wait3A_1257 : memref<128x16xf32, #tpu.memory_space<vmem>>)
    %dma_wait3A_1264 = arith.constant 3 : i32
    %dma_wait3A_1265 = arith.constant 384 : i32
    %dma_wait3A_1266 = arith.constant 0 : i32
    %dma_wait3A_1267 = tpu.memref_slice %arg18[%dma_wait3A_1265, %dma_wait3A_1266] : memref<512x32xf32, #tpu.memory_space<vmem>> -> memref<128x32xf32, #tpu.memory_space<vmem>>
    %dma_wait3A_1268 = arith.constant 0 : i32
    %dma_wait3A_1269 = tpu.memref_slice %arg16[%dma_wait3A_1264, %dma_wait3A_1268] : memref<4x128xi32, #tpu.memory_space<vmem>> -> memref<1x128xi32, #tpu.memory_space<vmem>>
    %dma_wait3A_1270 = tpu.memref_squeeze %dma_wait3A_1269 : memref<1x128xi32, #tpu.memory_space<vmem>> -> memref<128xi32, #tpu.memory_space<vmem>>
    %dma_wait3A_1271 = arith.constant 0 : i32
    %dma_wait3A_1272 = arith.constant 0 : i32
    %dma_wait3A_1273 = tpu.memref_slice %arg4[%dma_wait3A_1271, %dma_wait3A_1272] : memref<1000000x32xf32, #tpu.memory_space<hbm>> -> memref<1000000x32xf32, #tpu.memory_space<hbm>>
    tpu.wait_indirect_dma semaphore(%arg30 : memref<!tpu.dma_semaphore, #tpu.memory_space<semaphore_mem>>) src(%dma_wait3A_1273 : memref<1000000x32xf32, #tpu.memory_space<hbm>>) dst(%dma_wait3A_1267 : memref<128x32xf32, #tpu.memory_space<vmem>>)
    %dma_wait3A_1274 = arith.constant 3 : i32
    %dma_wait3A_1275 = arith.constant 384 : i32
    %dma_wait3A_1276 = arith.constant 0 : i32
    %dma_wait3A_1277 = tpu.memref_slice %arg19[%dma_wait3A_1275, %dma_wait3A_1276] : memref<512x32xf32, #tpu.memory_space<vmem>> -> memref<128x32xf32, #tpu.memory_space<vmem>>
    %dma_wait3A_1278 = arith.constant 0 : i32
    %dma_wait3A_1279 = tpu.memref_slice %arg17[%dma_wait3A_1274, %dma_wait3A_1278] : memref<4x128xi32, #tpu.memory_space<vmem>> -> memref<1x128xi32, #tpu.memory_space<vmem>>
    %dma_wait3A_1280 = tpu.memref_squeeze %dma_wait3A_1279 : memref<1x128xi32, #tpu.memory_space<vmem>> -> memref<128xi32, #tpu.memory_space<vmem>>
    %dma_wait3A_1281 = arith.constant 0 : i32
    %dma_wait3A_1282 = arith.constant 0 : i32
    %dma_wait3A_1283 = tpu.memref_slice %arg5[%dma_wait3A_1281, %dma_wait3A_1282] : memref<1000000x32xf32, #tpu.memory_space<hbm>> -> memref<1000000x32xf32, #tpu.memory_space<hbm>>
    tpu.wait_indirect_dma semaphore(%arg30 : memref<!tpu.dma_semaphore, #tpu.memory_space<semaphore_mem>>) src(%dma_wait3A_1283 : memref<1000000x32xf32, #tpu.memory_space<hbm>>) dst(%dma_wait3A_1277 : memref<128x32xf32, #tpu.memory_space<vmem>>)
    %dma_wait3A_1284 = arith.constant 3 : i32
    %dma_wait3A_1285 = arith.constant 384 : i32
    %dma_wait3A_1286 = arith.constant 0 : i32
    %dma_wait3A_1287 = tpu.memref_slice %arg20[%dma_wait3A_1285, %dma_wait3A_1286] : memref<512x32xf32, #tpu.memory_space<vmem>> -> memref<128x32xf32, #tpu.memory_space<vmem>>
    %dma_wait3A_1288 = arith.constant 0 : i32
    %dma_wait3A_1289 = tpu.memref_slice %arg16[%dma_wait3A_1284, %dma_wait3A_1288] : memref<4x128xi32, #tpu.memory_space<vmem>> -> memref<1x128xi32, #tpu.memory_space<vmem>>
    %dma_wait3A_1290 = tpu.memref_squeeze %dma_wait3A_1289 : memref<1x128xi32, #tpu.memory_space<vmem>> -> memref<128xi32, #tpu.memory_space<vmem>>
    %dma_wait3A_1291 = arith.constant 0 : i32
    %dma_wait3A_1292 = arith.constant 0 : i32
    %dma_wait3A_1293 = tpu.memref_slice %arg6[%dma_wait3A_1291, %dma_wait3A_1292] : memref<1000000x32xf32, #tpu.memory_space<hbm>> -> memref<1000000x32xf32, #tpu.memory_space<hbm>>
    tpu.wait_indirect_dma semaphore(%arg30 : memref<!tpu.dma_semaphore, #tpu.memory_space<semaphore_mem>>) src(%dma_wait3A_1293 : memref<1000000x32xf32, #tpu.memory_space<hbm>>) dst(%dma_wait3A_1287 : memref<128x32xf32, #tpu.memory_space<vmem>>)
    %dma_wait3A_1294 = arith.constant 3 : i32
    %dma_wait3A_1295 = arith.constant 384 : i32
    %dma_wait3A_1296 = arith.constant 0 : i32
    %dma_wait3A_1297 = tpu.memref_slice %arg21[%dma_wait3A_1295, %dma_wait3A_1296] : memref<512x32xf32, #tpu.memory_space<vmem>> -> memref<128x32xf32, #tpu.memory_space<vmem>>
    %dma_wait3A_1298 = arith.constant 0 : i32
    %dma_wait3A_1299 = tpu.memref_slice %arg17[%dma_wait3A_1294, %dma_wait3A_1298] : memref<4x128xi32, #tpu.memory_space<vmem>> -> memref<1x128xi32, #tpu.memory_space<vmem>>
    %dma_wait3A_1300 = tpu.memref_squeeze %dma_wait3A_1299 : memref<1x128xi32, #tpu.memory_space<vmem>> -> memref<128xi32, #tpu.memory_space<vmem>>
    %dma_wait3A_1301 = arith.constant 0 : i32
    %dma_wait3A_1302 = arith.constant 0 : i32
    %dma_wait3A_1303 = tpu.memref_slice %arg7[%dma_wait3A_1301, %dma_wait3A_1302] : memref<1000000x32xf32, #tpu.memory_space<hbm>> -> memref<1000000x32xf32, #tpu.memory_space<hbm>>
    tpu.wait_indirect_dma semaphore(%arg30 : memref<!tpu.dma_semaphore, #tpu.memory_space<semaphore_mem>>) src(%dma_wait3A_1303 : memref<1000000x32xf32, #tpu.memory_space<hbm>>) dst(%dma_wait3A_1297 : memref<128x32xf32, #tpu.memory_space<vmem>>)
    %dma_wait3A_1304 = arith.constant 3 : i32
    %dma_wait3A_1305 = arith.constant 384 : i32
    %dma_wait3A_1306 = arith.constant 0 : i32
    %dma_wait3A_1307 = tpu.memref_slice %arg24[%dma_wait3A_1305, %dma_wait3A_1306] : memref<512x16xf32, #tpu.memory_space<vmem>> -> memref<128x16xf32, #tpu.memory_space<vmem>>
    %dma_wait3A_1308 = arith.constant 0 : i32
    %dma_wait3A_1309 = tpu.memref_slice %arg22[%dma_wait3A_1304, %dma_wait3A_1308] : memref<4x128xi32, #tpu.memory_space<vmem>> -> memref<1x128xi32, #tpu.memory_space<vmem>>
    %dma_wait3A_1310 = tpu.memref_squeeze %dma_wait3A_1309 : memref<1x128xi32, #tpu.memory_space<vmem>> -> memref<128xi32, #tpu.memory_space<vmem>>
    %dma_wait3A_1311 = arith.constant 0 : i32
    %dma_wait3A_1312 = arith.constant 0 : i32
    %dma_wait3A_1313 = tpu.memref_slice %arg8[%dma_wait3A_1311, %dma_wait3A_1312] : memref<62500x16xf32, #tpu.memory_space<hbm>> -> memref<62500x16xf32, #tpu.memory_space<hbm>>
    tpu.wait_indirect_dma semaphore(%arg30 : memref<!tpu.dma_semaphore, #tpu.memory_space<semaphore_mem>>) src(%dma_wait3A_1313 : memref<62500x16xf32, #tpu.memory_space<hbm>>) dst(%dma_wait3A_1307 : memref<128x16xf32, #tpu.memory_space<vmem>>)
    %dma_wait3A_1314 = arith.constant 3 : i32
    %dma_wait3A_1315 = arith.constant 384 : i32
    %dma_wait3A_1316 = arith.constant 0 : i32
    %dma_wait3A_1317 = tpu.memref_slice %arg25[%dma_wait3A_1315, %dma_wait3A_1316] : memref<512x16xf32, #tpu.memory_space<vmem>> -> memref<128x16xf32, #tpu.memory_space<vmem>>
    %dma_wait3A_1318 = arith.constant 0 : i32
    %dma_wait3A_1319 = tpu.memref_slice %arg23[%dma_wait3A_1314, %dma_wait3A_1318] : memref<4x128xi32, #tpu.memory_space<vmem>> -> memref<1x128xi32, #tpu.memory_space<vmem>>
    %dma_wait3A_1320 = tpu.memref_squeeze %dma_wait3A_1319 : memref<1x128xi32, #tpu.memory_space<vmem>> -> memref<128xi32, #tpu.memory_space<vmem>>
    %dma_wait3A_1321 = arith.constant 0 : i32
    %dma_wait3A_1322 = arith.constant 0 : i32
    %dma_wait3A_1323 = tpu.memref_slice %arg9[%dma_wait3A_1321, %dma_wait3A_1322] : memref<62500x16xf32, #tpu.memory_space<hbm>> -> memref<62500x16xf32, #tpu.memory_space<hbm>>
    tpu.wait_indirect_dma semaphore(%arg30 : memref<!tpu.dma_semaphore, #tpu.memory_space<semaphore_mem>>) src(%dma_wait3A_1323 : memref<62500x16xf32, #tpu.memory_space<hbm>>) dst(%dma_wait3A_1317 : memref<128x16xf32, #tpu.memory_space<vmem>>)
    %dma_wait3A_1324 = arith.constant 3 : i32
    %dma_wait3A_1325 = arith.constant 384 : i32
    %dma_wait3A_1326 = arith.constant 0 : i32
    %dma_wait3A_1327 = tpu.memref_slice %arg26[%dma_wait3A_1325, %dma_wait3A_1326] : memref<512x16xf32, #tpu.memory_space<vmem>> -> memref<128x16xf32, #tpu.memory_space<vmem>>
    %dma_wait3A_1328 = arith.constant 0 : i32
    %dma_wait3A_1329 = tpu.memref_slice %arg22[%dma_wait3A_1324, %dma_wait3A_1328] : memref<4x128xi32, #tpu.memory_space<vmem>> -> memref<1x128xi32, #tpu.memory_space<vmem>>
    %dma_wait3A_1330 = tpu.memref_squeeze %dma_wait3A_1329 : memref<1x128xi32, #tpu.memory_space<vmem>> -> memref<128xi32, #tpu.memory_space<vmem>>
    %dma_wait3A_1331 = arith.constant 0 : i32
    %dma_wait3A_1332 = arith.constant 0 : i32
    %dma_wait3A_1333 = tpu.memref_slice %arg10[%dma_wait3A_1331, %dma_wait3A_1332] : memref<62500x16xf32, #tpu.memory_space<hbm>> -> memref<62500x16xf32, #tpu.memory_space<hbm>>
    tpu.wait_indirect_dma semaphore(%arg30 : memref<!tpu.dma_semaphore, #tpu.memory_space<semaphore_mem>>) src(%dma_wait3A_1333 : memref<62500x16xf32, #tpu.memory_space<hbm>>) dst(%dma_wait3A_1327 : memref<128x16xf32, #tpu.memory_space<vmem>>)
    %dma_wait3A_1334 = arith.constant 3 : i32
    %dma_wait3A_1335 = arith.constant 384 : i32
    %dma_wait3A_1336 = arith.constant 0 : i32
    %dma_wait3A_1337 = tpu.memref_slice %arg27[%dma_wait3A_1335, %dma_wait3A_1336] : memref<512x16xf32, #tpu.memory_space<vmem>> -> memref<128x16xf32, #tpu.memory_space<vmem>>
    %dma_wait3A_1338 = arith.constant 0 : i32
    %dma_wait3A_1339 = tpu.memref_slice %arg23[%dma_wait3A_1334, %dma_wait3A_1338] : memref<4x128xi32, #tpu.memory_space<vmem>> -> memref<1x128xi32, #tpu.memory_space<vmem>>
    %dma_wait3A_1340 = tpu.memref_squeeze %dma_wait3A_1339 : memref<1x128xi32, #tpu.memory_space<vmem>> -> memref<128xi32, #tpu.memory_space<vmem>>
    %dma_wait3A_1341 = arith.constant 0 : i32
    %dma_wait3A_1342 = arith.constant 0 : i32
    %dma_wait3A_1343 = tpu.memref_slice %arg11[%dma_wait3A_1341, %dma_wait3A_1342] : memref<62500x16xf32, #tpu.memory_space<hbm>> -> memref<62500x16xf32, #tpu.memory_space<hbm>>
    tpu.wait_indirect_dma semaphore(%arg30 : memref<!tpu.dma_semaphore, #tpu.memory_space<semaphore_mem>>) src(%dma_wait3A_1343 : memref<62500x16xf32, #tpu.memory_space<hbm>>) dst(%dma_wait3A_1337 : memref<128x16xf32, #tpu.memory_space<vmem>>)
    %scan3A = arith.constant 0 : i32
    %scan3A_1344 = arith.constant 512 : i32
    %scan3A_1345 = arith.addi %scan3A, %scan3A_1344 : i32
    %scan3A_1346 = arith.constant 1 : i32
    scf.for %scan3A_2210 = %scan3A to %scan3A_1345 step %scan3A_1346  : i32 {
      %mul3A_2211 = arith.constant 1 : i32
      %mul3A_2212 = arith.muli %scan3A_2210, %mul3A_2211 : i32
      %add3A_2213 = arith.constant 0 : i32
      %add3A_2214 = arith.addi %add3A_2213, %mul3A_2212 : i32
      %get3A_2215 = arith.index_cast %add3A_2214 : i32 to index
      %get3A_2216 = arith.constant 0 : index
      %get3A_2217 = tpu.vector_load %arg18[%get3A_2215, %get3A_2216] {strides = array<i32>} : memref<512x32xf32, #tpu.memory_space<vmem>>, vector<16xf32>,
      %get3A_2218 = arith.index_cast %add3A_2214 : i32 to index
      %get3A_2219 = arith.constant 0 : index
      %get3A_2220 = tpu.vector_load %arg19[%get3A_2218, %get3A_2219] {strides = array<i32>} : memref<512x32xf32, #tpu.memory_space<vmem>>, vector<16xf32>,
      %mul3A_2221 = arith.mulf %get3A_2217, %get3A_2220 : vector<16xf32>
      %swap3A_2222 = arith.index_cast %add3A_2214 : i32 to index
      %swap3A_2223 = arith.constant 0 : index
      %swap3A_2224 = tpu.vector_load %arg18[%swap3A_2222, %swap3A_2223] {strides = array<i32>} : memref<512x32xf32, #tpu.memory_space<vmem>>, vector<16xf32>,
      tpu.vector_store %arg18[%swap3A_2222, %swap3A_2223], %mul3A_2221 {strides = array<i32>} : memref<512x32xf32, #tpu.memory_space<vmem>>, vector<16xf32>,
      %get3A_2225 = arith.index_cast %add3A_2214 : i32 to index
      %get3A_2226 = arith.constant 0 : index
      %get3A_2227 = tpu.vector_load %arg20[%get3A_2225, %get3A_2226] {strides = array<i32>} : memref<512x32xf32, #tpu.memory_space<vmem>>, vector<16xf32>,
      %get3A_2228 = arith.index_cast %add3A_2214 : i32 to index
      %get3A_2229 = arith.constant 0 : index
      %get3A_2230 = tpu.vector_load %arg21[%get3A_2228, %get3A_2229] {strides = array<i32>} : memref<512x32xf32, #tpu.memory_space<vmem>>, vector<16xf32>,
      %mul3A_2231 = arith.mulf %get3A_2227, %get3A_2230 : vector<16xf32>
      %swap3A_2232 = arith.index_cast %add3A_2214 : i32 to index
      %swap3A_2233 = arith.constant 0 : index
      %swap3A_2234 = tpu.vector_load %arg20[%swap3A_2232, %swap3A_2233] {strides = array<i32>} : memref<512x32xf32, #tpu.memory_space<vmem>>, vector<16xf32>,
      tpu.vector_store %arg20[%swap3A_2232, %swap3A_2233], %mul3A_2231 {strides = array<i32>} : memref<512x32xf32, #tpu.memory_space<vmem>>, vector<16xf32>,
      %get3A_2235 = arith.index_cast %add3A_2214 : i32 to index
      %get3A_2236 = arith.constant 16 : index
      %get3A_2237 = tpu.vector_load %arg18[%get3A_2235, %get3A_2236] {strides = array<i32>} : memref<512x32xf32, #tpu.memory_space<vmem>>, vector<16xf32>,
      %get3A_2238 = arith.index_cast %add3A_2214 : i32 to index
      %get3A_2239 = arith.constant 16 : index
      %get3A_2240 = tpu.vector_load %arg19[%get3A_2238, %get3A_2239] {strides = array<i32>} : memref<512x32xf32, #tpu.memory_space<vmem>>, vector<16xf32>,
      %mul3A_2241 = arith.mulf %get3A_2237, %get3A_2240 : vector<16xf32>
      %swap3A_2242 = arith.index_cast %add3A_2214 : i32 to index
      %swap3A_2243 = arith.constant 16 : index
      %swap3A_2244 = tpu.vector_load %arg18[%swap3A_2242, %swap3A_2243] {strides = array<i32>} : memref<512x32xf32, #tpu.memory_space<vmem>>, vector<16xf32>,
      tpu.vector_store %arg18[%swap3A_2242, %swap3A_2243], %mul3A_2241 {strides = array<i32>} : memref<512x32xf32, #tpu.memory_space<vmem>>, vector<16xf32>,
      %get3A_2245 = arith.index_cast %add3A_2214 : i32 to index
      %get3A_2246 = arith.constant 16 : index
      %get3A_2247 = tpu.vector_load %arg20[%get3A_2245, %get3A_2246] {strides = array<i32>} : memref<512x32xf32, #tpu.memory_space<vmem>>, vector<16xf32>,
      %get3A_2248 = arith.index_cast %add3A_2214 : i32 to index
      %get3A_2249 = arith.constant 16 : index
      %get3A_2250 = tpu.vector_load %arg21[%get3A_2248, %get3A_2249] {strides = array<i32>} : memref<512x32xf32, #tpu.memory_space<vmem>>, vector<16xf32>,
      %mul3A_2251 = arith.mulf %get3A_2247, %get3A_2250 : vector<16xf32>
      %swap3A_2252 = arith.index_cast %add3A_2214 : i32 to index
      %swap3A_2253 = arith.constant 16 : index
      %swap3A_2254 = tpu.vector_load %arg20[%swap3A_2252, %swap3A_2253] {strides = array<i32>} : memref<512x32xf32, #tpu.memory_space<vmem>>, vector<16xf32>,
      tpu.vector_store %arg20[%swap3A_2252, %swap3A_2253], %mul3A_2251 {strides = array<i32>} : memref<512x32xf32, #tpu.memory_space<vmem>>, vector<16xf32>,
    }
    %scan3A_1347 = arith.constant 512 : i32
    %iota3A = tpu.iota {dimensions = array<i32: 0>} : vector<16xi32>
    %add3A_1348 = arith.constant 0 : i32
    %add3A_1349 = vector.broadcast %add3A_1348 : i32 to vector<16xi32>
    %add3A_1350 = arith.addi %iota3A, %add3A_1349 : vector<16xi32>
    %get3A_1351 = arith.constant 0 : i32
    %get3A_1352 = arith.index_cast %get3A_1351 : i32 to index
    %get3A_1353 = arith.constant 0 : index
    %get3A_1354 = tpu.vector_load %arg16[%get3A_1352, %get3A_1353] {strides = array<i32>} : memref<4x128xi32, #tpu.memory_space<vmem>>, vector<16xi32>,
    %and3A = arith.constant 15 : i32
    %and3A_1355 = vector.broadcast %and3A : i32 to vector<16xi32>
    %and3A_1356 = arith.andi %get3A_1354, %and3A_1355 : vector<16xi32>
    %get3A_1357 = arith.constant 0 : i32
    %get3A_1358 = arith.index_cast %get3A_1357 : i32 to index
    %get3A_1359 = arith.constant 0 : index
    %get3A_1360 = tpu.vector_load %arg17[%get3A_1358, %get3A_1359] {strides = array<i32>} : memref<4x128xi32, #tpu.memory_space<vmem>>, vector<16xi32>,
    %and3A_1361 = arith.constant 15 : i32
    %and3A_1362 = vector.broadcast %and3A_1361 : i32 to vector<16xi32>
    %and3A_1363 = arith.andi %get3A_1360, %and3A_1362 : vector<16xi32>
    %gather3A = tpu.vector_load_idx %arg24[%add3A_1350, %and3A_1356] : memref<512x16xf32, #tpu.memory_space<vmem>>[vector<16xi32>, vector<16xi32>], vector<16xf32>,
    %gather3A_1364 = tpu.vector_load_idx %arg25[%add3A_1350, %and3A_1363] : memref<512x16xf32, #tpu.memory_space<vmem>>[vector<16xi32>, vector<16xi32>], vector<16xf32>,
    %add3A_1365 = arith.addf %gather3A, %gather3A_1364 : vector<16xf32>
    %swap3A_1366 = arith.constant 0 : index
    %swap3A_1367 = tpu.vector_load %arg28[%swap3A_1366] {strides = array<i32>} : memref<512xf32, #tpu.memory_space<vmem>>, vector<16xf32>,
    tpu.vector_store %arg28[%swap3A_1366], %add3A_1365 {strides = array<i32>} : memref<512xf32, #tpu.memory_space<vmem>>, vector<16xf32>,
    %gather3A_1368 = tpu.vector_load_idx %arg26[%add3A_1350, %and3A_1356] : memref<512x16xf32, #tpu.memory_space<vmem>>[vector<16xi32>, vector<16xi32>], vector<16xf32>,
    %gather3A_1369 = tpu.vector_load_idx %arg27[%add3A_1350, %and3A_1363] : memref<512x16xf32, #tpu.memory_space<vmem>>[vector<16xi32>, vector<16xi32>], vector<16xf32>,
    %add3A_1370 = arith.addf %gather3A_1368, %gather3A_1369 : vector<16xf32>
    %swap3A_1371 = arith.constant 0 : index
    %swap3A_1372 = tpu.vector_load %arg29[%swap3A_1371] {strides = array<i32>} : memref<512xf32, #tpu.memory_space<vmem>>, vector<16xf32>,
    tpu.vector_store %arg29[%swap3A_1371], %add3A_1370 {strides = array<i32>} : memref<512xf32, #tpu.memory_space<vmem>>, vector<16xf32>,
    %add3A_1373 = arith.constant 16 : i32
    %add3A_1374 = vector.broadcast %add3A_1373 : i32 to vector<16xi32>
    %add3A_1375 = arith.addi %iota3A, %add3A_1374 : vector<16xi32>
    %get3A_1376 = arith.constant 0 : i32
    %get3A_1377 = arith.index_cast %get3A_1376 : i32 to index
    %get3A_1378 = arith.constant 16 : index
    %get3A_1379 = tpu.vector_load %arg16[%get3A_1377, %get3A_1378] {strides = array<i32>} : memref<4x128xi32, #tpu.memory_space<vmem>>, vector<16xi32>,
    %and3A_1380 = arith.constant 15 : i32
    %and3A_1381 = vector.broadcast %and3A_1380 : i32 to vector<16xi32>
    %and3A_1382 = arith.andi %get3A_1379, %and3A_1381 : vector<16xi32>
    %get3A_1383 = arith.constant 0 : i32
    %get3A_1384 = arith.index_cast %get3A_1383 : i32 to index
    %get3A_1385 = arith.constant 16 : index
    %get3A_1386 = tpu.vector_load %arg17[%get3A_1384, %get3A_1385] {strides = array<i32>} : memref<4x128xi32, #tpu.memory_space<vmem>>, vector<16xi32>,
    %and3A_1387 = arith.constant 15 : i32
    %and3A_1388 = vector.broadcast %and3A_1387 : i32 to vector<16xi32>
    %and3A_1389 = arith.andi %get3A_1386, %and3A_1388 : vector<16xi32>
    %gather3A_1390 = tpu.vector_load_idx %arg24[%add3A_1375, %and3A_1382] : memref<512x16xf32, #tpu.memory_space<vmem>>[vector<16xi32>, vector<16xi32>], vector<16xf32>,
    %gather3A_1391 = tpu.vector_load_idx %arg25[%add3A_1375, %and3A_1389] : memref<512x16xf32, #tpu.memory_space<vmem>>[vector<16xi32>, vector<16xi32>], vector<16xf32>,
    %add3A_1392 = arith.addf %gather3A_1390, %gather3A_1391 : vector<16xf32>
    %swap3A_1393 = arith.constant 16 : index
    %swap3A_1394 = tpu.vector_load %arg28[%swap3A_1393] {strides = array<i32>} : memref<512xf32, #tpu.memory_space<vmem>>, vector<16xf32>,
    tpu.vector_store %arg28[%swap3A_1393], %add3A_1392 {strides = array<i32>} : memref<512xf32, #tpu.memory_space<vmem>>, vector<16xf32>,
    %gather3A_1395 = tpu.vector_load_idx %arg26[%add3A_1375, %and3A_1382] : memref<512x16xf32, #tpu.memory_space<vmem>>[vector<16xi32>, vector<16xi32>], vector<16xf32>,
    %gather3A_1396 = tpu.vector_load_idx %arg27[%add3A_1375, %and3A_1389] : memref<512x16xf32, #tpu.memory_space<vmem>>[vector<16xi32>, vector<16xi32>], vector<16xf32>,
    %add3A_1397 = arith.addf %gather3A_1395, %gather3A_1396 : vector<16xf32>
    %swap3A_1398 = arith.constant 16 : index
    %swap3A_1399 = tpu.vector_load %arg29[%swap3A_1398] {strides = array<i32>} : memref<512xf32, #tpu.memory_space<vmem>>, vector<16xf32>,
    tpu.vector_store %arg29[%swap3A_1398], %add3A_1397 {strides = array<i32>} : memref<512xf32, #tpu.memory_space<vmem>>, vector<16xf32>,
    %add3A_1400 = arith.constant 32 : i32
    %add3A_1401 = vector.broadcast %add3A_1400 : i32 to vector<16xi32>
    %add3A_1402 = arith.addi %iota3A, %add3A_1401 : vector<16xi32>
    %get3A_1403 = arith.constant 0 : i32
    %get3A_1404 = arith.index_cast %get3A_1403 : i32 to index
    %get3A_1405 = arith.constant 32 : index
    %get3A_1406 = tpu.vector_load %arg16[%get3A_1404, %get3A_1405] {strides = array<i32>} : memref<4x128xi32, #tpu.memory_space<vmem>>, vector<16xi32>,
    %and3A_1407 = arith.constant 15 : i32
    %and3A_1408 = vector.broadcast %and3A_1407 : i32 to vector<16xi32>
    %and3A_1409 = arith.andi %get3A_1406, %and3A_1408 : vector<16xi32>
    %get3A_1410 = arith.constant 0 : i32
    %get3A_1411 = arith.index_cast %get3A_1410 : i32 to index
    %get3A_1412 = arith.constant 32 : index
    %get3A_1413 = tpu.vector_load %arg17[%get3A_1411, %get3A_1412] {strides = array<i32>} : memref<4x128xi32, #tpu.memory_space<vmem>>, vector<16xi32>,
    %and3A_1414 = arith.constant 15 : i32
    %and3A_1415 = vector.broadcast %and3A_1414 : i32 to vector<16xi32>
    %and3A_1416 = arith.andi %get3A_1413, %and3A_1415 : vector<16xi32>
    %gather3A_1417 = tpu.vector_load_idx %arg24[%add3A_1402, %and3A_1409] : memref<512x16xf32, #tpu.memory_space<vmem>>[vector<16xi32>, vector<16xi32>], vector<16xf32>,
    %gather3A_1418 = tpu.vector_load_idx %arg25[%add3A_1402, %and3A_1416] : memref<512x16xf32, #tpu.memory_space<vmem>>[vector<16xi32>, vector<16xi32>], vector<16xf32>,
    %add3A_1419 = arith.addf %gather3A_1417, %gather3A_1418 : vector<16xf32>
    %swap3A_1420 = arith.constant 32 : index
    %swap3A_1421 = tpu.vector_load %arg28[%swap3A_1420] {strides = array<i32>} : memref<512xf32, #tpu.memory_space<vmem>>, vector<16xf32>,
    tpu.vector_store %arg28[%swap3A_1420], %add3A_1419 {strides = array<i32>} : memref<512xf32, #tpu.memory_space<vmem>>, vector<16xf32>,
    %gather3A_1422 = tpu.vector_load_idx %arg26[%add3A_1402, %and3A_1409] : memref<512x16xf32, #tpu.memory_space<vmem>>[vector<16xi32>, vector<16xi32>], vector<16xf32>,
    %gather3A_1423 = tpu.vector_load_idx %arg27[%add3A_1402, %and3A_1416] : memref<512x16xf32, #tpu.memory_space<vmem>>[vector<16xi32>, vector<16xi32>], vector<16xf32>,
    %add3A_1424 = arith.addf %gather3A_1422, %gather3A_1423 : vector<16xf32>
    %swap3A_1425 = arith.constant 32 : index
    %swap3A_1426 = tpu.vector_load %arg29[%swap3A_1425] {strides = array<i32>} : memref<512xf32, #tpu.memory_space<vmem>>, vector<16xf32>,
    tpu.vector_store %arg29[%swap3A_1425], %add3A_1424 {strides = array<i32>} : memref<512xf32, #tpu.memory_space<vmem>>, vector<16xf32>,
    %add3A_1427 = arith.constant 48 : i32
    %add3A_1428 = vector.broadcast %add3A_1427 : i32 to vector<16xi32>
    %add3A_1429 = arith.addi %iota3A, %add3A_1428 : vector<16xi32>
    %get3A_1430 = arith.constant 0 : i32
    %get3A_1431 = arith.index_cast %get3A_1430 : i32 to index
    %get3A_1432 = arith.constant 48 : index
    %get3A_1433 = tpu.vector_load %arg16[%get3A_1431, %get3A_1432] {strides = array<i32>} : memref<4x128xi32, #tpu.memory_space<vmem>>, vector<16xi32>,
    %and3A_1434 = arith.constant 15 : i32
    %and3A_1435 = vector.broadcast %and3A_1434 : i32 to vector<16xi32>
    %and3A_1436 = arith.andi %get3A_1433, %and3A_1435 : vector<16xi32>
    %get3A_1437 = arith.constant 0 : i32
    %get3A_1438 = arith.index_cast %get3A_1437 : i32 to index
    %get3A_1439 = arith.constant 48 : index
    %get3A_1440 = tpu.vector_load %arg17[%get3A_1438, %get3A_1439] {strides = array<i32>} : memref<4x128xi32, #tpu.memory_space<vmem>>, vector<16xi32>,
    %and3A_1441 = arith.constant 15 : i32
    %and3A_1442 = vector.broadcast %and3A_1441 : i32 to vector<16xi32>
    %and3A_1443 = arith.andi %get3A_1440, %and3A_1442 : vector<16xi32>
    %gather3A_1444 = tpu.vector_load_idx %arg24[%add3A_1429, %and3A_1436] : memref<512x16xf32, #tpu.memory_space<vmem>>[vector<16xi32>, vector<16xi32>], vector<16xf32>,
    %gather3A_1445 = tpu.vector_load_idx %arg25[%add3A_1429, %and3A_1443] : memref<512x16xf32, #tpu.memory_space<vmem>>[vector<16xi32>, vector<16xi32>], vector<16xf32>,
    %add3A_1446 = arith.addf %gather3A_1444, %gather3A_1445 : vector<16xf32>
    %swap3A_1447 = arith.constant 48 : index
    %swap3A_1448 = tpu.vector_load %arg28[%swap3A_1447] {strides = array<i32>} : memref<512xf32, #tpu.memory_space<vmem>>, vector<16xf32>,
    tpu.vector_store %arg28[%swap3A_1447], %add3A_1446 {strides = array<i32>} : memref<512xf32, #tpu.memory_space<vmem>>, vector<16xf32>,
    %gather3A_1449 = tpu.vector_load_idx %arg26[%add3A_1429, %and3A_1436] : memref<512x16xf32, #tpu.memory_space<vmem>>[vector<16xi32>, vector<16xi32>], vector<16xf32>,
    %gather3A_1450 = tpu.vector_load_idx %arg27[%add3A_1429, %and3A_1443] : memref<512x16xf32, #tpu.memory_space<vmem>>[vector<16xi32>, vector<16xi32>], vector<16xf32>,
    %add3A_1451 = arith.addf %gather3A_1449, %gather3A_1450 : vector<16xf32>
    %swap3A_1452 = arith.constant 48 : index
    %swap3A_1453 = tpu.vector_load %arg29[%swap3A_1452] {strides = array<i32>} : memref<512xf32, #tpu.memory_space<vmem>>, vector<16xf32>,
    tpu.vector_store %arg29[%swap3A_1452], %add3A_1451 {strides = array<i32>} : memref<512xf32, #tpu.memory_space<vmem>>, vector<16xf32>,
    %add3A_1454 = arith.constant 64 : i32
    %add3A_1455 = vector.broadcast %add3A_1454 : i32 to vector<16xi32>
    %add3A_1456 = arith.addi %iota3A, %add3A_1455 : vector<16xi32>
    %get3A_1457 = arith.constant 0 : i32
    %get3A_1458 = arith.index_cast %get3A_1457 : i32 to index
    %get3A_1459 = arith.constant 64 : index
    %get3A_1460 = tpu.vector_load %arg16[%get3A_1458, %get3A_1459] {strides = array<i32>} : memref<4x128xi32, #tpu.memory_space<vmem>>, vector<16xi32>,
    %and3A_1461 = arith.constant 15 : i32
    %and3A_1462 = vector.broadcast %and3A_1461 : i32 to vector<16xi32>
    %and3A_1463 = arith.andi %get3A_1460, %and3A_1462 : vector<16xi32>
    %get3A_1464 = arith.constant 0 : i32
    %get3A_1465 = arith.index_cast %get3A_1464 : i32 to index
    %get3A_1466 = arith.constant 64 : index
    %get3A_1467 = tpu.vector_load %arg17[%get3A_1465, %get3A_1466] {strides = array<i32>} : memref<4x128xi32, #tpu.memory_space<vmem>>, vector<16xi32>,
    %and3A_1468 = arith.constant 15 : i32
    %and3A_1469 = vector.broadcast %and3A_1468 : i32 to vector<16xi32>
    %and3A_1470 = arith.andi %get3A_1467, %and3A_1469 : vector<16xi32>
    %gather3A_1471 = tpu.vector_load_idx %arg24[%add3A_1456, %and3A_1463] : memref<512x16xf32, #tpu.memory_space<vmem>>[vector<16xi32>, vector<16xi32>], vector<16xf32>,
    %gather3A_1472 = tpu.vector_load_idx %arg25[%add3A_1456, %and3A_1470] : memref<512x16xf32, #tpu.memory_space<vmem>>[vector<16xi32>, vector<16xi32>], vector<16xf32>,
    %add3A_1473 = arith.addf %gather3A_1471, %gather3A_1472 : vector<16xf32>
    %swap3A_1474 = arith.constant 64 : index
    %swap3A_1475 = tpu.vector_load %arg28[%swap3A_1474] {strides = array<i32>} : memref<512xf32, #tpu.memory_space<vmem>>, vector<16xf32>,
    tpu.vector_store %arg28[%swap3A_1474], %add3A_1473 {strides = array<i32>} : memref<512xf32, #tpu.memory_space<vmem>>, vector<16xf32>,
    %gather3A_1476 = tpu.vector_load_idx %arg26[%add3A_1456, %and3A_1463] : memref<512x16xf32, #tpu.memory_space<vmem>>[vector<16xi32>, vector<16xi32>], vector<16xf32>,
    %gather3A_1477 = tpu.vector_load_idx %arg27[%add3A_1456, %and3A_1470] : memref<512x16xf32, #tpu.memory_space<vmem>>[vector<16xi32>, vector<16xi32>], vector<16xf32>,
    %add3A_1478 = arith.addf %gather3A_1476, %gather3A_1477 : vector<16xf32>
    %swap3A_1479 = arith.constant 64 : index
    %swap3A_1480 = tpu.vector_load %arg29[%swap3A_1479] {strides = array<i32>} : memref<512xf32, #tpu.memory_space<vmem>>, vector<16xf32>,
    tpu.vector_store %arg29[%swap3A_1479], %add3A_1478 {strides = array<i32>} : memref<512xf32, #tpu.memory_space<vmem>>, vector<16xf32>,
    %add3A_1481 = arith.constant 80 : i32
    %add3A_1482 = vector.broadcast %add3A_1481 : i32 to vector<16xi32>
    %add3A_1483 = arith.addi %iota3A, %add3A_1482 : vector<16xi32>
    %get3A_1484 = arith.constant 0 : i32
    %get3A_1485 = arith.index_cast %get3A_1484 : i32 to index
    %get3A_1486 = arith.constant 80 : index
    %get3A_1487 = tpu.vector_load %arg16[%get3A_1485, %get3A_1486] {strides = array<i32>} : memref<4x128xi32, #tpu.memory_space<vmem>>, vector<16xi32>,
    %and3A_1488 = arith.constant 15 : i32
    %and3A_1489 = vector.broadcast %and3A_1488 : i32 to vector<16xi32>
    %and3A_1490 = arith.andi %get3A_1487, %and3A_1489 : vector<16xi32>
    %get3A_1491 = arith.constant 0 : i32
    %get3A_1492 = arith.index_cast %get3A_1491 : i32 to index
    %get3A_1493 = arith.constant 80 : index
    %get3A_1494 = tpu.vector_load %arg17[%get3A_1492, %get3A_1493] {strides = array<i32>} : memref<4x128xi32, #tpu.memory_space<vmem>>, vector<16xi32>,
    %and3A_1495 = arith.constant 15 : i32
    %and3A_1496 = vector.broadcast %and3A_1495 : i32 to vector<16xi32>
    %and3A_1497 = arith.andi %get3A_1494, %and3A_1496 : vector<16xi32>
    %gather3A_1498 = tpu.vector_load_idx %arg24[%add3A_1483, %and3A_1490] : memref<512x16xf32, #tpu.memory_space<vmem>>[vector<16xi32>, vector<16xi32>], vector<16xf32>,
    %gather3A_1499 = tpu.vector_load_idx %arg25[%add3A_1483, %and3A_1497] : memref<512x16xf32, #tpu.memory_space<vmem>>[vector<16xi32>, vector<16xi32>], vector<16xf32>,
    %add3A_1500 = arith.addf %gather3A_1498, %gather3A_1499 : vector<16xf32>
    %swap3A_1501 = arith.constant 80 : index
    %swap3A_1502 = tpu.vector_load %arg28[%swap3A_1501] {strides = array<i32>} : memref<512xf32, #tpu.memory_space<vmem>>, vector<16xf32>,
    tpu.vector_store %arg28[%swap3A_1501], %add3A_1500 {strides = array<i32>} : memref<512xf32, #tpu.memory_space<vmem>>, vector<16xf32>,
    %gather3A_1503 = tpu.vector_load_idx %arg26[%add3A_1483, %and3A_1490] : memref<512x16xf32, #tpu.memory_space<vmem>>[vector<16xi32>, vector<16xi32>], vector<16xf32>,
    %gather3A_1504 = tpu.vector_load_idx %arg27[%add3A_1483, %and3A_1497] : memref<512x16xf32, #tpu.memory_space<vmem>>[vector<16xi32>, vector<16xi32>], vector<16xf32>,
    %add3A_1505 = arith.addf %gather3A_1503, %gather3A_1504 : vector<16xf32>
    %swap3A_1506 = arith.constant 80 : index
    %swap3A_1507 = tpu.vector_load %arg29[%swap3A_1506] {strides = array<i32>} : memref<512xf32, #tpu.memory_space<vmem>>, vector<16xf32>,
    tpu.vector_store %arg29[%swap3A_1506], %add3A_1505 {strides = array<i32>} : memref<512xf32, #tpu.memory_space<vmem>>, vector<16xf32>,
    %add3A_1508 = arith.constant 96 : i32
    %add3A_1509 = vector.broadcast %add3A_1508 : i32 to vector<16xi32>
    %add3A_1510 = arith.addi %iota3A, %add3A_1509 : vector<16xi32>
    %get3A_1511 = arith.constant 0 : i32
    %get3A_1512 = arith.index_cast %get3A_1511 : i32 to index
    %get3A_1513 = arith.constant 96 : index
    %get3A_1514 = tpu.vector_load %arg16[%get3A_1512, %get3A_1513] {strides = array<i32>} : memref<4x128xi32, #tpu.memory_space<vmem>>, vector<16xi32>,
    %and3A_1515 = arith.constant 15 : i32
    %and3A_1516 = vector.broadcast %and3A_1515 : i32 to vector<16xi32>
    %and3A_1517 = arith.andi %get3A_1514, %and3A_1516 : vector<16xi32>
    %get3A_1518 = arith.constant 0 : i32
    %get3A_1519 = arith.index_cast %get3A_1518 : i32 to index
    %get3A_1520 = arith.constant 96 : index
    %get3A_1521 = tpu.vector_load %arg17[%get3A_1519, %get3A_1520] {strides = array<i32>} : memref<4x128xi32, #tpu.memory_space<vmem>>, vector<16xi32>,
    %and3A_1522 = arith.constant 15 : i32
    %and3A_1523 = vector.broadcast %and3A_1522 : i32 to vector<16xi32>
    %and3A_1524 = arith.andi %get3A_1521, %and3A_1523 : vector<16xi32>
    %gather3A_1525 = tpu.vector_load_idx %arg24[%add3A_1510, %and3A_1517] : memref<512x16xf32, #tpu.memory_space<vmem>>[vector<16xi32>, vector<16xi32>], vector<16xf32>,
    %gather3A_1526 = tpu.vector_load_idx %arg25[%add3A_1510, %and3A_1524] : memref<512x16xf32, #tpu.memory_space<vmem>>[vector<16xi32>, vector<16xi32>], vector<16xf32>,
    %add3A_1527 = arith.addf %gather3A_1525, %gather3A_1526 : vector<16xf32>
    %swap3A_1528 = arith.constant 96 : index
    %swap3A_1529 = tpu.vector_load %arg28[%swap3A_1528] {strides = array<i32>} : memref<512xf32, #tpu.memory_space<vmem>>, vector<16xf32>,
    tpu.vector_store %arg28[%swap3A_1528], %add3A_1527 {strides = array<i32>} : memref<512xf32, #tpu.memory_space<vmem>>, vector<16xf32>,
    %gather3A_1530 = tpu.vector_load_idx %arg26[%add3A_1510, %and3A_1517] : memref<512x16xf32, #tpu.memory_space<vmem>>[vector<16xi32>, vector<16xi32>], vector<16xf32>,
    %gather3A_1531 = tpu.vector_load_idx %arg27[%add3A_1510, %and3A_1524] : memref<512x16xf32, #tpu.memory_space<vmem>>[vector<16xi32>, vector<16xi32>], vector<16xf32>,
    %add3A_1532 = arith.addf %gather3A_1530, %gather3A_1531 : vector<16xf32>
    %swap3A_1533 = arith.constant 96 : index
    %swap3A_1534 = tpu.vector_load %arg29[%swap3A_1533] {strides = array<i32>} : memref<512xf32, #tpu.memory_space<vmem>>, vector<16xf32>,
    tpu.vector_store %arg29[%swap3A_1533], %add3A_1532 {strides = array<i32>} : memref<512xf32, #tpu.memory_space<vmem>>, vector<16xf32>,
    %add3A_1535 = arith.constant 112 : i32
    %add3A_1536 = vector.broadcast %add3A_1535 : i32 to vector<16xi32>
    %add3A_1537 = arith.addi %iota3A, %add3A_1536 : vector<16xi32>
    %get3A_1538 = arith.constant 0 : i32
    %get3A_1539 = arith.index_cast %get3A_1538 : i32 to index
    %get3A_1540 = arith.constant 112 : index
    %get3A_1541 = tpu.vector_load %arg16[%get3A_1539, %get3A_1540] {strides = array<i32>} : memref<4x128xi32, #tpu.memory_space<vmem>>, vector<16xi32>,
    %and3A_1542 = arith.constant 15 : i32
    %and3A_1543 = vector.broadcast %and3A_1542 : i32 to vector<16xi32>
    %and3A_1544 = arith.andi %get3A_1541, %and3A_1543 : vector<16xi32>
    %get3A_1545 = arith.constant 0 : i32
    %get3A_1546 = arith.index_cast %get3A_1545 : i32 to index
    %get3A_1547 = arith.constant 112 : index
    %get3A_1548 = tpu.vector_load %arg17[%get3A_1546, %get3A_1547] {strides = array<i32>} : memref<4x128xi32, #tpu.memory_space<vmem>>, vector<16xi32>,
    %and3A_1549 = arith.constant 15 : i32
    %and3A_1550 = vector.broadcast %and3A_1549 : i32 to vector<16xi32>
    %and3A_1551 = arith.andi %get3A_1548, %and3A_1550 : vector<16xi32>
    %gather3A_1552 = tpu.vector_load_idx %arg24[%add3A_1537, %and3A_1544] : memref<512x16xf32, #tpu.memory_space<vmem>>[vector<16xi32>, vector<16xi32>], vector<16xf32>,
    %gather3A_1553 = tpu.vector_load_idx %arg25[%add3A_1537, %and3A_1551] : memref<512x16xf32, #tpu.memory_space<vmem>>[vector<16xi32>, vector<16xi32>], vector<16xf32>,
    %add3A_1554 = arith.addf %gather3A_1552, %gather3A_1553 : vector<16xf32>
    %swap3A_1555 = arith.constant 112 : index
    %swap3A_1556 = tpu.vector_load %arg28[%swap3A_1555] {strides = array<i32>} : memref<512xf32, #tpu.memory_space<vmem>>, vector<16xf32>,
    tpu.vector_store %arg28[%swap3A_1555], %add3A_1554 {strides = array<i32>} : memref<512xf32, #tpu.memory_space<vmem>>, vector<16xf32>,
    %gather3A_1557 = tpu.vector_load_idx %arg26[%add3A_1537, %and3A_1544] : memref<512x16xf32, #tpu.memory_space<vmem>>[vector<16xi32>, vector<16xi32>], vector<16xf32>,
    %gather3A_1558 = tpu.vector_load_idx %arg27[%add3A_1537, %and3A_1551] : memref<512x16xf32, #tpu.memory_space<vmem>>[vector<16xi32>, vector<16xi32>], vector<16xf32>,
    %add3A_1559 = arith.addf %gather3A_1557, %gather3A_1558 : vector<16xf32>
    %swap3A_1560 = arith.constant 112 : index
    %swap3A_1561 = tpu.vector_load %arg29[%swap3A_1560] {strides = array<i32>} : memref<512xf32, #tpu.memory_space<vmem>>, vector<16xf32>,
    tpu.vector_store %arg29[%swap3A_1560], %add3A_1559 {strides = array<i32>} : memref<512xf32, #tpu.memory_space<vmem>>, vector<16xf32>,
    %add3A_1562 = arith.constant 128 : i32
    %add3A_1563 = vector.broadcast %add3A_1562 : i32 to vector<16xi32>
    %add3A_1564 = arith.addi %iota3A, %add3A_1563 : vector<16xi32>
    %get3A_1565 = arith.constant 1 : i32
    %get3A_1566 = arith.index_cast %get3A_1565 : i32 to index
    %get3A_1567 = arith.constant 0 : index
    %get3A_1568 = tpu.vector_load %arg16[%get3A_1566, %get3A_1567] {strides = array<i32>} : memref<4x128xi32, #tpu.memory_space<vmem>>, vector<16xi32>,
    %and3A_1569 = arith.constant 15 : i32
    %and3A_1570 = vector.broadcast %and3A_1569 : i32 to vector<16xi32>
    %and3A_1571 = arith.andi %get3A_1568, %and3A_1570 : vector<16xi32>
    %get3A_1572 = arith.constant 1 : i32
    %get3A_1573 = arith.index_cast %get3A_1572 : i32 to index
    %get3A_1574 = arith.constant 0 : index
    %get3A_1575 = tpu.vector_load %arg17[%get3A_1573, %get3A_1574] {strides = array<i32>} : memref<4x128xi32, #tpu.memory_space<vmem>>, vector<16xi32>,
    %and3A_1576 = arith.constant 15 : i32
    %and3A_1577 = vector.broadcast %and3A_1576 : i32 to vector<16xi32>
    %and3A_1578 = arith.andi %get3A_1575, %and3A_1577 : vector<16xi32>
    %gather3A_1579 = tpu.vector_load_idx %arg24[%add3A_1564, %and3A_1571] : memref<512x16xf32, #tpu.memory_space<vmem>>[vector<16xi32>, vector<16xi32>], vector<16xf32>,
    %gather3A_1580 = tpu.vector_load_idx %arg25[%add3A_1564, %and3A_1578] : memref<512x16xf32, #tpu.memory_space<vmem>>[vector<16xi32>, vector<16xi32>], vector<16xf32>,
    %add3A_1581 = arith.addf %gather3A_1579, %gather3A_1580 : vector<16xf32>
    %swap3A_1582 = arith.constant 128 : index
    %swap3A_1583 = tpu.vector_load %arg28[%swap3A_1582] {strides = array<i32>} : memref<512xf32, #tpu.memory_space<vmem>>, vector<16xf32>,
    tpu.vector_store %arg28[%swap3A_1582], %add3A_1581 {strides = array<i32>} : memref<512xf32, #tpu.memory_space<vmem>>, vector<16xf32>,
    %gather3A_1584 = tpu.vector_load_idx %arg26[%add3A_1564, %and3A_1571] : memref<512x16xf32, #tpu.memory_space<vmem>>[vector<16xi32>, vector<16xi32>], vector<16xf32>,
    %gather3A_1585 = tpu.vector_load_idx %arg27[%add3A_1564, %and3A_1578] : memref<512x16xf32, #tpu.memory_space<vmem>>[vector<16xi32>, vector<16xi32>], vector<16xf32>,
    %add3A_1586 = arith.addf %gather3A_1584, %gather3A_1585 : vector<16xf32>
    %swap3A_1587 = arith.constant 128 : index
    %swap3A_1588 = tpu.vector_load %arg29[%swap3A_1587] {strides = array<i32>} : memref<512xf32, #tpu.memory_space<vmem>>, vector<16xf32>,
    tpu.vector_store %arg29[%swap3A_1587], %add3A_1586 {strides = array<i32>} : memref<512xf32, #tpu.memory_space<vmem>>, vector<16xf32>,
    %add3A_1589 = arith.constant 144 : i32
    %add3A_1590 = vector.broadcast %add3A_1589 : i32 to vector<16xi32>
    %add3A_1591 = arith.addi %iota3A, %add3A_1590 : vector<16xi32>
    %get3A_1592 = arith.constant 1 : i32
    %get3A_1593 = arith.index_cast %get3A_1592 : i32 to index
    %get3A_1594 = arith.constant 16 : index
    %get3A_1595 = tpu.vector_load %arg16[%get3A_1593, %get3A_1594] {strides = array<i32>} : memref<4x128xi32, #tpu.memory_space<vmem>>, vector<16xi32>,
    %and3A_1596 = arith.constant 15 : i32
    %and3A_1597 = vector.broadcast %and3A_1596 : i32 to vector<16xi32>
    %and3A_1598 = arith.andi %get3A_1595, %and3A_1597 : vector<16xi32>
    %get3A_1599 = arith.constant 1 : i32
    %get3A_1600 = arith.index_cast %get3A_1599 : i32 to index
    %get3A_1601 = arith.constant 16 : index
    %get3A_1602 = tpu.vector_load %arg17[%get3A_1600, %get3A_1601] {strides = array<i32>} : memref<4x128xi32, #tpu.memory_space<vmem>>, vector<16xi32>,
    %and3A_1603 = arith.constant 15 : i32
    %and3A_1604 = vector.broadcast %and3A_1603 : i32 to vector<16xi32>
    %and3A_1605 = arith.andi %get3A_1602, %and3A_1604 : vector<16xi32>
    %gather3A_1606 = tpu.vector_load_idx %arg24[%add3A_1591, %and3A_1598] : memref<512x16xf32, #tpu.memory_space<vmem>>[vector<16xi32>, vector<16xi32>], vector<16xf32>,
    %gather3A_1607 = tpu.vector_load_idx %arg25[%add3A_1591, %and3A_1605] : memref<512x16xf32, #tpu.memory_space<vmem>>[vector<16xi32>, vector<16xi32>], vector<16xf32>,
    %add3A_1608 = arith.addf %gather3A_1606, %gather3A_1607 : vector<16xf32>
    %swap3A_1609 = arith.constant 144 : index
    %swap3A_1610 = tpu.vector_load %arg28[%swap3A_1609] {strides = array<i32>} : memref<512xf32, #tpu.memory_space<vmem>>, vector<16xf32>,
    tpu.vector_store %arg28[%swap3A_1609], %add3A_1608 {strides = array<i32>} : memref<512xf32, #tpu.memory_space<vmem>>, vector<16xf32>,
    %gather3A_1611 = tpu.vector_load_idx %arg26[%add3A_1591, %and3A_1598] : memref<512x16xf32, #tpu.memory_space<vmem>>[vector<16xi32>, vector<16xi32>], vector<16xf32>,
    %gather3A_1612 = tpu.vector_load_idx %arg27[%add3A_1591, %and3A_1605] : memref<512x16xf32, #tpu.memory_space<vmem>>[vector<16xi32>, vector<16xi32>], vector<16xf32>,
    %add3A_1613 = arith.addf %gather3A_1611, %gather3A_1612 : vector<16xf32>
    %swap3A_1614 = arith.constant 144 : index
    %swap3A_1615 = tpu.vector_load %arg29[%swap3A_1614] {strides = array<i32>} : memref<512xf32, #tpu.memory_space<vmem>>, vector<16xf32>,
    tpu.vector_store %arg29[%swap3A_1614], %add3A_1613 {strides = array<i32>} : memref<512xf32, #tpu.memory_space<vmem>>, vector<16xf32>,
    %add3A_1616 = arith.constant 160 : i32
    %add3A_1617 = vector.broadcast %add3A_1616 : i32 to vector<16xi32>
    %add3A_1618 = arith.addi %iota3A, %add3A_1617 : vector<16xi32>
    %get3A_1619 = arith.constant 1 : i32
    %get3A_1620 = arith.index_cast %get3A_1619 : i32 to index
    %get3A_1621 = arith.constant 32 : index
    %get3A_1622 = tpu.vector_load %arg16[%get3A_1620, %get3A_1621] {strides = array<i32>} : memref<4x128xi32, #tpu.memory_space<vmem>>, vector<16xi32>,
    %and3A_1623 = arith.constant 15 : i32
    %and3A_1624 = vector.broadcast %and3A_1623 : i32 to vector<16xi32>
    %and3A_1625 = arith.andi %get3A_1622, %and3A_1624 : vector<16xi32>
    %get3A_1626 = arith.constant 1 : i32
    %get3A_1627 = arith.index_cast %get3A_1626 : i32 to index
    %get3A_1628 = arith.constant 32 : index
    %get3A_1629 = tpu.vector_load %arg17[%get3A_1627, %get3A_1628] {strides = array<i32>} : memref<4x128xi32, #tpu.memory_space<vmem>>, vector<16xi32>,
    %and3A_1630 = arith.constant 15 : i32
    %and3A_1631 = vector.broadcast %and3A_1630 : i32 to vector<16xi32>
    %and3A_1632 = arith.andi %get3A_1629, %and3A_1631 : vector<16xi32>
    %gather3A_1633 = tpu.vector_load_idx %arg24[%add3A_1618, %and3A_1625] : memref<512x16xf32, #tpu.memory_space<vmem>>[vector<16xi32>, vector<16xi32>], vector<16xf32>,
    %gather3A_1634 = tpu.vector_load_idx %arg25[%add3A_1618, %and3A_1632] : memref<512x16xf32, #tpu.memory_space<vmem>>[vector<16xi32>, vector<16xi32>], vector<16xf32>,
    %add3A_1635 = arith.addf %gather3A_1633, %gather3A_1634 : vector<16xf32>
    %swap3A_1636 = arith.constant 160 : index
    %swap3A_1637 = tpu.vector_load %arg28[%swap3A_1636] {strides = array<i32>} : memref<512xf32, #tpu.memory_space<vmem>>, vector<16xf32>,
    tpu.vector_store %arg28[%swap3A_1636], %add3A_1635 {strides = array<i32>} : memref<512xf32, #tpu.memory_space<vmem>>, vector<16xf32>,
    %gather3A_1638 = tpu.vector_load_idx %arg26[%add3A_1618, %and3A_1625] : memref<512x16xf32, #tpu.memory_space<vmem>>[vector<16xi32>, vector<16xi32>], vector<16xf32>,
    %gather3A_1639 = tpu.vector_load_idx %arg27[%add3A_1618, %and3A_1632] : memref<512x16xf32, #tpu.memory_space<vmem>>[vector<16xi32>, vector<16xi32>], vector<16xf32>,
    %add3A_1640 = arith.addf %gather3A_1638, %gather3A_1639 : vector<16xf32>
    %swap3A_1641 = arith.constant 160 : index
    %swap3A_1642 = tpu.vector_load %arg29[%swap3A_1641] {strides = array<i32>} : memref<512xf32, #tpu.memory_space<vmem>>, vector<16xf32>,
    tpu.vector_store %arg29[%swap3A_1641], %add3A_1640 {strides = array<i32>} : memref<512xf32, #tpu.memory_space<vmem>>, vector<16xf32>,
    %add3A_1643 = arith.constant 176 : i32
    %add3A_1644 = vector.broadcast %add3A_1643 : i32 to vector<16xi32>
    %add3A_1645 = arith.addi %iota3A, %add3A_1644 : vector<16xi32>
    %get3A_1646 = arith.constant 1 : i32
    %get3A_1647 = arith.index_cast %get3A_1646 : i32 to index
    %get3A_1648 = arith.constant 48 : index
    %get3A_1649 = tpu.vector_load %arg16[%get3A_1647, %get3A_1648] {strides = array<i32>} : memref<4x128xi32, #tpu.memory_space<vmem>>, vector<16xi32>,
    %and3A_1650 = arith.constant 15 : i32
    %and3A_1651 = vector.broadcast %and3A_1650 : i32 to vector<16xi32>
    %and3A_1652 = arith.andi %get3A_1649, %and3A_1651 : vector<16xi32>
    %get3A_1653 = arith.constant 1 : i32
    %get3A_1654 = arith.index_cast %get3A_1653 : i32 to index
    %get3A_1655 = arith.constant 48 : index
    %get3A_1656 = tpu.vector_load %arg17[%get3A_1654, %get3A_1655] {strides = array<i32>} : memref<4x128xi32, #tpu.memory_space<vmem>>, vector<16xi32>,
    %and3A_1657 = arith.constant 15 : i32
    %and3A_1658 = vector.broadcast %and3A_1657 : i32 to vector<16xi32>
    %and3A_1659 = arith.andi %get3A_1656, %and3A_1658 : vector<16xi32>
    %gather3A_1660 = tpu.vector_load_idx %arg24[%add3A_1645, %and3A_1652] : memref<512x16xf32, #tpu.memory_space<vmem>>[vector<16xi32>, vector<16xi32>], vector<16xf32>,
    %gather3A_1661 = tpu.vector_load_idx %arg25[%add3A_1645, %and3A_1659] : memref<512x16xf32, #tpu.memory_space<vmem>>[vector<16xi32>, vector<16xi32>], vector<16xf32>,
    %add3A_1662 = arith.addf %gather3A_1660, %gather3A_1661 : vector<16xf32>
    %swap3A_1663 = arith.constant 176 : index
    %swap3A_1664 = tpu.vector_load %arg28[%swap3A_1663] {strides = array<i32>} : memref<512xf32, #tpu.memory_space<vmem>>, vector<16xf32>,
    tpu.vector_store %arg28[%swap3A_1663], %add3A_1662 {strides = array<i32>} : memref<512xf32, #tpu.memory_space<vmem>>, vector<16xf32>,
    %gather3A_1665 = tpu.vector_load_idx %arg26[%add3A_1645, %and3A_1652] : memref<512x16xf32, #tpu.memory_space<vmem>>[vector<16xi32>, vector<16xi32>], vector<16xf32>,
    %gather3A_1666 = tpu.vector_load_idx %arg27[%add3A_1645, %and3A_1659] : memref<512x16xf32, #tpu.memory_space<vmem>>[vector<16xi32>, vector<16xi32>], vector<16xf32>,
    %add3A_1667 = arith.addf %gather3A_1665, %gather3A_1666 : vector<16xf32>
    %swap3A_1668 = arith.constant 176 : index
    %swap3A_1669 = tpu.vector_load %arg29[%swap3A_1668] {strides = array<i32>} : memref<512xf32, #tpu.memory_space<vmem>>, vector<16xf32>,
    tpu.vector_store %arg29[%swap3A_1668], %add3A_1667 {strides = array<i32>} : memref<512xf32, #tpu.memory_space<vmem>>, vector<16xf32>,
    %add3A_1670 = arith.constant 192 : i32
    %add3A_1671 = vector.broadcast %add3A_1670 : i32 to vector<16xi32>
    %add3A_1672 = arith.addi %iota3A, %add3A_1671 : vector<16xi32>
    %get3A_1673 = arith.constant 1 : i32
    %get3A_1674 = arith.index_cast %get3A_1673 : i32 to index
    %get3A_1675 = arith.constant 64 : index
    %get3A_1676 = tpu.vector_load %arg16[%get3A_1674, %get3A_1675] {strides = array<i32>} : memref<4x128xi32, #tpu.memory_space<vmem>>, vector<16xi32>,
    %and3A_1677 = arith.constant 15 : i32
    %and3A_1678 = vector.broadcast %and3A_1677 : i32 to vector<16xi32>
    %and3A_1679 = arith.andi %get3A_1676, %and3A_1678 : vector<16xi32>
    %get3A_1680 = arith.constant 1 : i32
    %get3A_1681 = arith.index_cast %get3A_1680 : i32 to index
    %get3A_1682 = arith.constant 64 : index
    %get3A_1683 = tpu.vector_load %arg17[%get3A_1681, %get3A_1682] {strides = array<i32>} : memref<4x128xi32, #tpu.memory_space<vmem>>, vector<16xi32>,
    %and3A_1684 = arith.constant 15 : i32
    %and3A_1685 = vector.broadcast %and3A_1684 : i32 to vector<16xi32>
    %and3A_1686 = arith.andi %get3A_1683, %and3A_1685 : vector<16xi32>
    %gather3A_1687 = tpu.vector_load_idx %arg24[%add3A_1672, %and3A_1679] : memref<512x16xf32, #tpu.memory_space<vmem>>[vector<16xi32>, vector<16xi32>], vector<16xf32>,
    %gather3A_1688 = tpu.vector_load_idx %arg25[%add3A_1672, %and3A_1686] : memref<512x16xf32, #tpu.memory_space<vmem>>[vector<16xi32>, vector<16xi32>], vector<16xf32>,
    %add3A_1689 = arith.addf %gather3A_1687, %gather3A_1688 : vector<16xf32>
    %swap3A_1690 = arith.constant 192 : index
    %swap3A_1691 = tpu.vector_load %arg28[%swap3A_1690] {strides = array<i32>} : memref<512xf32, #tpu.memory_space<vmem>>, vector<16xf32>,
    tpu.vector_store %arg28[%swap3A_1690], %add3A_1689 {strides = array<i32>} : memref<512xf32, #tpu.memory_space<vmem>>, vector<16xf32>,
    %gather3A_1692 = tpu.vector_load_idx %arg26[%add3A_1672, %and3A_1679] : memref<512x16xf32, #tpu.memory_space<vmem>>[vector<16xi32>, vector<16xi32>], vector<16xf32>,
    %gather3A_1693 = tpu.vector_load_idx %arg27[%add3A_1672, %and3A_1686] : memref<512x16xf32, #tpu.memory_space<vmem>>[vector<16xi32>, vector<16xi32>], vector<16xf32>,
    %add3A_1694 = arith.addf %gather3A_1692, %gather3A_1693 : vector<16xf32>
    %swap3A_1695 = arith.constant 192 : index
    %swap3A_1696 = tpu.vector_load %arg29[%swap3A_1695] {strides = array<i32>} : memref<512xf32, #tpu.memory_space<vmem>>, vector<16xf32>,
    tpu.vector_store %arg29[%swap3A_1695], %add3A_1694 {strides = array<i32>} : memref<512xf32, #tpu.memory_space<vmem>>, vector<16xf32>,
    %add3A_1697 = arith.constant 208 : i32
    %add3A_1698 = vector.broadcast %add3A_1697 : i32 to vector<16xi32>
    %add3A_1699 = arith.addi %iota3A, %add3A_1698 : vector<16xi32>
    %get3A_1700 = arith.constant 1 : i32
    %get3A_1701 = arith.index_cast %get3A_1700 : i32 to index
    %get3A_1702 = arith.constant 80 : index
    %get3A_1703 = tpu.vector_load %arg16[%get3A_1701, %get3A_1702] {strides = array<i32>} : memref<4x128xi32, #tpu.memory_space<vmem>>, vector<16xi32>,
    %and3A_1704 = arith.constant 15 : i32
    %and3A_1705 = vector.broadcast %and3A_1704 : i32 to vector<16xi32>
    %and3A_1706 = arith.andi %get3A_1703, %and3A_1705 : vector<16xi32>
    %get3A_1707 = arith.constant 1 : i32
    %get3A_1708 = arith.index_cast %get3A_1707 : i32 to index
    %get3A_1709 = arith.constant 80 : index
    %get3A_1710 = tpu.vector_load %arg17[%get3A_1708, %get3A_1709] {strides = array<i32>} : memref<4x128xi32, #tpu.memory_space<vmem>>, vector<16xi32>,
    %and3A_1711 = arith.constant 15 : i32
    %and3A_1712 = vector.broadcast %and3A_1711 : i32 to vector<16xi32>
    %and3A_1713 = arith.andi %get3A_1710, %and3A_1712 : vector<16xi32>
    %gather3A_1714 = tpu.vector_load_idx %arg24[%add3A_1699, %and3A_1706] : memref<512x16xf32, #tpu.memory_space<vmem>>[vector<16xi32>, vector<16xi32>], vector<16xf32>,
    %gather3A_1715 = tpu.vector_load_idx %arg25[%add3A_1699, %and3A_1713] : memref<512x16xf32, #tpu.memory_space<vmem>>[vector<16xi32>, vector<16xi32>], vector<16xf32>,
    %add3A_1716 = arith.addf %gather3A_1714, %gather3A_1715 : vector<16xf32>
    %swap3A_1717 = arith.constant 208 : index
    %swap3A_1718 = tpu.vector_load %arg28[%swap3A_1717] {strides = array<i32>} : memref<512xf32, #tpu.memory_space<vmem>>, vector<16xf32>,
    tpu.vector_store %arg28[%swap3A_1717], %add3A_1716 {strides = array<i32>} : memref<512xf32, #tpu.memory_space<vmem>>, vector<16xf32>,
    %gather3A_1719 = tpu.vector_load_idx %arg26[%add3A_1699, %and3A_1706] : memref<512x16xf32, #tpu.memory_space<vmem>>[vector<16xi32>, vector<16xi32>], vector<16xf32>,
    %gather3A_1720 = tpu.vector_load_idx %arg27[%add3A_1699, %and3A_1713] : memref<512x16xf32, #tpu.memory_space<vmem>>[vector<16xi32>, vector<16xi32>], vector<16xf32>,
    %add3A_1721 = arith.addf %gather3A_1719, %gather3A_1720 : vector<16xf32>
    %swap3A_1722 = arith.constant 208 : index
    %swap3A_1723 = tpu.vector_load %arg29[%swap3A_1722] {strides = array<i32>} : memref<512xf32, #tpu.memory_space<vmem>>, vector<16xf32>,
    tpu.vector_store %arg29[%swap3A_1722], %add3A_1721 {strides = array<i32>} : memref<512xf32, #tpu.memory_space<vmem>>, vector<16xf32>,
    %add3A_1724 = arith.constant 224 : i32
    %add3A_1725 = vector.broadcast %add3A_1724 : i32 to vector<16xi32>
    %add3A_1726 = arith.addi %iota3A, %add3A_1725 : vector<16xi32>
    %get3A_1727 = arith.constant 1 : i32
    %get3A_1728 = arith.index_cast %get3A_1727 : i32 to index
    %get3A_1729 = arith.constant 96 : index
    %get3A_1730 = tpu.vector_load %arg16[%get3A_1728, %get3A_1729] {strides = array<i32>} : memref<4x128xi32, #tpu.memory_space<vmem>>, vector<16xi32>,
    %and3A_1731 = arith.constant 15 : i32
    %and3A_1732 = vector.broadcast %and3A_1731 : i32 to vector<16xi32>
    %and3A_1733 = arith.andi %get3A_1730, %and3A_1732 : vector<16xi32>
    %get3A_1734 = arith.constant 1 : i32
    %get3A_1735 = arith.index_cast %get3A_1734 : i32 to index
    %get3A_1736 = arith.constant 96 : index
    %get3A_1737 = tpu.vector_load %arg17[%get3A_1735, %get3A_1736] {strides = array<i32>} : memref<4x128xi32, #tpu.memory_space<vmem>>, vector<16xi32>,
    %and3A_1738 = arith.constant 15 : i32
    %and3A_1739 = vector.broadcast %and3A_1738 : i32 to vector<16xi32>
    %and3A_1740 = arith.andi %get3A_1737, %and3A_1739 : vector<16xi32>
    %gather3A_1741 = tpu.vector_load_idx %arg24[%add3A_1726, %and3A_1733] : memref<512x16xf32, #tpu.memory_space<vmem>>[vector<16xi32>, vector<16xi32>], vector<16xf32>,
    %gather3A_1742 = tpu.vector_load_idx %arg25[%add3A_1726, %and3A_1740] : memref<512x16xf32, #tpu.memory_space<vmem>>[vector<16xi32>, vector<16xi32>], vector<16xf32>,
    %add3A_1743 = arith.addf %gather3A_1741, %gather3A_1742 : vector<16xf32>
    %swap3A_1744 = arith.constant 224 : index
    %swap3A_1745 = tpu.vector_load %arg28[%swap3A_1744] {strides = array<i32>} : memref<512xf32, #tpu.memory_space<vmem>>, vector<16xf32>,
    tpu.vector_store %arg28[%swap3A_1744], %add3A_1743 {strides = array<i32>} : memref<512xf32, #tpu.memory_space<vmem>>, vector<16xf32>,
    %gather3A_1746 = tpu.vector_load_idx %arg26[%add3A_1726, %and3A_1733] : memref<512x16xf32, #tpu.memory_space<vmem>>[vector<16xi32>, vector<16xi32>], vector<16xf32>,
    %gather3A_1747 = tpu.vector_load_idx %arg27[%add3A_1726, %and3A_1740] : memref<512x16xf32, #tpu.memory_space<vmem>>[vector<16xi32>, vector<16xi32>], vector<16xf32>,
    %add3A_1748 = arith.addf %gather3A_1746, %gather3A_1747 : vector<16xf32>
    %swap3A_1749 = arith.constant 224 : index
    %swap3A_1750 = tpu.vector_load %arg29[%swap3A_1749] {strides = array<i32>} : memref<512xf32, #tpu.memory_space<vmem>>, vector<16xf32>,
    tpu.vector_store %arg29[%swap3A_1749], %add3A_1748 {strides = array<i32>} : memref<512xf32, #tpu.memory_space<vmem>>, vector<16xf32>,
    %add3A_1751 = arith.constant 240 : i32
    %add3A_1752 = vector.broadcast %add3A_1751 : i32 to vector<16xi32>
    %add3A_1753 = arith.addi %iota3A, %add3A_1752 : vector<16xi32>
    %get3A_1754 = arith.constant 1 : i32
    %get3A_1755 = arith.index_cast %get3A_1754 : i32 to index
    %get3A_1756 = arith.constant 112 : index
    %get3A_1757 = tpu.vector_load %arg16[%get3A_1755, %get3A_1756] {strides = array<i32>} : memref<4x128xi32, #tpu.memory_space<vmem>>, vector<16xi32>,
    %and3A_1758 = arith.constant 15 : i32
    %and3A_1759 = vector.broadcast %and3A_1758 : i32 to vector<16xi32>
    %and3A_1760 = arith.andi %get3A_1757, %and3A_1759 : vector<16xi32>
    %get3A_1761 = arith.constant 1 : i32
    %get3A_1762 = arith.index_cast %get3A_1761 : i32 to index
    %get3A_1763 = arith.constant 112 : index
    %get3A_1764 = tpu.vector_load %arg17[%get3A_1762, %get3A_1763] {strides = array<i32>} : memref<4x128xi32, #tpu.memory_space<vmem>>, vector<16xi32>,
    %and3A_1765 = arith.constant 15 : i32
    %and3A_1766 = vector.broadcast %and3A_1765 : i32 to vector<16xi32>
    %and3A_1767 = arith.andi %get3A_1764, %and3A_1766 : vector<16xi32>
    %gather3A_1768 = tpu.vector_load_idx %arg24[%add3A_1753, %and3A_1760] : memref<512x16xf32, #tpu.memory_space<vmem>>[vector<16xi32>, vector<16xi32>], vector<16xf32>,
    %gather3A_1769 = tpu.vector_load_idx %arg25[%add3A_1753, %and3A_1767] : memref<512x16xf32, #tpu.memory_space<vmem>>[vector<16xi32>, vector<16xi32>], vector<16xf32>,
    %add3A_1770 = arith.addf %gather3A_1768, %gather3A_1769 : vector<16xf32>
    %swap3A_1771 = arith.constant 240 : index
    %swap3A_1772 = tpu.vector_load %arg28[%swap3A_1771] {strides = array<i32>} : memref<512xf32, #tpu.memory_space<vmem>>, vector<16xf32>,
    tpu.vector_store %arg28[%swap3A_1771], %add3A_1770 {strides = array<i32>} : memref<512xf32, #tpu.memory_space<vmem>>, vector<16xf32>,
    %gather3A_1773 = tpu.vector_load_idx %arg26[%add3A_1753, %and3A_1760] : memref<512x16xf32, #tpu.memory_space<vmem>>[vector<16xi32>, vector<16xi32>], vector<16xf32>,
    %gather3A_1774 = tpu.vector_load_idx %arg27[%add3A_1753, %and3A_1767] : memref<512x16xf32, #tpu.memory_space<vmem>>[vector<16xi32>, vector<16xi32>], vector<16xf32>,
    %add3A_1775 = arith.addf %gather3A_1773, %gather3A_1774 : vector<16xf32>
    %swap3A_1776 = arith.constant 240 : index
    %swap3A_1777 = tpu.vector_load %arg29[%swap3A_1776] {strides = array<i32>} : memref<512xf32, #tpu.memory_space<vmem>>, vector<16xf32>,
    tpu.vector_store %arg29[%swap3A_1776], %add3A_1775 {strides = array<i32>} : memref<512xf32, #tpu.memory_space<vmem>>, vector<16xf32>,
    %add3A_1778 = arith.constant 256 : i32
    %add3A_1779 = vector.broadcast %add3A_1778 : i32 to vector<16xi32>
    %add3A_1780 = arith.addi %iota3A, %add3A_1779 : vector<16xi32>
    %get3A_1781 = arith.constant 2 : i32
    %get3A_1782 = arith.index_cast %get3A_1781 : i32 to index
    %get3A_1783 = arith.constant 0 : index
    %get3A_1784 = tpu.vector_load %arg16[%get3A_1782, %get3A_1783] {strides = array<i32>} : memref<4x128xi32, #tpu.memory_space<vmem>>, vector<16xi32>,
    %and3A_1785 = arith.constant 15 : i32
    %and3A_1786 = vector.broadcast %and3A_1785 : i32 to vector<16xi32>
    %and3A_1787 = arith.andi %get3A_1784, %and3A_1786 : vector<16xi32>
    %get3A_1788 = arith.constant 2 : i32
    %get3A_1789 = arith.index_cast %get3A_1788 : i32 to index
    %get3A_1790 = arith.constant 0 : index
    %get3A_1791 = tpu.vector_load %arg17[%get3A_1789, %get3A_1790] {strides = array<i32>} : memref<4x128xi32, #tpu.memory_space<vmem>>, vector<16xi32>,
    %and3A_1792 = arith.constant 15 : i32
    %and3A_1793 = vector.broadcast %and3A_1792 : i32 to vector<16xi32>
    %and3A_1794 = arith.andi %get3A_1791, %and3A_1793 : vector<16xi32>
    %gather3A_1795 = tpu.vector_load_idx %arg24[%add3A_1780, %and3A_1787] : memref<512x16xf32, #tpu.memory_space<vmem>>[vector<16xi32>, vector<16xi32>], vector<16xf32>,
    %gather3A_1796 = tpu.vector_load_idx %arg25[%add3A_1780, %and3A_1794] : memref<512x16xf32, #tpu.memory_space<vmem>>[vector<16xi32>, vector<16xi32>], vector<16xf32>,
    %add3A_1797 = arith.addf %gather3A_1795, %gather3A_1796 : vector<16xf32>
    %swap3A_1798 = arith.constant 256 : index
    %swap3A_1799 = tpu.vector_load %arg28[%swap3A_1798] {strides = array<i32>} : memref<512xf32, #tpu.memory_space<vmem>>, vector<16xf32>,
    tpu.vector_store %arg28[%swap3A_1798], %add3A_1797 {strides = array<i32>} : memref<512xf32, #tpu.memory_space<vmem>>, vector<16xf32>,
    %gather3A_1800 = tpu.vector_load_idx %arg26[%add3A_1780, %and3A_1787] : memref<512x16xf32, #tpu.memory_space<vmem>>[vector<16xi32>, vector<16xi32>], vector<16xf32>,
    %gather3A_1801 = tpu.vector_load_idx %arg27[%add3A_1780, %and3A_1794] : memref<512x16xf32, #tpu.memory_space<vmem>>[vector<16xi32>, vector<16xi32>], vector<16xf32>,
    %add3A_1802 = arith.addf %gather3A_1800, %gather3A_1801 : vector<16xf32>
    %swap3A_1803 = arith.constant 256 : index
    %swap3A_1804 = tpu.vector_load %arg29[%swap3A_1803] {strides = array<i32>} : memref<512xf32, #tpu.memory_space<vmem>>, vector<16xf32>,
    tpu.vector_store %arg29[%swap3A_1803], %add3A_1802 {strides = array<i32>} : memref<512xf32, #tpu.memory_space<vmem>>, vector<16xf32>,
    %add3A_1805 = arith.constant 272 : i32
    %add3A_1806 = vector.broadcast %add3A_1805 : i32 to vector<16xi32>
    %add3A_1807 = arith.addi %iota3A, %add3A_1806 : vector<16xi32>
    %get3A_1808 = arith.constant 2 : i32
    %get3A_1809 = arith.index_cast %get3A_1808 : i32 to index
    %get3A_1810 = arith.constant 16 : index
    %get3A_1811 = tpu.vector_load %arg16[%get3A_1809, %get3A_1810] {strides = array<i32>} : memref<4x128xi32, #tpu.memory_space<vmem>>, vector<16xi32>,
    %and3A_1812 = arith.constant 15 : i32
    %and3A_1813 = vector.broadcast %and3A_1812 : i32 to vector<16xi32>
    %and3A_1814 = arith.andi %get3A_1811, %and3A_1813 : vector<16xi32>
    %get3A_1815 = arith.constant 2 : i32
    %get3A_1816 = arith.index_cast %get3A_1815 : i32 to index
    %get3A_1817 = arith.constant 16 : index
    %get3A_1818 = tpu.vector_load %arg17[%get3A_1816, %get3A_1817] {strides = array<i32>} : memref<4x128xi32, #tpu.memory_space<vmem>>, vector<16xi32>,
    %and3A_1819 = arith.constant 15 : i32
    %and3A_1820 = vector.broadcast %and3A_1819 : i32 to vector<16xi32>
    %and3A_1821 = arith.andi %get3A_1818, %and3A_1820 : vector<16xi32>
    %gather3A_1822 = tpu.vector_load_idx %arg24[%add3A_1807, %and3A_1814] : memref<512x16xf32, #tpu.memory_space<vmem>>[vector<16xi32>, vector<16xi32>], vector<16xf32>,
    %gather3A_1823 = tpu.vector_load_idx %arg25[%add3A_1807, %and3A_1821] : memref<512x16xf32, #tpu.memory_space<vmem>>[vector<16xi32>, vector<16xi32>], vector<16xf32>,
    %add3A_1824 = arith.addf %gather3A_1822, %gather3A_1823 : vector<16xf32>
    %swap3A_1825 = arith.constant 272 : index
    %swap3A_1826 = tpu.vector_load %arg28[%swap3A_1825] {strides = array<i32>} : memref<512xf32, #tpu.memory_space<vmem>>, vector<16xf32>,
    tpu.vector_store %arg28[%swap3A_1825], %add3A_1824 {strides = array<i32>} : memref<512xf32, #tpu.memory_space<vmem>>, vector<16xf32>,
    %gather3A_1827 = tpu.vector_load_idx %arg26[%add3A_1807, %and3A_1814] : memref<512x16xf32, #tpu.memory_space<vmem>>[vector<16xi32>, vector<16xi32>], vector<16xf32>,
    %gather3A_1828 = tpu.vector_load_idx %arg27[%add3A_1807, %and3A_1821] : memref<512x16xf32, #tpu.memory_space<vmem>>[vector<16xi32>, vector<16xi32>], vector<16xf32>,
    %add3A_1829 = arith.addf %gather3A_1827, %gather3A_1828 : vector<16xf32>
    %swap3A_1830 = arith.constant 272 : index
    %swap3A_1831 = tpu.vector_load %arg29[%swap3A_1830] {strides = array<i32>} : memref<512xf32, #tpu.memory_space<vmem>>, vector<16xf32>,
    tpu.vector_store %arg29[%swap3A_1830], %add3A_1829 {strides = array<i32>} : memref<512xf32, #tpu.memory_space<vmem>>, vector<16xf32>,
    %add3A_1832 = arith.constant 288 : i32
    %add3A_1833 = vector.broadcast %add3A_1832 : i32 to vector<16xi32>
    %add3A_1834 = arith.addi %iota3A, %add3A_1833 : vector<16xi32>
    %get3A_1835 = arith.constant 2 : i32
    %get3A_1836 = arith.index_cast %get3A_1835 : i32 to index
    %get3A_1837 = arith.constant 32 : index
    %get3A_1838 = tpu.vector_load %arg16[%get3A_1836, %get3A_1837] {strides = array<i32>} : memref<4x128xi32, #tpu.memory_space<vmem>>, vector<16xi32>,
    %and3A_1839 = arith.constant 15 : i32
    %and3A_1840 = vector.broadcast %and3A_1839 : i32 to vector<16xi32>
    %and3A_1841 = arith.andi %get3A_1838, %and3A_1840 : vector<16xi32>
    %get3A_1842 = arith.constant 2 : i32
    %get3A_1843 = arith.index_cast %get3A_1842 : i32 to index
    %get3A_1844 = arith.constant 32 : index
    %get3A_1845 = tpu.vector_load %arg17[%get3A_1843, %get3A_1844] {strides = array<i32>} : memref<4x128xi32, #tpu.memory_space<vmem>>, vector<16xi32>,
    %and3A_1846 = arith.constant 15 : i32
    %and3A_1847 = vector.broadcast %and3A_1846 : i32 to vector<16xi32>
    %and3A_1848 = arith.andi %get3A_1845, %and3A_1847 : vector<16xi32>
    %gather3A_1849 = tpu.vector_load_idx %arg24[%add3A_1834, %and3A_1841] : memref<512x16xf32, #tpu.memory_space<vmem>>[vector<16xi32>, vector<16xi32>], vector<16xf32>,
    %gather3A_1850 = tpu.vector_load_idx %arg25[%add3A_1834, %and3A_1848] : memref<512x16xf32, #tpu.memory_space<vmem>>[vector<16xi32>, vector<16xi32>], vector<16xf32>,
    %add3A_1851 = arith.addf %gather3A_1849, %gather3A_1850 : vector<16xf32>
    %swap3A_1852 = arith.constant 288 : index
    %swap3A_1853 = tpu.vector_load %arg28[%swap3A_1852] {strides = array<i32>} : memref<512xf32, #tpu.memory_space<vmem>>, vector<16xf32>,
    tpu.vector_store %arg28[%swap3A_1852], %add3A_1851 {strides = array<i32>} : memref<512xf32, #tpu.memory_space<vmem>>, vector<16xf32>,
    %gather3A_1854 = tpu.vector_load_idx %arg26[%add3A_1834, %and3A_1841] : memref<512x16xf32, #tpu.memory_space<vmem>>[vector<16xi32>, vector<16xi32>], vector<16xf32>,
    %gather3A_1855 = tpu.vector_load_idx %arg27[%add3A_1834, %and3A_1848] : memref<512x16xf32, #tpu.memory_space<vmem>>[vector<16xi32>, vector<16xi32>], vector<16xf32>,
    %add3A_1856 = arith.addf %gather3A_1854, %gather3A_1855 : vector<16xf32>
    %swap3A_1857 = arith.constant 288 : index
    %swap3A_1858 = tpu.vector_load %arg29[%swap3A_1857] {strides = array<i32>} : memref<512xf32, #tpu.memory_space<vmem>>, vector<16xf32>,
    tpu.vector_store %arg29[%swap3A_1857], %add3A_1856 {strides = array<i32>} : memref<512xf32, #tpu.memory_space<vmem>>, vector<16xf32>,
    %add3A_1859 = arith.constant 304 : i32
    %add3A_1860 = vector.broadcast %add3A_1859 : i32 to vector<16xi32>
    %add3A_1861 = arith.addi %iota3A, %add3A_1860 : vector<16xi32>
    %get3A_1862 = arith.constant 2 : i32
    %get3A_1863 = arith.index_cast %get3A_1862 : i32 to index
    %get3A_1864 = arith.constant 48 : index
    %get3A_1865 = tpu.vector_load %arg16[%get3A_1863, %get3A_1864] {strides = array<i32>} : memref<4x128xi32, #tpu.memory_space<vmem>>, vector<16xi32>,
    %and3A_1866 = arith.constant 15 : i32
    %and3A_1867 = vector.broadcast %and3A_1866 : i32 to vector<16xi32>
    %and3A_1868 = arith.andi %get3A_1865, %and3A_1867 : vector<16xi32>
    %get3A_1869 = arith.constant 2 : i32
    %get3A_1870 = arith.index_cast %get3A_1869 : i32 to index
    %get3A_1871 = arith.constant 48 : index
    %get3A_1872 = tpu.vector_load %arg17[%get3A_1870, %get3A_1871] {strides = array<i32>} : memref<4x128xi32, #tpu.memory_space<vmem>>, vector<16xi32>,
    %and3A_1873 = arith.constant 15 : i32
    %and3A_1874 = vector.broadcast %and3A_1873 : i32 to vector<16xi32>
    %and3A_1875 = arith.andi %get3A_1872, %and3A_1874 : vector<16xi32>
    %gather3A_1876 = tpu.vector_load_idx %arg24[%add3A_1861, %and3A_1868] : memref<512x16xf32, #tpu.memory_space<vmem>>[vector<16xi32>, vector<16xi32>], vector<16xf32>,
    %gather3A_1877 = tpu.vector_load_idx %arg25[%add3A_1861, %and3A_1875] : memref<512x16xf32, #tpu.memory_space<vmem>>[vector<16xi32>, vector<16xi32>], vector<16xf32>,
    %add3A_1878 = arith.addf %gather3A_1876, %gather3A_1877 : vector<16xf32>
    %swap3A_1879 = arith.constant 304 : index
    %swap3A_1880 = tpu.vector_load %arg28[%swap3A_1879] {strides = array<i32>} : memref<512xf32, #tpu.memory_space<vmem>>, vector<16xf32>,
    tpu.vector_store %arg28[%swap3A_1879], %add3A_1878 {strides = array<i32>} : memref<512xf32, #tpu.memory_space<vmem>>, vector<16xf32>,
    %gather3A_1881 = tpu.vector_load_idx %arg26[%add3A_1861, %and3A_1868] : memref<512x16xf32, #tpu.memory_space<vmem>>[vector<16xi32>, vector<16xi32>], vector<16xf32>,
    %gather3A_1882 = tpu.vector_load_idx %arg27[%add3A_1861, %and3A_1875] : memref<512x16xf32, #tpu.memory_space<vmem>>[vector<16xi32>, vector<16xi32>], vector<16xf32>,
    %add3A_1883 = arith.addf %gather3A_1881, %gather3A_1882 : vector<16xf32>
    %swap3A_1884 = arith.constant 304 : index
    %swap3A_1885 = tpu.vector_load %arg29[%swap3A_1884] {strides = array<i32>} : memref<512xf32, #tpu.memory_space<vmem>>, vector<16xf32>,
    tpu.vector_store %arg29[%swap3A_1884], %add3A_1883 {strides = array<i32>} : memref<512xf32, #tpu.memory_space<vmem>>, vector<16xf32>,
    %add3A_1886 = arith.constant 320 : i32
    %add3A_1887 = vector.broadcast %add3A_1886 : i32 to vector<16xi32>
    %add3A_1888 = arith.addi %iota3A, %add3A_1887 : vector<16xi32>
    %get3A_1889 = arith.constant 2 : i32
    %get3A_1890 = arith.index_cast %get3A_1889 : i32 to index
    %get3A_1891 = arith.constant 64 : index
    %get3A_1892 = tpu.vector_load %arg16[%get3A_1890, %get3A_1891] {strides = array<i32>} : memref<4x128xi32, #tpu.memory_space<vmem>>, vector<16xi32>,
    %and3A_1893 = arith.constant 15 : i32
    %and3A_1894 = vector.broadcast %and3A_1893 : i32 to vector<16xi32>
    %and3A_1895 = arith.andi %get3A_1892, %and3A_1894 : vector<16xi32>
    %get3A_1896 = arith.constant 2 : i32
    %get3A_1897 = arith.index_cast %get3A_1896 : i32 to index
    %get3A_1898 = arith.constant 64 : index
    %get3A_1899 = tpu.vector_load %arg17[%get3A_1897, %get3A_1898] {strides = array<i32>} : memref<4x128xi32, #tpu.memory_space<vmem>>, vector<16xi32>,
    %and3A_1900 = arith.constant 15 : i32
    %and3A_1901 = vector.broadcast %and3A_1900 : i32 to vector<16xi32>
    %and3A_1902 = arith.andi %get3A_1899, %and3A_1901 : vector<16xi32>
    %gather3A_1903 = tpu.vector_load_idx %arg24[%add3A_1888, %and3A_1895] : memref<512x16xf32, #tpu.memory_space<vmem>>[vector<16xi32>, vector<16xi32>], vector<16xf32>,
    %gather3A_1904 = tpu.vector_load_idx %arg25[%add3A_1888, %and3A_1902] : memref<512x16xf32, #tpu.memory_space<vmem>>[vector<16xi32>, vector<16xi32>], vector<16xf32>,
    %add3A_1905 = arith.addf %gather3A_1903, %gather3A_1904 : vector<16xf32>
    %swap3A_1906 = arith.constant 320 : index
    %swap3A_1907 = tpu.vector_load %arg28[%swap3A_1906] {strides = array<i32>} : memref<512xf32, #tpu.memory_space<vmem>>, vector<16xf32>,
    tpu.vector_store %arg28[%swap3A_1906], %add3A_1905 {strides = array<i32>} : memref<512xf32, #tpu.memory_space<vmem>>, vector<16xf32>,
    %gather3A_1908 = tpu.vector_load_idx %arg26[%add3A_1888, %and3A_1895] : memref<512x16xf32, #tpu.memory_space<vmem>>[vector<16xi32>, vector<16xi32>], vector<16xf32>,
    %gather3A_1909 = tpu.vector_load_idx %arg27[%add3A_1888, %and3A_1902] : memref<512x16xf32, #tpu.memory_space<vmem>>[vector<16xi32>, vector<16xi32>], vector<16xf32>,
    %add3A_1910 = arith.addf %gather3A_1908, %gather3A_1909 : vector<16xf32>
    %swap3A_1911 = arith.constant 320 : index
    %swap3A_1912 = tpu.vector_load %arg29[%swap3A_1911] {strides = array<i32>} : memref<512xf32, #tpu.memory_space<vmem>>, vector<16xf32>,
    tpu.vector_store %arg29[%swap3A_1911], %add3A_1910 {strides = array<i32>} : memref<512xf32, #tpu.memory_space<vmem>>, vector<16xf32>,
    %add3A_1913 = arith.constant 336 : i32
    %add3A_1914 = vector.broadcast %add3A_1913 : i32 to vector<16xi32>
    %add3A_1915 = arith.addi %iota3A, %add3A_1914 : vector<16xi32>
    %get3A_1916 = arith.constant 2 : i32
    %get3A_1917 = arith.index_cast %get3A_1916 : i32 to index
    %get3A_1918 = arith.constant 80 : index
    %get3A_1919 = tpu.vector_load %arg16[%get3A_1917, %get3A_1918] {strides = array<i32>} : memref<4x128xi32, #tpu.memory_space<vmem>>, vector<16xi32>,
    %and3A_1920 = arith.constant 15 : i32
    %and3A_1921 = vector.broadcast %and3A_1920 : i32 to vector<16xi32>
    %and3A_1922 = arith.andi %get3A_1919, %and3A_1921 : vector<16xi32>
    %get3A_1923 = arith.constant 2 : i32
    %get3A_1924 = arith.index_cast %get3A_1923 : i32 to index
    %get3A_1925 = arith.constant 80 : index
    %get3A_1926 = tpu.vector_load %arg17[%get3A_1924, %get3A_1925] {strides = array<i32>} : memref<4x128xi32, #tpu.memory_space<vmem>>, vector<16xi32>,
    %and3A_1927 = arith.constant 15 : i32
    %and3A_1928 = vector.broadcast %and3A_1927 : i32 to vector<16xi32>
    %and3A_1929 = arith.andi %get3A_1926, %and3A_1928 : vector<16xi32>
    %gather3A_1930 = tpu.vector_load_idx %arg24[%add3A_1915, %and3A_1922] : memref<512x16xf32, #tpu.memory_space<vmem>>[vector<16xi32>, vector<16xi32>], vector<16xf32>,
    %gather3A_1931 = tpu.vector_load_idx %arg25[%add3A_1915, %and3A_1929] : memref<512x16xf32, #tpu.memory_space<vmem>>[vector<16xi32>, vector<16xi32>], vector<16xf32>,
    %add3A_1932 = arith.addf %gather3A_1930, %gather3A_1931 : vector<16xf32>
    %swap3A_1933 = arith.constant 336 : index
    %swap3A_1934 = tpu.vector_load %arg28[%swap3A_1933] {strides = array<i32>} : memref<512xf32, #tpu.memory_space<vmem>>, vector<16xf32>,
    tpu.vector_store %arg28[%swap3A_1933], %add3A_1932 {strides = array<i32>} : memref<512xf32, #tpu.memory_space<vmem>>, vector<16xf32>,
    %gather3A_1935 = tpu.vector_load_idx %arg26[%add3A_1915, %and3A_1922] : memref<512x16xf32, #tpu.memory_space<vmem>>[vector<16xi32>, vector<16xi32>], vector<16xf32>,
    %gather3A_1936 = tpu.vector_load_idx %arg27[%add3A_1915, %and3A_1929] : memref<512x16xf32, #tpu.memory_space<vmem>>[vector<16xi32>, vector<16xi32>], vector<16xf32>,
    %add3A_1937 = arith.addf %gather3A_1935, %gather3A_1936 : vector<16xf32>
    %swap3A_1938 = arith.constant 336 : index
    %swap3A_1939 = tpu.vector_load %arg29[%swap3A_1938] {strides = array<i32>} : memref<512xf32, #tpu.memory_space<vmem>>, vector<16xf32>,
    tpu.vector_store %arg29[%swap3A_1938], %add3A_1937 {strides = array<i32>} : memref<512xf32, #tpu.memory_space<vmem>>, vector<16xf32>,
    %add3A_1940 = arith.constant 352 : i32
    %add3A_1941 = vector.broadcast %add3A_1940 : i32 to vector<16xi32>
    %add3A_1942 = arith.addi %iota3A, %add3A_1941 : vector<16xi32>
    %get3A_1943 = arith.constant 2 : i32
    %get3A_1944 = arith.index_cast %get3A_1943 : i32 to index
    %get3A_1945 = arith.constant 96 : index
    %get3A_1946 = tpu.vector_load %arg16[%get3A_1944, %get3A_1945] {strides = array<i32>} : memref<4x128xi32, #tpu.memory_space<vmem>>, vector<16xi32>,
    %and3A_1947 = arith.constant 15 : i32
    %and3A_1948 = vector.broadcast %and3A_1947 : i32 to vector<16xi32>
    %and3A_1949 = arith.andi %get3A_1946, %and3A_1948 : vector<16xi32>
    %get3A_1950 = arith.constant 2 : i32
    %get3A_1951 = arith.index_cast %get3A_1950 : i32 to index
    %get3A_1952 = arith.constant 96 : index
    %get3A_1953 = tpu.vector_load %arg17[%get3A_1951, %get3A_1952] {strides = array<i32>} : memref<4x128xi32, #tpu.memory_space<vmem>>, vector<16xi32>,
    %and3A_1954 = arith.constant 15 : i32
    %and3A_1955 = vector.broadcast %and3A_1954 : i32 to vector<16xi32>
    %and3A_1956 = arith.andi %get3A_1953, %and3A_1955 : vector<16xi32>
    %gather3A_1957 = tpu.vector_load_idx %arg24[%add3A_1942, %and3A_1949] : memref<512x16xf32, #tpu.memory_space<vmem>>[vector<16xi32>, vector<16xi32>], vector<16xf32>,
    %gather3A_1958 = tpu.vector_load_idx %arg25[%add3A_1942, %and3A_1956] : memref<512x16xf32, #tpu.memory_space<vmem>>[vector<16xi32>, vector<16xi32>], vector<16xf32>,
    %add3A_1959 = arith.addf %gather3A_1957, %gather3A_1958 : vector<16xf32>
    %swap3A_1960 = arith.constant 352 : index
    %swap3A_1961 = tpu.vector_load %arg28[%swap3A_1960] {strides = array<i32>} : memref<512xf32, #tpu.memory_space<vmem>>, vector<16xf32>,
    tpu.vector_store %arg28[%swap3A_1960], %add3A_1959 {strides = array<i32>} : memref<512xf32, #tpu.memory_space<vmem>>, vector<16xf32>,
    %gather3A_1962 = tpu.vector_load_idx %arg26[%add3A_1942, %and3A_1949] : memref<512x16xf32, #tpu.memory_space<vmem>>[vector<16xi32>, vector<16xi32>], vector<16xf32>,
    %gather3A_1963 = tpu.vector_load_idx %arg27[%add3A_1942, %and3A_1956] : memref<512x16xf32, #tpu.memory_space<vmem>>[vector<16xi32>, vector<16xi32>], vector<16xf32>,
    %add3A_1964 = arith.addf %gather3A_1962, %gather3A_1963 : vector<16xf32>
    %swap3A_1965 = arith.constant 352 : index
    %swap3A_1966 = tpu.vector_load %arg29[%swap3A_1965] {strides = array<i32>} : memref<512xf32, #tpu.memory_space<vmem>>, vector<16xf32>,
    tpu.vector_store %arg29[%swap3A_1965], %add3A_1964 {strides = array<i32>} : memref<512xf32, #tpu.memory_space<vmem>>, vector<16xf32>,
    %add3A_1967 = arith.constant 368 : i32
    %add3A_1968 = vector.broadcast %add3A_1967 : i32 to vector<16xi32>
    %add3A_1969 = arith.addi %iota3A, %add3A_1968 : vector<16xi32>
    %get3A_1970 = arith.constant 2 : i32
    %get3A_1971 = arith.index_cast %get3A_1970 : i32 to index
    %get3A_1972 = arith.constant 112 : index
    %get3A_1973 = tpu.vector_load %arg16[%get3A_1971, %get3A_1972] {strides = array<i32>} : memref<4x128xi32, #tpu.memory_space<vmem>>, vector<16xi32>,
    %and3A_1974 = arith.constant 15 : i32
    %and3A_1975 = vector.broadcast %and3A_1974 : i32 to vector<16xi32>
    %and3A_1976 = arith.andi %get3A_1973, %and3A_1975 : vector<16xi32>
    %get3A_1977 = arith.constant 2 : i32
    %get3A_1978 = arith.index_cast %get3A_1977 : i32 to index
    %get3A_1979 = arith.constant 112 : index
    %get3A_1980 = tpu.vector_load %arg17[%get3A_1978, %get3A_1979] {strides = array<i32>} : memref<4x128xi32, #tpu.memory_space<vmem>>, vector<16xi32>,
    %and3A_1981 = arith.constant 15 : i32
    %and3A_1982 = vector.broadcast %and3A_1981 : i32 to vector<16xi32>
    %and3A_1983 = arith.andi %get3A_1980, %and3A_1982 : vector<16xi32>
    %gather3A_1984 = tpu.vector_load_idx %arg24[%add3A_1969, %and3A_1976] : memref<512x16xf32, #tpu.memory_space<vmem>>[vector<16xi32>, vector<16xi32>], vector<16xf32>,
    %gather3A_1985 = tpu.vector_load_idx %arg25[%add3A_1969, %and3A_1983] : memref<512x16xf32, #tpu.memory_space<vmem>>[vector<16xi32>, vector<16xi32>], vector<16xf32>,
    %add3A_1986 = arith.addf %gather3A_1984, %gather3A_1985 : vector<16xf32>
    %swap3A_1987 = arith.constant 368 : index
    %swap3A_1988 = tpu.vector_load %arg28[%swap3A_1987] {strides = array<i32>} : memref<512xf32, #tpu.memory_space<vmem>>, vector<16xf32>,
    tpu.vector_store %arg28[%swap3A_1987], %add3A_1986 {strides = array<i32>} : memref<512xf32, #tpu.memory_space<vmem>>, vector<16xf32>,
    %gather3A_1989 = tpu.vector_load_idx %arg26[%add3A_1969, %and3A_1976] : memref<512x16xf32, #tpu.memory_space<vmem>>[vector<16xi32>, vector<16xi32>], vector<16xf32>,
    %gather3A_1990 = tpu.vector_load_idx %arg27[%add3A_1969, %and3A_1983] : memref<512x16xf32, #tpu.memory_space<vmem>>[vector<16xi32>, vector<16xi32>], vector<16xf32>,
    %add3A_1991 = arith.addf %gather3A_1989, %gather3A_1990 : vector<16xf32>
    %swap3A_1992 = arith.constant 368 : index
    %swap3A_1993 = tpu.vector_load %arg29[%swap3A_1992] {strides = array<i32>} : memref<512xf32, #tpu.memory_space<vmem>>, vector<16xf32>,
    tpu.vector_store %arg29[%swap3A_1992], %add3A_1991 {strides = array<i32>} : memref<512xf32, #tpu.memory_space<vmem>>, vector<16xf32>,
    %add3A_1994 = arith.constant 384 : i32
    %add3A_1995 = vector.broadcast %add3A_1994 : i32 to vector<16xi32>
    %add3A_1996 = arith.addi %iota3A, %add3A_1995 : vector<16xi32>
    %get3A_1997 = arith.constant 3 : i32
    %get3A_1998 = arith.index_cast %get3A_1997 : i32 to index
    %get3A_1999 = arith.constant 0 : index
    %get3A_2000 = tpu.vector_load %arg16[%get3A_1998, %get3A_1999] {strides = array<i32>} : memref<4x128xi32, #tpu.memory_space<vmem>>, vector<16xi32>,
    %and3A_2001 = arith.constant 15 : i32
    %and3A_2002 = vector.broadcast %and3A_2001 : i32 to vector<16xi32>
    %and3A_2003 = arith.andi %get3A_2000, %and3A_2002 : vector<16xi32>
    %get3A_2004 = arith.constant 3 : i32
    %get3A_2005 = arith.index_cast %get3A_2004 : i32 to index
    %get3A_2006 = arith.constant 0 : index
    %get3A_2007 = tpu.vector_load %arg17[%get3A_2005, %get3A_2006] {strides = array<i32>} : memref<4x128xi32, #tpu.memory_space<vmem>>, vector<16xi32>,
    %and3A_2008 = arith.constant 15 : i32
    %and3A_2009 = vector.broadcast %and3A_2008 : i32 to vector<16xi32>
    %and3A_2010 = arith.andi %get3A_2007, %and3A_2009 : vector<16xi32>
    %gather3A_2011 = tpu.vector_load_idx %arg24[%add3A_1996, %and3A_2003] : memref<512x16xf32, #tpu.memory_space<vmem>>[vector<16xi32>, vector<16xi32>], vector<16xf32>,
    %gather3A_2012 = tpu.vector_load_idx %arg25[%add3A_1996, %and3A_2010] : memref<512x16xf32, #tpu.memory_space<vmem>>[vector<16xi32>, vector<16xi32>], vector<16xf32>,
    %add3A_2013 = arith.addf %gather3A_2011, %gather3A_2012 : vector<16xf32>
    %swap3A_2014 = arith.constant 384 : index
    %swap3A_2015 = tpu.vector_load %arg28[%swap3A_2014] {strides = array<i32>} : memref<512xf32, #tpu.memory_space<vmem>>, vector<16xf32>,
    tpu.vector_store %arg28[%swap3A_2014], %add3A_2013 {strides = array<i32>} : memref<512xf32, #tpu.memory_space<vmem>>, vector<16xf32>,
    %gather3A_2016 = tpu.vector_load_idx %arg26[%add3A_1996, %and3A_2003] : memref<512x16xf32, #tpu.memory_space<vmem>>[vector<16xi32>, vector<16xi32>], vector<16xf32>,
    %gather3A_2017 = tpu.vector_load_idx %arg27[%add3A_1996, %and3A_2010] : memref<512x16xf32, #tpu.memory_space<vmem>>[vector<16xi32>, vector<16xi32>], vector<16xf32>,
    %add3A_2018 = arith.addf %gather3A_2016, %gather3A_2017 : vector<16xf32>
    %swap3A_2019 = arith.constant 384 : index
    %swap3A_2020 = tpu.vector_load %arg29[%swap3A_2019] {strides = array<i32>} : memref<512xf32, #tpu.memory_space<vmem>>, vector<16xf32>,
    tpu.vector_store %arg29[%swap3A_2019], %add3A_2018 {strides = array<i32>} : memref<512xf32, #tpu.memory_space<vmem>>, vector<16xf32>,
    %add3A_2021 = arith.constant 400 : i32
    %add3A_2022 = vector.broadcast %add3A_2021 : i32 to vector<16xi32>
    %add3A_2023 = arith.addi %iota3A, %add3A_2022 : vector<16xi32>
    %get3A_2024 = arith.constant 3 : i32
    %get3A_2025 = arith.index_cast %get3A_2024 : i32 to index
    %get3A_2026 = arith.constant 16 : index
    %get3A_2027 = tpu.vector_load %arg16[%get3A_2025, %get3A_2026] {strides = array<i32>} : memref<4x128xi32, #tpu.memory_space<vmem>>, vector<16xi32>,
    %and3A_2028 = arith.constant 15 : i32
    %and3A_2029 = vector.broadcast %and3A_2028 : i32 to vector<16xi32>
    %and3A_2030 = arith.andi %get3A_2027, %and3A_2029 : vector<16xi32>
    %get3A_2031 = arith.constant 3 : i32
    %get3A_2032 = arith.index_cast %get3A_2031 : i32 to index
    %get3A_2033 = arith.constant 16 : index
    %get3A_2034 = tpu.vector_load %arg17[%get3A_2032, %get3A_2033] {strides = array<i32>} : memref<4x128xi32, #tpu.memory_space<vmem>>, vector<16xi32>,
    %and3A_2035 = arith.constant 15 : i32
    %and3A_2036 = vector.broadcast %and3A_2035 : i32 to vector<16xi32>
    %and3A_2037 = arith.andi %get3A_2034, %and3A_2036 : vector<16xi32>
    %gather3A_2038 = tpu.vector_load_idx %arg24[%add3A_2023, %and3A_2030] : memref<512x16xf32, #tpu.memory_space<vmem>>[vector<16xi32>, vector<16xi32>], vector<16xf32>,
    %gather3A_2039 = tpu.vector_load_idx %arg25[%add3A_2023, %and3A_2037] : memref<512x16xf32, #tpu.memory_space<vmem>>[vector<16xi32>, vector<16xi32>], vector<16xf32>,
    %add3A_2040 = arith.addf %gather3A_2038, %gather3A_2039 : vector<16xf32>
    %swap3A_2041 = arith.constant 400 : index
    %swap3A_2042 = tpu.vector_load %arg28[%swap3A_2041] {strides = array<i32>} : memref<512xf32, #tpu.memory_space<vmem>>, vector<16xf32>,
    tpu.vector_store %arg28[%swap3A_2041], %add3A_2040 {strides = array<i32>} : memref<512xf32, #tpu.memory_space<vmem>>, vector<16xf32>,
    %gather3A_2043 = tpu.vector_load_idx %arg26[%add3A_2023, %and3A_2030] : memref<512x16xf32, #tpu.memory_space<vmem>>[vector<16xi32>, vector<16xi32>], vector<16xf32>,
    %gather3A_2044 = tpu.vector_load_idx %arg27[%add3A_2023, %and3A_2037] : memref<512x16xf32, #tpu.memory_space<vmem>>[vector<16xi32>, vector<16xi32>], vector<16xf32>,
    %add3A_2045 = arith.addf %gather3A_2043, %gather3A_2044 : vector<16xf32>
    %swap3A_2046 = arith.constant 400 : index
    %swap3A_2047 = tpu.vector_load %arg29[%swap3A_2046] {strides = array<i32>} : memref<512xf32, #tpu.memory_space<vmem>>, vector<16xf32>,
    tpu.vector_store %arg29[%swap3A_2046], %add3A_2045 {strides = array<i32>} : memref<512xf32, #tpu.memory_space<vmem>>, vector<16xf32>,
    %add3A_2048 = arith.constant 416 : i32
    %add3A_2049 = vector.broadcast %add3A_2048 : i32 to vector<16xi32>
    %add3A_2050 = arith.addi %iota3A, %add3A_2049 : vector<16xi32>
    %get3A_2051 = arith.constant 3 : i32
    %get3A_2052 = arith.index_cast %get3A_2051 : i32 to index
    %get3A_2053 = arith.constant 32 : index
    %get3A_2054 = tpu.vector_load %arg16[%get3A_2052, %get3A_2053] {strides = array<i32>} : memref<4x128xi32, #tpu.memory_space<vmem>>, vector<16xi32>,
    %and3A_2055 = arith.constant 15 : i32
    %and3A_2056 = vector.broadcast %and3A_2055 : i32 to vector<16xi32>
    %and3A_2057 = arith.andi %get3A_2054, %and3A_2056 : vector<16xi32>
    %get3A_2058 = arith.constant 3 : i32
    %get3A_2059 = arith.index_cast %get3A_2058 : i32 to index
    %get3A_2060 = arith.constant 32 : index
    %get3A_2061 = tpu.vector_load %arg17[%get3A_2059, %get3A_2060] {strides = array<i32>} : memref<4x128xi32, #tpu.memory_space<vmem>>, vector<16xi32>,
    %and3A_2062 = arith.constant 15 : i32
    %and3A_2063 = vector.broadcast %and3A_2062 : i32 to vector<16xi32>
    %and3A_2064 = arith.andi %get3A_2061, %and3A_2063 : vector<16xi32>
    %gather3A_2065 = tpu.vector_load_idx %arg24[%add3A_2050, %and3A_2057] : memref<512x16xf32, #tpu.memory_space<vmem>>[vector<16xi32>, vector<16xi32>], vector<16xf32>,
    %gather3A_2066 = tpu.vector_load_idx %arg25[%add3A_2050, %and3A_2064] : memref<512x16xf32, #tpu.memory_space<vmem>>[vector<16xi32>, vector<16xi32>], vector<16xf32>,
    %add3A_2067 = arith.addf %gather3A_2065, %gather3A_2066 : vector<16xf32>
    %swap3A_2068 = arith.constant 416 : index
    %swap3A_2069 = tpu.vector_load %arg28[%swap3A_2068] {strides = array<i32>} : memref<512xf32, #tpu.memory_space<vmem>>, vector<16xf32>,
    tpu.vector_store %arg28[%swap3A_2068], %add3A_2067 {strides = array<i32>} : memref<512xf32, #tpu.memory_space<vmem>>, vector<16xf32>,
    %gather3A_2070 = tpu.vector_load_idx %arg26[%add3A_2050, %and3A_2057] : memref<512x16xf32, #tpu.memory_space<vmem>>[vector<16xi32>, vector<16xi32>], vector<16xf32>,
    %gather3A_2071 = tpu.vector_load_idx %arg27[%add3A_2050, %and3A_2064] : memref<512x16xf32, #tpu.memory_space<vmem>>[vector<16xi32>, vector<16xi32>], vector<16xf32>,
    %add3A_2072 = arith.addf %gather3A_2070, %gather3A_2071 : vector<16xf32>
    %swap3A_2073 = arith.constant 416 : index
    %swap3A_2074 = tpu.vector_load %arg29[%swap3A_2073] {strides = array<i32>} : memref<512xf32, #tpu.memory_space<vmem>>, vector<16xf32>,
    tpu.vector_store %arg29[%swap3A_2073], %add3A_2072 {strides = array<i32>} : memref<512xf32, #tpu.memory_space<vmem>>, vector<16xf32>,
    %add3A_2075 = arith.constant 432 : i32
    %add3A_2076 = vector.broadcast %add3A_2075 : i32 to vector<16xi32>
    %add3A_2077 = arith.addi %iota3A, %add3A_2076 : vector<16xi32>
    %get3A_2078 = arith.constant 3 : i32
    %get3A_2079 = arith.index_cast %get3A_2078 : i32 to index
    %get3A_2080 = arith.constant 48 : index
    %get3A_2081 = tpu.vector_load %arg16[%get3A_2079, %get3A_2080] {strides = array<i32>} : memref<4x128xi32, #tpu.memory_space<vmem>>, vector<16xi32>,
    %and3A_2082 = arith.constant 15 : i32
    %and3A_2083 = vector.broadcast %and3A_2082 : i32 to vector<16xi32>
    %and3A_2084 = arith.andi %get3A_2081, %and3A_2083 : vector<16xi32>
    %get3A_2085 = arith.constant 3 : i32
    %get3A_2086 = arith.index_cast %get3A_2085 : i32 to index
    %get3A_2087 = arith.constant 48 : index
    %get3A_2088 = tpu.vector_load %arg17[%get3A_2086, %get3A_2087] {strides = array<i32>} : memref<4x128xi32, #tpu.memory_space<vmem>>, vector<16xi32>,
    %and3A_2089 = arith.constant 15 : i32
    %and3A_2090 = vector.broadcast %and3A_2089 : i32 to vector<16xi32>
    %and3A_2091 = arith.andi %get3A_2088, %and3A_2090 : vector<16xi32>
    %gather3A_2092 = tpu.vector_load_idx %arg24[%add3A_2077, %and3A_2084] : memref<512x16xf32, #tpu.memory_space<vmem>>[vector<16xi32>, vector<16xi32>], vector<16xf32>,
    %gather3A_2093 = tpu.vector_load_idx %arg25[%add3A_2077, %and3A_2091] : memref<512x16xf32, #tpu.memory_space<vmem>>[vector<16xi32>, vector<16xi32>], vector<16xf32>,
    %add3A_2094 = arith.addf %gather3A_2092, %gather3A_2093 : vector<16xf32>
    %swap3A_2095 = arith.constant 432 : index
    %swap3A_2096 = tpu.vector_load %arg28[%swap3A_2095] {strides = array<i32>} : memref<512xf32, #tpu.memory_space<vmem>>, vector<16xf32>,
    tpu.vector_store %arg28[%swap3A_2095], %add3A_2094 {strides = array<i32>} : memref<512xf32, #tpu.memory_space<vmem>>, vector<16xf32>,
    %gather3A_2097 = tpu.vector_load_idx %arg26[%add3A_2077, %and3A_2084] : memref<512x16xf32, #tpu.memory_space<vmem>>[vector<16xi32>, vector<16xi32>], vector<16xf32>,
    %gather3A_2098 = tpu.vector_load_idx %arg27[%add3A_2077, %and3A_2091] : memref<512x16xf32, #tpu.memory_space<vmem>>[vector<16xi32>, vector<16xi32>], vector<16xf32>,
    %add3A_2099 = arith.addf %gather3A_2097, %gather3A_2098 : vector<16xf32>
    %swap3A_2100 = arith.constant 432 : index
    %swap3A_2101 = tpu.vector_load %arg29[%swap3A_2100] {strides = array<i32>} : memref<512xf32, #tpu.memory_space<vmem>>, vector<16xf32>,
    tpu.vector_store %arg29[%swap3A_2100], %add3A_2099 {strides = array<i32>} : memref<512xf32, #tpu.memory_space<vmem>>, vector<16xf32>,
    %add3A_2102 = arith.constant 448 : i32
    %add3A_2103 = vector.broadcast %add3A_2102 : i32 to vector<16xi32>
    %add3A_2104 = arith.addi %iota3A, %add3A_2103 : vector<16xi32>
    %get3A_2105 = arith.constant 3 : i32
    %get3A_2106 = arith.index_cast %get3A_2105 : i32 to index
    %get3A_2107 = arith.constant 64 : index
    %get3A_2108 = tpu.vector_load %arg16[%get3A_2106, %get3A_2107] {strides = array<i32>} : memref<4x128xi32, #tpu.memory_space<vmem>>, vector<16xi32>,
    %and3A_2109 = arith.constant 15 : i32
    %and3A_2110 = vector.broadcast %and3A_2109 : i32 to vector<16xi32>
    %and3A_2111 = arith.andi %get3A_2108, %and3A_2110 : vector<16xi32>
    %get3A_2112 = arith.constant 3 : i32
    %get3A_2113 = arith.index_cast %get3A_2112 : i32 to index
    %get3A_2114 = arith.constant 64 : index
    %get3A_2115 = tpu.vector_load %arg17[%get3A_2113, %get3A_2114] {strides = array<i32>} : memref<4x128xi32, #tpu.memory_space<vmem>>, vector<16xi32>,
    %and3A_2116 = arith.constant 15 : i32
    %and3A_2117 = vector.broadcast %and3A_2116 : i32 to vector<16xi32>
    %and3A_2118 = arith.andi %get3A_2115, %and3A_2117 : vector<16xi32>
    %gather3A_2119 = tpu.vector_load_idx %arg24[%add3A_2104, %and3A_2111] : memref<512x16xf32, #tpu.memory_space<vmem>>[vector<16xi32>, vector<16xi32>], vector<16xf32>,
    %gather3A_2120 = tpu.vector_load_idx %arg25[%add3A_2104, %and3A_2118] : memref<512x16xf32, #tpu.memory_space<vmem>>[vector<16xi32>, vector<16xi32>], vector<16xf32>,
    %add3A_2121 = arith.addf %gather3A_2119, %gather3A_2120 : vector<16xf32>
    %swap3A_2122 = arith.constant 448 : index
    %swap3A_2123 = tpu.vector_load %arg28[%swap3A_2122] {strides = array<i32>} : memref<512xf32, #tpu.memory_space<vmem>>, vector<16xf32>,
    tpu.vector_store %arg28[%swap3A_2122], %add3A_2121 {strides = array<i32>} : memref<512xf32, #tpu.memory_space<vmem>>, vector<16xf32>,
    %gather3A_2124 = tpu.vector_load_idx %arg26[%add3A_2104, %and3A_2111] : memref<512x16xf32, #tpu.memory_space<vmem>>[vector<16xi32>, vector<16xi32>], vector<16xf32>,
    %gather3A_2125 = tpu.vector_load_idx %arg27[%add3A_2104, %and3A_2118] : memref<512x16xf32, #tpu.memory_space<vmem>>[vector<16xi32>, vector<16xi32>], vector<16xf32>,
    %add3A_2126 = arith.addf %gather3A_2124, %gather3A_2125 : vector<16xf32>
    %swap3A_2127 = arith.constant 448 : index
    %swap3A_2128 = tpu.vector_load %arg29[%swap3A_2127] {strides = array<i32>} : memref<512xf32, #tpu.memory_space<vmem>>, vector<16xf32>,
    tpu.vector_store %arg29[%swap3A_2127], %add3A_2126 {strides = array<i32>} : memref<512xf32, #tpu.memory_space<vmem>>, vector<16xf32>,
    %add3A_2129 = arith.constant 464 : i32
    %add3A_2130 = vector.broadcast %add3A_2129 : i32 to vector<16xi32>
    %add3A_2131 = arith.addi %iota3A, %add3A_2130 : vector<16xi32>
    %get3A_2132 = arith.constant 3 : i32
    %get3A_2133 = arith.index_cast %get3A_2132 : i32 to index
    %get3A_2134 = arith.constant 80 : index
    %get3A_2135 = tpu.vector_load %arg16[%get3A_2133, %get3A_2134] {strides = array<i32>} : memref<4x128xi32, #tpu.memory_space<vmem>>, vector<16xi32>,
    %and3A_2136 = arith.constant 15 : i32
    %and3A_2137 = vector.broadcast %and3A_2136 : i32 to vector<16xi32>
    %and3A_2138 = arith.andi %get3A_2135, %and3A_2137 : vector<16xi32>
    %get3A_2139 = arith.constant 3 : i32
    %get3A_2140 = arith.index_cast %get3A_2139 : i32 to index
    %get3A_2141 = arith.constant 80 : index
    %get3A_2142 = tpu.vector_load %arg17[%get3A_2140, %get3A_2141] {strides = array<i32>} : memref<4x128xi32, #tpu.memory_space<vmem>>, vector<16xi32>,
    %and3A_2143 = arith.constant 15 : i32
    %and3A_2144 = vector.broadcast %and3A_2143 : i32 to vector<16xi32>
    %and3A_2145 = arith.andi %get3A_2142, %and3A_2144 : vector<16xi32>
    %gather3A_2146 = tpu.vector_load_idx %arg24[%add3A_2131, %and3A_2138] : memref<512x16xf32, #tpu.memory_space<vmem>>[vector<16xi32>, vector<16xi32>], vector<16xf32>,
    %gather3A_2147 = tpu.vector_load_idx %arg25[%add3A_2131, %and3A_2145] : memref<512x16xf32, #tpu.memory_space<vmem>>[vector<16xi32>, vector<16xi32>], vector<16xf32>,
    %add3A_2148 = arith.addf %gather3A_2146, %gather3A_2147 : vector<16xf32>
    %swap3A_2149 = arith.constant 464 : index
    %swap3A_2150 = tpu.vector_load %arg28[%swap3A_2149] {strides = array<i32>} : memref<512xf32, #tpu.memory_space<vmem>>, vector<16xf32>,
    tpu.vector_store %arg28[%swap3A_2149], %add3A_2148 {strides = array<i32>} : memref<512xf32, #tpu.memory_space<vmem>>, vector<16xf32>,
    %gather3A_2151 = tpu.vector_load_idx %arg26[%add3A_2131, %and3A_2138] : memref<512x16xf32, #tpu.memory_space<vmem>>[vector<16xi32>, vector<16xi32>], vector<16xf32>,
    %gather3A_2152 = tpu.vector_load_idx %arg27[%add3A_2131, %and3A_2145] : memref<512x16xf32, #tpu.memory_space<vmem>>[vector<16xi32>, vector<16xi32>], vector<16xf32>,
    %add3A_2153 = arith.addf %gather3A_2151, %gather3A_2152 : vector<16xf32>
    %swap3A_2154 = arith.constant 464 : index
    %swap3A_2155 = tpu.vector_load %arg29[%swap3A_2154] {strides = array<i32>} : memref<512xf32, #tpu.memory_space<vmem>>, vector<16xf32>,
    tpu.vector_store %arg29[%swap3A_2154], %add3A_2153 {strides = array<i32>} : memref<512xf32, #tpu.memory_space<vmem>>, vector<16xf32>,
    %add3A_2156 = arith.constant 480 : i32
    %add3A_2157 = vector.broadcast %add3A_2156 : i32 to vector<16xi32>
    %add3A_2158 = arith.addi %iota3A, %add3A_2157 : vector<16xi32>
    %get3A_2159 = arith.constant 3 : i32
    %get3A_2160 = arith.index_cast %get3A_2159 : i32 to index
    %get3A_2161 = arith.constant 96 : index
    %get3A_2162 = tpu.vector_load %arg16[%get3A_2160, %get3A_2161] {strides = array<i32>} : memref<4x128xi32, #tpu.memory_space<vmem>>, vector<16xi32>,
    %and3A_2163 = arith.constant 15 : i32
    %and3A_2164 = vector.broadcast %and3A_2163 : i32 to vector<16xi32>
    %and3A_2165 = arith.andi %get3A_2162, %and3A_2164 : vector<16xi32>
    %get3A_2166 = arith.constant 3 : i32
    %get3A_2167 = arith.index_cast %get3A_2166 : i32 to index
    %get3A_2168 = arith.constant 96 : index
    %get3A_2169 = tpu.vector_load %arg17[%get3A_2167, %get3A_2168] {strides = array<i32>} : memref<4x128xi32, #tpu.memory_space<vmem>>, vector<16xi32>,
    %and3A_2170 = arith.constant 15 : i32
    %and3A_2171 = vector.broadcast %and3A_2170 : i32 to vector<16xi32>
    %and3A_2172 = arith.andi %get3A_2169, %and3A_2171 : vector<16xi32>
    %gather3A_2173 = tpu.vector_load_idx %arg24[%add3A_2158, %and3A_2165] : memref<512x16xf32, #tpu.memory_space<vmem>>[vector<16xi32>, vector<16xi32>], vector<16xf32>,
    %gather3A_2174 = tpu.vector_load_idx %arg25[%add3A_2158, %and3A_2172] : memref<512x16xf32, #tpu.memory_space<vmem>>[vector<16xi32>, vector<16xi32>], vector<16xf32>,
    %add3A_2175 = arith.addf %gather3A_2173, %gather3A_2174 : vector<16xf32>
    %swap3A_2176 = arith.constant 480 : index
    %swap3A_2177 = tpu.vector_load %arg28[%swap3A_2176] {strides = array<i32>} : memref<512xf32, #tpu.memory_space<vmem>>, vector<16xf32>,
    tpu.vector_store %arg28[%swap3A_2176], %add3A_2175 {strides = array<i32>} : memref<512xf32, #tpu.memory_space<vmem>>, vector<16xf32>,
    %gather3A_2178 = tpu.vector_load_idx %arg26[%add3A_2158, %and3A_2165] : memref<512x16xf32, #tpu.memory_space<vmem>>[vector<16xi32>, vector<16xi32>], vector<16xf32>,
    %gather3A_2179 = tpu.vector_load_idx %arg27[%add3A_2158, %and3A_2172] : memref<512x16xf32, #tpu.memory_space<vmem>>[vector<16xi32>, vector<16xi32>], vector<16xf32>,
    %add3A_2180 = arith.addf %gather3A_2178, %gather3A_2179 : vector<16xf32>
    %swap3A_2181 = arith.constant 480 : index
    %swap3A_2182 = tpu.vector_load %arg29[%swap3A_2181] {strides = array<i32>} : memref<512xf32, #tpu.memory_space<vmem>>, vector<16xf32>,
    tpu.vector_store %arg29[%swap3A_2181], %add3A_2180 {strides = array<i32>} : memref<512xf32, #tpu.memory_space<vmem>>, vector<16xf32>,
    %add3A_2183 = arith.constant 496 : i32
    %add3A_2184 = vector.broadcast %add3A_2183 : i32 to vector<16xi32>
    %add3A_2185 = arith.addi %iota3A, %add3A_2184 : vector<16xi32>
    %get3A_2186 = arith.constant 3 : i32
    %get3A_2187 = arith.index_cast %get3A_2186 : i32 to index
    %get3A_2188 = arith.constant 112 : index
    %get3A_2189 = tpu.vector_load %arg16[%get3A_2187, %get3A_2188] {strides = array<i32>} : memref<4x128xi32, #tpu.memory_space<vmem>>, vector<16xi32>,
    %and3A_2190 = arith.constant 15 : i32
    %and3A_2191 = vector.broadcast %and3A_2190 : i32 to vector<16xi32>
    %and3A_2192 = arith.andi %get3A_2189, %and3A_2191 : vector<16xi32>
    %get3A_2193 = arith.constant 3 : i32
    %get3A_2194 = arith.index_cast %get3A_2193 : i32 to index
    %get3A_2195 = arith.constant 112 : index
    %get3A_2196 = tpu.vector_load %arg17[%get3A_2194, %get3A_2195] {strides = array<i32>} : memref<4x128xi32, #tpu.memory_space<vmem>>, vector<16xi32>,
    %and3A_2197 = arith.constant 15 : i32
    %and3A_2198 = vector.broadcast %and3A_2197 : i32 to vector<16xi32>
    %and3A_2199 = arith.andi %get3A_2196, %and3A_2198 : vector<16xi32>
    %gather3A_2200 = tpu.vector_load_idx %arg24[%add3A_2185, %and3A_2192] : memref<512x16xf32, #tpu.memory_space<vmem>>[vector<16xi32>, vector<16xi32>], vector<16xf32>,
    %gather3A_2201 = tpu.vector_load_idx %arg25[%add3A_2185, %and3A_2199] : memref<512x16xf32, #tpu.memory_space<vmem>>[vector<16xi32>, vector<16xi32>], vector<16xf32>,
    %add3A_2202 = arith.addf %gather3A_2200, %gather3A_2201 : vector<16xf32>
    %swap3A_2203 = arith.constant 496 : index
    %swap3A_2204 = tpu.vector_load %arg28[%swap3A_2203] {strides = array<i32>} : memref<512xf32, #tpu.memory_space<vmem>>, vector<16xf32>,
    tpu.vector_store %arg28[%swap3A_2203], %add3A_2202 {strides = array<i32>} : memref<512xf32, #tpu.memory_space<vmem>>, vector<16xf32>,
    %gather3A_2205 = tpu.vector_load_idx %arg26[%add3A_2185, %and3A_2192] : memref<512x16xf32, #tpu.memory_space<vmem>>[vector<16xi32>, vector<16xi32>], vector<16xf32>,
    %gather3A_2206 = tpu.vector_load_idx %arg27[%add3A_2185, %and3A_2199] : memref<512x16xf32, #tpu.memory_space<vmem>>[vector<16xi32>, vector<16xi32>], vector<16xf32>,
    %add3A_2207 = arith.addf %gather3A_2205, %gather3A_2206 : vector<16xf32>
    %swap3A_2208 = arith.constant 496 : index
    %swap3A_2209 = tpu.vector_load %arg29[%swap3A_2208] {strides = array<i32>} : memref<512xf32, #tpu.memory_space<vmem>>, vector<16xf32>,
    tpu.vector_store %arg29[%swap3A_2208], %add3A_2207 {strides = array<i32>} : memref<512xf32, #tpu.memory_space<vmem>>, vector<16xf32>,
    "tpu.region"() ({
      %run_scoped3A = tpu.sem_alloc : memref<!tpu.dma_semaphore, #tpu.memory_space<semaphore_mem>>
      %dma_start3A_2210 = arith.constant 0 : i32
      %dma_start3A_2211 = tpu.memref_slice %arg12[%mul3A_2, %dma_start3A_2210] : memref<16384x32xf32, #tpu.memory_space<hbm>> -> memref<512x32xf32, #tpu.memory_space<hbm>>
      %dma_start3A_2212 = arith.constant 0 : i32
      %dma_start3A_2213 = tpu.memref_slice %arg12[%mul3A_2, %dma_start3A_2212] : memref<16384x32xf32, #tpu.memory_space<hbm>> -> memref<512x32xf32, #tpu.memory_space<hbm>>
      tpu.enqueue_dma source(%arg18 : memref<512x32xf32, #tpu.memory_space<vmem>>) target(%dma_start3A_2213 : memref<512x32xf32, #tpu.memory_space<hbm>>) target_semaphore(%run_scoped3A : memref<!tpu.dma_semaphore, #tpu.memory_space<semaphore_mem>>)
      %dma_wait3A_2214 = arith.constant 0 : i32
      %dma_wait3A_2215 = tpu.memref_slice %arg12[%mul3A_2, %dma_wait3A_2214] : memref<16384x32xf32, #tpu.memory_space<hbm>> -> memref<512x32xf32, #tpu.memory_space<hbm>>
      %dma_wait3A_2216 = arith.constant 0 : i32
      %dma_wait3A_2217 = tpu.memref_slice %arg12[%mul3A_2, %dma_wait3A_2216] : memref<16384x32xf32, #tpu.memory_space<hbm>> -> memref<512x32xf32, #tpu.memory_space<hbm>>
      tpu.wait_dma2 semaphore(%run_scoped3A : memref<!tpu.dma_semaphore, #tpu.memory_space<semaphore_mem>>) src(%arg18 : memref<512x32xf32, #tpu.memory_space<vmem>>) dst(%dma_wait3A_2217 : memref<512x32xf32, #tpu.memory_space<hbm>>)
      tpu.yield
    }) : () -> ()
    "tpu.region"() ({
      %run_scoped3A = tpu.sem_alloc : memref<!tpu.dma_semaphore, #tpu.memory_space<semaphore_mem>>
      %dma_start3A_2210 = arith.constant 0 : i32
      %dma_start3A_2211 = tpu.memref_slice %arg13[%mul3A_2, %dma_start3A_2210] : memref<16384x32xf32, #tpu.memory_space<hbm>> -> memref<512x32xf32, #tpu.memory_space<hbm>>
      %dma_start3A_2212 = arith.constant 0 : i32
      %dma_start3A_2213 = tpu.memref_slice %arg13[%mul3A_2, %dma_start3A_2212] : memref<16384x32xf32, #tpu.memory_space<hbm>> -> memref<512x32xf32, #tpu.memory_space<hbm>>
      tpu.enqueue_dma source(%arg20 : memref<512x32xf32, #tpu.memory_space<vmem>>) target(%dma_start3A_2213 : memref<512x32xf32, #tpu.memory_space<hbm>>) target_semaphore(%run_scoped3A : memref<!tpu.dma_semaphore, #tpu.memory_space<semaphore_mem>>)
      %dma_wait3A_2214 = arith.constant 0 : i32
      %dma_wait3A_2215 = tpu.memref_slice %arg13[%mul3A_2, %dma_wait3A_2214] : memref<16384x32xf32, #tpu.memory_space<hbm>> -> memref<512x32xf32, #tpu.memory_space<hbm>>
      %dma_wait3A_2216 = arith.constant 0 : i32
      %dma_wait3A_2217 = tpu.memref_slice %arg13[%mul3A_2, %dma_wait3A_2216] : memref<16384x32xf32, #tpu.memory_space<hbm>> -> memref<512x32xf32, #tpu.memory_space<hbm>>
      tpu.wait_dma2 semaphore(%run_scoped3A : memref<!tpu.dma_semaphore, #tpu.memory_space<semaphore_mem>>) src(%arg20 : memref<512x32xf32, #tpu.memory_space<vmem>>) dst(%dma_wait3A_2217 : memref<512x32xf32, #tpu.memory_space<hbm>>)
      tpu.yield
    }) : () -> ()
    "tpu.region"() ({
      %run_scoped3A = tpu.sem_alloc : memref<!tpu.dma_semaphore, #tpu.memory_space<semaphore_mem>>
      %dma_start3A_2210 = tpu.memref_slice %arg14[%mul3A_2] : memref<16384xf32, #tpu.memory_space<hbm>> -> memref<512xf32, #tpu.memory_space<hbm>>
      %dma_start3A_2211 = tpu.memref_slice %arg14[%mul3A_2] : memref<16384xf32, #tpu.memory_space<hbm>> -> memref<512xf32, #tpu.memory_space<hbm>>
      tpu.enqueue_dma source(%arg28 : memref<512xf32, #tpu.memory_space<vmem>>) target(%dma_start3A_2211 : memref<512xf32, #tpu.memory_space<hbm>>) target_semaphore(%run_scoped3A : memref<!tpu.dma_semaphore, #tpu.memory_space<semaphore_mem>>)
      %dma_wait3A_2212 = tpu.memref_slice %arg14[%mul3A_2] : memref<16384xf32, #tpu.memory_space<hbm>> -> memref<512xf32, #tpu.memory_space<hbm>>
      %dma_wait3A_2213 = tpu.memref_slice %arg14[%mul3A_2] : memref<16384xf32, #tpu.memory_space<hbm>> -> memref<512xf32, #tpu.memory_space<hbm>>
      tpu.wait_dma2 semaphore(%run_scoped3A : memref<!tpu.dma_semaphore, #tpu.memory_space<semaphore_mem>>) src(%arg28 : memref<512xf32, #tpu.memory_space<vmem>>) dst(%dma_wait3A_2213 : memref<512xf32, #tpu.memory_space<hbm>>)
      tpu.yield
    }) : () -> ()
    "tpu.region"() ({
      %run_scoped3A = tpu.sem_alloc : memref<!tpu.dma_semaphore, #tpu.memory_space<semaphore_mem>>
      %dma_start3A_2210 = tpu.memref_slice %arg15[%mul3A_2] : memref<16384xf32, #tpu.memory_space<hbm>> -> memref<512xf32, #tpu.memory_space<hbm>>
      %dma_start3A_2211 = tpu.memref_slice %arg15[%mul3A_2] : memref<16384xf32, #tpu.memory_space<hbm>> -> memref<512xf32, #tpu.memory_space<hbm>>
      tpu.enqueue_dma source(%arg29 : memref<512xf32, #tpu.memory_space<vmem>>) target(%dma_start3A_2211 : memref<512xf32, #tpu.memory_space<hbm>>) target_semaphore(%run_scoped3A : memref<!tpu.dma_semaphore, #tpu.memory_space<semaphore_mem>>)
      %dma_wait3A_2212 = tpu.memref_slice %arg15[%mul3A_2] : memref<16384xf32, #tpu.memory_space<hbm>> -> memref<512xf32, #tpu.memory_space<hbm>>
      %dma_wait3A_2213 = tpu.memref_slice %arg15[%mul3A_2] : memref<16384xf32, #tpu.memory_space<hbm>> -> memref<512xf32, #tpu.memory_space<hbm>>
      tpu.wait_dma2 semaphore(%run_scoped3A : memref<!tpu.dma_semaphore, #tpu.memory_space<semaphore_mem>>) src(%arg29 : memref<512xf32, #tpu.memory_space<vmem>>) dst(%dma_wait3A_2213 : memref<512xf32, #tpu.memory_space<hbm>>)
      tpu.yield
    }) : () -> ()
    return
  }
}

module attributes {stable_mosaic.version = 14 : i64} {
  func.func @_tc_tail_body(%arg0: i32, %arg1: memref<2048x32xf32, #tpu.memory_space<vmem>>, %arg2: memref<2048x32xf32, #tpu.memory_space<vmem>>, %arg3: memref<2048xf32, #tpu.memory_space<vmem>>, %arg4: memref<2048xf32, #tpu.memory_space<vmem>>, %arg5: memref<2048x1xi32, #tpu.memory_space<vmem>>, %arg6: memref<8x32xf32, #tpu.memory_space<vmem>>, %arg7: memref<1x8xf32, #tpu.memory_space<vmem>>, %arg8: memref<32x8xf32, #tpu.memory_space<vmem>>, %arg9: memref<1x8xf32, #tpu.memory_space<vmem>>, %arg10: memref<2048xf32, #tpu.memory_space<vmem>>, %arg11: memref<2048xf32, #tpu.memory_space<vmem>>, %arg12: memref<2048x8xf32, #tpu.memory_space<vmem>>) attributes {dimension_semantics = [#tpu.dimension_semantics<arbitrary>], iteration_bounds = array<i64: 8>, scalar_prefetch = 0 : i64, scratch_operands = 0 : i64, tpu.core_type = #tpu.core_type<tc>, window_params = [{transform_indices = @transform_0, window_bounds = array<i64: 2048, 32>}, {transform_indices = @transform_1, window_bounds = array<i64: 2048, 32>}, {transform_indices = @transform_2, window_bounds = array<i64: 2048>}, {transform_indices = @transform_3, window_bounds = array<i64: 2048>}, {transform_indices = @transform_4, window_bounds = array<i64: 2048, 1>}, {pipeline_mode = #tpu.pipeline_mode<synchronous>, transform_indices = @transform_5, window_bounds = array<i64: 8, 32>}, {pipeline_mode = #tpu.pipeline_mode<synchronous>, transform_indices = @transform_6, window_bounds = array<i64: 1, 8>}, {pipeline_mode = #tpu.pipeline_mode<synchronous>, transform_indices = @transform_7, window_bounds = array<i64: 32, 8>}, {pipeline_mode = #tpu.pipeline_mode<synchronous>, transform_indices = @transform_8, window_bounds = array<i64: 1, 8>}, {transform_indices = @transform_9, window_bounds = array<i64: 2048>}, {transform_indices = @transform_10, window_bounds = array<i64: 2048>}, {transform_indices = @transform_11, window_bounds = array<i64: 2048, 8>}]} {
    %get3A = arith.constant 0 : index
    %get3A_0 = arith.constant 0 : index
    %get3A_1 = vector.load %arg1[%get3A, %get3A_0] : memref<2048x32xf32, #tpu.memory_space<vmem>>, vector<2048x32xf32>
    %get3A_2 = arith.constant 0 : index
    %get3A_3 = arith.constant 0 : index
    %get3A_4 = vector.load %arg2[%get3A_2, %get3A_3] : memref<2048x32xf32, #tpu.memory_space<vmem>>, vector<2048x32xf32>
    %get3A_5 = arith.constant 0 : index
    %get3A_6 = arith.constant 0 : index
    %get3A_7 = vector.load %arg5[%get3A_5, %get3A_6] : memref<2048x1xi32, #tpu.memory_space<vmem>>, vector<2048x1xi32>
    %iota3A = tpu.iota {dimensions = array<i32: 1>} : vector<1x8xi32>
    %eq3A = vector.broadcast %get3A_7 : vector<2048x1xi32> to vector<2048x8xi32>
    %eq3A_8 = vector.broadcast %iota3A : vector<1x8xi32> to vector<2048x8xi32>
    %eq3A_9 = arith.cmpi eq, %eq3A, %eq3A_8 : vector<2048x8xi32>
    %convert_element_type3A = arith.extui %eq3A_9 : vector<2048x8xi1> to vector<2048x8xi32>
    %convert_element_type3A_10 = arith.sitofp %convert_element_type3A : vector<2048x8xi32> to vector<2048x8xf32>
    %broadcast_in_dim3A = arith.constant 0.000000e+00 : f32
    %broadcast_in_dim3A_11 = vector.broadcast %broadcast_in_dim3A : f32 to vector<2048x32xf32>
    %slice3A = vector.extract_strided_slice %convert_element_type3A_10 {offsets = [0, 0], sizes = [2048, 1], strides = [1, 1]} : vector<2048x8xf32> to vector<2048x1xf32>
    %get3A_12 = arith.constant 0 : index
    %get3A_13 = arith.constant 0 : index
    %get3A_14 = vector.load %arg6[%get3A_12, %get3A_13] : memref<8x32xf32, #tpu.memory_space<vmem>>, vector<1x32xf32>
    %get3A_15 = vector.shape_cast %get3A_14 : vector<1x32xf32> to vector<32xf32>
    %broadcast_in_dim3A_16 = vector.shape_cast %get3A_15 : vector<32xf32> to vector<1x32xf32>
    %mul3A = vector.broadcast %slice3A : vector<2048x1xf32> to vector<2048x32xf32>
    %mul3A_17 = vector.broadcast %broadcast_in_dim3A_16 : vector<1x32xf32> to vector<2048x32xf32>
    %mul3A_18 = arith.mulf %mul3A, %mul3A_17 : vector<2048x32xf32>
    %add3A = arith.addf %broadcast_in_dim3A_11, %mul3A_18 : vector<2048x32xf32>
    %slice3A_19 = vector.extract_strided_slice %convert_element_type3A_10 {offsets = [0, 1], sizes = [2048, 1], strides = [1, 1]} : vector<2048x8xf32> to vector<2048x1xf32>
    %get3A_20 = arith.constant 1 : index
    %get3A_21 = arith.constant 0 : index
    %get3A_22 = vector.load %arg6[%get3A_20, %get3A_21] : memref<8x32xf32, #tpu.memory_space<vmem>>, vector<1x32xf32>
    %get3A_23 = vector.shape_cast %get3A_22 : vector<1x32xf32> to vector<32xf32>
    %broadcast_in_dim3A_24 = vector.shape_cast %get3A_23 : vector<32xf32> to vector<1x32xf32>
    %mul3A_25 = vector.broadcast %slice3A_19 : vector<2048x1xf32> to vector<2048x32xf32>
    %mul3A_26 = vector.broadcast %broadcast_in_dim3A_24 : vector<1x32xf32> to vector<2048x32xf32>
    %mul3A_27 = arith.mulf %mul3A_25, %mul3A_26 : vector<2048x32xf32>
    %add3A_28 = arith.addf %add3A, %mul3A_27 : vector<2048x32xf32>
    %slice3A_29 = vector.extract_strided_slice %convert_element_type3A_10 {offsets = [0, 2], sizes = [2048, 1], strides = [1, 1]} : vector<2048x8xf32> to vector<2048x1xf32>
    %get3A_30 = arith.constant 2 : index
    %get3A_31 = arith.constant 0 : index
    %get3A_32 = vector.load %arg6[%get3A_30, %get3A_31] : memref<8x32xf32, #tpu.memory_space<vmem>>, vector<1x32xf32>
    %get3A_33 = vector.shape_cast %get3A_32 : vector<1x32xf32> to vector<32xf32>
    %broadcast_in_dim3A_34 = vector.shape_cast %get3A_33 : vector<32xf32> to vector<1x32xf32>
    %mul3A_35 = vector.broadcast %slice3A_29 : vector<2048x1xf32> to vector<2048x32xf32>
    %mul3A_36 = vector.broadcast %broadcast_in_dim3A_34 : vector<1x32xf32> to vector<2048x32xf32>
    %mul3A_37 = arith.mulf %mul3A_35, %mul3A_36 : vector<2048x32xf32>
    %add3A_38 = arith.addf %add3A_28, %mul3A_37 : vector<2048x32xf32>
    %slice3A_39 = vector.extract_strided_slice %convert_element_type3A_10 {offsets = [0, 3], sizes = [2048, 1], strides = [1, 1]} : vector<2048x8xf32> to vector<2048x1xf32>
    %get3A_40 = arith.constant 3 : index
    %get3A_41 = arith.constant 0 : index
    %get3A_42 = vector.load %arg6[%get3A_40, %get3A_41] : memref<8x32xf32, #tpu.memory_space<vmem>>, vector<1x32xf32>
    %get3A_43 = vector.shape_cast %get3A_42 : vector<1x32xf32> to vector<32xf32>
    %broadcast_in_dim3A_44 = vector.shape_cast %get3A_43 : vector<32xf32> to vector<1x32xf32>
    %mul3A_45 = vector.broadcast %slice3A_39 : vector<2048x1xf32> to vector<2048x32xf32>
    %mul3A_46 = vector.broadcast %broadcast_in_dim3A_44 : vector<1x32xf32> to vector<2048x32xf32>
    %mul3A_47 = arith.mulf %mul3A_45, %mul3A_46 : vector<2048x32xf32>
    %add3A_48 = arith.addf %add3A_38, %mul3A_47 : vector<2048x32xf32>
    %slice3A_49 = vector.extract_strided_slice %convert_element_type3A_10 {offsets = [0, 4], sizes = [2048, 1], strides = [1, 1]} : vector<2048x8xf32> to vector<2048x1xf32>
    %get3A_50 = arith.constant 4 : index
    %get3A_51 = arith.constant 0 : index
    %get3A_52 = vector.load %arg6[%get3A_50, %get3A_51] : memref<8x32xf32, #tpu.memory_space<vmem>>, vector<1x32xf32>
    %get3A_53 = vector.shape_cast %get3A_52 : vector<1x32xf32> to vector<32xf32>
    %broadcast_in_dim3A_54 = vector.shape_cast %get3A_53 : vector<32xf32> to vector<1x32xf32>
    %mul3A_55 = vector.broadcast %slice3A_49 : vector<2048x1xf32> to vector<2048x32xf32>
    %mul3A_56 = vector.broadcast %broadcast_in_dim3A_54 : vector<1x32xf32> to vector<2048x32xf32>
    %mul3A_57 = arith.mulf %mul3A_55, %mul3A_56 : vector<2048x32xf32>
    %add3A_58 = arith.addf %add3A_48, %mul3A_57 : vector<2048x32xf32>
    %slice3A_59 = vector.extract_strided_slice %convert_element_type3A_10 {offsets = [0, 5], sizes = [2048, 1], strides = [1, 1]} : vector<2048x8xf32> to vector<2048x1xf32>
    %get3A_60 = arith.constant 5 : index
    %get3A_61 = arith.constant 0 : index
    %get3A_62 = vector.load %arg6[%get3A_60, %get3A_61] : memref<8x32xf32, #tpu.memory_space<vmem>>, vector<1x32xf32>
    %get3A_63 = vector.shape_cast %get3A_62 : vector<1x32xf32> to vector<32xf32>
    %broadcast_in_dim3A_64 = vector.shape_cast %get3A_63 : vector<32xf32> to vector<1x32xf32>
    %mul3A_65 = vector.broadcast %slice3A_59 : vector<2048x1xf32> to vector<2048x32xf32>
    %mul3A_66 = vector.broadcast %broadcast_in_dim3A_64 : vector<1x32xf32> to vector<2048x32xf32>
    %mul3A_67 = arith.mulf %mul3A_65, %mul3A_66 : vector<2048x32xf32>
    %add3A_68 = arith.addf %add3A_58, %mul3A_67 : vector<2048x32xf32>
    %slice3A_69 = vector.extract_strided_slice %convert_element_type3A_10 {offsets = [0, 6], sizes = [2048, 1], strides = [1, 1]} : vector<2048x8xf32> to vector<2048x1xf32>
    %get3A_70 = arith.constant 6 : index
    %get3A_71 = arith.constant 0 : index
    %get3A_72 = vector.load %arg6[%get3A_70, %get3A_71] : memref<8x32xf32, #tpu.memory_space<vmem>>, vector<1x32xf32>
    %get3A_73 = vector.shape_cast %get3A_72 : vector<1x32xf32> to vector<32xf32>
    %broadcast_in_dim3A_74 = vector.shape_cast %get3A_73 : vector<32xf32> to vector<1x32xf32>
    %mul3A_75 = vector.broadcast %slice3A_69 : vector<2048x1xf32> to vector<2048x32xf32>
    %mul3A_76 = vector.broadcast %broadcast_in_dim3A_74 : vector<1x32xf32> to vector<2048x32xf32>
    %mul3A_77 = arith.mulf %mul3A_75, %mul3A_76 : vector<2048x32xf32>
    %add3A_78 = arith.addf %add3A_68, %mul3A_77 : vector<2048x32xf32>
    %slice3A_79 = vector.extract_strided_slice %convert_element_type3A_10 {offsets = [0, 7], sizes = [2048, 1], strides = [1, 1]} : vector<2048x8xf32> to vector<2048x1xf32>
    %get3A_80 = arith.constant 7 : index
    %get3A_81 = arith.constant 0 : index
    %get3A_82 = vector.load %arg6[%get3A_80, %get3A_81] : memref<8x32xf32, #tpu.memory_space<vmem>>, vector<1x32xf32>
    %get3A_83 = vector.shape_cast %get3A_82 : vector<1x32xf32> to vector<32xf32>
    %broadcast_in_dim3A_84 = vector.shape_cast %get3A_83 : vector<32xf32> to vector<1x32xf32>
    %mul3A_85 = vector.broadcast %slice3A_79 : vector<2048x1xf32> to vector<2048x32xf32>
    %mul3A_86 = vector.broadcast %broadcast_in_dim3A_84 : vector<1x32xf32> to vector<2048x32xf32>
    %mul3A_87 = arith.mulf %mul3A_85, %mul3A_86 : vector<2048x32xf32>
    %add3A_88 = arith.addf %add3A_78, %mul3A_87 : vector<2048x32xf32>
    %get3A_89 = arith.constant 0 : index
    %get3A_90 = arith.constant 0 : index
    %get3A_91 = vector.load %arg7[%get3A_89, %get3A_90] : memref<1x8xf32, #tpu.memory_space<vmem>>, vector<1x8xf32>
    %mul3A_92 = vector.broadcast %get3A_91 : vector<1x8xf32> to vector<2048x8xf32>
    %mul3A_93 = arith.mulf %convert_element_type3A_10, %mul3A_92 : vector<2048x8xf32>
    %reduce_sum3A = arith.constant dense<0.000000e+00> : vector<2048xf32>
    %reduce_sum3A_94 = vector.multi_reduction <add>, %mul3A_93, %reduce_sum3A [1] : vector<2048x8xf32> to vector<2048xf32>
    %reduce_sum3A_95 = arith.constant dense<0.000000e+00> : vector<2048xf32>
    %reduce_sum3A_96 = vector.multi_reduction <add>, %get3A_1, %reduce_sum3A_95 [1] : vector<2048x32xf32> to vector<2048xf32>
    %get3A_97 = arith.constant 0 : index
    %get3A_98 = vector.load %arg3[%get3A_97] : memref<2048xf32, #tpu.memory_space<vmem>>, vector<2048xf32>
    %add3A_99 = arith.addf %reduce_sum3A_96, %get3A_98 : vector<2048xf32>
    %mul3A_100 = arith.mulf %get3A_4, %add3A_88 : vector<2048x32xf32>
    %reduce_sum3A_101 = arith.constant dense<0.000000e+00> : vector<2048xf32>
    %reduce_sum3A_102 = vector.multi_reduction <add>, %mul3A_100, %reduce_sum3A_101 [1] : vector<2048x32xf32> to vector<2048xf32>
    %get3A_103 = arith.constant 0 : index
    %get3A_104 = vector.load %arg4[%get3A_103] : memref<2048xf32, #tpu.memory_space<vmem>>, vector<2048xf32>
    %add3A_105 = arith.addf %reduce_sum3A_102, %get3A_104 : vector<2048xf32>
    %add3A_106 = arith.addf %add3A_105, %reduce_sum3A_94 : vector<2048xf32>
    %add3A_107 = arith.addf %add3A_99, %add3A_106 : vector<2048xf32>
    %get3A_108 = arith.constant 0 : index
    %get3A_109 = arith.constant 0 : index
    %get3A_110 = vector.load %arg8[%get3A_108, %get3A_109] : memref<32x8xf32, #tpu.memory_space<vmem>>, vector<32x8xf32>
    %dot_general3A = arith.constant dense<0.000000e+00> : vector<2048x8xf32>
    %dot_general3A_111 = tpu.matmul %get3A_1, %get3A_110, %dot_general3A {dimension_numbers = #tpu.dot_dimension_numbers<[1], [0], [0], [1], [0, 0, 1, 1], [], []>, precision = #tpu.contract_precision<fp32>, transpose_lhs_hint = false} : vector<2048x32xf32>, vector<32x8xf32>, vector<2048x8xf32> -> vector<2048x8xf32>
    %get3A_112 = arith.constant 0 : index
    %get3A_113 = arith.constant 0 : index
    %get3A_114 = vector.load %arg9[%get3A_112, %get3A_113] : memref<1x8xf32, #tpu.memory_space<vmem>>, vector<1x8xf32>
    %add3A_115 = vector.broadcast %get3A_114 : vector<1x8xf32> to vector<2048x8xf32>
    %add3A_116 = arith.addf %dot_general3A_111, %add3A_115 : vector<2048x8xf32>
    %reduce_max3A = arith.constant dense<0xFF800000> : vector<2048xf32>
    %reduce_max3A_117 = vector.multi_reduction <maximumf>, %add3A_116, %reduce_max3A [1] : vector<2048x8xf32> to vector<2048xf32>
    %broadcast_in_dim3A_118 = vector.shape_cast %reduce_max3A_117 : vector<2048xf32> to vector<2048x1xf32>
    %sub3A = vector.broadcast %broadcast_in_dim3A_118 : vector<2048x1xf32> to vector<2048x8xf32>
    %sub3A_119 = arith.subf %add3A_116, %sub3A : vector<2048x8xf32>
    %exp3A = math.exp %sub3A_119 : vector<2048x8xf32>
    %reduce_sum3A_120 = arith.constant dense<0.000000e+00> : vector<2048xf32>
    %reduce_sum3A_121 = vector.multi_reduction <add>, %exp3A, %reduce_sum3A_120 [1] : vector<2048x8xf32> to vector<2048xf32>
    %broadcast_in_dim3A_122 = vector.shape_cast %reduce_sum3A_121 : vector<2048xf32> to vector<2048x1xf32>
    %log3A = math.log %broadcast_in_dim3A_122 : vector<2048x1xf32>
    %swap3A = arith.constant 0 : index
    %swap3A_123 = vector.load %arg10[%swap3A] : memref<2048xf32, #tpu.memory_space<vmem>>, vector<2048xf32>
    tpu.vector_store %arg10[%swap3A], %add3A_99 {strides = array<i32>} : memref<2048xf32, #tpu.memory_space<vmem>>, vector<2048xf32>,
    %swap3A_124 = arith.constant 0 : index
    %swap3A_125 = vector.load %arg11[%swap3A_124] : memref<2048xf32, #tpu.memory_space<vmem>>, vector<2048xf32>
    tpu.vector_store %arg11[%swap3A_124], %add3A_107 {strides = array<i32>} : memref<2048xf32, #tpu.memory_space<vmem>>, vector<2048xf32>,
    %sub3A_126 = vector.broadcast %log3A : vector<2048x1xf32> to vector<2048x8xf32>
    %sub3A_127 = arith.subf %sub3A_119, %sub3A_126 : vector<2048x8xf32>
    %swap3A_128 = arith.constant 0 : index
    %swap3A_129 = arith.constant 0 : index
    %swap3A_130 = vector.load %arg12[%swap3A_128, %swap3A_129] : memref<2048x8xf32, #tpu.memory_space<vmem>>, vector<2048x8xf32>
    tpu.vector_store %arg12[%swap3A_128, %swap3A_129], %sub3A_127 {strides = array<i32>} : memref<2048x8xf32, #tpu.memory_space<vmem>>, vector<2048x8xf32>,
    return
  }
  func.func @transform_0(%arg0: i32) -> (i32, i32) {
    %c0_i32 = arith.constant 0 : i32
    %c0_i32_0 = arith.constant 0 : i32
    return %arg0, %c0_i32 : i32, i32
  }
  func.func @transform_1(%arg0: i32) -> (i32, i32) {
    %c0_i32 = arith.constant 0 : i32
    %c0_i32_0 = arith.constant 0 : i32
    return %arg0, %c0_i32 : i32, i32
  }
  func.func @transform_2(%arg0: i32) -> i32 {
    %c0_i32 = arith.constant 0 : i32
    return %arg0 : i32
  }
  func.func @transform_3(%arg0: i32) -> i32 {
    %c0_i32 = arith.constant 0 : i32
    return %arg0 : i32
  }
  func.func @transform_4(%arg0: i32) -> (i32, i32) {
    %c0_i32 = arith.constant 0 : i32
    %c0_i32_0 = arith.constant 0 : i32
    return %arg0, %c0_i32 : i32, i32
  }
  func.func @transform_5(%arg0: i32) -> (i32, i32) {
    %c0_i32 = arith.constant 0 : i32
    %c0_i32_0 = arith.constant 0 : i32
    %c0_i32_1 = arith.constant 0 : i32
    return %c0_i32, %c0_i32_0 : i32, i32
  }
  func.func @transform_6(%arg0: i32) -> (i32, i32) {
    %c0_i32 = arith.constant 0 : i32
    %c0_i32_0 = arith.constant 0 : i32
    %c0_i32_1 = arith.constant 0 : i32
    return %c0_i32, %c0_i32_0 : i32, i32
  }
  func.func @transform_7(%arg0: i32) -> (i32, i32) {
    %c0_i32 = arith.constant 0 : i32
    %c0_i32_0 = arith.constant 0 : i32
    %c0_i32_1 = arith.constant 0 : i32
    return %c0_i32, %c0_i32_0 : i32, i32
  }
  func.func @transform_8(%arg0: i32) -> (i32, i32) {
    %c0_i32 = arith.constant 0 : i32
    %c0_i32_0 = arith.constant 0 : i32
    %c0_i32_1 = arith.constant 0 : i32
    return %c0_i32, %c0_i32_0 : i32, i32
  }
  func.func @transform_9(%arg0: i32) -> i32 {
    %c0_i32 = arith.constant 0 : i32
    return %arg0 : i32
  }
  func.func @transform_10(%arg0: i32) -> i32 {
    %c0_i32 = arith.constant 0 : i32
    return %arg0 : i32
  }
  func.func @transform_11(%arg0: i32) -> (i32, i32) {
    %c0_i32 = arith.constant 0 : i32
    %c0_i32_0 = arith.constant 0 : i32
    return %arg0, %c0_i32 : i32, i32
  }
}

</mosaic_0001>

<sc_bundles>
// kernel: kernel.4.cloned.1.call-start
scs
__scs_entry_jumppad:
0x0: {  	(pc) =	sbr.rel $0x88, $3  }
0x1: {  	(tag) =	ssettag $0x0;
	lr =	simm.s32 $0x1  }
0x2: {  	[smem:$0x3F92] =	sst lr;
	_ =	strace $0xD0000000  }
0x3: {  	_ = 	snop  }
0x4: {  	_ = 	snop  }
0x5: {  	_ = 	snop  }
0x6: {  	_ = 	snop  }
0x7: {  	_ = 	snop  }
__scs_overlays_trampoline_lowered:
0x8: {  	[smem:$0x3FA1] =	sst s0  }
0x9: {  	[smem:$0x3FA2] =	sst s1  }
0xa: {  	[smem:$0x3FA3] =	sst s2  }
0xb: {  	[smem:$0x3FA4] =	sst s3  }
0xc: {  	[smem:$0x3FA5] =	sst s4  }
0xd: {  	[smem:$0x3FA6] =	sst s5  }
0xe: {  	[smem:$0x3FA7] =	sst s6  }
0xf: {  	[smem:$0x3FA8] =	sst s7  }
0x10: {  	[smem:$0x3FA9] =	sst s8  }
0x11: {  	[smem:$0x3FAA] =	sst s9;
	s0 =	simm.s32 @!p0 $0x0  }
0x12: {  	s1 =	sld [smem:$0x3F90];
	s0 =	simm.s32 @p0 $0x1  }
0x13: {  	[smem:$0x3FAB] =	sst s0;
	s0 =	simm.s32 @!p1 $0x0  }
0x14: {  	s2 =	sld [smem:$0x3F8F];
	s0 =	simm.s32 @p1 $0x1  }
0x15: {  	[smem:$0x3FAC] =	sst s0;
	s0 =	simm.s32 @!p2 $0x0  }
0x16: {  	s3 =	sld [smem:$0x3FDB];
	s0 =	simm.s32 @p2 $0x1  }
0x17: {  	s4 =	simm.s32 $0x1BF5;
	[smem:$0x3FAE] =	sst s0  }
0x18: {  	s0 =	sld [smem:$0x3F91];
	_ =	swait.ge [sflag:s4], $0x0  }
0x19: {  	s7 =	sld [smem:$0x3F92]  }
0x1a: {  	s8 =	sadd.s32 $0xFFFFE003, lr  }
0x1b: {  	s9 =	sadd.s32 $0xFFFFFEF7, lr;
	s5 =	simm.s32 $0xFFFFFFFF;
	p2 =	slt.u32 s8, $0xFFFFF086  }
0x1c: {  	p1 =	slt.u32 s9, $0xF7A;
	s5 =	simm.s32 @!p2 $0x0  }
0x1d: {  	s5 =	simm.s32 @p1 $0x1;
	p0 =	seq.s32 s7, s2  }
0x1e: {  	s7 =	smul.u32 @!p0 $0xF7A, s2;
	p2 =	seq.s32 @!p0 s5, $0x0  }
0x1f: {  	s9 =	smul.u32 $0xF7A, s1;
	s8 =	simm.s32 @!p0 $0x1BF5;
	p2 =	por !p2, p0  }
0x20: {  	[sflag:s8] =	ssyncset.s32 @!p0 $0xFFFFF086;
	s6 =	sadd.s32 @!p0 s3, s7;
	s7 =	simm.s32 @!p0 $0x108  }
0x21: {  	s3 =	sadd.s32 s3, s9;
	s6 =	sadd.s32 @!p0 $0x88, s6;
	s7 =	simm.s32 @p2 $0x1082  }
0x22: {  	[simem:s7], [sflag:s8] =	dma.local @!p0 [hbm:s6], $0xF7A  }
0x23: {  	s9 =	sor.u32 $0xD0000000, s2;
	s6 =	simm.s32 $0x108;
	_ =	swait.ge @!p0 [sflag:s8], $0x0  }
0x24: {  	s3 =	sadd.s32 $0x88, s3;
	s6 =	simm.s32 @!p1 $0x1082;
	[sflag:s4] =	ssyncset.s32 $0xFFFFF086  }
0x25: {  	[simem:s6], [sflag:s4] =	dma.local [hbm:s3], $0xF7A  }
0x26: {  	[smem:$0x3F92] =	sst s1;
	(tag) =	ssettag s2;
	_ =	strace s9  }
0x27: {  	s1 =	sld [smem:$0x3FA2]  }
0x28: {  	s2 =	sld [smem:$0x3FA3]  }
0x29: {  	s4 =	sld [smem:$0x3FA5]  }
0x2a: {  	p0 =	seq.s32 s5, $0x0;
	s5 =	sld [smem:$0x3FA6]  }
0x2b: {  	s6 =	sld [smem:$0x3FA7]  }
0x2c: {  	s7 =	sld [smem:$0x3FA8]  }
0x2d: {  	s3 =	simm.s32 $0x108;
	s8 =	sld [smem:$0x3FA9]  }
0x2e: {  	s3 =	simm.s32 @!p0 $0x1082;
	s9 =	sld [smem:$0x3FAA]  }
0x2f: {  	lr =	sadd.s32 s0, s3;
	s0 =	sld [smem:$0x3FA1]  }
0x30: {  	s3 =	sld [smem:$0x3FA4]  }
0x31: {  	[smem:$0x3FAD] =	sst s10  }
0x32: {  	s10 =	sld [smem:$0x3FAB];
	_ =	sdelay $0x3  }
0x33: {  	p0 =	seq.s32 s10, $0x1;
	s10 =	sld [smem:$0x3FAD];
	_ =	sdelay $0x3  }
0x34: {  	[smem:$0x3FAD] =	sst s10  }
0x35: {  	s10 =	sld [smem:$0x3FAC];
	_ =	sdelay $0x3  }
0x36: {  	p1 =	seq.s32 s10, $0x1;
	s10 =	sld [smem:$0x3FAD];
	_ =	sdelay $0x3  }
0x37: {  	[smem:$0x3FAD] =	sst s10  }
0x38: {  	s10 =	sld [smem:$0x3FAE]  }
0x39: {  	_ = 	snop;
	(pc) =	sbr.ind lr, $3  }
0x3a: {  	_ = 	snop  }
0x3b: {  	_ = 	snop  }
0x3c: {  	p2 =	seq.s32 s10, $0x1;
	s10 =	sld [smem:$0x3FAD]  }
0x3d: {  	_ =	shalt  }
0x3e: {  	_ =	shalt  }
0x3f: {  	_ =	shalt  }
0x40: {  	_ =	shalt  }
0x41: {  	_ =	shalt  }
0x42: {  	_ =	shalt  }
0x43: {  	_ =	shalt  }
0x44: {  	_ =	shalt  }
0x45: {  	_ =	shalt  }
0x46: {  	_ =	shalt  }
0x47: {  	_ =	shalt  }
0x48: {  	_ =	shalt  }
0x49: {  	_ =	shalt  }
0x4a: {  	_ =	shalt  }
0x4b: {  	_ =	shalt  }
0x4c: {  	_ =	shalt  }
0x4d: {  	_ =	shalt  }
0x4e: {  	_ =	shalt  }
0x4f: {  	_ =	shalt  }
0x50: {  	_ =	shalt  }
0x51: {  	_ =	shalt  }
0x52: {  	_ =	shalt  }
0x53: {  	_ =	shalt  }
0x54: {  	_ =	shalt  }
0x55: {  	_ =	shalt  }
0x56: {  	_ =	shalt  }
0x57: {  	_ =	shalt  }
0x58: {  	_ =	shalt  }
0x59: {  	_ =	shalt  }
0x5a: {  	_ =	shalt  }
0x5b: {  	_ =	shalt  }
0x5c: {  	_ =	shalt  }
0x5d: {  	_ =	shalt  }
0x5e: {  	_ =	shalt  }
0x5f: {  	_ =	shalt  }
0x60: {  	_ =	shalt  }
0x61: {  	_ =	shalt  }
0x62: {  	_ =	shalt  }
0x63: {  	_ =	shalt  }
0x64: {  	_ =	shalt  }
0x65: {  	_ =	shalt  }
0x66: {  	_ =	shalt  }
0x67: {  	_ =	shalt  }
0x68: {  	_ =	shalt  }
0x69: {  	_ =	shalt  }
0x6a: {  	_ =	shalt  }
0x6b: {  	_ =	shalt  }
0x6c: {  	_ =	shalt  }
0x6d: {  	_ =	shalt  }
0x6e: {  	_ =	shalt  }
0x6f: {  	_ =	shalt  }
0x70: {  	_ =	shalt  }
0x71: {  	_ =	shalt  }
0x72: {  	_ =	shalt  }
0x73: {  	_ =	shalt  }
0x74: {  	_ =	shalt  }
0x75: {  	_ =	shalt  }
0x76: {  	_ =	shalt  }
0x77: {  	_ =	shalt  }
0x78: {  	_ =	shalt  }
0x79: {  	_ =	shalt  }
0x7a: {  	_ =	shalt  }
0x7b: {  	_ =	shalt  }
0x7c: {  	_ =	shalt  }
0x7d: {  	_ =	shalt  }
0x7e: {  	_ =	shalt  }
0x7f: {  	_ =	shalt  }
0x80: {  	_ =	shalt  }
0x81: {  	_ =	shalt  }
0x82: {  	_ =	shalt  }
0x83: {  	_ =	shalt  }
0x84: {  	_ =	shalt  }
0x85: {  	_ =	shalt  }
0x86: {  	_ =	shalt  }
0x87: {  	_ =	shalt  }
.Lfunc_end0:
.L_simem_size_0:
called_computation_lowered:
.L_overlay_start_0:
0x88: {  	s2 =	sld [smem:$0x3FD9]  }
0x89: {  	s3 =	sld [smem:$0x3FFE];
	_ =	sdelay $0x1  }
0x8a: {  	s1 =	srdreg.scid  }
0x8b: {  	s0 =	sand.u32 $0x1, s1  }
0x8c: {  	s14 =	sshll.u32 s0, $0xA;
	s2 =	sadd.s32 s3, s2  }
0x8d: {  	s2 =	sadd.s32 s2, s14  }
0x8e: {  	[smem:$0x3FB9] =	sst s2  }
0x8f: {  	_ = 	snop  }
0x90: {  	s2 =	sld [smem:$0x3FD0];
	_ =	sdelay $0x1  }
0x91: {  	s15 =	sld [smem:$0x3FC9]  }
0x92: {  	s5 =	simm.s32 $0xA;
	s6 =	simm.s32 $0x10;
	s4 =	sld [smem:$0x3FC8]  }
0x93: {  	[smem:s6], [sflag:s5] =	dma.local [hbm:s2], $0x1  }
0x94: {  	_ =	swait.eq [sflag:s5], $0x1  }
0x95: {  	[sflag:s5] =	ssyncset.done $0x0  }
0x96: {  	s16 =	sld [smem:$0x10];
	[sflag:s5] =	ssyncadd.s32 $0xFFFFFFFF  }
0x97: {  	s17 =	sld [smem:$0x11];
	(tm) =	ssettm $0x1  }
0x98: {  	s18 =	sld [smem:$0x3FFB];
	_ =	sdelay $0x3  }
0x99: {  	_ =	strace s18  }
0x9a: {  	s6 =	sld [smem:$0x3FFC];
	_ =	sdelay $0x3  }
0x9b: {  	_ =	strace s6  }
0x9c: {  	s6 =	sld [smem:$0x3FFD];
	_ =	sdelay $0x3  }
0x9d: {  	_ =	strace s6  }
0x9e: {  	_ =	strace $0x8FFFFFFF  }
0x9f: {  	s19 =	sld [smem:$0x3FDB];
	_ =	sdelay $0x1  }
0xa0: {  	s7 =	simm.s32 $_scs_section_size  }
0xa1: {  	s8 =	simm.s32 $_size__tile_overlayer_lowered;
	s9 =	simm.s32 $_tile_overlayer_lowered  }
0xa2: {  	s22 =	simm.s32 $0x1BFF;
	s21 =	sshll.u32 s9, $0x1;
	s6 =	sadd.s32 s7, s19  }
0xa3: {  	s10 =	simm.s32 $0x0;
	s20 =	sshll.u32 s8, $0x1;
	s8 =	sadd.s32 s21, s6  }
0xa4: {  	[timem:s10], [sflag:s22] =	dma.local [hbm:s8], s20  }
0xa5: {  	_ =	swait.ge [sflag:s22], s20  }
0xa6: {  	s7 =	ssub.s32 $0x0, s20;
	[sflag:s22] =	ssyncset.done $0x0  }
0xa7: {  	[sflag:s22] =	ssyncadd.s32 s7;
	_ =	sdelay $0x1  }
0xa8: {  	s23 =	simm.s32 $0x1B8B  }
0xa9: {  	_ =	swait.ge [sflag:s23], $0x1  }
0xaa: {  	[sflag:s23] =	ssyncset.done $0x0  }
0xab: {  	s25 =	simm.s32 $0x1B8E;
	s24 =	sld [smem:$0x3FFE];
	[sflag:s23] =	ssyncadd.s32 $0xFFFFFFFF  }
0xac: {  	s26 =	simm.s32 $execute0_lowered;
	[smem:$0x3FD2] =	sst s25  }
0xad: {  	s8 =	sshll.u32 s26, $0x1;
	_ =	strace $0x80000046;
	[dreg:$0x1] =	wrdreg $0xFFFFFFFF  }
0xae: {  	s28 =	simm.s32 $_size_execute0_lowered;
	s6 =	sadd.s32 s6, s8;
	[dreg:$0x0] =	wrdreg $0x0  }
0xaf: {  	s8 =	sshll.u32 s28, $0x1;
	[dreg:$0x2] =	wrdreg s6  }
0xb0: {  	[dreg:$0x3] =	wrdreg s8  }
0xb1: {  	[dreg:$0x4] =	wrdreg $0xC0  }
0xb2: {  	_ =	task [dreg:s10], $0x5FFFF  }
0xb3: {  	[dreg:$0x1] =	wrdreg $0xFFFFFFFF  }
0xb4: {  	[dreg:$0x0] =	wrdreg $0x60  }
0xb5: {  	[dreg:$0x2] =	wrdreg s15  }
0xb6: {  	[dreg:$0x3] =	wrdreg s4  }
0xb7: {  	[dreg:$0x4] =	wrdreg s24  }
0xb8: {  	[dreg:$0x5] =	wrdreg s17  }
0xb9: {  	[dreg:$0x6] =	wrdreg s16  }
0xba: {  	[dreg:$0x7] =	wrdreg $0x9  }
0xbb: {  	_ =	task.clear_ibuf [dreg:s10], $0x8FFFF;
	_ =	strace $0x90000046  }
0xbc: {  	s29 =	simm.s32 $0x9;
	_ =	strace $0x80000048  }
0xbd: {  	_ =	swait.ge [sflag:s29], $0x1  }
0xbe: {  	[sflag:s29] =	ssyncadd.s32 $0xFFFFFFFF  }
0xbf: {  	_ =	strace $0x90000048  }
0xc0: {  	_ =	sfence  }
0xc1: {  	s30 =	sld [smem:$0x0];
	_ =	sdelay $0x2  }
0xc2: {  	s31 =	sshll.u32 s1, $0xD;
	s1 =	sshrl.u32 s1, $0x2  }
0xc3: {  	s3 =	sand.u32 $0x4000, s31;
	s1 =	sadd.s32 s1, s30  }
0xc4: {  	s0 =	sor.u32 s3, s0;
	s1 =	sshll.u32 s1, $0x11  }
0xc5: {  	s0 =	sor.u32 s1, s0  }
0xc6: {  	s0 =	sadd.s32 $0x8F2B, s0  }
0xc7: {  	[sflag:s0] =	ssyncadd.remote.s32 $0x1  }
0xc8: {  	_ =	sfence.sel $0xFFFF  }
0xc9: {  	[dreg:$0x0] =	wrdreg $0xFFFFFFFF;
	(pc) =	sbr.abs _section_cstart, $3  }
0xca: {  	[dreg:$0x1] =	wrdreg $0xFFFFFFFF  }
0xcb: {  	_ =	task.clear_ibuf [dreg:s10], $0x2FFFF;
	_ =	strace $0x9FFFFFFF  }
0xcc: {  	(tm) =	ssettm $0x7FFFFFFF  }
0xcd: {  	_ =	shalt  }
tec
execute0_lowered:
.L_overlay_start_1:
0x0: {  	(tag) =	ssettag $0x1  }
0x1: {  	s0 =	rddreg [dreg:$0x0]  }
0x2: {  	s3 =	rddreg [dreg:$0x1]  }
0x3: {  	s11 =	rddreg [dreg:$0x2]  }
0x4: {  	s12 =	rddreg [dreg:$0x3]  }
0x5: {  	s13 =	rddreg [dreg:$0x4];
	s1 =	simm.s32 $0x0;
	s8 =	srdreg.scid  }
0x6: {  	s9 =	stileid.u32;
	s18 =	simm.s32 $0x2;
	s19 =	simm.s32 $0x200  }
0x7: {  	s17 =	simm.s32 $0x8400;
	s29 =	simm.s32 $0x12800;
	s30 =	simm.s32 $0x14800  }
0x8: {  	s31 =	simm.s32 $0x16800;
	s28 =	simm.s32 $0x10580;
	s2 =	sadd.s32 $0x1313A00, s11  }
0x9: {  	[smem:$0x7FF] =	sst s1;
	s4 =	sadd.s32 $0xF43000, s11;
	s5 =	sadd.s32 $0x1AB4E00, s11  }
0xa: {  	v0 =	vlaneseq.u32;
	s6 =	sadd.s32 $0x16E4400, s11;
	s7 =	sadd.s32 $0x5CA00, s11;
	s14 =	sand.u32 $0x1, s8  }
0xb: {  	s10 =	sshll.u32 s9, $0x1;
	s8 =	sadd.s32 $0x3E000, s11;
	s9 =	sadd.s32 $0x1F600, s11;
	v0 =	vmul.u32 $0x10, v0  }
0xc: {  	_ =	strace $0x80000047;
	s15 =	sor.u32 s14, s10;
	s14 =	ssub.s32 $0x2, s14  }
0xd: {  	s10 =	sadd.s32 $0xC00, s11;
	s16 =	sshll.u32 s15, $0xB;
	s20 =	sshrl.u32 s14, $0x1;
	v1 =	vor.u32 $0x100, v0  }
0xe: {  	s15 =	sshll.u32 s15, $0x6;
	v2 =	vor.u32 $0x200, v0;
	v3 =	vor.u32 $0x300, v0;
	v4 =	vor.u32 $0x400, v0;
	s11 =	sadd.s32 s16, s11;
	s14 =	ssub.s32 s14, s20  }
0xf: {  	v5 =	vor.u32 $0x500, v0;
	v6 =	vor.u32 $0x600, v0;
	v7 =	vor.u32 $0x700, v0;
	s0 =	sadd.s32 s0, s15;
	s21 =	sadd.s32 s3, s15;
	s24 =	sadd.s32 s12, s15  }
0x10: {  	v8 =	vor.u32 $0x800, v0;
	v9 =	vor.u32 $0x900, v0;
	v10 =	vor.u32 $0xA00, v0;
	s25 =	sadd.s32 s13, s15;
	s20 =	simm.s32 $0x80;
	[dreg:$0x6] =	wrdreg s0  }
0x11: {  	v11 =	vor.u32 $0xB00, v0;
	v12 =	vor.u32 $0xC00, v0;
	v13 =	vor.u32 $0xD00, v0;
	s16 =	simm.s32 $0x400;
	s12 =	simm.s32 $0x380;
	[dreg:$0x7] =	wrdreg s21  }
0x12: {  	v14 =	vor.u32 $0xE00, v0;
	v15 =	vor.u32 $0xF00, v0;
	v16 =	vor.u32 $0x1000, v0;
	s13 =	simm.s32 $0x10780;
	s15 =	simm.s32 $0x0;
	[dreg:$0xa] =	wrdreg s24  }
0x13: {  	v17 =	vor.u32 $0x1100, v0;
	v18 =	vor.u32 $0x1200, v0;
	v19 =	vor.u32 $0x1300, v0;
	s22 =	sadd.s32 $0x8B400, s11;
	s23 =	sadd.s32 $0x7B400, s11;
	[dreg:$0xb] =	wrdreg s25  }
0x14: {  	v20 =	vor.u32 $0x1400, v0;
	v21 =	vor.u32 $0x1500, v0;
	v22 =	vor.u32 $0x1600, v0;
	s26 =	smax.u32 s14, $0x1;
	s0 =	simm.s32 $0x10680;
	s24 =	simm.s32 $0x100  }
0x15: {  	v23 =	vor.u32 $0x1700, v0;
	v24 =	vor.u32 $0x1800, v0;
	v25 =	vor.u32 $0x1900, v0;
	s21 =	simm.s32 $0x300;
	s25 =	simm.s32 $0x10700;
	[dreg:$0x8] =	wrdreg s22  }
0x16: {  	v26 =	vor.u32 $0x1A00, v0;
	v27 =	vor.u32 $0x1B00, v0;
	v28 =	vor.u32 $0x1C00, v0;
	s11 =	simm.s32 $0x180;
	s14 =	simm.s32 $0x1;
	[dreg:$0x9] =	wrdreg s23  }
0x17: {  	v29 =	vor.u32 $0x1D00, v0;
	v30 =	vor.u32 $0x1E00, v0;
	v31 =	vor.u32 $0x1F00, v0;
	[dreg:$0xc] =	wrdreg s26;
	s26 =	simm.s32 $0x10800;
	s23 =	simm.s32 $0x10500  }
.LBB2_1:
0x18: {  	s3 =	rddreg [dreg:$0x6]  }
0x19: {  	[tilespmem:s1], [sflag:$0x2] =	stream.linear.gather [hbm4b:s3+s1], $0x200, $0x38;
	[tilespmem:$0x18C00] =	vst v63  }
0x1a: {  	_ =	swait.ge [sflag:s18], $0x200  }
0x1b: {  	[sflag:s18] =	ssyncset.done $0x0  }
0x1c: {  	s22 =	rddreg [dreg:$0x7];
	[sflag:s18] =	ssyncadd.s32 $0xFFFFFE00  }
0x1d: {  	[tilespmem:s19], [sflag:$0x2] =	stream.linear.gather [hbm4b:s22+s1], $0x200, $0x38;
	[tilespmem:$0x18C00] =	vst v63  }
0x1e: {  	_ =	swait.ge [sflag:s18], $0x200  }
0x1f: {  	[sflag:s18] =	ssyncset.done $0x0  }
0x20: {  	[sflag:s18] =	ssyncadd.s32 $0xFFFFFE00  }
0x21: {  	v32 =	vld [tilespmem:$0x0]  }
0x22: {  	v33 =	vld [tilespmem:$0x200]  }
0x23: {  	v34 =	vld [tilespmem:$0x10]  }
0x24: {  	v35 =	vld [tilespmem:$0x210]  }
0x25: {  	v36 =	vld [tilespmem:$0x20]  }
0x26: {  	v37 =	vld [tilespmem:$0x220];
	v32 =	vshrl.u32 v32, $0x4  }
0x27: {  	v41 =	vld [tilespmem:$0x30];
	v40 =	vshrl.u32 v33, $0x4;
	[tilespmem:$0x10400] =	vst v32  }
0x28: {  	v43 =	vld [tilespmem:$0x230];
	v42 =	vshrl.u32 v34, $0x4;
	[tilespmem:$0x10600] =	vst v40  }
0x29: {  	v45 =	vld [tilespmem:$0x40];
	v44 =	vshrl.u32 v35, $0x4;
	[tilespmem:$0x10410] =	vst v42  }
0x2a: {  	v47 =	vld [tilespmem:$0x240];
	v46 =	vshrl.u32 v36, $0x4;
	[tilespmem:$0x10610] =	vst v44  }
0x2b: {  	v49 =	vld [tilespmem:$0x50];
	v48 =	vshrl.u32 v37, $0x4;
	[tilespmem:$0x10420] =	vst v46  }
0x2c: {  	v51 =	vld [tilespmem:$0x250];
	v50 =	vshrl.u32 v41, $0x4;
	[tilespmem:$0x10620] =	vst v48  }
0x2d: {  	v53 =	vld [tilespmem:$0x60];
	v52 =	vshrl.u32 v43, $0x4;
	[tilespmem:$0x10430] =	vst v50  }
0x2e: {  	v55 =	vld [tilespmem:$0x260];
	v54 =	vshrl.u32 v45, $0x4;
	[tilespmem:$0x10630] =	vst v52  }
0x2f: {  	v57 =	vld [tilespmem:$0x70];
	v56 =	vshrl.u32 v47, $0x4;
	[tilespmem:$0x10440] =	vst v54  }
0x30: {  	v59 =	vld [tilespmem:$0x270];
	v58 =	vshrl.u32 v49, $0x4;
	[tilespmem:$0x10640] =	vst v56  }
0x31: {  	v61 =	vld [tilespmem:$0x80];
	v60 =	vshrl.u32 v51, $0x4;
	[tilespmem:$0x10450] =	vst v58  }
0x32: {  	v63 =	vld [tilespmem:$0x280];
	v62 =	vshrl.u32 v53, $0x4;
	[tilespmem:$0x10650] =	vst v60  }
0x33: {  	v41 =	vld [tilespmem:$0x90];
	[tilespmem:$0x10460] =	vst v62;
	v40 =	vshrl.u32 v55, $0x4  }
0x34: {  	v43 =	vld [tilespmem:$0x290];
	v42 =	vshrl.u32 v57, $0x4;
	[tilespmem:$0x10660] =	vst v40  }
0x35: {  	v45 =	vld [tilespmem:$0xA0];
	v44 =	vshrl.u32 v59, $0x4;
	[tilespmem:$0x10470] =	vst v42  }
0x36: {  	v47 =	vld [tilespmem:$0x2A0];
	v46 =	vshrl.u32 v61, $0x4;
	[tilespmem:$0x10670] =	vst v44  }
0x37: {  	v49 =	vld [tilespmem:$0xB0];
	v48 =	vshrl.u32 v63, $0x4;
	[tilespmem:$0x10480] =	vst v46  }
0x38: {  	v51 =	vld [tilespmem:$0x2B0];
	[tilespmem:$0x10680] =	vst v48;
	v50 =	vshrl.u32 v41, $0x4  }
0x39: {  	v53 =	vld [tilespmem:$0xC0];
	v52 =	vshrl.u32 v43, $0x4;
	[tilespmem:$0x10490] =	vst v50  }
0x3a: {  	v55 =	vld [tilespmem:$0x2C0];
	v54 =	vshrl.u32 v45, $0x4;
	[tilespmem:$0x10690] =	vst v52  }
0x3b: {  	v57 =	vld [tilespmem:$0xD0];
	v56 =	vshrl.u32 v47, $0x4;
	[tilespmem:$0x104A0] =	vst v54  }
0x3c: {  	v59 =	vld [tilespmem:$0x2D0];
	v58 =	vshrl.u32 v49, $0x4;
	[tilespmem:$0x106A0] =	vst v56  }
0x3d: {  	v61 =	vld [tilespmem:$0xE0];
	v60 =	vshrl.u32 v51, $0x4;
	[tilespmem:$0x104B0] =	vst v58  }
0x3e: {  	v63 =	vld [tilespmem:$0x2E0];
	v62 =	vshrl.u32 v53, $0x4;
	[tilespmem:$0x106B0] =	vst v60  }
0x3f: {  	v41 =	vld [tilespmem:$0xF0];
	[tilespmem:$0x104C0] =	vst v62;
	v40 =	vshrl.u32 v55, $0x4  }
0x40: {  	v43 =	vld [tilespmem:$0x2F0];
	v42 =	vshrl.u32 v57, $0x4;
	[tilespmem:$0x106C0] =	vst v40  }
0x41: {  	v45 =	vld [tilespmem:$0x100];
	v44 =	vshrl.u32 v59, $0x4;
	[tilespmem:$0x104D0] =	vst v42  }
0x42: {  	v47 =	vld [tilespmem:$0x300];
	v46 =	vshrl.u32 v61, $0x4;
	[tilespmem:$0x106D0] =	vst v44  }
0x43: {  	v49 =	vld [tilespmem:$0x110];
	v48 =	vshrl.u32 v63, $0x4;
	[tilespmem:$0x104E0] =	vst v46  }
0x44: {  	v51 =	vld [tilespmem:$0x310];
	[tilespmem:$0x106E0] =	vst v48;
	v50 =	vshrl.u32 v41, $0x4  }
0x45: {  	v53 =	vld [tilespmem:$0x120];
	v52 =	vshrl.u32 v43, $0x4;
	[tilespmem:$0x104F0] =	vst v50  }
0x46: {  	v55 =	vld [tilespmem:$0x320];
	v54 =	vshrl.u32 v45, $0x4;
	[tilespmem:$0x106F0] =	vst v52  }
0x47: {  	v57 =	vld [tilespmem:$0x130];
	v56 =	vshrl.u32 v47, $0x4;
	[tilespmem:$0x10500] =	vst v54  }
0x48: {  	v59 =	vld [tilespmem:$0x330];
	v58 =	vshrl.u32 v49, $0x4;
	[tilespmem:$0x10700] =	vst v56  }
0x49: {  	v61 =	vld [tilespmem:$0x140];
	v60 =	vshrl.u32 v51, $0x4;
	[tilespmem:$0x10510] =	vst v58  }
0x4a: {  	v63 =	vld [tilespmem:$0x340];
	v62 =	vshrl.u32 v53, $0x4;
	[tilespmem:$0x10710] =	vst v60  }
0x4b: {  	v40 =	vld [tilespmem:$0x150];
	[tilespmem:$0x10520] =	vst v62;
	v39 =	vshrl.u32 v55, $0x4  }
0x4c: {  	v42 =	vld [tilespmem:$0x350];
	v41 =	vshrl.u32 v57, $0x4;
	[tilespmem:$0x10720] =	vst v39  }
0x4d: {  	v44 =	vld [tilespmem:$0x160];
	v43 =	vshrl.u32 v59, $0x4;
	[tilespmem:$0x10530] =	vst v41  }
0x4e: {  	v46 =	vld [tilespmem:$0x360];
	v45 =	vshrl.u32 v61, $0x4;
	[tilespmem:$0x10730] =	vst v43  }
0x4f: {  	v48 =	vld [tilespmem:$0x170];
	v47 =	vshrl.u32 v63, $0x4;
	[tilespmem:$0x10540] =	vst v45  }
0x50: {  	v50 =	vld [tilespmem:$0x370];
	[tilespmem:$0x10740] =	vst v47;
	v49 =	vshrl.u32 v40, $0x4  }
0x51: {  	v52 =	vld [tilespmem:$0x180];
	v51 =	vshrl.u32 v42, $0x4;
	[tilespmem:$0x10550] =	vst v49  }
0x52: {  	v54 =	vld [tilespmem:$0x380];
	v53 =	vshrl.u32 v44, $0x4;
	[tilespmem:$0x10750] =	vst v51  }
0x53: {  	v56 =	vld [tilespmem:$0x190];
	v55 =	vshrl.u32 v46, $0x4;
	[tilespmem:$0x10560] =	vst v53  }
0x54: {  	v58 =	vld [tilespmem:$0x390];
	v57 =	vshrl.u32 v48, $0x4;
	[tilespmem:$0x10760] =	vst v55  }
0x55: {  	v60 =	vld [tilespmem:$0x1A0];
	[tilespmem:$0x10570] =	vst v57;
	v59 =	vshrl.u32 v50, $0x4  }
0x56: {  	v62 =	vld [tilespmem:$0x3A0];
	v61 =	vshrl.u32 v52, $0x4;
	[tilespmem:$0x10770] =	vst v59  }
0x57: {  	v40 =	vld [tilespmem:$0x1B0];
	v63 =	vshrl.u32 v54, $0x4;
	[tilespmem:$0x10580] =	vst v61  }
0x58: {  	v42 =	vld [tilespmem:$0x3B0];
	v41 =	vshrl.u32 v56, $0x4;
	[tilespmem:$0x10780] =	vst v63  }
0x59: {  	v44 =	vld [tilespmem:$0x1C0];
	v43 =	vshrl.u32 v58, $0x4;
	[tilespmem:$0x10590] =	vst v41  }
0x5a: {  	v46 =	vld [tilespmem:$0x3C0];
	v45 =	vshrl.u32 v60, $0x4;
	[tilespmem:$0x10790] =	vst v43  }
0x5b: {  	v48 =	vld [tilespmem:$0x1D0];
	v47 =	vshrl.u32 v62, $0x4;
	[tilespmem:$0x105A0] =	vst v45  }
0x5c: {  	v50 =	vld [tilespmem:$0x3D0];
	[tilespmem:$0x107A0] =	vst v47;
	v49 =	vshrl.u32 v40, $0x4  }
0x5d: {  	v52 =	vld [tilespmem:$0x1E0];
	v51 =	vshrl.u32 v42, $0x4;
	[tilespmem:$0x105B0] =	vst v49  }
0x5e: {  	v54 =	vld [tilespmem:$0x3E0];
	v53 =	vshrl.u32 v44, $0x4;
	[tilespmem:$0x107B0] =	vst v51  }
0x5f: {  	v56 =	vld [tilespmem:$0x1F0];
	v55 =	vshrl.u32 v46, $0x4;
	[tilespmem:$0x105C0] =	vst v53  }
0x60: {  	v58 =	vld [tilespmem:$0x3F0];
	v57 =	vshrl.u32 v48, $0x4;
	[tilespmem:$0x107C0] =	vst v55  }
0x61: {  	[tilespmem:$0x105D0] =	vst v57;
	v59 =	vshrl.u32 v50, $0x4  }
0x62: {  	v60 =	vshrl.u32 v52, $0x4;
	[tilespmem:$0x107D0] =	vst v59  }
0x63: {  	v61 =	vshrl.u32 v54, $0x4;
	[tilespmem:$0x105E0] =	vst v60  }
0x64: {  	v62 =	vshrl.u32 v56, $0x4;
	[tilespmem:$0x107E0] =	vst v61  }
0x65: {  	v63 =	vshrl.u32 v58, $0x4;
	[tilespmem:$0x105F0] =	vst v62  }
0x66: {  	[tilespmem:$0x107F0] =	vst v63  }
0x67: {  	[tilespmem:s16], [sflag:$0x1] =	stream.indirect.gather [hbm4b:s2+s20], $0x20, s1, s20, $0xb8;
	[tilespmem:$0x18C00] =	vst v63  }
0x68: {  	s22 =	simm.s32 $0x4400  }
0x69: {  	[tilespmem:s22], [sflag:$0x1] =	stream.indirect.gather [hbm4b:s4+s20], $0x20, s19, s20, $0xb8;
	[tilespmem:$0x18C00] =	vst v63  }
0x6a: {  	_ = 	snop  }
0x6b: {  	[tilespmem:s17], [sflag:$0x1] =	stream.indirect.gather [hbm4b:s5+s20], $0x20, s1, s20, $0xb8;
	[tilespmem:$0x18C00] =	vst v63  }
0x6c: {  	s16 =	simm.s32 $0xC400  }
0x6d: {  	[tilespmem:s16], [sflag:$0x1] =	stream.indirect.gather [hbm4b:s6+s20], $0x20, s19, s20, $0xb8;
	[tilespmem:$0x18C00] =	vst v63  }
0x6e: {  	s17 =	simm.s32 $0x10400  }
0x6f: {  	[tilespmem:s26], [sflag:$0x1] =	stream.indirect.gather [hbm4b:s7+s20], $0x10, s17, s20, $0xb8;
	[tilespmem:$0x18C00] =	vst v63  }
0x70: {  	s22 =	simm.s32 $0x10600  }
0x71: {  	[tilespmem:s29], [sflag:$0x1] =	stream.indirect.gather [hbm4b:s8+s20], $0x10, s22, s20, $0xb8;
	[tilespmem:$0x18C00] =	vst v63  }
0x72: {  	_ = 	snop  }
0x73: {  	[tilespmem:s30], [sflag:$0x1] =	stream.indirect.gather [hbm4b:s9+s20], $0x10, s17, s20, $0xb8;
	[tilespmem:$0x18C00] =	vst v63  }
0x74: {  	_ = 	snop  }
0x75: {  	[tilespmem:s31], [sflag:$0x1] =	stream.indirect.gather [hbm4b:s10+s20], $0x10, s22, s20, $0xb8;
	[tilespmem:$0x18C00] =	vst v63  }
0x76: {  	s16 =	simm.s32 $0x1400  }
0x77: {  	[tilespmem:s16], [sflag:$0x1] =	stream.indirect.gather [hbm4b:s2+s20], $0x20, s20, s20, $0xb8;
	[tilespmem:$0x18C00] =	vst v63  }
0x78: {  	s3 =	simm.s32 $0x280;
	s17 =	simm.s32 $0x5400  }
0x79: {  	[tilespmem:s17], [sflag:$0x1] =	stream.indirect.gather [hbm4b:s4+s20], $0x20, s3, s20, $0xb8;
	[tilespmem:$0x18C00] =	vst v63  }
0x7a: {  	s22 =	simm.s32 $0x9400  }
0x7b: {  	[tilespmem:s22], [sflag:$0x1] =	stream.indirect.gather [hbm4b:s5+s20], $0x20, s20, s20, $0xb8;
	[tilespmem:$0x18C00] =	vst v63  }
0x7c: {  	s17 =	simm.s32 $0xD400  }
0x7d: {  	[tilespmem:s17], [sflag:$0x1] =	stream.indirect.gather [hbm4b:s6+s20], $0x20, s3, s20, $0xb8;
	[tilespmem:$0x18C00] =	vst v63  }
0x7e: {  	s16 =	simm.s32 $0x10480;
	s22 =	simm.s32 $0x11000  }
0x7f: {  	[tilespmem:s22], [sflag:$0x1] =	stream.indirect.gather [hbm4b:s7+s20], $0x10, s16, s20, $0xb8;
	[tilespmem:$0x18C00] =	vst v63  }
0x80: {  	s17 =	simm.s32 $0x13000  }
0x81: {  	[tilespmem:s17], [sflag:$0x1] =	stream.indirect.gather [hbm4b:s8+s20], $0x10, s0, s20, $0xb8;
	[tilespmem:$0x18C00] =	vst v63  }
0x82: {  	s22 =	simm.s32 $0x15000  }
0x83: {  	[tilespmem:s22], [sflag:$0x1] =	stream.indirect.gather [hbm4b:s9+s20], $0x10, s16, s20, $0xb8;
	[tilespmem:$0x18C00] =	vst v63  }
0x84: {  	s17 =	simm.s32 $0x17000  }
0x85: {  	[tilespmem:s17], [sflag:$0x1] =	stream.indirect.gather [hbm4b:s10+s20], $0x10, s0, s20, $0xb8;
	[tilespmem:$0x18C00] =	vst v63  }
0x86: {  	s22 =	simm.s32 $0x2400  }
0x87: {  	[tilespmem:s22], [sflag:$0x1] =	stream.indirect.gather [hbm4b:s2+s20], $0x20, s24, s20, $0xb8;
	[tilespmem:$0x18C00] =	vst v63  }
0x88: {  	s16 =	simm.s32 $0x6400  }
0x89: {  	[tilespmem:s16], [sflag:$0x1] =	stream.indirect.gather [hbm4b:s4+s20], $0x20, s21, s20, $0xb8;
	[tilespmem:$0x18C00] =	vst v63  }
0x8a: {  	s17 =	simm.s32 $0xA400  }
0x8b: {  	[tilespmem:s17], [sflag:$0x1] =	stream.indirect.gather [hbm4b:s5+s20], $0x20, s24, s20, $0xb8;
	[tilespmem:$0x18C00] =	vst v63  }
0x8c: {  	s22 =	simm.s32 $0xE400  }
0x8d: {  	[tilespmem:s22], [sflag:$0x1] =	stream.indirect.gather [hbm4b:s6+s20], $0x20, s21, s20, $0xb8;
	[tilespmem:$0x18C00] =	vst v63  }
0x8e: {  	s16 =	simm.s32 $0x11800  }
0x8f: {  	[tilespmem:s16], [sflag:$0x1] =	stream.indirect.gather [hbm4b:s7+s20], $0x10, s23, s20, $0xb8;
	[tilespmem:$0x18C00] =	vst v63  }
0x90: {  	s17 =	simm.s32 $0x13800  }
0x91: {  	[tilespmem:s17], [sflag:$0x1] =	stream.indirect.gather [hbm4b:s8+s20], $0x10, s25, s20, $0xb8;
	[tilespmem:$0x18C00] =	vst v63  }
0x92: {  	s22 =	simm.s32 $0x15800  }
0x93: {  	[tilespmem:s22], [sflag:$0x1] =	stream.indirect.gather [hbm4b:s9+s20], $0x10, s23, s20, $0xb8;
	[tilespmem:$0x18C00] =	vst v63  }
0x94: {  	s16 =	simm.s32 $0x17800  }
0x95: {  	[tilespmem:s16], [sflag:$0x1] =	stream.indirect.gather [hbm4b:s10+s20], $0x10, s25, s20, $0xb8;
	[tilespmem:$0x18C00] =	vst v63  }
0x96: {  	s17 =	simm.s32 $0x3400  }
0x97: {  	[tilespmem:s17], [sflag:$0x1] =	stream.indirect.gather [hbm4b:s2+s20], $0x20, s11, s20, $0xb8;
	[tilespmem:$0x18C00] =	vst v63  }
0x98: {  	s22 =	simm.s32 $0x7400  }
0x99: {  	[tilespmem:s22], [sflag:$0x1] =	stream.indirect.gather [hbm4b:s4+s20], $0x20, s12, s20, $0xb8;
	[tilespmem:$0x18C00] =	vst v63  }
0x9a: {  	s16 =	simm.s32 $0xB400  }
0x9b: {  	[tilespmem:s16], [sflag:$0x1] =	stream.indirect.gather [hbm4b:s5+s20], $0x20, s11, s20, $0xb8;
	[tilespmem:$0x18C00] =	vst v63  }
0x9c: {  	s17 =	simm.s32 $0xF400  }
0x9d: {  	[tilespmem:s17], [sflag:$0x1] =	stream.indirect.gather [hbm4b:s6+s20], $0x20, s12, s20, $0xb8;
	[tilespmem:$0x18C00] =	vst v63  }
0x9e: {  	s22 =	simm.s32 $0x12000  }
0x9f: {  	[tilespmem:s22], [sflag:$0x1] =	stream.indirect.gather [hbm4b:s7+s20], $0x10, s28, s20, $0xb8;
	[tilespmem:$0x18C00] =	vst v63  }
0xa0: {  	s16 =	simm.s32 $0x14000  }
0xa1: {  	[tilespmem:s16], [sflag:$0x1] =	stream.indirect.gather [hbm4b:s8+s20], $0x10, s13, s20, $0xb8;
	[tilespmem:$0x18C00] =	vst v63  }
0xa2: {  	s17 =	simm.s32 $0x16000  }
0xa3: {  	[tilespmem:s17], [sflag:$0x1] =	stream.indirect.gather [hbm4b:s9+s20], $0x10, s28, s20, $0xb8;
	[tilespmem:$0x18C00] =	vst v63  }
0xa4: {  	s22 =	simm.s32 $0x18000  }
0xa5: {  	[tilespmem:s22], [sflag:$0x1] =	stream.indirect.gather [hbm4b:s10+s20], $0x10, s13, s20, $0xb8;
	[tilespmem:$0x18C00] =	vst v63  }
0xa6: {  	_ =	swait.ge [sflag:s14], $0x1000  }
0xa7: {  	[sflag:s14] =	ssyncset.done $0x0  }
0xa8: {  	[sflag:s14] =	ssyncadd.s32 $0xFFFFF000  }
0xa9: {  	_ =	swait.ge [sflag:s14], $0x1000  }
0xaa: {  	[sflag:s14] =	ssyncset.done $0x0  }
0xab: {  	[sflag:s14] =	ssyncadd.s32 $0xFFFFF000  }
0xac: {  	_ =	swait.ge [sflag:s14], $0x1000  }
0xad: {  	[sflag:s14] =	ssyncset.done $0x0  }
0xae: {  	[sflag:s14] =	ssyncadd.s32 $0xFFFFF000  }
0xaf: {  	_ =	swait.ge [sflag:s14], $0x1000  }
0xb0: {  	[sflag:s14] =	ssyncset.done $0x0  }
0xb1: {  	[sflag:s14] =	ssyncadd.s32 $0xFFFFF000  }
0xb2: {  	_ =	swait.ge [sflag:s14], $0x800  }
0xb3: {  	[sflag:s14] =	ssyncset.done $0x0  }
0xb4: {  	[sflag:s14] =	ssyncadd.s32 $0xFFFFF800  }
0xb5: {  	_ =	swait.ge [sflag:s14], $0x800  }
0xb6: {  	[sflag:s14] =	ssyncset.done $0x0  }
0xb7: {  	[sflag:s14] =	ssyncadd.s32 $0xFFFFF800  }
0xb8: {  	_ =	swait.ge [sflag:s14], $0x800  }
0xb9: {  	[sflag:s14] =	ssyncset.done $0x0  }
0xba: {  	[sflag:s14] =	ssyncadd.s32 $0xFFFFF800  }
0xbb: {  	_ =	swait.ge [sflag:s14], $0x800  }
0xbc: {  	[sflag:s14] =	ssyncset.done $0x0  }
0xbd: {  	[sflag:s14] =	ssyncadd.s32 $0xFFFFF800  }
0xbe: {  	_ =	swait.ge [sflag:s14], $0x1000  }
0xbf: {  	[sflag:s14] =	ssyncset.done $0x0  }
0xc0: {  	[sflag:s14] =	ssyncadd.s32 $0xFFFFF000  }
0xc1: {  	_ =	swait.ge [sflag:s14], $0x1000  }
0xc2: {  	[sflag:s14] =	ssyncset.done $0x0  }
0xc3: {  	[sflag:s14] =	ssyncadd.s32 $0xFFFFF000  }
0xc4: {  	_ =	swait.ge [sflag:s14], $0x1000  }
0xc5: {  	[sflag:s14] =	ssyncset.done $0x0  }
0xc6: {  	[sflag:s14] =	ssyncadd.s32 $0xFFFFF000  }
0xc7: {  	_ =	swait.ge [sflag:s14], $0x1000  }
0xc8: {  	[sflag:s14] =	ssyncset.done $0x0  }
0xc9: {  	[sflag:s14] =	ssyncadd.s32 $0xFFFFF000  }
0xca: {  	_ =	swait.ge [sflag:s14], $0x800  }
0xcb: {  	[sflag:s14] =	ssyncset.done $0x0  }
0xcc: {  	[sflag:s14] =	ssyncadd.s32 $0xFFFFF800  }
0xcd: {  	_ =	swait.ge [sflag:s14], $0x800  }
0xce: {  	[sflag:s14] =	ssyncset.done $0x0  }
0xcf: {  	[sflag:s14] =	ssyncadd.s32 $0xFFFFF800  }
0xd0: {  	_ =	swait.ge [sflag:s14], $0x800  }
0xd1: {  	[sflag:s14] =	ssyncset.done $0x0  }
0xd2: {  	[sflag:s14] =	ssyncadd.s32 $0xFFFFF800  }
0xd3: {  	_ =	swait.ge [sflag:s14], $0x800  }
0xd4: {  	[sflag:s14] =	ssyncset.done $0x0  }
0xd5: {  	[sflag:s14] =	ssyncadd.s32 $0xFFFFF800  }
0xd6: {  	_ =	swait.ge [sflag:s14], $0x1000  }
0xd7: {  	[sflag:s14] =	ssyncset.done $0x0  }
0xd8: {  	[sflag:s14] =	ssyncadd.s32 $0xFFFFF000  }
0xd9: {  	_ =	swait.ge [sflag:s14], $0x1000  }
0xda: {  	[sflag:s14] =	ssyncset.done $0x0  }
0xdb: {  	[sflag:s14] =	ssyncadd.s32 $0xFFFFF000  }
0xdc: {  	_ =	swait.ge [sflag:s14], $0x1000  }
0xdd: {  	[sflag:s14] =	ssyncset.done $0x0  }
0xde: {  	[sflag:s14] =	ssyncadd.s32 $0xFFFFF000  }
0xdf: {  	_ =	swait.ge [sflag:s14], $0x1000  }
0xe0: {  	[sflag:s14] =	ssyncset.done $0x0  }
0xe1: {  	[sflag:s14] =	ssyncadd.s32 $0xFFFFF000  }
0xe2: {  	_ =	swait.ge [sflag:s14], $0x800  }
0xe3: {  	[sflag:s14] =	ssyncset.done $0x0  }
0xe4: {  	[sflag:s14] =	ssyncadd.s32 $0xFFFFF800  }
0xe5: {  	_ =	swait.ge [sflag:s14], $0x800  }
0xe6: {  	[sflag:s14] =	ssyncset.done $0x0  }
0xe7: {  	[sflag:s14] =	ssyncadd.s32 $0xFFFFF800  }
0xe8: {  	_ =	swait.ge [sflag:s14], $0x800  }
0xe9: {  	[sflag:s14] =	ssyncset.done $0x0  }
0xea: {  	[sflag:s14] =	ssyncadd.s32 $0xFFFFF800  }
0xeb: {  	_ =	swait.ge [sflag:s14], $0x800  }
0xec: {  	[sflag:s14] =	ssyncset.done $0x0  }
0xed: {  	[sflag:s14] =	ssyncadd.s32 $0xFFFFF800  }
0xee: {  	_ =	swait.ge [sflag:s14], $0x1000  }
0xef: {  	[sflag:s14] =	ssyncset.done $0x0  }
0xf0: {  	[sflag:s14] =	ssyncadd.s32 $0xFFFFF000  }
0xf1: {  	_ =	swait.ge [sflag:s14], $0x1000  }
0xf2: {  	[sflag:s14] =	ssyncset.done $0x0  }
0xf3: {  	[sflag:s14] =	ssyncadd.s32 $0xFFFFF000  }
0xf4: {  	_ =	swait.ge [sflag:s14], $0x1000  }
0xf5: {  	[sflag:s14] =	ssyncset.done $0x0  }
0xf6: {  	[sflag:s14] =	ssyncadd.s32 $0xFFFFF000  }
0xf7: {  	_ =	swait.ge [sflag:s14], $0x1000  }
0xf8: {  	[sflag:s14] =	ssyncset.done $0x0  }
0xf9: {  	[sflag:s14] =	ssyncadd.s32 $0xFFFFF000  }
0xfa: {  	_ =	swait.ge [sflag:s14], $0x800  }
0xfb: {  	[sflag:s14] =	ssyncset.done $0x0  }
0xfc: {  	[sflag:s14] =	ssyncadd.s32 $0xFFFFF800  }
0xfd: {  	_ =	swait.ge [sflag:s14], $0x800  }
0xfe: {  	[sflag:s14] =	ssyncset.done $0x0  }
0xff: {  	[sflag:s14] =	ssyncadd.s32 $0xFFFFF800  }
0x100: {  	_ =	swait.ge [sflag:s14], $0x800  }
0x101: {  	[sflag:s14] =	ssyncset.done $0x0  }
0x102: {  	[sflag:s14] =	ssyncadd.s32 $0xFFFFF800  }
0x103: {  	_ =	swait.ge [sflag:s14], $0x800  }
0x104: {  	[sflag:s14] =	ssyncset.done $0x0  }
0x105: {  	s16 =	simm.s32 $0x0;
	[sflag:s14] =	ssyncadd.s32 $0xFFFFF800  }
0x106: {  	v37 =	vld [tilespmem:s16+$0x4400]  }
0x107: {  	v38 =	vld [tilespmem:s16+$0xC400]  }
0x108: {  	v33 =	vld [tilespmem:s16+$0x4410]  }
0x109: {  	v32 =	vld [tilespmem:s16+$0xC410]  }
0x10a: {  	v34 =	vld [tilespmem:s16+$0x400]  }
0x10b: {  	v36 =	vld [tilespmem:s16+$0x8400]  }
0x10c: {  	s17 =	simm.s32 $0x80;
	v35 =	vld [tilespmem:s16+$0x410]  }
.LBB2_2:
0x10d: {  	s3 =	sshra.s32 s17, $0x2;
	p0 =	sne.s32 s17, $0xFF80;
	v39 =	vld [tilespmem:s16+$0x8410];
	v40 =	vmov v33  }
0x10e: {  	v41 =	vld [tilespmem:s3+$0x4400];
	v42 =	vmov v32  }
0x10f: {  	v43 =	vld [tilespmem:s3+$0xC400];
	v34 =	vmul.f32 v37, v34  }
.Ltmp0:
0x110: {  	v33 =	vld [tilespmem:s3+$0x4410];
	v36 =	vmul.f32 v38, v36;
	(pc) =	sbr.rel @p0 .LBB2_2-.Ltmp0, $4  }
0x111: {  	v32 =	vld [tilespmem:s3+$0xC410];
	[tilespmem:s16+$0x400] =	vst v34;
	v35 =	vmul.f32 v40, v35  }
0x112: {  	v34 =	vld [tilespmem:s3+$0x400];
	[tilespmem:s16+$0x8400] =	vst v36;
	v39 =	vmul.f32 v42, v39  }
0x113: {  	v36 =	vld [tilespmem:s3+$0x8400];
	[tilespmem:s16+$0x410] =	vst v35;
	v37 =	vmov v41  }
0x114: {  	s17 =	sadd.s32 $0x80, s17;
	v35 =	vld [tilespmem:s3+$0x410];
	[tilespmem:s16+$0x8410] =	vst v39;
	v38 =	vmov v43;
	s16 =	smov.u32 s3  }
0x115: {  	v39 =	vld [tilespmem:s16+$0x8410];
	_ =	sdelay $0x1  }
0x116: {  	v34 =	vmul.f32 v37, v34  }
0x117: {  	v36 =	vmul.f32 v38, v36  }
0x118: {  	[tilespmem:s16+$0x400] =	vst v34;
	v33 =	vmul.f32 v33, v35  }
0x119: {  	[tilespmem:s16+$0x8400] =	vst v36;
	v32 =	vmul.f32 v32, v39  }
0x11a: {  	[tilespmem:s16+$0x410] =	vst v33  }
0x11b: {  	[tilespmem:s16+$0x8410] =	vst v32  }
0x11c: {  	v32 =	vld [tilespmem:$0x0]  }
0x11d: {  	v33 =	vld [tilespmem:$0x200];
	_ =	sdelay $0x3  }
0x11e: {  	v32 =	vand.u32 $0xF, v32  }
0x11f: {  	v33 =	vand.u32 $0xF, v33;
	v32 =	vor.u32 v0, v32  }
0x120: {  	v33 =	vor.u32 v0, v33;
	_ =	sdelay $0x3  }
0x121: {  	v34 =	vld.idx.msk [tilespmem:v32+s26+$0x0], $0xffff  }
0x122: {  	v53 =	vld.idx.msk [tilespmem:v33+s29+$0x0], $0xffff;
	_ =	sdelay $0x4  }
0x123: {  	v34 =	vadd.f32 v53, v34  }
0x124: {  	v54 =	vld [tilespmem:$0x10]  }
0x125: {  	v55 =	vld [tilespmem:$0x210];
	[tilespmem:$0x18800] =	vst v34  }
0x126: {  	v32 =	vld.idx.msk [tilespmem:v32+s30+$0x0], $0xffff  }
0x127: {  	v33 =	vld.idx.msk [tilespmem:v33+s31+$0x0], $0xffff;
	_ =	sdelay $0x1  }
0x128: {  	v35 =	vand.u32 $0xF, v54  }
0x129: {  	v35 =	vor.u32 v1, v35;
	v34 =	vand.u32 $0xF, v55  }
0x12a: {  	v34 =	vor.u32 v1, v34  }
0x12b: {  	v32 =	vadd.f32 v33, v32;
	_ =	sdelay $0x1  }
0x12c: {  	[tilespmem:$0x18A00] =	vst v32  }
0x12d: {  	v32 =	vld.idx.msk [tilespmem:v35+s26+$0x0], $0xffff  }
0x12e: {  	v56 =	vld.idx.msk [tilespmem:v34+s29+$0x0], $0xffff;
	_ =	sdelay $0x4  }
0x12f: {  	v32 =	vadd.f32 v56, v32  }
0x130: {  	v57 =	vld [tilespmem:$0x20]  }
0x131: {  	v58 =	vld [tilespmem:$0x220];
	[tilespmem:$0x18810] =	vst v32  }
0x132: {  	v35 =	vld.idx.msk [tilespmem:v35+s30+$0x0], $0xffff  }
0x133: {  	v34 =	vld.idx.msk [tilespmem:v34+s31+$0x0], $0xffff;
	_ =	sdelay $0x1  }
0x134: {  	v33 =	vand.u32 $0xF, v57  }
0x135: {  	v33 =	vor.u32 v2, v33;
	v32 =	vand.u32 $0xF, v58  }
0x136: {  	v32 =	vor.u32 v2, v32  }
0x137: {  	v34 =	vadd.f32 v34, v35;
	_ =	sdelay $0x1  }
0x138: {  	[tilespmem:$0x18A10] =	vst v34  }
0x139: {  	v34 =	vld.idx.msk [tilespmem:v33+s26+$0x0], $0xffff  }
0x13a: {  	v59 =	vld.idx.msk [tilespmem:v32+s29+$0x0], $0xffff;
	_ =	sdelay $0x4  }
0x13b: {  	v34 =	vadd.f32 v59, v34  }
0x13c: {  	v60 =	vld [tilespmem:$0x30]  }
0x13d: {  	v61 =	vld [tilespmem:$0x230];
	[tilespmem:$0x18820] =	vst v34  }
0x13e: {  	v33 =	vld.idx.msk [tilespmem:v33+s30+$0x0], $0xffff  }
0x13f: {  	v32 =	vld.idx.msk [tilespmem:v32+s31+$0x0], $0xffff;
	_ =	sdelay $0x1  }
0x140: {  	v35 =	vand.u32 $0xF, v60  }
0x141: {  	v35 =	vor.u32 v3, v35;
	v34 =	vand.u32 $0xF, v61  }
0x142: {  	v34 =	vor.u32 v3, v34  }
0x143: {  	v32 =	vadd.f32 v32, v33;
	_ =	sdelay $0x1  }
0x144: {  	[tilespmem:$0x18A20] =	vst v32  }
0x145: {  	v32 =	vld.idx.msk [tilespmem:v35+s26+$0x0], $0xffff  }
0x146: {  	v62 =	vld.idx.msk [tilespmem:v34+s29+$0x0], $0xffff;
	_ =	sdelay $0x4  }
0x147: {  	v32 =	vadd.f32 v62, v32  }
0x148: {  	v63 =	vld [tilespmem:$0x40]  }
0x149: {  	v36 =	vld [tilespmem:$0x240];
	[tilespmem:$0x18830] =	vst v32  }
0x14a: {  	v35 =	vld.idx.msk [tilespmem:v35+s30+$0x0], $0xffff  }
0x14b: {  	v34 =	vld.idx.msk [tilespmem:v34+s31+$0x0], $0xffff;
	_ =	sdelay $0x1  }
0x14c: {  	v33 =	vand.u32 $0xF, v63  }
0x14d: {  	v33 =	vor.u32 v4, v33;
	v32 =	vand.u32 $0xF, v36  }
0x14e: {  	v32 =	vor.u32 v4, v32  }
0x14f: {  	v34 =	vadd.f32 v34, v35;
	_ =	sdelay $0x1  }
0x150: {  	[tilespmem:$0x18A30] =	vst v34  }
0x151: {  	v34 =	vld.idx.msk [tilespmem:v33+s26+$0x0], $0xffff  }
0x152: {  	v37 =	vld.idx.msk [tilespmem:v32+s29+$0x0], $0xffff;
	_ =	sdelay $0x4  }
0x153: {  	v34 =	vadd.f32 v37, v34  }
0x154: {  	v38 =	vld [tilespmem:$0x50]  }
0x155: {  	v39 =	vld [tilespmem:$0x250];
	[tilespmem:$0x18840] =	vst v34  }
0x156: {  	v33 =	vld.idx.msk [tilespmem:v33+s30+$0x0], $0xffff  }
0x157: {  	v32 =	vld.idx.msk [tilespmem:v32+s31+$0x0], $0xffff;
	_ =	sdelay $0x1  }
0x158: {  	v35 =	vand.u32 $0xF, v38  }
0x159: {  	v35 =	vor.u32 v5, v35;
	v34 =	vand.u32 $0xF, v39  }
0x15a: {  	v34 =	vor.u32 v5, v34  }
0x15b: {  	v32 =	vadd.f32 v32, v33;
	_ =	sdelay $0x1  }
0x15c: {  	[tilespmem:$0x18A40] =	vst v32  }
0x15d: {  	v32 =	vld.idx.msk [tilespmem:v35+s26+$0x0], $0xffff  }
0x15e: {  	v40 =	vld.idx.msk [tilespmem:v34+s29+$0x0], $0xffff;
	_ =	sdelay $0x4  }
0x15f: {  	v32 =	vadd.f32 v40, v32  }
0x160: {  	v41 =	vld [tilespmem:$0x60]  }
0x161: {  	v42 =	vld [tilespmem:$0x260];
	[tilespmem:$0x18850] =	vst v32  }
0x162: {  	v35 =	vld.idx.msk [tilespmem:v35+s30+$0x0], $0xffff  }
0x163: {  	v34 =	vld.idx.msk [tilespmem:v34+s31+$0x0], $0xffff;
	_ =	sdelay $0x1  }
0x164: {  	v33 =	vand.u32 $0xF, v41  }
0x165: {  	v33 =	vor.u32 v6, v33;
	v32 =	vand.u32 $0xF, v42  }
0x166: {  	v32 =	vor.u32 v6, v32  }
0x167: {  	v34 =	vadd.f32 v34, v35;
	_ =	sdelay $0x1  }
0x168: {  	[tilespmem:$0x18A50] =	vst v34  }
0x169: {  	v34 =	vld.idx.msk [tilespmem:v33+s26+$0x0], $0xffff  }
0x16a: {  	v43 =	vld.idx.msk [tilespmem:v32+s29+$0x0], $0xffff;
	_ =	sdelay $0x4  }
0x16b: {  	v34 =	vadd.f32 v43, v34  }
0x16c: {  	v44 =	vld [tilespmem:$0x70]  }
0x16d: {  	v45 =	vld [tilespmem:$0x270];
	[tilespmem:$0x18860] =	vst v34  }
0x16e: {  	v33 =	vld.idx.msk [tilespmem:v33+s30+$0x0], $0xffff  }
0x16f: {  	v32 =	vld.idx.msk [tilespmem:v32+s31+$0x0], $0xffff;
	_ =	sdelay $0x1  }
0x170: {  	v35 =	vand.u32 $0xF, v44  }
0x171: {  	v35 =	vor.u32 v7, v35;
	v34 =	vand.u32 $0xF, v45  }
0x172: {  	v34 =	vor.u32 v7, v34  }
0x173: {  	v32 =	vadd.f32 v32, v33;
	_ =	sdelay $0x1  }
0x174: {  	[tilespmem:$0x18A60] =	vst v32  }
0x175: {  	v32 =	vld.idx.msk [tilespmem:v35+s26+$0x0], $0xffff  }
0x176: {  	v46 =	vld.idx.msk [tilespmem:v34+s29+$0x0], $0xffff;
	_ =	sdelay $0x4  }
0x177: {  	v32 =	vadd.f32 v46, v32  }
0x178: {  	v47 =	vld [tilespmem:$0x80]  }
0x179: {  	v48 =	vld [tilespmem:$0x280];
	[tilespmem:$0x18870] =	vst v32  }
0x17a: {  	v35 =	vld.idx.msk [tilespmem:v35+s30+$0x0], $0xffff  }
0x17b: {  	v34 =	vld.idx.msk [tilespmem:v34+s31+$0x0], $0xffff;
	_ =	sdelay $0x1  }
0x17c: {  	v33 =	vand.u32 $0xF, v47  }
0x17d: {  	v33 =	vor.u32 v8, v33;
	v32 =	vand.u32 $0xF, v48  }
0x17e: {  	v32 =	vor.u32 v8, v32  }
0x17f: {  	v34 =	vadd.f32 v34, v35;
	_ =	sdelay $0x1  }
0x180: {  	[tilespmem:$0x18A70] =	vst v34  }
0x181: {  	v34 =	vld.idx.msk [tilespmem:v33+s26+$0x0], $0xffff  }
0x182: {  	v49 =	vld.idx.msk [tilespmem:v32+s29+$0x0], $0xffff;
	_ =	sdelay $0x4  }
0x183: {  	v34 =	vadd.f32 v49, v34  }
0x184: {  	v50 =	vld [tilespmem:$0x90]  }
0x185: {  	v51 =	vld [tilespmem:$0x290];
	[tilespmem:$0x18880] =	vst v34  }
0x186: {  	v33 =	vld.idx.msk [tilespmem:v33+s30+$0x0], $0xffff  }
0x187: {  	v32 =	vld.idx.msk [tilespmem:v32+s31+$0x0], $0xffff;
	_ =	sdelay $0x1  }
0x188: {  	v35 =	vand.u32 $0xF, v50  }
0x189: {  	v35 =	vor.u32 v9, v35;
	v34 =	vand.u32 $0xF, v51  }
0x18a: {  	v34 =	vor.u32 v9, v34  }
0x18b: {  	v32 =	vadd.f32 v32, v33;
	_ =	sdelay $0x1  }
0x18c: {  	[tilespmem:$0x18A80] =	vst v32  }
0x18d: {  	v32 =	vld.idx.msk [tilespmem:v35+s26+$0x0], $0xffff  }
0x18e: {  	v52 =	vld.idx.msk [tilespmem:v34+s29+$0x0], $0xffff;
	_ =	sdelay $0x4  }
0x18f: {  	v32 =	vadd.f32 v52, v32  }
0x190: {  	v53 =	vld [tilespmem:$0xA0]  }
0x191: {  	v54 =	vld [tilespmem:$0x2A0];
	[tilespmem:$0x18890] =	vst v32  }
0x192: {  	v35 =	vld.idx.msk [tilespmem:v35+s30+$0x0], $0xffff  }
0x193: {  	v34 =	vld.idx.msk [tilespmem:v34+s31+$0x0], $0xffff;
	_ =	sdelay $0x1  }
0x194: {  	v33 =	vand.u32 $0xF, v53  }
0x195: {  	v33 =	vor.u32 v10, v33;
	v32 =	vand.u32 $0xF, v54  }
0x196: {  	v32 =	vor.u32 v10, v32  }
0x197: {  	v34 =	vadd.f32 v34, v35;
	_ =	sdelay $0x1  }
0x198: {  	[tilespmem:$0x18A90] =	vst v34  }
0x199: {  	v34 =	vld.idx.msk [tilespmem:v33+s26+$0x0], $0xffff  }
0x19a: {  	v55 =	vld.idx.msk [tilespmem:v32+s29+$0x0], $0xffff;
	_ =	sdelay $0x4  }
0x19b: {  	v34 =	vadd.f32 v55, v34  }
0x19c: {  	v56 =	vld [tilespmem:$0xB0]  }
0x19d: {  	v57 =	vld [tilespmem:$0x2B0];
	[tilespmem:$0x188A0] =	vst v34  }
0x19e: {  	v33 =	vld.idx.msk [tilespmem:v33+s30+$0x0], $0xffff  }
0x19f: {  	v32 =	vld.idx.msk [tilespmem:v32+s31+$0x0], $0xffff;
	_ =	sdelay $0x1  }
0x1a0: {  	v35 =	vand.u32 $0xF, v56  }
0x1a1: {  	v35 =	vor.u32 v11, v35;
	v34 =	vand.u32 $0xF, v57  }
0x1a2: {  	v34 =	vor.u32 v11, v34  }
0x1a3: {  	v32 =	vadd.f32 v32, v33;
	_ =	sdelay $0x1  }
0x1a4: {  	[tilespmem:$0x18AA0] =	vst v32  }
0x1a5: {  	v32 =	vld.idx.msk [tilespmem:v35+s26+$0x0], $0xffff  }
0x1a6: {  	v58 =	vld.idx.msk [tilespmem:v34+s29+$0x0], $0xffff;
	_ =	sdelay $0x4  }
0x1a7: {  	v32 =	vadd.f32 v58, v32  }
0x1a8: {  	v59 =	vld [tilespmem:$0xC0]  }
0x1a9: {  	v60 =	vld [tilespmem:$0x2C0];
	[tilespmem:$0x188B0] =	vst v32  }
0x1aa: {  	v35 =	vld.idx.msk [tilespmem:v35+s30+$0x0], $0xffff  }
0x1ab: {  	v34 =	vld.idx.msk [tilespmem:v34+s31+$0x0], $0xffff;
	_ =	sdelay $0x1  }
0x1ac: {  	v33 =	vand.u32 $0xF, v59  }
0x1ad: {  	v33 =	vor.u32 v12, v33;
	v32 =	vand.u32 $0xF, v60  }
0x1ae: {  	v32 =	vor.u32 v12, v32  }
0x1af: {  	v34 =	vadd.f32 v34, v35;
	_ =	sdelay $0x1  }
0x1b0: {  	[tilespmem:$0x18AB0] =	vst v34  }
0x1b1: {  	v34 =	vld.idx.msk [tilespmem:v33+s26+$0x0], $0xffff  }
0x1b2: {  	v61 =	vld.idx.msk [tilespmem:v32+s29+$0x0], $0xffff;
	_ =	sdelay $0x4  }
0x1b3: {  	v34 =	vadd.f32 v61, v34  }
0x1b4: {  	v62 =	vld [tilespmem:$0xD0]  }
0x1b5: {  	v63 =	vld [tilespmem:$0x2D0];
	[tilespmem:$0x188C0] =	vst v34  }
0x1b6: {  	v33 =	vld.idx.msk [tilespmem:v33+s30+$0x0], $0xffff  }
0x1b7: {  	v32 =	vld.idx.msk [tilespmem:v32+s31+$0x0], $0xffff;
	_ =	sdelay $0x1  }
0x1b8: {  	v35 =	vand.u32 $0xF, v62  }
0x1b9: {  	v35 =	vor.u32 v13, v35;
	v34 =	vand.u32 $0xF, v63  }
0x1ba: {  	v34 =	vor.u32 v13, v34  }
0x1bb: {  	v32 =	vadd.f32 v32, v33;
	_ =	sdelay $0x1  }
0x1bc: {  	[tilespmem:$0x18AC0] =	vst v32  }
0x1bd: {  	v32 =	vld.idx.msk [tilespmem:v35+s26+$0x0], $0xffff  }
0x1be: {  	v36 =	vld.idx.msk [tilespmem:v34+s29+$0x0], $0xffff;
	_ =	sdelay $0x4  }
0x1bf: {  	v32 =	vadd.f32 v36, v32  }
0x1c0: {  	v37 =	vld [tilespmem:$0xE0]  }
0x1c1: {  	v38 =	vld [tilespmem:$0x2E0];
	[tilespmem:$0x188D0] =	vst v32  }
0x1c2: {  	v35 =	vld.idx.msk [tilespmem:v35+s30+$0x0], $0xffff  }
0x1c3: {  	v34 =	vld.idx.msk [tilespmem:v34+s31+$0x0], $0xffff;
	_ =	sdelay $0x1  }
0x1c4: {  	v33 =	vand.u32 $0xF, v37  }
0x1c5: {  	v33 =	vor.u32 v14, v33;
	v32 =	vand.u32 $0xF, v38  }
0x1c6: {  	v32 =	vor.u32 v14, v32  }
0x1c7: {  	v34 =	vadd.f32 v34, v35;
	_ =	sdelay $0x1  }
0x1c8: {  	[tilespmem:$0x18AD0] =	vst v34  }
0x1c9: {  	v34 =	vld.idx.msk [tilespmem:v33+s26+$0x0], $0xffff  }
0x1ca: {  	v39 =	vld.idx.msk [tilespmem:v32+s29+$0x0], $0xffff;
	_ =	sdelay $0x4  }
0x1cb: {  	v34 =	vadd.f32 v39, v34  }
0x1cc: {  	v40 =	vld [tilespmem:$0xF0]  }
0x1cd: {  	v41 =	vld [tilespmem:$0x2F0];
	[tilespmem:$0x188E0] =	vst v34  }
0x1ce: {  	v33 =	vld.idx.msk [tilespmem:v33+s30+$0x0], $0xffff  }
0x1cf: {  	v32 =	vld.idx.msk [tilespmem:v32+s31+$0x0], $0xffff;
	_ =	sdelay $0x1  }
0x1d0: {  	v35 =	vand.u32 $0xF, v40  }
0x1d1: {  	v35 =	vor.u32 v15, v35;
	v34 =	vand.u32 $0xF, v41  }
0x1d2: {  	v34 =	vor.u32 v15, v34  }
0x1d3: {  	v32 =	vadd.f32 v32, v33;
	_ =	sdelay $0x1  }
0x1d4: {  	[tilespmem:$0x18AE0] =	vst v32  }
0x1d5: {  	v32 =	vld.idx.msk [tilespmem:v35+s26+$0x0], $0xffff  }
0x1d6: {  	v42 =	vld.idx.msk [tilespmem:v34+s29+$0x0], $0xffff;
	_ =	sdelay $0x4  }
0x1d7: {  	v32 =	vadd.f32 v42, v32  }
0x1d8: {  	v43 =	vld [tilespmem:$0x100]  }
0x1d9: {  	v44 =	vld [tilespmem:$0x300];
	[tilespmem:$0x188F0] =	vst v32  }
0x1da: {  	v35 =	vld.idx.msk [tilespmem:v35+s30+$0x0], $0xffff  }
0x1db: {  	v34 =	vld.idx.msk [tilespmem:v34+s31+$0x0], $0xffff;
	_ =	sdelay $0x1  }
0x1dc: {  	v33 =	vand.u32 $0xF, v43  }
0x1dd: {  	v33 =	vor.u32 v16, v33;
	v32 =	vand.u32 $0xF, v44  }
0x1de: {  	v32 =	vor.u32 v16, v32  }
0x1df: {  	v34 =	vadd.f32 v34, v35;
	_ =	sdelay $0x1  }
0x1e0: {  	[tilespmem:$0x18AF0] =	vst v34  }
0x1e1: {  	v34 =	vld.idx.msk [tilespmem:v33+s26+$0x0], $0xffff  }
0x1e2: {  	v45 =	vld.idx.msk [tilespmem:v32+s29+$0x0], $0xffff;
	_ =	sdelay $0x4  }
0x1e3: {  	v34 =	vadd.f32 v45, v34  }
0x1e4: {  	v46 =	vld [tilespmem:$0x110]  }
0x1e5: {  	v47 =	vld [tilespmem:$0x310];
	[tilespmem:$0x18900] =	vst v34  }
0x1e6: {  	v33 =	vld.idx.msk [tilespmem:v33+s30+$0x0], $0xffff  }
0x1e7: {  	v32 =	vld.idx.msk [tilespmem:v32+s31+$0x0], $0xffff;
	_ =	sdelay $0x1  }
0x1e8: {  	v35 =	vand.u32 $0xF, v46  }
0x1e9: {  	v35 =	vor.u32 v17, v35;
	v34 =	vand.u32 $0xF, v47  }
0x1ea: {  	v34 =	vor.u32 v17, v34  }
0x1eb: {  	v32 =	vadd.f32 v32, v33;
	_ =	sdelay $0x1  }
0x1ec: {  	[tilespmem:$0x18B00] =	vst v32  }
0x1ed: {  	v32 =	vld.idx.msk [tilespmem:v35+s26+$0x0], $0xffff  }
0x1ee: {  	v48 =	vld.idx.msk [tilespmem:v34+s29+$0x0], $0xffff;
	_ =	sdelay $0x4  }
0x1ef: {  	v32 =	vadd.f32 v48, v32  }
0x1f0: {  	v49 =	vld [tilespmem:$0x120]  }
0x1f1: {  	v50 =	vld [tilespmem:$0x320];
	[tilespmem:$0x18910] =	vst v32  }
0x1f2: {  	v35 =	vld.idx.msk [tilespmem:v35+s30+$0x0], $0xffff  }
0x1f3: {  	v34 =	vld.idx.msk [tilespmem:v34+s31+$0x0], $0xffff;
	_ =	sdelay $0x1  }
0x1f4: {  	v33 =	vand.u32 $0xF, v49  }
0x1f5: {  	v33 =	vor.u32 v18, v33;
	v32 =	vand.u32 $0xF, v50  }
0x1f6: {  	v32 =	vor.u32 v18, v32  }
0x1f7: {  	v34 =	vadd.f32 v34, v35;
	_ =	sdelay $0x1  }
0x1f8: {  	[tilespmem:$0x18B10] =	vst v34  }
0x1f9: {  	v34 =	vld.idx.msk [tilespmem:v33+s26+$0x0], $0xffff  }
0x1fa: {  	v51 =	vld.idx.msk [tilespmem:v32+s29+$0x0], $0xffff;
	_ =	sdelay $0x4  }
0x1fb: {  	v34 =	vadd.f32 v51, v34  }
0x1fc: {  	v52 =	vld [tilespmem:$0x130]  }
0x1fd: {  	v53 =	vld [tilespmem:$0x330];
	[tilespmem:$0x18920] =	vst v34  }
0x1fe: {  	v33 =	vld.idx.msk [tilespmem:v33+s30+$0x0], $0xffff  }
0x1ff: {  	v32 =	vld.idx.msk [tilespmem:v32+s31+$0x0], $0xffff;
	_ =	sdelay $0x1  }
0x200: {  	v35 =	vand.u32 $0xF, v52  }
0x201: {  	v35 =	vor.u32 v19, v35;
	v34 =	vand.u32 $0xF, v53  }
0x202: {  	v34 =	vor.u32 v19, v34  }
0x203: {  	v32 =	vadd.f32 v32, v33;
	_ =	sdelay $0x1  }
0x204: {  	[tilespmem:$0x18B20] =	vst v32  }
0x205: {  	v32 =	vld.idx.msk [tilespmem:v35+s26+$0x0], $0xffff  }
0x206: {  	v54 =	vld.idx.msk [tilespmem:v34+s29+$0x0], $0xffff;
	_ =	sdelay $0x4  }
0x207: {  	v32 =	vadd.f32 v54, v32  }
0x208: {  	v55 =	vld [tilespmem:$0x140]  }
0x209: {  	v56 =	vld [tilespmem:$0x340];
	[tilespmem:$0x18930] =	vst v32  }
0x20a: {  	v35 =	vld.idx.msk [tilespmem:v35+s30+$0x0], $0xffff  }
0x20b: {  	v34 =	vld.idx.msk [tilespmem:v34+s31+$0x0], $0xffff;
	_ =	sdelay $0x1  }
0x20c: {  	v33 =	vand.u32 $0xF, v55  }
0x20d: {  	v33 =	vor.u32 v20, v33;
	v32 =	vand.u32 $0xF, v56  }
0x20e: {  	v32 =	vor.u32 v20, v32  }
0x20f: {  	v34 =	vadd.f32 v34, v35;
	_ =	sdelay $0x1  }
0x210: {  	[tilespmem:$0x18B30] =	vst v34  }
0x211: {  	v34 =	vld.idx.msk [tilespmem:v33+s26+$0x0], $0xffff  }
0x212: {  	v57 =	vld.idx.msk [tilespmem:v32+s29+$0x0], $0xffff;
	_ =	sdelay $0x4  }
0x213: {  	v34 =	vadd.f32 v57, v34  }
0x214: {  	v58 =	vld [tilespmem:$0x150]  }
0x215: {  	v59 =	vld [tilespmem:$0x350];
	[tilespmem:$0x18940] =	vst v34  }
0x216: {  	v33 =	vld.idx.msk [tilespmem:v33+s30+$0x0], $0xffff  }
0x217: {  	v32 =	vld.idx.msk [tilespmem:v32+s31+$0x0], $0xffff;
	_ =	sdelay $0x1  }
0x218: {  	v35 =	vand.u32 $0xF, v58  }
0x219: {  	v35 =	vor.u32 v21, v35;
	v34 =	vand.u32 $0xF, v59  }
0x21a: {  	v34 =	vor.u32 v21, v34  }
0x21b: {  	v32 =	vadd.f32 v32, v33;
	_ =	sdelay $0x1  }
0x21c: {  	[tilespmem:$0x18B40] =	vst v32  }
0x21d: {  	v32 =	vld.idx.msk [tilespmem:v35+s26+$0x0], $0xffff  }
0x21e: {  	v60 =	vld.idx.msk [tilespmem:v34+s29+$0x0], $0xffff;
	_ =	sdelay $0x4  }
0x21f: {  	v32 =	vadd.f32 v60, v32  }
0x220: {  	v61 =	vld [tilespmem:$0x160]  }
0x221: {  	v62 =	vld [tilespmem:$0x360];
	[tilespmem:$0x18950] =	vst v32  }
0x222: {  	v35 =	vld.idx.msk [tilespmem:v35+s30+$0x0], $0xffff  }
0x223: {  	v34 =	vld.idx.msk [tilespmem:v34+s31+$0x0], $0xffff;
	_ =	sdelay $0x1  }
0x224: {  	v33 =	vand.u32 $0xF, v61  }
0x225: {  	v33 =	vor.u32 v22, v33;
	v32 =	vand.u32 $0xF, v62  }
0x226: {  	v32 =	vor.u32 v22, v32  }
0x227: {  	v34 =	vadd.f32 v34, v35;
	_ =	sdelay $0x1  }
0x228: {  	[tilespmem:$0x18B50] =	vst v34  }
0x229: {  	v34 =	vld.idx.msk [tilespmem:v33+s26+$0x0], $0xffff  }
0x22a: {  	v63 =	vld.idx.msk [tilespmem:v32+s29+$0x0], $0xffff;
	_ =	sdelay $0x4  }
0x22b: {  	v34 =	vadd.f32 v63, v34  }
0x22c: {  	v36 =	vld [tilespmem:$0x170]  }
0x22d: {  	v37 =	vld [tilespmem:$0x370];
	[tilespmem:$0x18960] =	vst v34  }
0x22e: {  	v33 =	vld.idx.msk [tilespmem:v33+s30+$0x0], $0xffff  }
0x22f: {  	v32 =	vld.idx.msk [tilespmem:v32+s31+$0x0], $0xffff;
	_ =	sdelay $0x1  }
0x230: {  	v35 =	vand.u32 $0xF, v36  }
0x231: {  	v35 =	vor.u32 v23, v35;
	v34 =	vand.u32 $0xF, v37  }
0x232: {  	v34 =	vor.u32 v23, v34  }
0x233: {  	v32 =	vadd.f32 v32, v33;
	_ =	sdelay $0x1  }
0x234: {  	[tilespmem:$0x18B60] =	vst v32  }
0x235: {  	v32 =	vld.idx.msk [tilespmem:v35+s26+$0x0], $0xffff  }
0x236: {  	v38 =	vld.idx.msk [tilespmem:v34+s29+$0x0], $0xffff;
	_ =	sdelay $0x4  }
0x237: {  	v32 =	vadd.f32 v38, v32  }
0x238: {  	v39 =	vld [tilespmem:$0x180]  }
0x239: {  	v40 =	vld [tilespmem:$0x380];
	[tilespmem:$0x18970] =	vst v32  }
0x23a: {  	v35 =	vld.idx.msk [tilespmem:v35+s30+$0x0], $0xffff  }
0x23b: {  	v34 =	vld.idx.msk [tilespmem:v34+s31+$0x0], $0xffff;
	_ =	sdelay $0x1  }
0x23c: {  	v33 =	vand.u32 $0xF, v39  }
0x23d: {  	v33 =	vor.u32 v24, v33;
	v32 =	vand.u32 $0xF, v40  }
0x23e: {  	v32 =	vor.u32 v24, v32  }
0x23f: {  	v34 =	vadd.f32 v34, v35;
	_ =	sdelay $0x1  }
0x240: {  	[tilespmem:$0x18B70] =	vst v34  }
0x241: {  	v34 =	vld.idx.msk [tilespmem:v33+s26+$0x0], $0xffff  }
0x242: {  	v41 =	vld.idx.msk [tilespmem:v32+s29+$0x0], $0xffff;
	_ =	sdelay $0x4  }
0x243: {  	v34 =	vadd.f32 v41, v34  }
0x244: {  	v42 =	vld [tilespmem:$0x190]  }
0x245: {  	v43 =	vld [tilespmem:$0x390];
	[tilespmem:$0x18980] =	vst v34  }
0x246: {  	v33 =	vld.idx.msk [tilespmem:v33+s30+$0x0], $0xffff  }
0x247: {  	v32 =	vld.idx.msk [tilespmem:v32+s31+$0x0], $0xffff;
	_ =	sdelay $0x1  }
0x248: {  	v35 =	vand.u32 $0xF, v42  }
0x249: {  	v35 =	vor.u32 v25, v35;
	v34 =	vand.u32 $0xF, v43  }
0x24a: {  	v34 =	vor.u32 v25, v34  }
0x24b: {  	v32 =	vadd.f32 v32, v33;
	_ =	sdelay $0x1  }
0x24c: {  	[tilespmem:$0x18B80] =	vst v32  }
0x24d: {  	v32 =	vld.idx.msk [tilespmem:v35+s26+$0x0], $0xffff  }
0x24e: {  	v44 =	vld.idx.msk [tilespmem:v34+s29+$0x0], $0xffff;
	_ =	sdelay $0x4  }
0x24f: {  	v32 =	vadd.f32 v44, v32  }
0x250: {  	v45 =	vld [tilespmem:$0x1A0]  }
0x251: {  	v46 =	vld [tilespmem:$0x3A0];
	[tilespmem:$0x18990] =	vst v32  }
0x252: {  	v35 =	vld.idx.msk [tilespmem:v35+s30+$0x0], $0xffff  }
0x253: {  	v34 =	vld.idx.msk [tilespmem:v34+s31+$0x0], $0xffff;
	_ =	sdelay $0x1  }
0x254: {  	v33 =	vand.u32 $0xF, v45  }
0x255: {  	v33 =	vor.u32 v26, v33;
	v32 =	vand.u32 $0xF, v46  }
0x256: {  	v32 =	vor.u32 v26, v32  }
0x257: {  	v34 =	vadd.f32 v34, v35;
	_ =	sdelay $0x1  }
0x258: {  	[tilespmem:$0x18B90] =	vst v34  }
0x259: {  	v34 =	vld.idx.msk [tilespmem:v33+s26+$0x0], $0xffff  }
0x25a: {  	v47 =	vld.idx.msk [tilespmem:v32+s29+$0x0], $0xffff;
	_ =	sdelay $0x4  }
0x25b: {  	v34 =	vadd.f32 v47, v34  }
0x25c: {  	v48 =	vld [tilespmem:$0x1B0]  }
0x25d: {  	v49 =	vld [tilespmem:$0x3B0];
	[tilespmem:$0x189A0] =	vst v34  }
0x25e: {  	v33 =	vld.idx.msk [tilespmem:v33+s30+$0x0], $0xffff  }
0x25f: {  	v32 =	vld.idx.msk [tilespmem:v32+s31+$0x0], $0xffff;
	_ =	sdelay $0x1  }
0x260: {  	v35 =	vand.u32 $0xF, v48  }
0x261: {  	v35 =	vor.u32 v27, v35;
	v34 =	vand.u32 $0xF, v49  }
0x262: {  	v34 =	vor.u32 v27, v34  }
0x263: {  	v32 =	vadd.f32 v32, v33;
	_ =	sdelay $0x1  }
0x264: {  	[tilespmem:$0x18BA0] =	vst v32  }
0x265: {  	v32 =	vld.idx.msk [tilespmem:v35+s26+$0x0], $0xffff  }
0x266: {  	v50 =	vld.idx.msk [tilespmem:v34+s29+$0x0], $0xffff;
	_ =	sdelay $0x4  }
0x267: {  	v32 =	vadd.f32 v50, v32  }
0x268: {  	v51 =	vld [tilespmem:$0x1C0]  }
0x269: {  	v52 =	vld [tilespmem:$0x3C0];
	[tilespmem:$0x189B0] =	vst v32  }
0x26a: {  	v35 =	vld.idx.msk [tilespmem:v35+s30+$0x0], $0xffff  }
0x26b: {  	v34 =	vld.idx.msk [tilespmem:v34+s31+$0x0], $0xffff;
	_ =	sdelay $0x1  }
0x26c: {  	v33 =	vand.u32 $0xF, v51  }
0x26d: {  	v33 =	vor.u32 v28, v33;
	v32 =	vand.u32 $0xF, v52  }
0x26e: {  	v32 =	vor.u32 v28, v32  }
0x26f: {  	v34 =	vadd.f32 v34, v35;
	_ =	sdelay $0x1  }
0x270: {  	[tilespmem:$0x18BB0] =	vst v34  }
0x271: {  	v34 =	vld.idx.msk [tilespmem:v33+s26+$0x0], $0xffff  }
0x272: {  	v53 =	vld.idx.msk [tilespmem:v32+s29+$0x0], $0xffff;
	_ =	sdelay $0x4  }
0x273: {  	v34 =	vadd.f32 v53, v34  }
0x274: {  	v54 =	vld [tilespmem:$0x1D0]  }
0x275: {  	v55 =	vld [tilespmem:$0x3D0];
	[tilespmem:$0x189C0] =	vst v34  }
0x276: {  	v33 =	vld.idx.msk [tilespmem:v33+s30+$0x0], $0xffff  }
0x277: {  	v32 =	vld.idx.msk [tilespmem:v32+s31+$0x0], $0xffff;
	_ =	sdelay $0x1  }
0x278: {  	v35 =	vand.u32 $0xF, v54  }
0x279: {  	v35 =	vor.u32 v29, v35;
	v34 =	vand.u32 $0xF, v55  }
0x27a: {  	v34 =	vor.u32 v29, v34  }
0x27b: {  	v32 =	vadd.f32 v32, v33;
	_ =	sdelay $0x1  }
0x27c: {  	[tilespmem:$0x18BC0] =	vst v32  }
0x27d: {  	v32 =	vld.idx.msk [tilespmem:v35+s26+$0x0], $0xffff  }
0x27e: {  	v56 =	vld.idx.msk [tilespmem:v34+s29+$0x0], $0xffff;
	_ =	sdelay $0x4  }
0x27f: {  	v32 =	vadd.f32 v56, v32  }
0x280: {  	v57 =	vld [tilespmem:$0x1E0]  }
0x281: {  	v58 =	vld [tilespmem:$0x3E0];
	[tilespmem:$0x189D0] =	vst v32  }
0x282: {  	v35 =	vld.idx.msk [tilespmem:v35+s30+$0x0], $0xffff  }
0x283: {  	v34 =	vld.idx.msk [tilespmem:v34+s31+$0x0], $0xffff;
	_ =	sdelay $0x1  }
0x284: {  	v33 =	vand.u32 $0xF, v57  }
0x285: {  	v33 =	vor.u32 v30, v33;
	v32 =	vand.u32 $0xF, v58  }
0x286: {  	v32 =	vor.u32 v30, v32  }
0x287: {  	v34 =	vadd.f32 v34, v35;
	_ =	sdelay $0x1  }
0x288: {  	[tilespmem:$0x18BD0] =	vst v34  }
0x289: {  	v34 =	vld.idx.msk [tilespmem:v33+s26+$0x0], $0xffff  }
0x28a: {  	v59 =	vld.idx.msk [tilespmem:v32+s29+$0x0], $0xffff;
	_ =	sdelay $0x4  }
0x28b: {  	v34 =	vadd.f32 v59, v34  }
0x28c: {  	v60 =	vld [tilespmem:$0x1F0]  }
0x28d: {  	v61 =	vld [tilespmem:$0x3F0];
	[tilespmem:$0x189E0] =	vst v34  }
0x28e: {  	v33 =	vld.idx.msk [tilespmem:v33+s30+$0x0], $0xffff  }
0x28f: {  	v32 =	vld.idx.msk [tilespmem:v32+s31+$0x0], $0xffff;
	_ =	sdelay $0x1  }
0x290: {  	v35 =	vand.u32 $0xF, v60  }
0x291: {  	v35 =	vor.u32 v31, v35;
	v34 =	vand.u32 $0xF, v61  }
0x292: {  	v34 =	vor.u32 v31, v34  }
0x293: {  	v32 =	vadd.f32 v32, v33;
	_ =	sdelay $0x1  }
0x294: {  	[tilespmem:$0x18BE0] =	vst v32  }
0x295: {  	v32 =	vld.idx.msk [tilespmem:v35+s26+$0x0], $0xffff  }
0x296: {  	v62 =	vld.idx.msk [tilespmem:v34+s29+$0x0], $0xffff;
	_ =	sdelay $0x4  }
0x297: {  	v32 =	vadd.f32 v62, v32;
	_ =	sdelay $0x1  }
0x298: {  	[tilespmem:$0x189F0] =	vst v32  }
0x299: {  	v32 =	vld.idx.msk [tilespmem:v35+s30+$0x0], $0xffff  }
0x29a: {  	v63 =	vld.idx.msk [tilespmem:v34+s31+$0x0], $0xffff;
	_ =	sdelay $0x4  }
0x29b: {  	v32 =	vadd.f32 v63, v32;
	_ =	sdelay $0x1  }
0x29c: {  	s3 =	rddreg [dreg:$0x8];
	s16 =	simm.s32 $0x400;
	[tilespmem:$0x18BF0] =	vst v32  }
0x29d: {  	[hbm4b:s3+s1] =	stream.linear.scatter [tilespmem:s16], [sflag:$0x2], $0x4000, $0x38;
	[tilespmem:$0x18C00] =	vst v63  }
0x29e: {  	_ =	swait.ge [sflag:s18], $0x4000  }
0x29f: {  	[sflag:s18] =	ssyncset.done $0x0  }
0x2a0: {  	s17 =	simm.s32 $0x8400;
	s22 =	rddreg [dreg:$0x9];
	[sflag:s18] =	ssyncadd.s32 $0xFFFFC000  }
0x2a1: {  	[hbm4b:s22+s1] =	stream.linear.scatter [tilespmem:s17], [sflag:$0x2], $0x4000, $0x38;
	[tilespmem:$0x18C00] =	vst v63  }
0x2a2: {  	_ =	swait.ge [sflag:s18], $0x4000  }
0x2a3: {  	[sflag:s18] =	ssyncset.done $0x0  }
0x2a4: {  	s22 =	simm.s32 $0x18800;
	s3 =	rddreg [dreg:$0xa];
	[sflag:s18] =	ssyncadd.s32 $0xFFFFC000  }
0x2a5: {  	[hbm4b:s3+s1] =	stream.linear.scatter [tilespmem:s22], [sflag:$0x2], $0x200, $0x38;
	[tilespmem:$0x18C00] =	vst v63  }
0x2a6: {  	_ =	swait.ge [sflag:s18], $0x200  }
0x2a7: {  	[sflag:s18] =	ssyncset.done $0x0  }
0x2a8: {  	s22 =	simm.s32 $0x18A00;
	s3 =	rddreg [dreg:$0xb];
	[sflag:s18] =	ssyncadd.s32 $0xFFFFFE00  }
0x2a9: {  	[hbm4b:s3+s1] =	stream.linear.scatter [tilespmem:s22], [sflag:$0x2], $0x200, $0x38;
	[tilespmem:$0x18C00] =	vst v63  }
0x2aa: {  	_ =	swait.ge [sflag:s18], $0x200  }
0x2ab: {  	s15 =	sadd.s32 $0x1, s15;
	s22 =	rddreg [dreg:$0xc]  }
0x2ac: {  	p0 =	sne.s32 s15, s22  }
.Ltmp1:
0x2ad: {  	_ = 	snop;
	(pc) =	sbr.rel @p0 .LBB2_1-.Ltmp1, $3  }
0x2ae: {  	_ =	sdelay $0x1  }
0x2af: {  	[sflag:s18] =	ssyncset.done $0x0  }
0x2b0: {  	[sflag:s18] =	ssyncadd.s32 $0xFFFFFE00  }
0x2b1: {  	_ =	sfence.sel $0x180000  }
0x2b2: {  	[bflag:$0x0] =	sbarrier.arrive $0xFFFF  }
0x2b3: {  	_ =	strace $0x90000047  }
0x2b4: {  	s0 =	stileid.u32;
	[bflag:$0x2] =	sbarrier.arrive $0xFFFF  }
0x2b5: {  	p0 =	sne.s32 s0, $0x0;
	s0 =	rddreg [dreg:$0x5]  }
0x2b6: {  	s0 =	sadd.s32 @!p0 $0x100000, s0  }
0x2b7: {  	[sflag:s0] =	ssyncadd.tile.s32 @!p0 $0x1;
	_ =	shalt  }
.Lfunc_end2:
_tile_overlayer_lowered:
.L_overlay_start_2:
0x2b8: {  	(tag) =	ssettag $0x2  }
0x2b9: {  	s0 =	rddreg [dreg:$0x0];
	s2 =	stileid.u32  }
0x2ba: {  	s1 =	rddreg [dreg:$0x1];
	p0 =	sne.s32 s2, $0x0  }
0x2bb: {  	s3 =	rddreg [dreg:$0x2];
	[bflag:$0x3] =	sbarrier.arrive $0xFFFF;
	s2 =	simm.s32 @!p0 $0x1C02  }
0x2bc: {  	[timem:s3], [sflag:s2] =	dma.local @!p0 [hbm:s0], s1  }
0x2bd: {  	s0 =	simm.s32 @!p0 $0x2  }
0x2be: {  	_ =	swait.ge @!p0 [sflag:s0], s1  }
0x2bf: {  	s1 =	ssub.s32 @!p0 $0x0, s1;
	[sflag:s0] =	ssyncset.done @!p0 $0x0  }
0x2c0: {  	[sflag:s0] =	ssyncadd.s32 @!p0 s1  }
0x2c1: {  	[bflag:$0x3] =	sbarrier.arrive $0xFFFF  }
0x2c2: {  	_ =	shalt  }

</sc_bundles>
